<compile_context>
chip_gen: v7x
topology: tpu7x:2x2x1
jax: 0.10.2.dev20260603
libtpu: 0.0.44.dev20260713+nightly
codegen_flags: <defaults>
</compile_context>

<pallas_src>
import functools

import jax
import jax.numpy as jnp
from jax import lax
from jax.experimental import pallas as pl
from jax.experimental.pallas import tpu as pltpu
from jax.experimental.pallas import tpu_sc as plsc

N = 10000
NPAD = 10240
E = 320000
NC, NS, L = 2, 16, 16
NW = NC * NS
CH = 128
CHUNKS = 160
EPW = CHUNKS * CH
EPAD = EPW * NS
DEG_EPW = EPAD // NW
STRIPE = NPAD // NS

_mesh = plsc.VectorSubcoreMesh(
    core_axis_name="c", subcore_axis_name="s", num_cores=NC, num_subcores=NS)
_sc_params = pltpu.CompilerParams(needs_layout_passes=False,
                                  use_tc_tiling_on_sc=False)



def _deg_body(dst_hbm, out_hbm, dst_v, deg_v):
    cid = lax.axis_index("c")
    sid = lax.axis_index("s")
    wid = sid * NC + cid
    pltpu.sync_copy(dst_hbm.at[wid], dst_v)

    def zero(i, _):
        deg_v[pl.ds(i * L, L)] = jnp.zeros((L,), jnp.float32)
        return 0
    lax.fori_loop(0, NPAD // L, zero, 0)

    ones = jnp.ones((L,), jnp.float32)

    def body(i, _):
        idx = dst_v[pl.ds(i * L, L)]
        plsc.addupdate_scatter(deg_v, [idx], ones)
        return 0
    lax.fori_loop(0, DEG_EPW // L, body, 0)
    pltpu.sync_copy(deg_v, out_hbm.at[wid])


def _sc_degree(dst2):
    return pl.kernel(
        _deg_body,
        out_type=jax.ShapeDtypeStruct((NW, NPAD), jnp.float32),
        mesh=_mesh,
        compiler_params=_sc_params,
        scratch_types=[
            pltpu.VMEM((DEG_EPW,), jnp.int32),
            pltpu.VMEM((NPAD,), jnp.float32),
        ],
    )(dst2)


KSUP = 1
NSUP = CHUNKS // KSUP
NBUF = 4


def _agg_body(hs_lo, hs_hi, src_hbm, dst_hbm, out_lo, out_hi,
              src_v, dst_v, r0, r1, r2, r3, acc,
              sg0, sg1, sg2, sg3, ss0, ss1, ss2, ss3):
    cid = lax.axis_index("c")
    sid = lax.axis_index("s")
    pltpu.sync_copy(src_hbm.at[sid], src_v)

    def run_half(hs_ref, out_ref):
        dh = r0.shape[1]
        rows = (r0, r1, r2, r3)
        sg = (sg0, sg1, sg2, sg3)
        ss = (ss0, ss1, ss2, ss3)
        gsrc = hs_ref

        def fire_g(sup, b):
            for k in range(KSUP):
                pltpu.async_copy(gsrc.at[src_v.at[sup * KSUP + k]],
                                 rows[b].at[pl.ds(k * CH, CH)], sg[b])

        def drain_g(b):
            for k in range(KSUP):
                pltpu.make_async_copy(gsrc.at[src_v.at[0]],
                                      rows[b].at[pl.ds(k * CH, CH)],
                                      sg[b]).wait()

        def fire_s(sup, b):
            for k in range(KSUP):
                pltpu.async_copy(rows[b].at[pl.ds(k * CH, CH)],
                                 acc.at[dst_v.at[sup * KSUP + k]],
                                 ss[b], add=True)

        def drain_s(b):
            for k in range(KSUP):
                pltpu.make_async_copy(rows[b].at[pl.ds(k * CH, CH)],
                                      acc.at[dst_v.at[0]], ss[b]).wait()

        pltpu.sync_copy(dst_hbm.at[sid], dst_v)
        zv = jnp.zeros((L,), jnp.float32)

        def zrow(r, _):
            for c in range(dh // L):
                r0[r, pl.ds(c * L, L)] = zv
            return 0
        lax.fori_loop(0, CH, zrow, 0)
        for p in range(STRIPE // CH):
            pltpu.sync_copy(r0, acc.at[pl.ds(sid * STRIPE + p * CH, CH)])
        plsc.subcore_barrier()
        fire_g(0, 0)
        fire_g(1, 1)

        def body(i, _):
            for b in range(NBUF):
                s = NBUF * i + b
                bn = (b + 2) % NBUF

                @pl.when(s >= 2)
                def _():
                    drain_s(bn)

                @pl.when(s + 2 < NSUP)
                def _():
                    fire_g(s + 2, bn)
                drain_g(b)
                fire_s(s, b)
            return 0
        lax.fori_loop(0, NSUP // NBUF, body, 0)
        drain_s((NSUP - 2) % NBUF)
        drain_s((NSUP - 1) % NBUF)

        plsc.subcore_barrier()
        for p in range(STRIPE // CH):
            pltpu.sync_copy(acc.at[pl.ds(sid * STRIPE + p * CH, CH)], r0)
            pltpu.sync_copy(r0, out_ref.at[pl.ds(sid * STRIPE + p * CH, CH)])

    @pl.when(cid == 0)
    def _():
        run_half(hs_lo, out_lo)

    @pl.when(cid == 1)
    def _():
        run_half(hs_hi, out_hi)


def _sc_aggregate(hs_lo, hs_hi, src3, dst3, dh):
    out = jax.ShapeDtypeStruct((NPAD, dh), jnp.float32)
    rows_t = pltpu.VMEM((KSUP * CH, dh), jnp.float32)
    sem = pltpu.SemaphoreType.DMA
    return pl.kernel(
        _agg_body,
        out_type=(out, out),
        mesh=_mesh,
        compiler_params=_sc_params,
        scratch_types=[
            pltpu.VMEM((CHUNKS, CH), jnp.int32),
            pltpu.VMEM((CHUNKS, CH), jnp.int32),
            rows_t, rows_t, rows_t, rows_t,
            pltpu.VMEM_SHARED((NPAD, dh), jnp.float32),
            sem, sem, sem, sem, sem, sem, sem, sem,
        ],
    )(hs_lo, hs_hi, src3, dst3)



def _dott(a, b):
    return lax.dot_general(a, b, (((1,), (1,)), ((), ())),
                           preferred_element_type=jnp.float32)


def _mm1_body(x_ref, w1_ref, wres_ref, bres_ref, h1_ref, xres_ref):
    xb = x_ref[...]
    h1_ref[...] = _dott(xb, w1_ref[...])
    xres_ref[...] = _dott(xb, wres_ref[...]) + bres_ref[...]


def _tc_mm1(x_pad, W1, Wres, bres_r):
    blk = NPAD // 10
    return pl.pallas_call(
        _mm1_body,
        grid=(10,),
        in_specs=[
            pl.BlockSpec((blk, 128), lambda i: (i, 0)),
            pl.BlockSpec((128, 128), lambda i: (0, 0)),
            pl.BlockSpec((128, 128), lambda i: (0, 0)),
            pl.BlockSpec((1, 128), lambda i: (0, 0)),
        ],
        out_specs=[
            pl.BlockSpec((blk, 128), lambda i: (i, 0)),
            pl.BlockSpec((blk, 128), lambda i: (i, 0)),
        ],
        out_shape=[
            jax.ShapeDtypeStruct((NPAD, 128), jnp.float32),
            jax.ShapeDtypeStruct((NPAD, 128), jnp.float32),
        ],
    )(x_pad, W1, Wres, bres_r)


def _fcpre_body(prot_ref, esm_ref, wb_ref, wc_ref, out_ref):
    out_ref[...] = (_dott(prot_ref[...], wb_ref[...]) +
                    _dott(esm_ref[...], wc_ref[...]))


def _tc_fcpre(prot, esm, Wf1b, Wf1c):
    blk = N // 10
    return pl.pallas_call(
        _fcpre_body,
        grid=(10,),
        in_specs=[
            pl.BlockSpec((blk, 1024), lambda i: (i, 0)),
            pl.BlockSpec((blk, 1280), lambda i: (i, 0)),
            pl.BlockSpec((512, 1024), lambda i: (0, 0)),
            pl.BlockSpec((512, 1280), lambda i: (0, 0)),
        ],
        out_specs=pl.BlockSpec((blk, 512), lambda i: (i, 0)),
        out_shape=jax.ShapeDtypeStruct((N, 512), jnp.float32),
    )(prot, esm, Wf1b, Wf1c)


def _scale_body(degp_ref, h1_ref, lo_ref, hi_ref, dinv_ref):
    degsum = jnp.sum(degp_ref[...], axis=0)
    dinv = lax.rsqrt(degsum + 1.0)
    dinv_ref[...] = dinv[:, None]
    hs = h1_ref[...] * dinv[:, None]
    lo_ref[...] = hs[:, :64]
    hi_ref[...] = hs[:, 64:]


def _tc_scale(deg_parts, h1):
    blk = NPAD // 10
    return pl.pallas_call(
        _scale_body,
        grid=(10,),
        in_specs=[
            pl.BlockSpec((NW, blk), lambda i: (0, i)),
            pl.BlockSpec((blk, 128), lambda i: (i, 0)),
        ],
        out_specs=[
            pl.BlockSpec((blk, 64), lambda i: (i, 0)),
            pl.BlockSpec((blk, 64), lambda i: (i, 0)),
            pl.BlockSpec((blk, 1), lambda i: (i, 0)),
        ],
        out_shape=[
            jax.ShapeDtypeStruct((NPAD, 64), jnp.float32),
            jax.ShapeDtypeStruct((NPAD, 64), jnp.float32),
            jax.ShapeDtypeStruct((NPAD, 1), jnp.float32),
        ],
    )(deg_parts, h1)


def _stats_body(plo_ref, phi_ref, hlo_ref, hhi_ref, dinv_ref, b_ref,
                t_ref, st_ref, *, d):
    i = pl.program_id(0)
    agg = jnp.concatenate([plo_ref[...] + hlo_ref[...],
                           phi_ref[...] + hhi_ref[...]], axis=1)
    t = agg * dinv_ref[...] + b_ref[...]
    t_ref[...] = t

    @pl.when(i == 0)
    def _():
        st_ref[...] = jnp.zeros((8, d), jnp.float32)
    blk = NPAD // 10
    rows = lax.broadcasted_iota(jnp.int32, (blk, 1), 0) + i * blk
    m = jnp.where(rows < N, 1.0, 0.0).astype(jnp.float32)
    tm = t * m
    s = jnp.sum(tm, axis=0)
    s2 = jnp.sum(tm * tm, axis=0)
    upd = jnp.concatenate(
        [s[None], s2[None], jnp.zeros((6, d), jnp.float32)], axis=0)
    st_ref[...] = st_ref[...] + upd


def _tc_stats(plo, phi, hlo, hhi, dinv, b_r, d):
    blk = NPAD // 10
    dh = d // 2
    return pl.pallas_call(
        functools.partial(_stats_body, d=d),
        grid=(10,),
        in_specs=[
            pl.BlockSpec((blk, dh), lambda i: (i, 0)),
            pl.BlockSpec((blk, dh), lambda i: (i, 0)),
            pl.BlockSpec((blk, dh), lambda i: (i, 0)),
            pl.BlockSpec((blk, dh), lambda i: (i, 0)),
            pl.BlockSpec((blk, 1), lambda i: (i, 0)),
            pl.BlockSpec((1, d), lambda i: (0, 0)),
        ],
        out_specs=[
            pl.BlockSpec((blk, d), lambda i: (i, 0)),
            pl.BlockSpec((8, d), lambda i: (0, 0)),
        ],
        out_shape=[
            jax.ShapeDtypeStruct((NPAD, d), jnp.float32),
            jax.ShapeDtypeStruct((8, d), jnp.float32),
        ],
    )(plo, phi, hlo, hhi, dinv, b_r)


def _mid_body(t1_ref, st_ref, g_ref, be_ref, xres_ref, w2_ref, dinv_ref,
              lo_ref, hi_ref):
    st = st_ref[...]
    mean = st[0] * (1.0 / N)
    var = st[1] * (1.0 / N) - mean * mean
    scale = g_ref[0] * lax.rsqrt(var + 1e-5)
    shift = be_ref[0] - mean * scale
    y = jnp.maximum(t1_ref[...] * scale + shift, 0.0) + xres_ref[...]
    h2 = _dott(y, w2_ref[...])
    hs2 = h2 * dinv_ref[...]
    lo_ref[...] = hs2[:, :32]
    hi_ref[...] = hs2[:, 32:]


def _tc_mid(t1, stats1, g1_r, be1_r, xres, W2, dinv):
    blk = NPAD // 10
    return pl.pallas_call(
        _mid_body,
        grid=(10,),
        in_specs=[
            pl.BlockSpec((blk, 128), lambda i: (i, 0)),
            pl.BlockSpec((8, 128), lambda i: (0, 0)),
            pl.BlockSpec((1, 128), lambda i: (0, 0)),
            pl.BlockSpec((1, 128), lambda i: (0, 0)),
            pl.BlockSpec((blk, 128), lambda i: (i, 0)),
            pl.BlockSpec((64, 128), lambda i: (0, 0)),
            pl.BlockSpec((blk, 1), lambda i: (i, 0)),
        ],
        out_specs=[
            pl.BlockSpec((blk, 32), lambda i: (i, 0)),
            pl.BlockSpec((blk, 32), lambda i: (i, 0)),
        ],
        out_shape=[
            jax.ShapeDtypeStruct((NPAD, 32), jnp.float32),
            jax.ShapeDtypeStruct((NPAD, 32), jnp.float32),
        ],
    )(t1, stats1, g1_r, be1_r, xres, W2, dinv)


def _fc_body(t2_ref, st_ref, g_ref, be_ref, pre_ref, wa_ref, bf1_ref,
             wf2_ref, bf2_ref, wf3_ref, bf3_ref, out_ref):
    st = st_ref[...]
    mean = st[0] * (1.0 / N)
    var = st[1] * (1.0 / N) - mean * mean
    scale = g_ref[0] * lax.rsqrt(var + 1e-5)
    shift = be_ref[0] - mean * scale
    y2 = jnp.maximum(t2_ref[...] * scale + shift, 0.0)
    a1 = jnp.maximum(_dott(y2, wa_ref[...]) + pre_ref[...] + bf1_ref[...],
                     0.0)
    a2 = jnp.maximum(_dott(a1, wf2_ref[...]) + bf2_ref[...], 0.0)
    out_ref[...] = _dott(a2, wf3_ref[...]) + bf3_ref[...]


def _tc_fc(t2, stats2, g2_r, be2_r, fcpre, Wf1a, bf1_r, Wf2, bf2_r,
           Wf3p, bf3_r):
    blk = N // 10
    return pl.pallas_call(
        _fc_body,
        grid=(10,),
        in_specs=[
            pl.BlockSpec((blk, 64), lambda i: (i, 0)),
            pl.BlockSpec((8, 64), lambda i: (0, 0)),
            pl.BlockSpec((1, 64), lambda i: (0, 0)),
            pl.BlockSpec((1, 64), lambda i: (0, 0)),
            pl.BlockSpec((blk, 512), lambda i: (i, 0)),
            pl.BlockSpec((512, 64), lambda i: (0, 0)),
            pl.BlockSpec((1, 512), lambda i: (0, 0)),
            pl.BlockSpec((128, 512), lambda i: (0, 0)),
            pl.BlockSpec((1, 128), lambda i: (0, 0)),
            pl.BlockSpec((128, 128), lambda i: (0, 0)),
            pl.BlockSpec((1, 128), lambda i: (0, 0)),
        ],
        out_specs=pl.BlockSpec((blk, 128), lambda i: (i, 0)),
        out_shape=jax.ShapeDtypeStruct((N, 128), jnp.float32),
    )(t2, stats2, g2_r, be2_r, fcpre, Wf1a, bf1_r, Wf2, bf2_r, Wf3p, bf3_r)



def kernel(x, edge_index, prottrans_feat, esm2,
           Wres, bres, W1, b1, g1, be1, W2, b2, g2, be2,
           Wf1, bf1, Wf2, bf2, Wf3, bf3):
    f32 = jnp.float32
    x_pad = jnp.pad(x, ((0, NPAD - N), (0, 0)))
    padv = jnp.full((EPAD - E,), N, jnp.int32)
    src_flat = jnp.concatenate([edge_index[0], padv])
    dst_flat = jnp.concatenate([edge_index[1], padv])
    src3 = src_flat.reshape(NS, CHUNKS, CH)
    dst3 = dst_flat.reshape(NS, CHUNKS, CH)
    dst2 = dst_flat.reshape(NW, DEG_EPW)

    bres_r = bres.reshape(1, 128)
    b1_r = b1.reshape(1, 128)
    g1_r = g1.reshape(1, 128)
    be1_r = be1.reshape(1, 128)
    b2_r = b2.reshape(1, 64)
    g2_r = g2.reshape(1, 64)
    be2_r = be2.reshape(1, 64)
    bf1_r = bf1.reshape(1, 512)
    bf2_r = bf2.reshape(1, 128)
    Wf1a = Wf1[:, :64]
    Wf1b = Wf1[:, 64:64 + 1024]
    Wf1c = Wf1[:, 64 + 1024:]
    Wf3p = jnp.zeros((128, 128), f32).at[:2].set(Wf3)
    bf3_r = jnp.zeros((1, 128), f32).at[0, :2].set(bf3)

    deg_parts = _sc_degree(dst2)
    h1, xres = _tc_mm1(x_pad, W1, Wres, bres_r)
    hs1_lo, hs1_hi, dinv = _tc_scale(deg_parts, h1)
    p1_lo, p1_hi = _sc_aggregate(hs1_lo, hs1_hi, src3, dst3, 64)
    prot_d, esm_d, _ = lax.optimization_barrier(
        (prottrans_feat, esm2, hs1_lo))
    fcpre = _tc_fcpre(prot_d, esm_d, Wf1b, Wf1c)
    t1, stats1 = _tc_stats(p1_lo, p1_hi, hs1_lo, hs1_hi, dinv, b1_r, 128)
    hs2_lo, hs2_hi = _tc_mid(t1, stats1, g1_r, be1_r, xres, W2, dinv)
    p2_lo, p2_hi = _sc_aggregate(hs2_lo, hs2_hi, src3, dst3, 32)
    t2, stats2 = _tc_stats(p2_lo, p2_hi, hs2_lo, hs2_hi, dinv, b2_r, 64)
    out128 = _tc_fc(t2, stats2, g2_r, be2_r, fcpre, Wf1a, bf1_r, Wf2,
                    bf2_r, Wf3p, bf3_r)
    return out128[:, :2]

# --- scband reference (transcript-rebuilt; emitter-appended) ---
"""Pipeline reference for scband-gcn-39702677684660 (READ-ONLY COPY).

The authoritative reference and input builder live on the scoring server;
editing this copy changes nothing except your own understanding.
"""

import jax, jax.numpy as jnp
import numpy as np

N_NODES = 10000
N_EDGES = 320000
F_IN = 128
N_CLASSES = 2


def _gcn_conv(x, src, dst, W, b, num_nodes):
    # PyG GCNConv: linear transform, then sym-normalized aggregation (self-loops already appended)
    h = x @ W.T
    deg = jnp.zeros((num_nodes,), dtype=h.dtype).at[dst].add(1.0)
    dinv = jnp.where(deg > 0, jax.lax.rsqrt(deg), 0.0)
    norm = dinv[src] * dinv[dst]
    msg = h[src] * norm[:, None]
    out = jnp.zeros((num_nodes, h.shape[1]), dtype=h.dtype).at[dst].add(msg)
    return out + b


def _bn(x, g, b):
    m = jnp.mean(x, axis=0)
    v = jnp.var(x, axis=0)
    return g * (x - m) * jax.lax.rsqrt(v + 1e-5) + b


def setup_inputs(seed: int = 0) -> dict:
    key = jax.random.key(seed)
    ks = jax.random.split(key, 24)
    x = jax.random.normal(ks[0], (N_NODES, F_IN), dtype=jnp.float32)
    edge_index = jax.random.randint(ks[1], (2, N_EDGES), 0, N_NODES, dtype=jnp.int32)
    prottrans_feat = jax.random.normal(ks[2], (N_NODES, 1024), dtype=jnp.float32)
    esm2 = jax.random.normal(ks[3], (N_NODES, 1280), dtype=jnp.float32)

    def lin(k, out_d, in_d):
        s = 1.0 / np.sqrt(in_d)
        return jax.random.uniform(k, (out_d, in_d), jnp.float32, -s, s)

    inp = {
        'x': x, 'edge_index': edge_index,
        'prottrans_feat': prottrans_feat, 'esm2': esm2,
        'Wres': lin(ks[4], 128, F_IN), 'bres': jnp.zeros((128,), jnp.float32),
        'W1': lin(ks[5], 128, F_IN), 'b1': jnp.zeros((128,), jnp.float32),
        'g1': jnp.ones((128,), jnp.float32), 'be1': jnp.zeros((128,), jnp.float32),
        'W2': lin(ks[6], 64, 128), 'b2': jnp.zeros((64,), jnp.float32),
        'g2': jnp.ones((64,), jnp.float32), 'be2': jnp.zeros((64,), jnp.float32),
        'Wf1': lin(ks[7], 512, 64 + 1024 + 1280), 'bf1': jnp.zeros((512,), jnp.float32),
        'Wf2': lin(ks[8], 128, 512), 'bf2': jnp.zeros((128,), jnp.float32),
        'Wf3': lin(ks[9], N_CLASSES, 128), 'bf3': jnp.zeros((N_CLASSES,), jnp.float32),
    }
    return inp


def reference(x, edge_index, prottrans_feat, esm2,
              Wres, bres, W1, b1, g1, be1, W2, b2, g2, be2,
              Wf1, bf1, Wf2, bf2, Wf3, bf3):
    n = x.shape[0]
    loop = jnp.arange(n, dtype=edge_index.dtype)
    src = jnp.concatenate([edge_index[0], loop])
    dst = jnp.concatenate([edge_index[1], loop])

    x_residual = x @ Wres.T + bres
    h = _gcn_conv(x, src, dst, W1, b1, n)
    h = jax.nn.relu(_bn(h, g1, be1))
    h = h + x_residual
    h = _gcn_conv(h, src, dst, W2, b2, n)
    h = jax.nn.relu(_bn(h, g2, be2))
    h = jnp.concatenate([h, prottrans_feat, esm2.astype(jnp.float32)], axis=1)
    h = jax.nn.relu(h @ Wf1.T + bf1)
    h = jax.nn.relu(h @ Wf2.T + bf2)
    return h @ Wf3.T + bf3

if __name__ == "__main__":
    import jax
    _d = setup_inputs()
    print(jax.jit(kernel)(*tuple(_d.values())))

</pallas_src>

<mosaic_0001>
#map = affine_map<(d0, d1) -> (0, 0)>
#map1 = affine_map<(d0, d1) -> (0, 0, 0)>
module attributes {stable_mosaic.version = 14 : i64} {
  func.func @_agg_body(%arg0: i32, %arg1: i32, %arg2: memref<10240x32xf32, #tpu.memory_space<hbm>>, %arg3: memref<10240x32xf32, #tpu.memory_space<hbm>>, %arg4: memref<16x160x128xi32, #tpu.memory_space<hbm>>, %arg5: memref<16x160x128xi32, #tpu.memory_space<hbm>>, %arg6: memref<10240x32xf32, #tpu.memory_space<hbm>>, %arg7: memref<10240x32xf32, #tpu.memory_space<hbm>>, %arg8: memref<160x128xi32, #tpu.memory_space<vmem>>, %arg9: memref<160x128xi32, #tpu.memory_space<vmem>>, %arg10: memref<128x32xf32, #tpu.memory_space<vmem>>, %arg11: memref<128x32xf32, #tpu.memory_space<vmem>>, %arg12: memref<128x32xf32, #tpu.memory_space<vmem>>, %arg13: memref<128x32xf32, #tpu.memory_space<vmem>>, %arg14: memref<10240x32xf32, #tpu.memory_space<vmem_shared>>, %arg15: memref<!tpu.dma_semaphore, #tpu.memory_space<semaphore_mem>>, %arg16: memref<!tpu.dma_semaphore, #tpu.memory_space<semaphore_mem>>, %arg17: memref<!tpu.dma_semaphore, #tpu.memory_space<semaphore_mem>>, %arg18: memref<!tpu.dma_semaphore, #tpu.memory_space<semaphore_mem>>, %arg19: memref<!tpu.dma_semaphore, #tpu.memory_space<semaphore_mem>>, %arg20: memref<!tpu.dma_semaphore, #tpu.memory_space<semaphore_mem>>, %arg21: memref<!tpu.dma_semaphore, #tpu.memory_space<semaphore_mem>>, %arg22: memref<!tpu.dma_semaphore, #tpu.memory_space<semaphore_mem>>) attributes {dimension_semantics = [#tpu.dimension_semantics<core_parallel>, #tpu.dimension_semantics<subcore_parallel>], iteration_bounds = array<i64: 2, 16>, scalar_prefetch = 0 : i64, scratch_operands = 15 : i64, tpu.core_type = #tpu.core_type<sc_vector_subcore>, window_params = [{transform_indices = #map}, {transform_indices = #map}, {transform_indices = #map1}, {transform_indices = #map1}, {transform_indices = #map}, {transform_indices = #map}]} {
    "tpu.region"() ({
      %run_scoped3A = tpu.sem_alloc : memref<!tpu.dma_semaphore, #tpu.memory_space<semaphore_mem>>
      %dma_start3A = arith.constant 0 : i32
      %dma_start3A_7 = arith.constant 0 : i32
      %dma_start3A_8 = tpu.memref_slice %arg4[%arg1, %dma_start3A, %dma_start3A_7] : memref<16x160x128xi32, #tpu.memory_space<hbm>> -> memref<1x160x128xi32, #tpu.memory_space<hbm>>
      %dma_start3A_9 = tpu.memref_squeeze %dma_start3A_8 : memref<1x160x128xi32, #tpu.memory_space<hbm>> -> memref<160x128xi32, #tpu.memory_space<hbm>>
      %dma_start3A_10 = arith.constant 0 : i32
      %dma_start3A_11 = arith.constant 0 : i32
      %dma_start3A_12 = tpu.memref_slice %arg4[%arg1, %dma_start3A_10, %dma_start3A_11] : memref<16x160x128xi32, #tpu.memory_space<hbm>> -> memref<1x160x128xi32, #tpu.memory_space<hbm>>
      %dma_start3A_13 = tpu.memref_squeeze %dma_start3A_12 : memref<1x160x128xi32, #tpu.memory_space<hbm>> -> memref<160x128xi32, #tpu.memory_space<hbm>>
      tpu.enqueue_dma source(%dma_start3A_13 : memref<160x128xi32, #tpu.memory_space<hbm>>) target(%arg8 : memref<160x128xi32, #tpu.memory_space<vmem>>) target_semaphore(%run_scoped3A : memref<!tpu.dma_semaphore, #tpu.memory_space<semaphore_mem>>)
      %dma_wait3A = arith.constant 0 : i32
      %dma_wait3A_14 = arith.constant 0 : i32
      %dma_wait3A_15 = tpu.memref_slice %arg4[%arg1, %dma_wait3A, %dma_wait3A_14] : memref<16x160x128xi32, #tpu.memory_space<hbm>> -> memref<1x160x128xi32, #tpu.memory_space<hbm>>
      %dma_wait3A_16 = tpu.memref_squeeze %dma_wait3A_15 : memref<1x160x128xi32, #tpu.memory_space<hbm>> -> memref<160x128xi32, #tpu.memory_space<hbm>>
      %dma_wait3A_17 = arith.constant 0 : i32
      %dma_wait3A_18 = arith.constant 0 : i32
      %dma_wait3A_19 = tpu.memref_slice %arg4[%arg1, %dma_wait3A_17, %dma_wait3A_18] : memref<16x160x128xi32, #tpu.memory_space<hbm>> -> memref<1x160x128xi32, #tpu.memory_space<hbm>>
      %dma_wait3A_20 = tpu.memref_squeeze %dma_wait3A_19 : memref<1x160x128xi32, #tpu.memory_space<hbm>> -> memref<160x128xi32, #tpu.memory_space<hbm>>
      tpu.wait_dma2 semaphore(%run_scoped3A : memref<!tpu.dma_semaphore, #tpu.memory_space<semaphore_mem>>) src(%dma_wait3A_20 : memref<160x128xi32, #tpu.memory_space<hbm>>) dst(%arg8 : memref<160x128xi32, #tpu.memory_space<vmem>>)
      tpu.yield
    }) : () -> ()
    %eq3A = arith.constant 0 : i32
    %eq3A_0 = arith.cmpi eq, %arg0, %eq3A : i32
    %convert_element_type3A = arith.extui %eq3A_0 : i1 to i32
    %cond3A = arith.constant 0 : i32
    %cond3A_1 = arith.cmpi ne, %convert_element_type3A, %cond3A : i32
    scf.if %cond3A_1 {
      "tpu.region"() ({
        %run_scoped3A = tpu.sem_alloc : memref<!tpu.dma_semaphore, #tpu.memory_space<semaphore_mem>>
        %dma_start3A_118 = arith.constant 0 : i32
        %dma_start3A_119 = arith.constant 0 : i32
        %dma_start3A_120 = tpu.memref_slice %arg5[%arg1, %dma_start3A_118, %dma_start3A_119] : memref<16x160x128xi32, #tpu.memory_space<hbm>> -> memref<1x160x128xi32, #tpu.memory_space<hbm>>
        %dma_start3A_121 = tpu.memref_squeeze %dma_start3A_120 : memref<1x160x128xi32, #tpu.memory_space<hbm>> -> memref<160x128xi32, #tpu.memory_space<hbm>>
        %dma_start3A_122 = arith.constant 0 : i32
        %dma_start3A_123 = arith.constant 0 : i32
        %dma_start3A_124 = tpu.memref_slice %arg5[%arg1, %dma_start3A_122, %dma_start3A_123] : memref<16x160x128xi32, #tpu.memory_space<hbm>> -> memref<1x160x128xi32, #tpu.memory_space<hbm>>
        %dma_start3A_125 = tpu.memref_squeeze %dma_start3A_124 : memref<1x160x128xi32, #tpu.memory_space<hbm>> -> memref<160x128xi32, #tpu.memory_space<hbm>>
        tpu.enqueue_dma source(%dma_start3A_125 : memref<160x128xi32, #tpu.memory_space<hbm>>) target(%arg9 : memref<160x128xi32, #tpu.memory_space<vmem>>) target_semaphore(%run_scoped3A : memref<!tpu.dma_semaphore, #tpu.memory_space<semaphore_mem>>)
        %dma_wait3A_126 = arith.constant 0 : i32
        %dma_wait3A_127 = arith.constant 0 : i32
        %dma_wait3A_128 = tpu.memref_slice %arg5[%arg1, %dma_wait3A_126, %dma_wait3A_127] : memref<16x160x128xi32, #tpu.memory_space<hbm>> -> memref<1x160x128xi32, #tpu.memory_space<hbm>>
        %dma_wait3A_129 = tpu.memref_squeeze %dma_wait3A_128 : memref<1x160x128xi32, #tpu.memory_space<hbm>> -> memref<160x128xi32, #tpu.memory_space<hbm>>
        %dma_wait3A_130 = arith.constant 0 : i32
        %dma_wait3A_131 = arith.constant 0 : i32
        %dma_wait3A_132 = tpu.memref_slice %arg5[%arg1, %dma_wait3A_130, %dma_wait3A_131] : memref<16x160x128xi32, #tpu.memory_space<hbm>> -> memref<1x160x128xi32, #tpu.memory_space<hbm>>
        %dma_wait3A_133 = tpu.memref_squeeze %dma_wait3A_132 : memref<1x160x128xi32, #tpu.memory_space<hbm>> -> memref<160x128xi32, #tpu.memory_space<hbm>>
        tpu.wait_dma2 semaphore(%run_scoped3A : memref<!tpu.dma_semaphore, #tpu.memory_space<semaphore_mem>>) src(%dma_wait3A_133 : memref<160x128xi32, #tpu.memory_space<hbm>>) dst(%arg9 : memref<160x128xi32, #tpu.memory_space<vmem>>)
        tpu.yield
      }) : () -> ()
      %broadcast_in_dim3A = arith.constant 0.000000e+00 : f32
      %broadcast_in_dim3A_7 = vector.broadcast %broadcast_in_dim3A : f32 to vector<16xf32>
      %scan3A = arith.constant 0 : i32
      %scan3A_8 = arith.constant 0 : i32
      %scan3A_9 = arith.constant 128 : i32
      %scan3A_10 = arith.addi %scan3A_8, %scan3A_9 : i32
      %scan3A_11 = arith.constant 1 : i32
      %scan3A_12 = scf.for %scan3A_118 = %scan3A_8 to %scan3A_10 step %scan3A_11 iter_args(%scan3A_119 = %scan3A) -> (i32)  : i32 {
        %swap3A = arith.index_cast %scan3A_118 : i32 to index
        %swap3A_120 = arith.constant 0 : index
        %swap3A_121 = tpu.vector_load %arg10[%swap3A, %swap3A_120] {strides = array<i32>} : memref<128x32xf32, #tpu.memory_space<vmem>>, vector<16xf32>,
        tpu.vector_store %arg10[%swap3A, %swap3A_120], %broadcast_in_dim3A_7 {strides = array<i32>} : memref<128x32xf32, #tpu.memory_space<vmem>>, vector<16xf32>,
        %swap3A_122 = arith.index_cast %scan3A_118 : i32 to index
        %swap3A_123 = arith.constant 16 : index
        %swap3A_124 = tpu.vector_load %arg10[%swap3A_122, %swap3A_123] {strides = array<i32>} : memref<128x32xf32, #tpu.memory_space<vmem>>, vector<16xf32>,
        tpu.vector_store %arg10[%swap3A_122, %swap3A_123], %broadcast_in_dim3A_7 {strides = array<i32>} : memref<128x32xf32, #tpu.memory_space<vmem>>, vector<16xf32>,
        %scan3A_125 = arith.constant 0 : i32
        scf.yield %scan3A_125 : i32
      }
      %scan3A_13 = arith.constant 128 : i32
      %mul3A = arith.constant 640 : i32
      %mul3A_14 = arith.muli %arg1, %mul3A : i32
      %add3A = arith.constant 0 : i32
      %add3A_15 = arith.addi %mul3A_14, %add3A : i32
      "tpu.region"() ({
        %run_scoped3A = tpu.sem_alloc : memref<!tpu.dma_semaphore, #tpu.memory_space<semaphore_mem>>
        %dma_start3A_118 = arith.constant 0 : i32
        %dma_start3A_119 = tpu.memref_slice %arg14[%add3A_15, %dma_start3A_118] : memref<10240x32xf32, #tpu.memory_space<vmem_shared>> -> memref<128x32xf32, #tpu.memory_space<vmem_shared>>
        %dma_start3A_120 = arith.constant 0 : i32
        %dma_start3A_121 = tpu.memref_slice %arg14[%add3A_15, %dma_start3A_120] : memref<10240x32xf32, #tpu.memory_space<vmem_shared>> -> memref<128x32xf32, #tpu.memory_space<vmem_shared>>
        tpu.enqueue_dma source(%arg10 : memref<128x32xf32, #tpu.memory_space<vmem>>) target(%dma_start3A_121 : memref<128x32xf32, #tpu.memory_space<vmem_shared>>) target_semaphore(%run_scoped3A : memref<!tpu.dma_semaphore, #tpu.memory_space<semaphore_mem>>)
        %dma_wait3A_122 = arith.constant 0 : i32
        %dma_wait3A_123 = tpu.memref_slice %arg14[%add3A_15, %dma_wait3A_122] : memref<10240x32xf32, #tpu.memory_space<vmem_shared>> -> memref<128x32xf32, #tpu.memory_space<vmem_shared>>
        %dma_wait3A_124 = arith.constant 0 : i32
        %dma_wait3A_125 = tpu.memref_slice %arg14[%add3A_15, %dma_wait3A_124] : memref<10240x32xf32, #tpu.memory_space<vmem_shared>> -> memref<128x32xf32, #tpu.memory_space<vmem_shared>>
        tpu.wait_dma2 semaphore(%run_scoped3A : memref<!tpu.dma_semaphore, #tpu.memory_space<semaphore_mem>>) src(%arg10 : memref<128x32xf32, #tpu.memory_space<vmem>>) dst(%dma_wait3A_125 : memref<128x32xf32, #tpu.memory_space<vmem_shared>>)
        tpu.yield
      }) : () -> ()
      %mul3A_16 = arith.constant 640 : i32
      %mul3A_17 = arith.muli %arg1, %mul3A_16 : i32
      %add3A_18 = arith.constant 128 : i32
      %add3A_19 = arith.addi %mul3A_17, %add3A_18 : i32
      "tpu.region"() ({
        %run_scoped3A = tpu.sem_alloc : memref<!tpu.dma_semaphore, #tpu.memory_space<semaphore_mem>>
        %dma_start3A_118 = arith.constant 0 : i32
        %dma_start3A_119 = tpu.memref_slice %arg14[%add3A_19, %dma_start3A_118] : memref<10240x32xf32, #tpu.memory_space<vmem_shared>> -> memref<128x32xf32, #tpu.memory_space<vmem_shared>>
        %dma_start3A_120 = arith.constant 0 : i32
        %dma_start3A_121 = tpu.memref_slice %arg14[%add3A_19, %dma_start3A_120] : memref<10240x32xf32, #tpu.memory_space<vmem_shared>> -> memref<128x32xf32, #tpu.memory_space<vmem_shared>>
        tpu.enqueue_dma source(%arg10 : memref<128x32xf32, #tpu.memory_space<vmem>>) target(%dma_start3A_121 : memref<128x32xf32, #tpu.memory_space<vmem_shared>>) target_semaphore(%run_scoped3A : memref<!tpu.dma_semaphore, #tpu.memory_space<semaphore_mem>>)
        %dma_wait3A_122 = arith.constant 0 : i32
        %dma_wait3A_123 = tpu.memref_slice %arg14[%add3A_19, %dma_wait3A_122] : memref<10240x32xf32, #tpu.memory_space<vmem_shared>> -> memref<128x32xf32, #tpu.memory_space<vmem_shared>>
        %dma_wait3A_124 = arith.constant 0 : i32
        %dma_wait3A_125 = tpu.memref_slice %arg14[%add3A_19, %dma_wait3A_124] : memref<10240x32xf32, #tpu.memory_space<vmem_shared>> -> memref<128x32xf32, #tpu.memory_space<vmem_shared>>
        tpu.wait_dma2 semaphore(%run_scoped3A : memref<!tpu.dma_semaphore, #tpu.memory_space<semaphore_mem>>) src(%arg10 : memref<128x32xf32, #tpu.memory_space<vmem>>) dst(%dma_wait3A_125 : memref<128x32xf32, #tpu.memory_space<vmem_shared>>)
        tpu.yield
      }) : () -> ()
      %mul3A_20 = arith.constant 640 : i32
      %mul3A_21 = arith.muli %arg1, %mul3A_20 : i32
      %add3A_22 = arith.constant 256 : i32
      %add3A_23 = arith.addi %mul3A_21, %add3A_22 : i32
      "tpu.region"() ({
        %run_scoped3A = tpu.sem_alloc : memref<!tpu.dma_semaphore, #tpu.memory_space<semaphore_mem>>
        %dma_start3A_118 = arith.constant 0 : i32
        %dma_start3A_119 = tpu.memref_slice %arg14[%add3A_23, %dma_start3A_118] : memref<10240x32xf32, #tpu.memory_space<vmem_shared>> -> memref<128x32xf32, #tpu.memory_space<vmem_shared>>
        %dma_start3A_120 = arith.constant 0 : i32
        %dma_start3A_121 = tpu.memref_slice %arg14[%add3A_23, %dma_start3A_120] : memref<10240x32xf32, #tpu.memory_space<vmem_shared>> -> memref<128x32xf32, #tpu.memory_space<vmem_shared>>
        tpu.enqueue_dma source(%arg10 : memref<128x32xf32, #tpu.memory_space<vmem>>) target(%dma_start3A_121 : memref<128x32xf32, #tpu.memory_space<vmem_shared>>) target_semaphore(%run_scoped3A : memref<!tpu.dma_semaphore, #tpu.memory_space<semaphore_mem>>)
        %dma_wait3A_122 = arith.constant 0 : i32
        %dma_wait3A_123 = tpu.memref_slice %arg14[%add3A_23, %dma_wait3A_122] : memref<10240x32xf32, #tpu.memory_space<vmem_shared>> -> memref<128x32xf32, #tpu.memory_space<vmem_shared>>
        %dma_wait3A_124 = arith.constant 0 : i32
        %dma_wait3A_125 = tpu.memref_slice %arg14[%add3A_23, %dma_wait3A_124] : memref<10240x32xf32, #tpu.memory_space<vmem_shared>> -> memref<128x32xf32, #tpu.memory_space<vmem_shared>>
        tpu.wait_dma2 semaphore(%run_scoped3A : memref<!tpu.dma_semaphore, #tpu.memory_space<semaphore_mem>>) src(%arg10 : memref<128x32xf32, #tpu.memory_space<vmem>>) dst(%dma_wait3A_125 : memref<128x32xf32, #tpu.memory_space<vmem_shared>>)
        tpu.yield
      }) : () -> ()
      %mul3A_24 = arith.constant 640 : i32
      %mul3A_25 = arith.muli %arg1, %mul3A_24 : i32
      %add3A_26 = arith.constant 384 : i32
      %add3A_27 = arith.addi %mul3A_25, %add3A_26 : i32
      "tpu.region"() ({
        %run_scoped3A = tpu.sem_alloc : memref<!tpu.dma_semaphore, #tpu.memory_space<semaphore_mem>>
        %dma_start3A_118 = arith.constant 0 : i32
        %dma_start3A_119 = tpu.memref_slice %arg14[%add3A_27, %dma_start3A_118] : memref<10240x32xf32, #tpu.memory_space<vmem_shared>> -> memref<128x32xf32, #tpu.memory_space<vmem_shared>>
        %dma_start3A_120 = arith.constant 0 : i32
        %dma_start3A_121 = tpu.memref_slice %arg14[%add3A_27, %dma_start3A_120] : memref<10240x32xf32, #tpu.memory_space<vmem_shared>> -> memref<128x32xf32, #tpu.memory_space<vmem_shared>>
        tpu.enqueue_dma source(%arg10 : memref<128x32xf32, #tpu.memory_space<vmem>>) target(%dma_start3A_121 : memref<128x32xf32, #tpu.memory_space<vmem_shared>>) target_semaphore(%run_scoped3A : memref<!tpu.dma_semaphore, #tpu.memory_space<semaphore_mem>>)
        %dma_wait3A_122 = arith.constant 0 : i32
        %dma_wait3A_123 = tpu.memref_slice %arg14[%add3A_27, %dma_wait3A_122] : memref<10240x32xf32, #tpu.memory_space<vmem_shared>> -> memref<128x32xf32, #tpu.memory_space<vmem_shared>>
        %dma_wait3A_124 = arith.constant 0 : i32
        %dma_wait3A_125 = tpu.memref_slice %arg14[%add3A_27, %dma_wait3A_124] : memref<10240x32xf32, #tpu.memory_space<vmem_shared>> -> memref<128x32xf32, #tpu.memory_space<vmem_shared>>
        tpu.wait_dma2 semaphore(%run_scoped3A : memref<!tpu.dma_semaphore, #tpu.memory_space<semaphore_mem>>) src(%arg10 : memref<128x32xf32, #tpu.memory_space<vmem>>) dst(%dma_wait3A_125 : memref<128x32xf32, #tpu.memory_space<vmem_shared>>)
        tpu.yield
      }) : () -> ()
      %mul3A_28 = arith.constant 640 : i32
      %mul3A_29 = arith.muli %arg1, %mul3A_28 : i32
      %add3A_30 = arith.constant 512 : i32
      %add3A_31 = arith.addi %mul3A_29, %add3A_30 : i32
      "tpu.region"() ({
        %run_scoped3A = tpu.sem_alloc : memref<!tpu.dma_semaphore, #tpu.memory_space<semaphore_mem>>
        %dma_start3A_118 = arith.constant 0 : i32
        %dma_start3A_119 = tpu.memref_slice %arg14[%add3A_31, %dma_start3A_118] : memref<10240x32xf32, #tpu.memory_space<vmem_shared>> -> memref<128x32xf32, #tpu.memory_space<vmem_shared>>
        %dma_start3A_120 = arith.constant 0 : i32
        %dma_start3A_121 = tpu.memref_slice %arg14[%add3A_31, %dma_start3A_120] : memref<10240x32xf32, #tpu.memory_space<vmem_shared>> -> memref<128x32xf32, #tpu.memory_space<vmem_shared>>
        tpu.enqueue_dma source(%arg10 : memref<128x32xf32, #tpu.memory_space<vmem>>) target(%dma_start3A_121 : memref<128x32xf32, #tpu.memory_space<vmem_shared>>) target_semaphore(%run_scoped3A : memref<!tpu.dma_semaphore, #tpu.memory_space<semaphore_mem>>)
        %dma_wait3A_122 = arith.constant 0 : i32
        %dma_wait3A_123 = tpu.memref_slice %arg14[%add3A_31, %dma_wait3A_122] : memref<10240x32xf32, #tpu.memory_space<vmem_shared>> -> memref<128x32xf32, #tpu.memory_space<vmem_shared>>
        %dma_wait3A_124 = arith.constant 0 : i32
        %dma_wait3A_125 = tpu.memref_slice %arg14[%add3A_31, %dma_wait3A_124] : memref<10240x32xf32, #tpu.memory_space<vmem_shared>> -> memref<128x32xf32, #tpu.memory_space<vmem_shared>>
        tpu.wait_dma2 semaphore(%run_scoped3A : memref<!tpu.dma_semaphore, #tpu.memory_space<semaphore_mem>>) src(%arg10 : memref<128x32xf32, #tpu.memory_space<vmem>>) dst(%dma_wait3A_125 : memref<128x32xf32, #tpu.memory_space<vmem_shared>>)
        tpu.yield
      }) : () -> ()
      %barrier3A = arith.constant 0 : index
      tpu.barrier barrier_id(%barrier3A)
      %dma_start3A = arith.constant 0 : i32
      %dma_start3A_32 = arith.constant 0 : i32
      %dma_start3A_33 = arith.constant 0 : i32
      %dma_start3A_34 = tpu.memref_slice %arg10[%dma_start3A_32, %dma_start3A_33] : memref<128x32xf32, #tpu.memory_space<vmem>> -> memref<128x32xf32, #tpu.memory_space<vmem>>
      %dma_start3A_35 = arith.constant 0 : i32
      %dma_start3A_36 = tpu.memref_slice %arg8[%dma_start3A, %dma_start3A_35] : memref<160x128xi32, #tpu.memory_space<vmem>> -> memref<1x128xi32, #tpu.memory_space<vmem>>
      %dma_start3A_37 = tpu.memref_squeeze %dma_start3A_36 : memref<1x128xi32, #tpu.memory_space<vmem>> -> memref<128xi32, #tpu.memory_space<vmem>>
      %dma_start3A_38 = arith.constant 0 : i32
      %dma_start3A_39 = arith.constant 0 : i32
      %dma_start3A_40 = tpu.memref_slice %arg2[%dma_start3A_38, %dma_start3A_39] : memref<10240x32xf32, #tpu.memory_space<hbm>> -> memref<10240x32xf32, #tpu.memory_space<hbm>>
      tpu.enqueue_indirect_dma source(%dma_start3A_40 : memref<10240x32xf32, #tpu.memory_space<hbm>>) target(%dma_start3A_34 : memref<128x32xf32, #tpu.memory_space<vmem>>) offsets(%dma_start3A_37 : memref<128xi32, #tpu.memory_space<vmem>>) semaphore(%arg15 : memref<!tpu.dma_semaphore, #tpu.memory_space<semaphore_mem>>)
      %dma_start3A_41 = arith.constant 1 : i32
      %dma_start3A_42 = arith.constant 0 : i32
      %dma_start3A_43 = arith.constant 0 : i32
      %dma_start3A_44 = tpu.memref_slice %arg11[%dma_start3A_42, %dma_start3A_43] : memref<128x32xf32, #tpu.memory_space<vmem>> -> memref<128x32xf32, #tpu.memory_space<vmem>>
      %dma_start3A_45 = arith.constant 0 : i32
      %dma_start3A_46 = tpu.memref_slice %arg8[%dma_start3A_41, %dma_start3A_45] : memref<160x128xi32, #tpu.memory_space<vmem>> -> memref<1x128xi32, #tpu.memory_space<vmem>>
      %dma_start3A_47 = tpu.memref_squeeze %dma_start3A_46 : memref<1x128xi32, #tpu.memory_space<vmem>> -> memref<128xi32, #tpu.memory_space<vmem>>
      %dma_start3A_48 = arith.constant 0 : i32
      %dma_start3A_49 = arith.constant 0 : i32
      %dma_start3A_50 = tpu.memref_slice %arg2[%dma_start3A_48, %dma_start3A_49] : memref<10240x32xf32, #tpu.memory_space<hbm>> -> memref<10240x32xf32, #tpu.memory_space<hbm>>
      tpu.enqueue_indirect_dma source(%dma_start3A_50 : memref<10240x32xf32, #tpu.memory_space<hbm>>) target(%dma_start3A_44 : memref<128x32xf32, #tpu.memory_space<vmem>>) offsets(%dma_start3A_47 : memref<128xi32, #tpu.memory_space<vmem>>) semaphore(%arg16 : memref<!tpu.dma_semaphore, #tpu.memory_space<semaphore_mem>>)
      %scan3A_51 = arith.constant 0 : i32
      %scan3A_52 = arith.constant 0 : i32
      %scan3A_53 = arith.constant 40 : i32
      %scan3A_54 = arith.addi %scan3A_52, %scan3A_53 : i32
      %scan3A_55 = arith.constant 1 : i32
      %scan3A_56 = scf.for %scan3A_118 = %scan3A_52 to %scan3A_54 step %scan3A_55 iter_args(%scan3A_119 = %scan3A_51) -> (i32)  : i32 {
        %mul3A_120 = arith.constant 4 : i32
        %mul3A_121 = arith.muli %mul3A_120, %scan3A_118 : i32
        %add3A_122 = arith.constant 0 : i32
        %add3A_123 = arith.addi %mul3A_121, %add3A_122 : i32
        %ge3A = arith.constant 2 : i32
        %ge3A_124 = arith.cmpi sge, %add3A_123, %ge3A : i32
        %convert_element_type3A_125 = arith.extui %ge3A_124 : i1 to i32
        %cond3A_126 = arith.constant 0 : i32
        %cond3A_127 = arith.cmpi ne, %convert_element_type3A_125, %cond3A_126 : i32
        scf.if %cond3A_127 {
          %dma_wait3A_275 = arith.constant 0 : i32
          %dma_wait3A_276 = arith.constant 0 : i32
          %dma_wait3A_277 = arith.constant 0 : i32
          %dma_wait3A_278 = tpu.memref_slice %arg12[%dma_wait3A_276, %dma_wait3A_277] : memref<128x32xf32, #tpu.memory_space<vmem>> -> memref<128x32xf32, #tpu.memory_space<vmem>>
          %dma_wait3A_279 = arith.constant 0 : i32
          %dma_wait3A_280 = tpu.memref_slice %arg9[%dma_wait3A_275, %dma_wait3A_279] : memref<160x128xi32, #tpu.memory_space<vmem>> -> memref<1x128xi32, #tpu.memory_space<vmem>>
          %dma_wait3A_281 = tpu.memref_squeeze %dma_wait3A_280 : memref<1x128xi32, #tpu.memory_space<vmem>> -> memref<128xi32, #tpu.memory_space<vmem>>
          %dma_wait3A_282 = arith.constant 0 : i32
          %dma_wait3A_283 = arith.constant 0 : i32
          %dma_wait3A_284 = tpu.memref_slice %arg14[%dma_wait3A_282, %dma_wait3A_283] : memref<10240x32xf32, #tpu.memory_space<vmem_shared>> -> memref<10240x32xf32, #tpu.memory_space<vmem_shared>>
          tpu.wait_indirect_dma semaphore(%arg21 : memref<!tpu.dma_semaphore, #tpu.memory_space<semaphore_mem>>) src(%dma_wait3A_278 : memref<128x32xf32, #tpu.memory_space<vmem>>) dst(%dma_wait3A_284 : memref<10240x32xf32, #tpu.memory_space<vmem_shared>>)
        } else {
        }
        %add3A_128 = arith.constant 2 : i32
        %add3A_129 = arith.addi %add3A_123, %add3A_128 : i32
        %lt3A = arith.constant 160 : i32
        %lt3A_130 = arith.cmpi slt, %add3A_129, %lt3A : i32
        %convert_element_type3A_131 = arith.extui %lt3A_130 : i1 to i32
        %cond3A_132 = arith.constant 0 : i32
        %cond3A_133 = arith.cmpi ne, %convert_element_type3A_131, %cond3A_132 : i32
        scf.if %cond3A_133 {
          %add3A_275 = arith.constant 2 : i32
          %add3A_276 = arith.addi %add3A_123, %add3A_275 : i32
          %mul3A_277 = arith.constant 1 : i32
          %mul3A_278 = arith.muli %add3A_276, %mul3A_277 : i32
          %add3A_279 = arith.constant 0 : i32
          %add3A_280 = arith.addi %mul3A_278, %add3A_279 : i32
          %dma_start3A_281 = arith.constant 0 : i32
          %dma_start3A_282 = arith.constant 0 : i32
          %dma_start3A_283 = tpu.memref_slice %arg12[%dma_start3A_281, %dma_start3A_282] : memref<128x32xf32, #tpu.memory_space<vmem>> -> memref<128x32xf32, #tpu.memory_space<vmem>>
          %dma_start3A_284 = arith.constant 0 : i32
          %dma_start3A_285 = tpu.memref_slice %arg8[%add3A_280, %dma_start3A_284] : memref<160x128xi32, #tpu.memory_space<vmem>> -> memref<1x128xi32, #tpu.memory_space<vmem>>
          %dma_start3A_286 = tpu.memref_squeeze %dma_start3A_285 : memref<1x128xi32, #tpu.memory_space<vmem>> -> memref<128xi32, #tpu.memory_space<vmem>>
          %dma_start3A_287 = arith.constant 0 : i32
          %dma_start3A_288 = arith.constant 0 : i32
          %dma_start3A_289 = tpu.memref_slice %arg2[%dma_start3A_287, %dma_start3A_288] : memref<10240x32xf32, #tpu.memory_space<hbm>> -> memref<10240x32xf32, #tpu.memory_space<hbm>>
          tpu.enqueue_indirect_dma source(%dma_start3A_289 : memref<10240x32xf32, #tpu.memory_space<hbm>>) target(%dma_start3A_283 : memref<128x32xf32, #tpu.memory_space<vmem>>) offsets(%dma_start3A_286 : memref<128xi32, #tpu.memory_space<vmem>>) semaphore(%arg17 : memref<!tpu.dma_semaphore, #tpu.memory_space<semaphore_mem>>)
        } else {
        }
        %dma_wait3A_134 = arith.constant 0 : i32
        %dma_wait3A_135 = arith.constant 0 : i32
        %dma_wait3A_136 = arith.constant 0 : i32
        %dma_wait3A_137 = tpu.memref_slice %arg10[%dma_wait3A_135, %dma_wait3A_136] : memref<128x32xf32, #tpu.memory_space<vmem>> -> memref<128x32xf32, #tpu.memory_space<vmem>>
        %dma_wait3A_138 = arith.constant 0 : i32
        %dma_wait3A_139 = tpu.memref_slice %arg8[%dma_wait3A_134, %dma_wait3A_138] : memref<160x128xi32, #tpu.memory_space<vmem>> -> memref<1x128xi32, #tpu.memory_space<vmem>>
        %dma_wait3A_140 = tpu.memref_squeeze %dma_wait3A_139 : memref<1x128xi32, #tpu.memory_space<vmem>> -> memref<128xi32, #tpu.memory_space<vmem>>
        %dma_wait3A_141 = arith.constant 0 : i32
        %dma_wait3A_142 = arith.constant 0 : i32
        %dma_wait3A_143 = tpu.memref_slice %arg2[%dma_wait3A_141, %dma_wait3A_142] : memref<10240x32xf32, #tpu.memory_space<hbm>> -> memref<10240x32xf32, #tpu.memory_space<hbm>>
        tpu.wait_indirect_dma semaphore(%arg15 : memref<!tpu.dma_semaphore, #tpu.memory_space<semaphore_mem>>) src(%dma_wait3A_143 : memref<10240x32xf32, #tpu.memory_space<hbm>>) dst(%dma_wait3A_137 : memref<128x32xf32, #tpu.memory_space<vmem>>)
        %mul3A_144 = arith.constant 1 : i32
        %mul3A_145 = arith.muli %add3A_123, %mul3A_144 : i32
        %add3A_146 = arith.constant 0 : i32
        %add3A_147 = arith.addi %mul3A_145, %add3A_146 : i32
        %dma_start3A_148 = arith.constant 0 : i32
        %dma_start3A_149 = arith.constant 0 : i32
        %dma_start3A_150 = tpu.memref_slice %arg10[%dma_start3A_148, %dma_start3A_149] : memref<128x32xf32, #tpu.memory_space<vmem>> -> memref<128x32xf32, #tpu.memory_space<vmem>>
        %dma_start3A_151 = arith.constant 0 : i32
        %dma_start3A_152 = tpu.memref_slice %arg9[%add3A_147, %dma_start3A_151] : memref<160x128xi32, #tpu.memory_space<vmem>> -> memref<1x128xi32, #tpu.memory_space<vmem>>
        %dma_start3A_153 = tpu.memref_squeeze %dma_start3A_152 : memref<1x128xi32, #tpu.memory_space<vmem>> -> memref<128xi32, #tpu.memory_space<vmem>>
        %dma_start3A_154 = arith.constant 0 : i32
        %dma_start3A_155 = arith.constant 0 : i32
        %dma_start3A_156 = tpu.memref_slice %arg14[%dma_start3A_154, %dma_start3A_155] : memref<10240x32xf32, #tpu.memory_space<vmem_shared>> -> memref<10240x32xf32, #tpu.memory_space<vmem_shared>>
        tpu.enqueue_indirect_dma source(%dma_start3A_150 : memref<128x32xf32, #tpu.memory_space<vmem>>) target(%dma_start3A_156 : memref<10240x32xf32, #tpu.memory_space<vmem_shared>>) offsets(%dma_start3A_153 : memref<128xi32, #tpu.memory_space<vmem>>) semaphore(%arg19 : memref<!tpu.dma_semaphore, #tpu.memory_space<semaphore_mem>>) {add = true}
        %mul3A_157 = arith.constant 4 : i32
        %mul3A_158 = arith.muli %mul3A_157, %scan3A_118 : i32
        %add3A_159 = arith.constant 1 : i32
        %add3A_160 = arith.addi %mul3A_158, %add3A_159 : i32
        %ge3A_161 = arith.constant 2 : i32
        %ge3A_162 = arith.cmpi sge, %add3A_160, %ge3A_161 : i32
        %convert_element_type3A_163 = arith.extui %ge3A_162 : i1 to i32
        %cond3A_164 = arith.constant 0 : i32
        %cond3A_165 = arith.cmpi ne, %convert_element_type3A_163, %cond3A_164 : i32
        scf.if %cond3A_165 {
          %dma_wait3A_275 = arith.constant 0 : i32
          %dma_wait3A_276 = arith.constant 0 : i32
          %dma_wait3A_277 = arith.constant 0 : i32
          %dma_wait3A_278 = tpu.memref_slice %arg13[%dma_wait3A_276, %dma_wait3A_277] : memref<128x32xf32, #tpu.memory_space<vmem>> -> memref<128x32xf32, #tpu.memory_space<vmem>>
          %dma_wait3A_279 = arith.constant 0 : i32
          %dma_wait3A_280 = tpu.memref_slice %arg9[%dma_wait3A_275, %dma_wait3A_279] : memref<160x128xi32, #tpu.memory_space<vmem>> -> memref<1x128xi32, #tpu.memory_space<vmem>>
          %dma_wait3A_281 = tpu.memref_squeeze %dma_wait3A_280 : memref<1x128xi32, #tpu.memory_space<vmem>> -> memref<128xi32, #tpu.memory_space<vmem>>
          %dma_wait3A_282 = arith.constant 0 : i32
          %dma_wait3A_283 = arith.constant 0 : i32
          %dma_wait3A_284 = tpu.memref_slice %arg14[%dma_wait3A_282, %dma_wait3A_283] : memref<10240x32xf32, #tpu.memory_space<vmem_shared>> -> memref<10240x32xf32, #tpu.memory_space<vmem_shared>>
          tpu.wait_indirect_dma semaphore(%arg22 : memref<!tpu.dma_semaphore, #tpu.memory_space<semaphore_mem>>) src(%dma_wait3A_278 : memref<128x32xf32, #tpu.memory_space<vmem>>) dst(%dma_wait3A_284 : memref<10240x32xf32, #tpu.memory_space<vmem_shared>>)
        } else {
        }
        %add3A_166 = arith.constant 2 : i32
        %add3A_167 = arith.addi %add3A_160, %add3A_166 : i32
        %lt3A_168 = arith.constant 160 : i32
        %lt3A_169 = arith.cmpi slt, %add3A_167, %lt3A_168 : i32
        %convert_element_type3A_170 = arith.extui %lt3A_169 : i1 to i32
        %cond3A_171 = arith.constant 0 : i32
        %cond3A_172 = arith.cmpi ne, %convert_element_type3A_170, %cond3A_171 : i32
        scf.if %cond3A_172 {
          %add3A_275 = arith.constant 2 : i32
          %add3A_276 = arith.addi %add3A_160, %add3A_275 : i32
          %mul3A_277 = arith.constant 1 : i32
          %mul3A_278 = arith.muli %add3A_276, %mul3A_277 : i32
          %add3A_279 = arith.constant 0 : i32
          %add3A_280 = arith.addi %mul3A_278, %add3A_279 : i32
          %dma_start3A_281 = arith.constant 0 : i32
          %dma_start3A_282 = arith.constant 0 : i32
          %dma_start3A_283 = tpu.memref_slice %arg13[%dma_start3A_281, %dma_start3A_282] : memref<128x32xf32, #tpu.memory_space<vmem>> -> memref<128x32xf32, #tpu.memory_space<vmem>>
          %dma_start3A_284 = arith.constant 0 : i32
          %dma_start3A_285 = tpu.memref_slice %arg8[%add3A_280, %dma_start3A_284] : memref<160x128xi32, #tpu.memory_space<vmem>> -> memref<1x128xi32, #tpu.memory_space<vmem>>
          %dma_start3A_286 = tpu.memref_squeeze %dma_start3A_285 : memref<1x128xi32, #tpu.memory_space<vmem>> -> memref<128xi32, #tpu.memory_space<vmem>>
          %dma_start3A_287 = arith.constant 0 : i32
          %dma_start3A_288 = arith.constant 0 : i32
          %dma_start3A_289 = tpu.memref_slice %arg2[%dma_start3A_287, %dma_start3A_288] : memref<10240x32xf32, #tpu.memory_space<hbm>> -> memref<10240x32xf32, #tpu.memory_space<hbm>>
          tpu.enqueue_indirect_dma source(%dma_start3A_289 : memref<10240x32xf32, #tpu.memory_space<hbm>>) target(%dma_start3A_283 : memref<128x32xf32, #tpu.memory_space<vmem>>) offsets(%dma_start3A_286 : memref<128xi32, #tpu.memory_space<vmem>>) semaphore(%arg18 : memref<!tpu.dma_semaphore, #tpu.memory_space<semaphore_mem>>)
        } else {
        }
        %dma_wait3A_173 = arith.constant 0 : i32
        %dma_wait3A_174 = arith.constant 0 : i32
        %dma_wait3A_175 = arith.constant 0 : i32
        %dma_wait3A_176 = tpu.memref_slice %arg11[%dma_wait3A_174, %dma_wait3A_175] : memref<128x32xf32, #tpu.memory_space<vmem>> -> memref<128x32xf32, #tpu.memory_space<vmem>>
        %dma_wait3A_177 = arith.constant 0 : i32
        %dma_wait3A_178 = tpu.memref_slice %arg8[%dma_wait3A_173, %dma_wait3A_177] : memref<160x128xi32, #tpu.memory_space<vmem>> -> memref<1x128xi32, #tpu.memory_space<vmem>>
        %dma_wait3A_179 = tpu.memref_squeeze %dma_wait3A_178 : memref<1x128xi32, #tpu.memory_space<vmem>> -> memref<128xi32, #tpu.memory_space<vmem>>
        %dma_wait3A_180 = arith.constant 0 : i32
        %dma_wait3A_181 = arith.constant 0 : i32
        %dma_wait3A_182 = tpu.memref_slice %arg2[%dma_wait3A_180, %dma_wait3A_181] : memref<10240x32xf32, #tpu.memory_space<hbm>> -> memref<10240x32xf32, #tpu.memory_space<hbm>>
        tpu.wait_indirect_dma semaphore(%arg16 : memref<!tpu.dma_semaphore, #tpu.memory_space<semaphore_mem>>) src(%dma_wait3A_182 : memref<10240x32xf32, #tpu.memory_space<hbm>>) dst(%dma_wait3A_176 : memref<128x32xf32, #tpu.memory_space<vmem>>)
        %mul3A_183 = arith.constant 1 : i32
        %mul3A_184 = arith.muli %add3A_160, %mul3A_183 : i32
        %add3A_185 = arith.constant 0 : i32
        %add3A_186 = arith.addi %mul3A_184, %add3A_185 : i32
        %dma_start3A_187 = arith.constant 0 : i32
        %dma_start3A_188 = arith.constant 0 : i32
        %dma_start3A_189 = tpu.memref_slice %arg11[%dma_start3A_187, %dma_start3A_188] : memref<128x32xf32, #tpu.memory_space<vmem>> -> memref<128x32xf32, #tpu.memory_space<vmem>>
        %dma_start3A_190 = arith.constant 0 : i32
        %dma_start3A_191 = tpu.memref_slice %arg9[%add3A_186, %dma_start3A_190] : memref<160x128xi32, #tpu.memory_space<vmem>> -> memref<1x128xi32, #tpu.memory_space<vmem>>
        %dma_start3A_192 = tpu.memref_squeeze %dma_start3A_191 : memref<1x128xi32, #tpu.memory_space<vmem>> -> memref<128xi32, #tpu.memory_space<vmem>>
        %dma_start3A_193 = arith.constant 0 : i32
        %dma_start3A_194 = arith.constant 0 : i32
        %dma_start3A_195 = tpu.memref_slice %arg14[%dma_start3A_193, %dma_start3A_194] : memref<10240x32xf32, #tpu.memory_space<vmem_shared>> -> memref<10240x32xf32, #tpu.memory_space<vmem_shared>>
        tpu.enqueue_indirect_dma source(%dma_start3A_189 : memref<128x32xf32, #tpu.memory_space<vmem>>) target(%dma_start3A_195 : memref<10240x32xf32, #tpu.memory_space<vmem_shared>>) offsets(%dma_start3A_192 : memref<128xi32, #tpu.memory_space<vmem>>) semaphore(%arg20 : memref<!tpu.dma_semaphore, #tpu.memory_space<semaphore_mem>>) {add = true}
        %mul3A_196 = arith.constant 4 : i32
        %mul3A_197 = arith.muli %mul3A_196, %scan3A_118 : i32
        %add3A_198 = arith.constant 2 : i32
        %add3A_199 = arith.addi %mul3A_197, %add3A_198 : i32
        %ge3A_200 = arith.constant 2 : i32
        %ge3A_201 = arith.cmpi sge, %add3A_199, %ge3A_200 : i32
        %convert_element_type3A_202 = arith.extui %ge3A_201 : i1 to i32
        %cond3A_203 = arith.constant 0 : i32
        %cond3A_204 = arith.cmpi ne, %convert_element_type3A_202, %cond3A_203 : i32
        scf.if %cond3A_204 {
          %dma_wait3A_275 = arith.constant 0 : i32
          %dma_wait3A_276 = arith.constant 0 : i32
          %dma_wait3A_277 = arith.constant 0 : i32
          %dma_wait3A_278 = tpu.memref_slice %arg10[%dma_wait3A_276, %dma_wait3A_277] : memref<128x32xf32, #tpu.memory_space<vmem>> -> memref<128x32xf32, #tpu.memory_space<vmem>>
          %dma_wait3A_279 = arith.constant 0 : i32
          %dma_wait3A_280 = tpu.memref_slice %arg9[%dma_wait3A_275, %dma_wait3A_279] : memref<160x128xi32, #tpu.memory_space<vmem>> -> memref<1x128xi32, #tpu.memory_space<vmem>>
          %dma_wait3A_281 = tpu.memref_squeeze %dma_wait3A_280 : memref<1x128xi32, #tpu.memory_space<vmem>> -> memref<128xi32, #tpu.memory_space<vmem>>
          %dma_wait3A_282 = arith.constant 0 : i32
          %dma_wait3A_283 = arith.constant 0 : i32
          %dma_wait3A_284 = tpu.memref_slice %arg14[%dma_wait3A_282, %dma_wait3A_283] : memref<10240x32xf32, #tpu.memory_space<vmem_shared>> -> memref<10240x32xf32, #tpu.memory_space<vmem_shared>>
          tpu.wait_indirect_dma semaphore(%arg19 : memref<!tpu.dma_semaphore, #tpu.memory_space<semaphore_mem>>) src(%dma_wait3A_278 : memref<128x32xf32, #tpu.memory_space<vmem>>) dst(%dma_wait3A_284 : memref<10240x32xf32, #tpu.memory_space<vmem_shared>>)
        } else {
        }
        %add3A_205 = arith.constant 2 : i32
        %add3A_206 = arith.addi %add3A_199, %add3A_205 : i32
        %lt3A_207 = arith.constant 160 : i32
        %lt3A_208 = arith.cmpi slt, %add3A_206, %lt3A_207 : i32
        %convert_element_type3A_209 = arith.extui %lt3A_208 : i1 to i32
        %cond3A_210 = arith.constant 0 : i32
        %cond3A_211 = arith.cmpi ne, %convert_element_type3A_209, %cond3A_210 : i32
        scf.if %cond3A_211 {
          %add3A_275 = arith.constant 2 : i32
          %add3A_276 = arith.addi %add3A_199, %add3A_275 : i32
          %mul3A_277 = arith.constant 1 : i32
          %mul3A_278 = arith.muli %add3A_276, %mul3A_277 : i32
          %add3A_279 = arith.constant 0 : i32
          %add3A_280 = arith.addi %mul3A_278, %add3A_279 : i32
          %dma_start3A_281 = arith.constant 0 : i32
          %dma_start3A_282 = arith.constant 0 : i32
          %dma_start3A_283 = tpu.memref_slice %arg10[%dma_start3A_281, %dma_start3A_282] : memref<128x32xf32, #tpu.memory_space<vmem>> -> memref<128x32xf32, #tpu.memory_space<vmem>>
          %dma_start3A_284 = arith.constant 0 : i32
          %dma_start3A_285 = tpu.memref_slice %arg8[%add3A_280, %dma_start3A_284] : memref<160x128xi32, #tpu.memory_space<vmem>> -> memref<1x128xi32, #tpu.memory_space<vmem>>
          %dma_start3A_286 = tpu.memref_squeeze %dma_start3A_285 : memref<1x128xi32, #tpu.memory_space<vmem>> -> memref<128xi32, #tpu.memory_space<vmem>>
          %dma_start3A_287 = arith.constant 0 : i32
          %dma_start3A_288 = arith.constant 0 : i32
          %dma_start3A_289 = tpu.memref_slice %arg2[%dma_start3A_287, %dma_start3A_288] : memref<10240x32xf32, #tpu.memory_space<hbm>> -> memref<10240x32xf32, #tpu.memory_space<hbm>>
          tpu.enqueue_indirect_dma source(%dma_start3A_289 : memref<10240x32xf32, #tpu.memory_space<hbm>>) target(%dma_start3A_283 : memref<128x32xf32, #tpu.memory_space<vmem>>) offsets(%dma_start3A_286 : memref<128xi32, #tpu.memory_space<vmem>>) semaphore(%arg15 : memref<!tpu.dma_semaphore, #tpu.memory_space<semaphore_mem>>)
        } else {
        }
        %dma_wait3A_212 = arith.constant 0 : i32
        %dma_wait3A_213 = arith.constant 0 : i32
        %dma_wait3A_214 = arith.constant 0 : i32
        %dma_wait3A_215 = tpu.memref_slice %arg12[%dma_wait3A_213, %dma_wait3A_214] : memref<128x32xf32, #tpu.memory_space<vmem>> -> memref<128x32xf32, #tpu.memory_space<vmem>>
        %dma_wait3A_216 = arith.constant 0 : i32
        %dma_wait3A_217 = tpu.memref_slice %arg8[%dma_wait3A_212, %dma_wait3A_216] : memref<160x128xi32, #tpu.memory_space<vmem>> -> memref<1x128xi32, #tpu.memory_space<vmem>>
        %dma_wait3A_218 = tpu.memref_squeeze %dma_wait3A_217 : memref<1x128xi32, #tpu.memory_space<vmem>> -> memref<128xi32, #tpu.memory_space<vmem>>
        %dma_wait3A_219 = arith.constant 0 : i32
        %dma_wait3A_220 = arith.constant 0 : i32
        %dma_wait3A_221 = tpu.memref_slice %arg2[%dma_wait3A_219, %dma_wait3A_220] : memref<10240x32xf32, #tpu.memory_space<hbm>> -> memref<10240x32xf32, #tpu.memory_space<hbm>>
        tpu.wait_indirect_dma semaphore(%arg17 : memref<!tpu.dma_semaphore, #tpu.memory_space<semaphore_mem>>) src(%dma_wait3A_221 : memref<10240x32xf32, #tpu.memory_space<hbm>>) dst(%dma_wait3A_215 : memref<128x32xf32, #tpu.memory_space<vmem>>)
        %mul3A_222 = arith.constant 1 : i32
        %mul3A_223 = arith.muli %add3A_199, %mul3A_222 : i32
        %add3A_224 = arith.constant 0 : i32
        %add3A_225 = arith.addi %mul3A_223, %add3A_224 : i32
        %dma_start3A_226 = arith.constant 0 : i32
        %dma_start3A_227 = arith.constant 0 : i32
        %dma_start3A_228 = tpu.memref_slice %arg12[%dma_start3A_226, %dma_start3A_227] : memref<128x32xf32, #tpu.memory_space<vmem>> -> memref<128x32xf32, #tpu.memory_space<vmem>>
        %dma_start3A_229 = arith.constant 0 : i32
        %dma_start3A_230 = tpu.memref_slice %arg9[%add3A_225, %dma_start3A_229] : memref<160x128xi32, #tpu.memory_space<vmem>> -> memref<1x128xi32, #tpu.memory_space<vmem>>
        %dma_start3A_231 = tpu.memref_squeeze %dma_start3A_230 : memref<1x128xi32, #tpu.memory_space<vmem>> -> memref<128xi32, #tpu.memory_space<vmem>>
        %dma_start3A_232 = arith.constant 0 : i32
        %dma_start3A_233 = arith.constant 0 : i32
        %dma_start3A_234 = tpu.memref_slice %arg14[%dma_start3A_232, %dma_start3A_233] : memref<10240x32xf32, #tpu.memory_space<vmem_shared>> -> memref<10240x32xf32, #tpu.memory_space<vmem_shared>>
        tpu.enqueue_indirect_dma source(%dma_start3A_228 : memref<128x32xf32, #tpu.memory_space<vmem>>) target(%dma_start3A_234 : memref<10240x32xf32, #tpu.memory_space<vmem_shared>>) offsets(%dma_start3A_231 : memref<128xi32, #tpu.memory_space<vmem>>) semaphore(%arg21 : memref<!tpu.dma_semaphore, #tpu.memory_space<semaphore_mem>>) {add = true}
        %mul3A_235 = arith.constant 4 : i32
        %mul3A_236 = arith.muli %mul3A_235, %scan3A_118 : i32
        %add3A_237 = arith.constant 3 : i32
        %add3A_238 = arith.addi %mul3A_236, %add3A_237 : i32
        %ge3A_239 = arith.constant 2 : i32
        %ge3A_240 = arith.cmpi sge, %add3A_238, %ge3A_239 : i32
        %convert_element_type3A_241 = arith.extui %ge3A_240 : i1 to i32
        %cond3A_242 = arith.constant 0 : i32
        %cond3A_243 = arith.cmpi ne, %convert_element_type3A_241, %cond3A_242 : i32
        scf.if %cond3A_243 {
          %dma_wait3A_275 = arith.constant 0 : i32
          %dma_wait3A_276 = arith.constant 0 : i32
          %dma_wait3A_277 = arith.constant 0 : i32
          %dma_wait3A_278 = tpu.memref_slice %arg11[%dma_wait3A_276, %dma_wait3A_277] : memref<128x32xf32, #tpu.memory_space<vmem>> -> memref<128x32xf32, #tpu.memory_space<vmem>>
          %dma_wait3A_279 = arith.constant 0 : i32
          %dma_wait3A_280 = tpu.memref_slice %arg9[%dma_wait3A_275, %dma_wait3A_279] : memref<160x128xi32, #tpu.memory_space<vmem>> -> memref<1x128xi32, #tpu.memory_space<vmem>>
          %dma_wait3A_281 = tpu.memref_squeeze %dma_wait3A_280 : memref<1x128xi32, #tpu.memory_space<vmem>> -> memref<128xi32, #tpu.memory_space<vmem>>
          %dma_wait3A_282 = arith.constant 0 : i32
          %dma_wait3A_283 = arith.constant 0 : i32
          %dma_wait3A_284 = tpu.memref_slice %arg14[%dma_wait3A_282, %dma_wait3A_283] : memref<10240x32xf32, #tpu.memory_space<vmem_shared>> -> memref<10240x32xf32, #tpu.memory_space<vmem_shared>>
          tpu.wait_indirect_dma semaphore(%arg20 : memref<!tpu.dma_semaphore, #tpu.memory_space<semaphore_mem>>) src(%dma_wait3A_278 : memref<128x32xf32, #tpu.memory_space<vmem>>) dst(%dma_wait3A_284 : memref<10240x32xf32, #tpu.memory_space<vmem_shared>>)
        } else {
        }
        %add3A_244 = arith.constant 2 : i32
        %add3A_245 = arith.addi %add3A_238, %add3A_244 : i32
        %lt3A_246 = arith.constant 160 : i32
        %lt3A_247 = arith.cmpi slt, %add3A_245, %lt3A_246 : i32
        %convert_element_type3A_248 = arith.extui %lt3A_247 : i1 to i32
        %cond3A_249 = arith.constant 0 : i32
        %cond3A_250 = arith.cmpi ne, %convert_element_type3A_248, %cond3A_249 : i32
        scf.if %cond3A_250 {
          %add3A_275 = arith.constant 2 : i32
          %add3A_276 = arith.addi %add3A_238, %add3A_275 : i32
          %mul3A_277 = arith.constant 1 : i32
          %mul3A_278 = arith.muli %add3A_276, %mul3A_277 : i32
          %add3A_279 = arith.constant 0 : i32
          %add3A_280 = arith.addi %mul3A_278, %add3A_279 : i32
          %dma_start3A_281 = arith.constant 0 : i32
          %dma_start3A_282 = arith.constant 0 : i32
          %dma_start3A_283 = tpu.memref_slice %arg11[%dma_start3A_281, %dma_start3A_282] : memref<128x32xf32, #tpu.memory_space<vmem>> -> memref<128x32xf32, #tpu.memory_space<vmem>>
          %dma_start3A_284 = arith.constant 0 : i32
          %dma_start3A_285 = tpu.memref_slice %arg8[%add3A_280, %dma_start3A_284] : memref<160x128xi32, #tpu.memory_space<vmem>> -> memref<1x128xi32, #tpu.memory_space<vmem>>
          %dma_start3A_286 = tpu.memref_squeeze %dma_start3A_285 : memref<1x128xi32, #tpu.memory_space<vmem>> -> memref<128xi32, #tpu.memory_space<vmem>>
          %dma_start3A_287 = arith.constant 0 : i32
          %dma_start3A_288 = arith.constant 0 : i32
          %dma_start3A_289 = tpu.memref_slice %arg2[%dma_start3A_287, %dma_start3A_288] : memref<10240x32xf32, #tpu.memory_space<hbm>> -> memref<10240x32xf32, #tpu.memory_space<hbm>>
          tpu.enqueue_indirect_dma source(%dma_start3A_289 : memref<10240x32xf32, #tpu.memory_space<hbm>>) target(%dma_start3A_283 : memref<128x32xf32, #tpu.memory_space<vmem>>) offsets(%dma_start3A_286 : memref<128xi32, #tpu.memory_space<vmem>>) semaphore(%arg16 : memref<!tpu.dma_semaphore, #tpu.memory_space<semaphore_mem>>)
        } else {
        }
        %dma_wait3A_251 = arith.constant 0 : i32
        %dma_wait3A_252 = arith.constant 0 : i32
        %dma_wait3A_253 = arith.constant 0 : i32
        %dma_wait3A_254 = tpu.memref_slice %arg13[%dma_wait3A_252, %dma_wait3A_253] : memref<128x32xf32, #tpu.memory_space<vmem>> -> memref<128x32xf32, #tpu.memory_space<vmem>>
        %dma_wait3A_255 = arith.constant 0 : i32
        %dma_wait3A_256 = tpu.memref_slice %arg8[%dma_wait3A_251, %dma_wait3A_255] : memref<160x128xi32, #tpu.memory_space<vmem>> -> memref<1x128xi32, #tpu.memory_space<vmem>>
        %dma_wait3A_257 = tpu.memref_squeeze %dma_wait3A_256 : memref<1x128xi32, #tpu.memory_space<vmem>> -> memref<128xi32, #tpu.memory_space<vmem>>
        %dma_wait3A_258 = arith.constant 0 : i32
        %dma_wait3A_259 = arith.constant 0 : i32
        %dma_wait3A_260 = tpu.memref_slice %arg2[%dma_wait3A_258, %dma_wait3A_259] : memref<10240x32xf32, #tpu.memory_space<hbm>> -> memref<10240x32xf32, #tpu.memory_space<hbm>>
        tpu.wait_indirect_dma semaphore(%arg18 : memref<!tpu.dma_semaphore, #tpu.memory_space<semaphore_mem>>) src(%dma_wait3A_260 : memref<10240x32xf32, #tpu.memory_space<hbm>>) dst(%dma_wait3A_254 : memref<128x32xf32, #tpu.memory_space<vmem>>)
        %mul3A_261 = arith.constant 1 : i32
        %mul3A_262 = arith.muli %add3A_238, %mul3A_261 : i32
        %add3A_263 = arith.constant 0 : i32
        %add3A_264 = arith.addi %mul3A_262, %add3A_263 : i32
        %dma_start3A_265 = arith.constant 0 : i32
        %dma_start3A_266 = arith.constant 0 : i32
        %dma_start3A_267 = tpu.memref_slice %arg13[%dma_start3A_265, %dma_start3A_266] : memref<128x32xf32, #tpu.memory_space<vmem>> -> memref<128x32xf32, #tpu.memory_space<vmem>>
        %dma_start3A_268 = arith.constant 0 : i32
        %dma_start3A_269 = tpu.memref_slice %arg9[%add3A_264, %dma_start3A_268] : memref<160x128xi32, #tpu.memory_space<vmem>> -> memref<1x128xi32, #tpu.memory_space<vmem>>
        %dma_start3A_270 = tpu.memref_squeeze %dma_start3A_269 : memref<1x128xi32, #tpu.memory_space<vmem>> -> memref<128xi32, #tpu.memory_space<vmem>>
        %dma_start3A_271 = arith.constant 0 : i32
        %dma_start3A_272 = arith.constant 0 : i32
        %dma_start3A_273 = tpu.memref_slice %arg14[%dma_start3A_271, %dma_start3A_272] : memref<10240x32xf32, #tpu.memory_space<vmem_shared>> -> memref<10240x32xf32, #tpu.memory_space<vmem_shared>>
        tpu.enqueue_indirect_dma source(%dma_start3A_267 : memref<128x32xf32, #tpu.memory_space<vmem>>) target(%dma_start3A_273 : memref<10240x32xf32, #tpu.memory_space<vmem_shared>>) offsets(%dma_start3A_270 : memref<128xi32, #tpu.memory_space<vmem>>) semaphore(%arg22 : memref<!tpu.dma_semaphore, #tpu.memory_space<semaphore_mem>>) {add = true}
        %scan3A_274 = arith.constant 0 : i32
        scf.yield %scan3A_274 : i32
      }
      %scan3A_57 = arith.constant 40 : i32
      %dma_wait3A = arith.constant 0 : i32
      %dma_wait3A_58 = arith.constant 0 : i32
      %dma_wait3A_59 = arith.constant 0 : i32
      %dma_wait3A_60 = tpu.memref_slice %arg12[%dma_wait3A_58, %dma_wait3A_59] : memref<128x32xf32, #tpu.memory_space<vmem>> -> memref<128x32xf32, #tpu.memory_space<vmem>>
      %dma_wait3A_61 = arith.constant 0 : i32
      %dma_wait3A_62 = tpu.memref_slice %arg9[%dma_wait3A, %dma_wait3A_61] : memref<160x128xi32, #tpu.memory_space<vmem>> -> memref<1x128xi32, #tpu.memory_space<vmem>>
      %dma_wait3A_63 = tpu.memref_squeeze %dma_wait3A_62 : memref<1x128xi32, #tpu.memory_space<vmem>> -> memref<128xi32, #tpu.memory_space<vmem>>
      %dma_wait3A_64 = arith.constant 0 : i32
      %dma_wait3A_65 = arith.constant 0 : i32
      %dma_wait3A_66 = tpu.memref_slice %arg14[%dma_wait3A_64, %dma_wait3A_65] : memref<10240x32xf32, #tpu.memory_space<vmem_shared>> -> memref<10240x32xf32, #tpu.memory_space<vmem_shared>>
      tpu.wait_indirect_dma semaphore(%arg21 : memref<!tpu.dma_semaphore, #tpu.memory_space<semaphore_mem>>) src(%dma_wait3A_60 : memref<128x32xf32, #tpu.memory_space<vmem>>) dst(%dma_wait3A_66 : memref<10240x32xf32, #tpu.memory_space<vmem_shared>>)
      %dma_wait3A_67 = arith.constant 0 : i32
      %dma_wait3A_68 = arith.constant 0 : i32
      %dma_wait3A_69 = arith.constant 0 : i32
      %dma_wait3A_70 = tpu.memref_slice %arg13[%dma_wait3A_68, %dma_wait3A_69] : memref<128x32xf32, #tpu.memory_space<vmem>> -> memref<128x32xf32, #tpu.memory_space<vmem>>
      %dma_wait3A_71 = arith.constant 0 : i32
      %dma_wait3A_72 = tpu.memref_slice %arg9[%dma_wait3A_67, %dma_wait3A_71] : memref<160x128xi32, #tpu.memory_space<vmem>> -> memref<1x128xi32, #tpu.memory_space<vmem>>
      %dma_wait3A_73 = tpu.memref_squeeze %dma_wait3A_72 : memref<1x128xi32, #tpu.memory_space<vmem>> -> memref<128xi32, #tpu.memory_space<vmem>>
      %dma_wait3A_74 = arith.constant 0 : i32
      %dma_wait3A_75 = arith.constant 0 : i32
      %dma_wait3A_76 = tpu.memref_slice %arg14[%dma_wait3A_74, %dma_wait3A_75] : memref<10240x32xf32, #tpu.memory_space<vmem_shared>> -> memref<10240x32xf32, #tpu.memory_space<vmem_shared>>
      tpu.wait_indirect_dma semaphore(%arg22 : memref<!tpu.dma_semaphore, #tpu.memory_space<semaphore_mem>>) src(%dma_wait3A_70 : memref<128x32xf32, #tpu.memory_space<vmem>>) dst(%dma_wait3A_76 : memref<10240x32xf32, #tpu.memory_space<vmem_shared>>)
      %barrier3A_77 = arith.constant 0 : index
      tpu.barrier barrier_id(%barrier3A_77)
      %mul3A_78 = arith.constant 640 : i32
      %mul3A_79 = arith.muli %arg1, %mul3A_78 : i32
      %add3A_80 = arith.constant 0 : i32
      %add3A_81 = arith.addi %mul3A_79, %add3A_80 : i32
      "tpu.region"() ({
        %run_scoped3A = tpu.sem_alloc : memref<!tpu.dma_semaphore, #tpu.memory_space<semaphore_mem>>
        %dma_start3A_118 = arith.constant 0 : i32
        %dma_start3A_119 = tpu.memref_slice %arg14[%add3A_81, %dma_start3A_118] : memref<10240x32xf32, #tpu.memory_space<vmem_shared>> -> memref<128x32xf32, #tpu.memory_space<vmem_shared>>
        %dma_start3A_120 = arith.constant 0 : i32
        %dma_start3A_121 = tpu.memref_slice %arg14[%add3A_81, %dma_start3A_120] : memref<10240x32xf32, #tpu.memory_space<vmem_shared>> -> memref<128x32xf32, #tpu.memory_space<vmem_shared>>
        tpu.enqueue_dma source(%dma_start3A_121 : memref<128x32xf32, #tpu.memory_space<vmem_shared>>) target(%arg10 : memref<128x32xf32, #tpu.memory_space<vmem>>) target_semaphore(%run_scoped3A : memref<!tpu.dma_semaphore, #tpu.memory_space<semaphore_mem>>)
        %dma_wait3A_122 = arith.constant 0 : i32
        %dma_wait3A_123 = tpu.memref_slice %arg14[%add3A_81, %dma_wait3A_122] : memref<10240x32xf32, #tpu.memory_space<vmem_shared>> -> memref<128x32xf32, #tpu.memory_space<vmem_shared>>
        %dma_wait3A_124 = arith.constant 0 : i32
        %dma_wait3A_125 = tpu.memref_slice %arg14[%add3A_81, %dma_wait3A_124] : memref<10240x32xf32, #tpu.memory_space<vmem_shared>> -> memref<128x32xf32, #tpu.memory_space<vmem_shared>>
        tpu.wait_dma2 semaphore(%run_scoped3A : memref<!tpu.dma_semaphore, #tpu.memory_space<semaphore_mem>>) src(%dma_wait3A_125 : memref<128x32xf32, #tpu.memory_space<vmem_shared>>) dst(%arg10 : memref<128x32xf32, #tpu.memory_space<vmem>>)
        tpu.yield
      }) : () -> ()
      %mul3A_82 = arith.constant 640 : i32
      %mul3A_83 = arith.muli %arg1, %mul3A_82 : i32
      %add3A_84 = arith.constant 0 : i32
      %add3A_85 = arith.addi %mul3A_83, %add3A_84 : i32
      "tpu.region"() ({
        %run_scoped3A = tpu.sem_alloc : memref<!tpu.dma_semaphore, #tpu.memory_space<semaphore_mem>>
        %dma_start3A_118 = arith.constant 0 : i32
        %dma_start3A_119 = tpu.memref_slice %arg6[%add3A_85, %dma_start3A_118] : memref<10240x32xf32, #tpu.memory_space<hbm>> -> memref<128x32xf32, #tpu.memory_space<hbm>>
        %dma_start3A_120 = arith.constant 0 : i32
        %dma_start3A_121 = tpu.memref_slice %arg6[%add3A_85, %dma_start3A_120] : memref<10240x32xf32, #tpu.memory_space<hbm>> -> memref<128x32xf32, #tpu.memory_space<hbm>>
        tpu.enqueue_dma source(%arg10 : memref<128x32xf32, #tpu.memory_space<vmem>>) target(%dma_start3A_121 : memref<128x32xf32, #tpu.memory_space<hbm>>) target_semaphore(%run_scoped3A : memref<!tpu.dma_semaphore, #tpu.memory_space<semaphore_mem>>)
        %dma_wait3A_122 = arith.constant 0 : i32
        %dma_wait3A_123 = tpu.memref_slice %arg6[%add3A_85, %dma_wait3A_122] : memref<10240x32xf32, #tpu.memory_space<hbm>> -> memref<128x32xf32, #tpu.memory_space<hbm>>
        %dma_wait3A_124 = arith.constant 0 : i32
        %dma_wait3A_125 = tpu.memref_slice %arg6[%add3A_85, %dma_wait3A_124] : memref<10240x32xf32, #tpu.memory_space<hbm>> -> memref<128x32xf32, #tpu.memory_space<hbm>>
        tpu.wait_dma2 semaphore(%run_scoped3A : memref<!tpu.dma_semaphore, #tpu.memory_space<semaphore_mem>>) src(%arg10 : memref<128x32xf32, #tpu.memory_space<vmem>>) dst(%dma_wait3A_125 : memref<128x32xf32, #tpu.memory_space<hbm>>)
        tpu.yield
      }) : () -> ()
      %mul3A_86 = arith.constant 640 : i32
      %mul3A_87 = arith.muli %arg1, %mul3A_86 : i32
      %add3A_88 = arith.constant 128 : i32
      %add3A_89 = arith.addi %mul3A_87, %add3A_88 : i32
      "tpu.region"() ({
        %run_scoped3A = tpu.sem_alloc : memref<!tpu.dma_semaphore, #tpu.memory_space<semaphore_mem>>
        %dma_start3A_118 = arith.constant 0 : i32
        %dma_start3A_119 = tpu.memref_slice %arg14[%add3A_89, %dma_start3A_118] : memref<10240x32xf32, #tpu.memory_space<vmem_shared>> -> memref<128x32xf32, #tpu.memory_space<vmem_shared>>
        %dma_start3A_120 = arith.constant 0 : i32
        %dma_start3A_121 = tpu.memref_slice %arg14[%add3A_89, %dma_start3A_120] : memref<10240x32xf32, #tpu.memory_space<vmem_shared>> -> memref<128x32xf32, #tpu.memory_space<vmem_shared>>
        tpu.enqueue_dma source(%dma_start3A_121 : memref<128x32xf32, #tpu.memory_space<vmem_shared>>) target(%arg10 : memref<128x32xf32, #tpu.memory_space<vmem>>) target_semaphore(%run_scoped3A : memref<!tpu.dma_semaphore, #tpu.memory_space<semaphore_mem>>)
        %dma_wait3A_122 = arith.constant 0 : i32
        %dma_wait3A_123 = tpu.memref_slice %arg14[%add3A_89, %dma_wait3A_122] : memref<10240x32xf32, #tpu.memory_space<vmem_shared>> -> memref<128x32xf32, #tpu.memory_space<vmem_shared>>
        %dma_wait3A_124 = arith.constant 0 : i32
        %dma_wait3A_125 = tpu.memref_slice %arg14[%add3A_89, %dma_wait3A_124] : memref<10240x32xf32, #tpu.memory_space<vmem_shared>> -> memref<128x32xf32, #tpu.memory_space<vmem_shared>>
        tpu.wait_dma2 semaphore(%run_scoped3A : memref<!tpu.dma_semaphore, #tpu.memory_space<semaphore_mem>>) src(%dma_wait3A_125 : memref<128x32xf32, #tpu.memory_space<vmem_shared>>) dst(%arg10 : memref<128x32xf32, #tpu.memory_space<vmem>>)
        tpu.yield
      }) : () -> ()
      %mul3A_90 = arith.constant 640 : i32
      %mul3A_91 = arith.muli %arg1, %mul3A_90 : i32
      %add3A_92 = arith.constant 128 : i32
      %add3A_93 = arith.addi %mul3A_91, %add3A_92 : i32
      "tpu.region"() ({
        %run_scoped3A = tpu.sem_alloc : memref<!tpu.dma_semaphore, #tpu.memory_space<semaphore_mem>>
        %dma_start3A_118 = arith.constant 0 : i32
        %dma_start3A_119 = tpu.memref_slice %arg6[%add3A_93, %dma_start3A_118] : memref<10240x32xf32, #tpu.memory_space<hbm>> -> memref<128x32xf32, #tpu.memory_space<hbm>>
        %dma_start3A_120 = arith.constant 0 : i32
        %dma_start3A_121 = tpu.memref_slice %arg6[%add3A_93, %dma_start3A_120] : memref<10240x32xf32, #tpu.memory_space<hbm>> -> memref<128x32xf32, #tpu.memory_space<hbm>>
        tpu.enqueue_dma source(%arg10 : memref<128x32xf32, #tpu.memory_space<vmem>>) target(%dma_start3A_121 : memref<128x32xf32, #tpu.memory_space<hbm>>) target_semaphore(%run_scoped3A : memref<!tpu.dma_semaphore, #tpu.memory_space<semaphore_mem>>)
        %dma_wait3A_122 = arith.constant 0 : i32
        %dma_wait3A_123 = tpu.memref_slice %arg6[%add3A_93, %dma_wait3A_122] : memref<10240x32xf32, #tpu.memory_space<hbm>> -> memref<128x32xf32, #tpu.memory_space<hbm>>
        %dma_wait3A_124 = arith.constant 0 : i32
        %dma_wait3A_125 = tpu.memref_slice %arg6[%add3A_93, %dma_wait3A_124] : memref<10240x32xf32, #tpu.memory_space<hbm>> -> memref<128x32xf32, #tpu.memory_space<hbm>>
        tpu.wait_dma2 semaphore(%run_scoped3A : memref<!tpu.dma_semaphore, #tpu.memory_space<semaphore_mem>>) src(%arg10 : memref<128x32xf32, #tpu.memory_space<vmem>>) dst(%dma_wait3A_125 : memref<128x32xf32, #tpu.memory_space<hbm>>)
        tpu.yield
      }) : () -> ()
      %mul3A_94 = arith.constant 640 : i32
      %mul3A_95 = arith.muli %arg1, %mul3A_94 : i32
      %add3A_96 = arith.constant 256 : i32
      %add3A_97 = arith.addi %mul3A_95, %add3A_96 : i32
      "tpu.region"() ({
        %run_scoped3A = tpu.sem_alloc : memref<!tpu.dma_semaphore, #tpu.memory_space<semaphore_mem>>
        %dma_start3A_118 = arith.constant 0 : i32
        %dma_start3A_119 = tpu.memref_slice %arg14[%add3A_97, %dma_start3A_118] : memref<10240x32xf32, #tpu.memory_space<vmem_shared>> -> memref<128x32xf32, #tpu.memory_space<vmem_shared>>
        %dma_start3A_120 = arith.constant 0 : i32
        %dma_start3A_121 = tpu.memref_slice %arg14[%add3A_97, %dma_start3A_120] : memref<10240x32xf32, #tpu.memory_space<vmem_shared>> -> memref<128x32xf32, #tpu.memory_space<vmem_shared>>
        tpu.enqueue_dma source(%dma_start3A_121 : memref<128x32xf32, #tpu.memory_space<vmem_shared>>) target(%arg10 : memref<128x32xf32, #tpu.memory_space<vmem>>) target_semaphore(%run_scoped3A : memref<!tpu.dma_semaphore, #tpu.memory_space<semaphore_mem>>)
        %dma_wait3A_122 = arith.constant 0 : i32
        %dma_wait3A_123 = tpu.memref_slice %arg14[%add3A_97, %dma_wait3A_122] : memref<10240x32xf32, #tpu.memory_space<vmem_shared>> -> memref<128x32xf32, #tpu.memory_space<vmem_shared>>
        %dma_wait3A_124 = arith.constant 0 : i32
        %dma_wait3A_125 = tpu.memref_slice %arg14[%add3A_97, %dma_wait3A_124] : memref<10240x32xf32, #tpu.memory_space<vmem_shared>> -> memref<128x32xf32, #tpu.memory_space<vmem_shared>>
        tpu.wait_dma2 semaphore(%run_scoped3A : memref<!tpu.dma_semaphore, #tpu.memory_space<semaphore_mem>>) src(%dma_wait3A_125 : memref<128x32xf32, #tpu.memory_space<vmem_shared>>) dst(%arg10 : memref<128x32xf32, #tpu.memory_space<vmem>>)
        tpu.yield
      }) : () -> ()
      %mul3A_98 = arith.constant 640 : i32
      %mul3A_99 = arith.muli %arg1, %mul3A_98 : i32
      %add3A_100 = arith.constant 256 : i32
      %add3A_101 = arith.addi %mul3A_99, %add3A_100 : i32
      "tpu.region"() ({
        %run_scoped3A = tpu.sem_alloc : memref<!tpu.dma_semaphore, #tpu.memory_space<semaphore_mem>>
        %dma_start3A_118 = arith.constant 0 : i32
        %dma_start3A_119 = tpu.memref_slice %arg6[%add3A_101, %dma_start3A_118] : memref<10240x32xf32, #tpu.memory_space<hbm>> -> memref<128x32xf32, #tpu.memory_space<hbm>>
        %dma_start3A_120 = arith.constant 0 : i32
        %dma_start3A_121 = tpu.memref_slice %arg6[%add3A_101, %dma_start3A_120] : memref<10240x32xf32, #tpu.memory_space<hbm>> -> memref<128x32xf32, #tpu.memory_space<hbm>>
        tpu.enqueue_dma source(%arg10 : memref<128x32xf32, #tpu.memory_space<vmem>>) target(%dma_start3A_121 : memref<128x32xf32, #tpu.memory_space<hbm>>) target_semaphore(%run_scoped3A : memref<!tpu.dma_semaphore, #tpu.memory_space<semaphore_mem>>)
        %dma_wait3A_122 = arith.constant 0 : i32
        %dma_wait3A_123 = tpu.memref_slice %arg6[%add3A_101, %dma_wait3A_122] : memref<10240x32xf32, #tpu.memory_space<hbm>> -> memref<128x32xf32, #tpu.memory_space<hbm>>
        %dma_wait3A_124 = arith.constant 0 : i32
        %dma_wait3A_125 = tpu.memref_slice %arg6[%add3A_101, %dma_wait3A_124] : memref<10240x32xf32, #tpu.memory_space<hbm>> -> memref<128x32xf32, #tpu.memory_space<hbm>>
        tpu.wait_dma2 semaphore(%run_scoped3A : memref<!tpu.dma_semaphore, #tpu.memory_space<semaphore_mem>>) src(%arg10 : memref<128x32xf32, #tpu.memory_space<vmem>>) dst(%dma_wait3A_125 : memref<128x32xf32, #tpu.memory_space<hbm>>)
        tpu.yield
      }) : () -> ()
      %mul3A_102 = arith.constant 640 : i32
      %mul3A_103 = arith.muli %arg1, %mul3A_102 : i32
      %add3A_104 = arith.constant 384 : i32
      %add3A_105 = arith.addi %mul3A_103, %add3A_104 : i32
      "tpu.region"() ({
        %run_scoped3A = tpu.sem_alloc : memref<!tpu.dma_semaphore, #tpu.memory_space<semaphore_mem>>
        %dma_start3A_118 = arith.constant 0 : i32
        %dma_start3A_119 = tpu.memref_slice %arg14[%add3A_105, %dma_start3A_118] : memref<10240x32xf32, #tpu.memory_space<vmem_shared>> -> memref<128x32xf32, #tpu.memory_space<vmem_shared>>
        %dma_start3A_120 = arith.constant 0 : i32
        %dma_start3A_121 = tpu.memref_slice %arg14[%add3A_105, %dma_start3A_120] : memref<10240x32xf32, #tpu.memory_space<vmem_shared>> -> memref<128x32xf32, #tpu.memory_space<vmem_shared>>
        tpu.enqueue_dma source(%dma_start3A_121 : memref<128x32xf32, #tpu.memory_space<vmem_shared>>) target(%arg10 : memref<128x32xf32, #tpu.memory_space<vmem>>) target_semaphore(%run_scoped3A : memref<!tpu.dma_semaphore, #tpu.memory_space<semaphore_mem>>)
        %dma_wait3A_122 = arith.constant 0 : i32
        %dma_wait3A_123 = tpu.memref_slice %arg14[%add3A_105, %dma_wait3A_122] : memref<10240x32xf32, #tpu.memory_space<vmem_shared>> -> memref<128x32xf32, #tpu.memory_space<vmem_shared>>
        %dma_wait3A_124 = arith.constant 0 : i32
        %dma_wait3A_125 = tpu.memref_slice %arg14[%add3A_105, %dma_wait3A_124] : memref<10240x32xf32, #tpu.memory_space<vmem_shared>> -> memref<128x32xf32, #tpu.memory_space<vmem_shared>>
        tpu.wait_dma2 semaphore(%run_scoped3A : memref<!tpu.dma_semaphore, #tpu.memory_space<semaphore_mem>>) src(%dma_wait3A_125 : memref<128x32xf32, #tpu.memory_space<vmem_shared>>) dst(%arg10 : memref<128x32xf32, #tpu.memory_space<vmem>>)
        tpu.yield
      }) : () -> ()
      %mul3A_106 = arith.constant 640 : i32
      %mul3A_107 = arith.muli %arg1, %mul3A_106 : i32
      %add3A_108 = arith.constant 384 : i32
      %add3A_109 = arith.addi %mul3A_107, %add3A_108 : i32
      "tpu.region"() ({
        %run_scoped3A = tpu.sem_alloc : memref<!tpu.dma_semaphore, #tpu.memory_space<semaphore_mem>>
        %dma_start3A_118 = arith.constant 0 : i32
        %dma_start3A_119 = tpu.memref_slice %arg6[%add3A_109, %dma_start3A_118] : memref<10240x32xf32, #tpu.memory_space<hbm>> -> memref<128x32xf32, #tpu.memory_space<hbm>>
        %dma_start3A_120 = arith.constant 0 : i32
        %dma_start3A_121 = tpu.memref_slice %arg6[%add3A_109, %dma_start3A_120] : memref<10240x32xf32, #tpu.memory_space<hbm>> -> memref<128x32xf32, #tpu.memory_space<hbm>>
        tpu.enqueue_dma source(%arg10 : memref<128x32xf32, #tpu.memory_space<vmem>>) target(%dma_start3A_121 : memref<128x32xf32, #tpu.memory_space<hbm>>) target_semaphore(%run_scoped3A : memref<!tpu.dma_semaphore, #tpu.memory_space<semaphore_mem>>)
        %dma_wait3A_122 = arith.constant 0 : i32
        %dma_wait3A_123 = tpu.memref_slice %arg6[%add3A_109, %dma_wait3A_122] : memref<10240x32xf32, #tpu.memory_space<hbm>> -> memref<128x32xf32, #tpu.memory_space<hbm>>
        %dma_wait3A_124 = arith.constant 0 : i32
        %dma_wait3A_125 = tpu.memref_slice %arg6[%add3A_109, %dma_wait3A_124] : memref<10240x32xf32, #tpu.memory_space<hbm>> -> memref<128x32xf32, #tpu.memory_space<hbm>>
        tpu.wait_dma2 semaphore(%run_scoped3A : memref<!tpu.dma_semaphore, #tpu.memory_space<semaphore_mem>>) src(%arg10 : memref<128x32xf32, #tpu.memory_space<vmem>>) dst(%dma_wait3A_125 : memref<128x32xf32, #tpu.memory_space<hbm>>)
        tpu.yield
      }) : () -> ()
      %mul3A_110 = arith.constant 640 : i32
      %mul3A_111 = arith.muli %arg1, %mul3A_110 : i32
      %add3A_112 = arith.constant 512 : i32
      %add3A_113 = arith.addi %mul3A_111, %add3A_112 : i32
      "tpu.region"() ({
        %run_scoped3A = tpu.sem_alloc : memref<!tpu.dma_semaphore, #tpu.memory_space<semaphore_mem>>
        %dma_start3A_118 = arith.constant 0 : i32
        %dma_start3A_119 = tpu.memref_slice %arg14[%add3A_113, %dma_start3A_118] : memref<10240x32xf32, #tpu.memory_space<vmem_shared>> -> memref<128x32xf32, #tpu.memory_space<vmem_shared>>
        %dma_start3A_120 = arith.constant 0 : i32
        %dma_start3A_121 = tpu.memref_slice %arg14[%add3A_113, %dma_start3A_120] : memref<10240x32xf32, #tpu.memory_space<vmem_shared>> -> memref<128x32xf32, #tpu.memory_space<vmem_shared>>
        tpu.enqueue_dma source(%dma_start3A_121 : memref<128x32xf32, #tpu.memory_space<vmem_shared>>) target(%arg10 : memref<128x32xf32, #tpu.memory_space<vmem>>) target_semaphore(%run_scoped3A : memref<!tpu.dma_semaphore, #tpu.memory_space<semaphore_mem>>)
        %dma_wait3A_122 = arith.constant 0 : i32
        %dma_wait3A_123 = tpu.memref_slice %arg14[%add3A_113, %dma_wait3A_122] : memref<10240x32xf32, #tpu.memory_space<vmem_shared>> -> memref<128x32xf32, #tpu.memory_space<vmem_shared>>
        %dma_wait3A_124 = arith.constant 0 : i32
        %dma_wait3A_125 = tpu.memref_slice %arg14[%add3A_113, %dma_wait3A_124] : memref<10240x32xf32, #tpu.memory_space<vmem_shared>> -> memref<128x32xf32, #tpu.memory_space<vmem_shared>>
        tpu.wait_dma2 semaphore(%run_scoped3A : memref<!tpu.dma_semaphore, #tpu.memory_space<semaphore_mem>>) src(%dma_wait3A_125 : memref<128x32xf32, #tpu.memory_space<vmem_shared>>) dst(%arg10 : memref<128x32xf32, #tpu.memory_space<vmem>>)
        tpu.yield
      }) : () -> ()
      %mul3A_114 = arith.constant 640 : i32
      %mul3A_115 = arith.muli %arg1, %mul3A_114 : i32
      %add3A_116 = arith.constant 512 : i32
      %add3A_117 = arith.addi %mul3A_115, %add3A_116 : i32
      "tpu.region"() ({
        %run_scoped3A = tpu.sem_alloc : memref<!tpu.dma_semaphore, #tpu.memory_space<semaphore_mem>>
        %dma_start3A_118 = arith.constant 0 : i32
        %dma_start3A_119 = tpu.memref_slice %arg6[%add3A_117, %dma_start3A_118] : memref<10240x32xf32, #tpu.memory_space<hbm>> -> memref<128x32xf32, #tpu.memory_space<hbm>>
        %dma_start3A_120 = arith.constant 0 : i32
        %dma_start3A_121 = tpu.memref_slice %arg6[%add3A_117, %dma_start3A_120] : memref<10240x32xf32, #tpu.memory_space<hbm>> -> memref<128x32xf32, #tpu.memory_space<hbm>>
        tpu.enqueue_dma source(%arg10 : memref<128x32xf32, #tpu.memory_space<vmem>>) target(%dma_start3A_121 : memref<128x32xf32, #tpu.memory_space<hbm>>) target_semaphore(%run_scoped3A : memref<!tpu.dma_semaphore, #tpu.memory_space<semaphore_mem>>)
        %dma_wait3A_122 = arith.constant 0 : i32
        %dma_wait3A_123 = tpu.memref_slice %arg6[%add3A_117, %dma_wait3A_122] : memref<10240x32xf32, #tpu.memory_space<hbm>> -> memref<128x32xf32, #tpu.memory_space<hbm>>
        %dma_wait3A_124 = arith.constant 0 : i32
        %dma_wait3A_125 = tpu.memref_slice %arg6[%add3A_117, %dma_wait3A_124] : memref<10240x32xf32, #tpu.memory_space<hbm>> -> memref<128x32xf32, #tpu.memory_space<hbm>>
        tpu.wait_dma2 semaphore(%run_scoped3A : memref<!tpu.dma_semaphore, #tpu.memory_space<semaphore_mem>>) src(%arg10 : memref<128x32xf32, #tpu.memory_space<vmem>>) dst(%dma_wait3A_125 : memref<128x32xf32, #tpu.memory_space<hbm>>)
        tpu.yield
      }) : () -> ()
    } else {
    }
    %eq3A_2 = arith.constant 1 : i32
    %eq3A_3 = arith.cmpi eq, %arg0, %eq3A_2 : i32
    %convert_element_type3A_4 = arith.extui %eq3A_3 : i1 to i32
    %cond3A_5 = arith.constant 0 : i32
    %cond3A_6 = arith.cmpi ne, %convert_element_type3A_4, %cond3A_5 : i32
    scf.if %cond3A_6 {
      "tpu.region"() ({
        %run_scoped3A = tpu.sem_alloc : memref<!tpu.dma_semaphore, #tpu.memory_space<semaphore_mem>>
        %dma_start3A_118 = arith.constant 0 : i32
        %dma_start3A_119 = arith.constant 0 : i32
        %dma_start3A_120 = tpu.memref_slice %arg5[%arg1, %dma_start3A_118, %dma_start3A_119] : memref<16x160x128xi32, #tpu.memory_space<hbm>> -> memref<1x160x128xi32, #tpu.memory_space<hbm>>
        %dma_start3A_121 = tpu.memref_squeeze %dma_start3A_120 : memref<1x160x128xi32, #tpu.memory_space<hbm>> -> memref<160x128xi32, #tpu.memory_space<hbm>>
        %dma_start3A_122 = arith.constant 0 : i32
        %dma_start3A_123 = arith.constant 0 : i32
        %dma_start3A_124 = tpu.memref_slice %arg5[%arg1, %dma_start3A_122, %dma_start3A_123] : memref<16x160x128xi32, #tpu.memory_space<hbm>> -> memref<1x160x128xi32, #tpu.memory_space<hbm>>
        %dma_start3A_125 = tpu.memref_squeeze %dma_start3A_124 : memref<1x160x128xi32, #tpu.memory_space<hbm>> -> memref<160x128xi32, #tpu.memory_space<hbm>>
        tpu.enqueue_dma source(%dma_start3A_125 : memref<160x128xi32, #tpu.memory_space<hbm>>) target(%arg9 : memref<160x128xi32, #tpu.memory_space<vmem>>) target_semaphore(%run_scoped3A : memref<!tpu.dma_semaphore, #tpu.memory_space<semaphore_mem>>)
        %dma_wait3A_126 = arith.constant 0 : i32
        %dma_wait3A_127 = arith.constant 0 : i32
        %dma_wait3A_128 = tpu.memref_slice %arg5[%arg1, %dma_wait3A_126, %dma_wait3A_127] : memref<16x160x128xi32, #tpu.memory_space<hbm>> -> memref<1x160x128xi32, #tpu.memory_space<hbm>>
        %dma_wait3A_129 = tpu.memref_squeeze %dma_wait3A_128 : memref<1x160x128xi32, #tpu.memory_space<hbm>> -> memref<160x128xi32, #tpu.memory_space<hbm>>
        %dma_wait3A_130 = arith.constant 0 : i32
        %dma_wait3A_131 = arith.constant 0 : i32
        %dma_wait3A_132 = tpu.memref_slice %arg5[%arg1, %dma_wait3A_130, %dma_wait3A_131] : memref<16x160x128xi32, #tpu.memory_space<hbm>> -> memref<1x160x128xi32, #tpu.memory_space<hbm>>
        %dma_wait3A_133 = tpu.memref_squeeze %dma_wait3A_132 : memref<1x160x128xi32, #tpu.memory_space<hbm>> -> memref<160x128xi32, #tpu.memory_space<hbm>>
        tpu.wait_dma2 semaphore(%run_scoped3A : memref<!tpu.dma_semaphore, #tpu.memory_space<semaphore_mem>>) src(%dma_wait3A_133 : memref<160x128xi32, #tpu.memory_space<hbm>>) dst(%arg9 : memref<160x128xi32, #tpu.memory_space<vmem>>)
        tpu.yield
      }) : () -> ()
      %broadcast_in_dim3A = arith.constant 0.000000e+00 : f32
      %broadcast_in_dim3A_7 = vector.broadcast %broadcast_in_dim3A : f32 to vector<16xf32>
      %scan3A = arith.constant 0 : i32
      %scan3A_8 = arith.constant 0 : i32
      %scan3A_9 = arith.constant 128 : i32
      %scan3A_10 = arith.addi %scan3A_8, %scan3A_9 : i32
      %scan3A_11 = arith.constant 1 : i32
      %scan3A_12 = scf.for %scan3A_118 = %scan3A_8 to %scan3A_10 step %scan3A_11 iter_args(%scan3A_119 = %scan3A) -> (i32)  : i32 {
        %swap3A = arith.index_cast %scan3A_118 : i32 to index
        %swap3A_120 = arith.constant 0 : index
        %swap3A_121 = tpu.vector_load %arg10[%swap3A, %swap3A_120] {strides = array<i32>} : memref<128x32xf32, #tpu.memory_space<vmem>>, vector<16xf32>,
        tpu.vector_store %arg10[%swap3A, %swap3A_120], %broadcast_in_dim3A_7 {strides = array<i32>} : memref<128x32xf32, #tpu.memory_space<vmem>>, vector<16xf32>,
        %swap3A_122 = arith.index_cast %scan3A_118 : i32 to index
        %swap3A_123 = arith.constant 16 : index
        %swap3A_124 = tpu.vector_load %arg10[%swap3A_122, %swap3A_123] {strides = array<i32>} : memref<128x32xf32, #tpu.memory_space<vmem>>, vector<16xf32>,
        tpu.vector_store %arg10[%swap3A_122, %swap3A_123], %broadcast_in_dim3A_7 {strides = array<i32>} : memref<128x32xf32, #tpu.memory_space<vmem>>, vector<16xf32>,
        %scan3A_125 = arith.constant 0 : i32
        scf.yield %scan3A_125 : i32
      }
      %scan3A_13 = arith.constant 128 : i32
      %mul3A = arith.constant 640 : i32
      %mul3A_14 = arith.muli %arg1, %mul3A : i32
      %add3A = arith.constant 0 : i32
      %add3A_15 = arith.addi %mul3A_14, %add3A : i32
      "tpu.region"() ({
        %run_scoped3A = tpu.sem_alloc : memref<!tpu.dma_semaphore, #tpu.memory_space<semaphore_mem>>
        %dma_start3A_118 = arith.constant 0 : i32
        %dma_start3A_119 = tpu.memref_slice %arg14[%add3A_15, %dma_start3A_118] : memref<10240x32xf32, #tpu.memory_space<vmem_shared>> -> memref<128x32xf32, #tpu.memory_space<vmem_shared>>
        %dma_start3A_120 = arith.constant 0 : i32
        %dma_start3A_121 = tpu.memref_slice %arg14[%add3A_15, %dma_start3A_120] : memref<10240x32xf32, #tpu.memory_space<vmem_shared>> -> memref<128x32xf32, #tpu.memory_space<vmem_shared>>
        tpu.enqueue_dma source(%arg10 : memref<128x32xf32, #tpu.memory_space<vmem>>) target(%dma_start3A_121 : memref<128x32xf32, #tpu.memory_space<vmem_shared>>) target_semaphore(%run_scoped3A : memref<!tpu.dma_semaphore, #tpu.memory_space<semaphore_mem>>)
        %dma_wait3A_122 = arith.constant 0 : i32
        %dma_wait3A_123 = tpu.memref_slice %arg14[%add3A_15, %dma_wait3A_122] : memref<10240x32xf32, #tpu.memory_space<vmem_shared>> -> memref<128x32xf32, #tpu.memory_space<vmem_shared>>
        %dma_wait3A_124 = arith.constant 0 : i32
        %dma_wait3A_125 = tpu.memref_slice %arg14[%add3A_15, %dma_wait3A_124] : memref<10240x32xf32, #tpu.memory_space<vmem_shared>> -> memref<128x32xf32, #tpu.memory_space<vmem_shared>>
        tpu.wait_dma2 semaphore(%run_scoped3A : memref<!tpu.dma_semaphore, #tpu.memory_space<semaphore_mem>>) src(%arg10 : memref<128x32xf32, #tpu.memory_space<vmem>>) dst(%dma_wait3A_125 : memref<128x32xf32, #tpu.memory_space<vmem_shared>>)
        tpu.yield
      }) : () -> ()
      %mul3A_16 = arith.constant 640 : i32
      %mul3A_17 = arith.muli %arg1, %mul3A_16 : i32
      %add3A_18 = arith.constant 128 : i32
      %add3A_19 = arith.addi %mul3A_17, %add3A_18 : i32
      "tpu.region"() ({
        %run_scoped3A = tpu.sem_alloc : memref<!tpu.dma_semaphore, #tpu.memory_space<semaphore_mem>>
        %dma_start3A_118 = arith.constant 0 : i32
        %dma_start3A_119 = tpu.memref_slice %arg14[%add3A_19, %dma_start3A_118] : memref<10240x32xf32, #tpu.memory_space<vmem_shared>> -> memref<128x32xf32, #tpu.memory_space<vmem_shared>>
        %dma_start3A_120 = arith.constant 0 : i32
        %dma_start3A_121 = tpu.memref_slice %arg14[%add3A_19, %dma_start3A_120] : memref<10240x32xf32, #tpu.memory_space<vmem_shared>> -> memref<128x32xf32, #tpu.memory_space<vmem_shared>>
        tpu.enqueue_dma source(%arg10 : memref<128x32xf32, #tpu.memory_space<vmem>>) target(%dma_start3A_121 : memref<128x32xf32, #tpu.memory_space<vmem_shared>>) target_semaphore(%run_scoped3A : memref<!tpu.dma_semaphore, #tpu.memory_space<semaphore_mem>>)
        %dma_wait3A_122 = arith.constant 0 : i32
        %dma_wait3A_123 = tpu.memref_slice %arg14[%add3A_19, %dma_wait3A_122] : memref<10240x32xf32, #tpu.memory_space<vmem_shared>> -> memref<128x32xf32, #tpu.memory_space<vmem_shared>>
        %dma_wait3A_124 = arith.constant 0 : i32
        %dma_wait3A_125 = tpu.memref_slice %arg14[%add3A_19, %dma_wait3A_124] : memref<10240x32xf32, #tpu.memory_space<vmem_shared>> -> memref<128x32xf32, #tpu.memory_space<vmem_shared>>
        tpu.wait_dma2 semaphore(%run_scoped3A : memref<!tpu.dma_semaphore, #tpu.memory_space<semaphore_mem>>) src(%arg10 : memref<128x32xf32, #tpu.memory_space<vmem>>) dst(%dma_wait3A_125 : memref<128x32xf32, #tpu.memory_space<vmem_shared>>)
        tpu.yield
      }) : () -> ()
      %mul3A_20 = arith.constant 640 : i32
      %mul3A_21 = arith.muli %arg1, %mul3A_20 : i32
      %add3A_22 = arith.constant 256 : i32
      %add3A_23 = arith.addi %mul3A_21, %add3A_22 : i32
      "tpu.region"() ({
        %run_scoped3A = tpu.sem_alloc : memref<!tpu.dma_semaphore, #tpu.memory_space<semaphore_mem>>
        %dma_start3A_118 = arith.constant 0 : i32
        %dma_start3A_119 = tpu.memref_slice %arg14[%add3A_23, %dma_start3A_118] : memref<10240x32xf32, #tpu.memory_space<vmem_shared>> -> memref<128x32xf32, #tpu.memory_space<vmem_shared>>
        %dma_start3A_120 = arith.constant 0 : i32
        %dma_start3A_121 = tpu.memref_slice %arg14[%add3A_23, %dma_start3A_120] : memref<10240x32xf32, #tpu.memory_space<vmem_shared>> -> memref<128x32xf32, #tpu.memory_space<vmem_shared>>
        tpu.enqueue_dma source(%arg10 : memref<128x32xf32, #tpu.memory_space<vmem>>) target(%dma_start3A_121 : memref<128x32xf32, #tpu.memory_space<vmem_shared>>) target_semaphore(%run_scoped3A : memref<!tpu.dma_semaphore, #tpu.memory_space<semaphore_mem>>)
        %dma_wait3A_122 = arith.constant 0 : i32
        %dma_wait3A_123 = tpu.memref_slice %arg14[%add3A_23, %dma_wait3A_122] : memref<10240x32xf32, #tpu.memory_space<vmem_shared>> -> memref<128x32xf32, #tpu.memory_space<vmem_shared>>
        %dma_wait3A_124 = arith.constant 0 : i32
        %dma_wait3A_125 = tpu.memref_slice %arg14[%add3A_23, %dma_wait3A_124] : memref<10240x32xf32, #tpu.memory_space<vmem_shared>> -> memref<128x32xf32, #tpu.memory_space<vmem_shared>>
        tpu.wait_dma2 semaphore(%run_scoped3A : memref<!tpu.dma_semaphore, #tpu.memory_space<semaphore_mem>>) src(%arg10 : memref<128x32xf32, #tpu.memory_space<vmem>>) dst(%dma_wait3A_125 : memref<128x32xf32, #tpu.memory_space<vmem_shared>>)
        tpu.yield
      }) : () -> ()
      %mul3A_24 = arith.constant 640 : i32
      %mul3A_25 = arith.muli %arg1, %mul3A_24 : i32
      %add3A_26 = arith.constant 384 : i32
      %add3A_27 = arith.addi %mul3A_25, %add3A_26 : i32
      "tpu.region"() ({
        %run_scoped3A = tpu.sem_alloc : memref<!tpu.dma_semaphore, #tpu.memory_space<semaphore_mem>>
        %dma_start3A_118 = arith.constant 0 : i32
        %dma_start3A_119 = tpu.memref_slice %arg14[%add3A_27, %dma_start3A_118] : memref<10240x32xf32, #tpu.memory_space<vmem_shared>> -> memref<128x32xf32, #tpu.memory_space<vmem_shared>>
        %dma_start3A_120 = arith.constant 0 : i32
        %dma_start3A_121 = tpu.memref_slice %arg14[%add3A_27, %dma_start3A_120] : memref<10240x32xf32, #tpu.memory_space<vmem_shared>> -> memref<128x32xf32, #tpu.memory_space<vmem_shared>>
        tpu.enqueue_dma source(%arg10 : memref<128x32xf32, #tpu.memory_space<vmem>>) target(%dma_start3A_121 : memref<128x32xf32, #tpu.memory_space<vmem_shared>>) target_semaphore(%run_scoped3A : memref<!tpu.dma_semaphore, #tpu.memory_space<semaphore_mem>>)
        %dma_wait3A_122 = arith.constant 0 : i32
        %dma_wait3A_123 = tpu.memref_slice %arg14[%add3A_27, %dma_wait3A_122] : memref<10240x32xf32, #tpu.memory_space<vmem_shared>> -> memref<128x32xf32, #tpu.memory_space<vmem_shared>>
        %dma_wait3A_124 = arith.constant 0 : i32
        %dma_wait3A_125 = tpu.memref_slice %arg14[%add3A_27, %dma_wait3A_124] : memref<10240x32xf32, #tpu.memory_space<vmem_shared>> -> memref<128x32xf32, #tpu.memory_space<vmem_shared>>
        tpu.wait_dma2 semaphore(%run_scoped3A : memref<!tpu.dma_semaphore, #tpu.memory_space<semaphore_mem>>) src(%arg10 : memref<128x32xf32, #tpu.memory_space<vmem>>) dst(%dma_wait3A_125 : memref<128x32xf32, #tpu.memory_space<vmem_shared>>)
        tpu.yield
      }) : () -> ()
      %mul3A_28 = arith.constant 640 : i32
      %mul3A_29 = arith.muli %arg1, %mul3A_28 : i32
      %add3A_30 = arith.constant 512 : i32
      %add3A_31 = arith.addi %mul3A_29, %add3A_30 : i32
      "tpu.region"() ({
        %run_scoped3A = tpu.sem_alloc : memref<!tpu.dma_semaphore, #tpu.memory_space<semaphore_mem>>
        %dma_start3A_118 = arith.constant 0 : i32
        %dma_start3A_119 = tpu.memref_slice %arg14[%add3A_31, %dma_start3A_118] : memref<10240x32xf32, #tpu.memory_space<vmem_shared>> -> memref<128x32xf32, #tpu.memory_space<vmem_shared>>
        %dma_start3A_120 = arith.constant 0 : i32
        %dma_start3A_121 = tpu.memref_slice %arg14[%add3A_31, %dma_start3A_120] : memref<10240x32xf32, #tpu.memory_space<vmem_shared>> -> memref<128x32xf32, #tpu.memory_space<vmem_shared>>
        tpu.enqueue_dma source(%arg10 : memref<128x32xf32, #tpu.memory_space<vmem>>) target(%dma_start3A_121 : memref<128x32xf32, #tpu.memory_space<vmem_shared>>) target_semaphore(%run_scoped3A : memref<!tpu.dma_semaphore, #tpu.memory_space<semaphore_mem>>)
        %dma_wait3A_122 = arith.constant 0 : i32
        %dma_wait3A_123 = tpu.memref_slice %arg14[%add3A_31, %dma_wait3A_122] : memref<10240x32xf32, #tpu.memory_space<vmem_shared>> -> memref<128x32xf32, #tpu.memory_space<vmem_shared>>
        %dma_wait3A_124 = arith.constant 0 : i32
        %dma_wait3A_125 = tpu.memref_slice %arg14[%add3A_31, %dma_wait3A_124] : memref<10240x32xf32, #tpu.memory_space<vmem_shared>> -> memref<128x32xf32, #tpu.memory_space<vmem_shared>>
        tpu.wait_dma2 semaphore(%run_scoped3A : memref<!tpu.dma_semaphore, #tpu.memory_space<semaphore_mem>>) src(%arg10 : memref<128x32xf32, #tpu.memory_space<vmem>>) dst(%dma_wait3A_125 : memref<128x32xf32, #tpu.memory_space<vmem_shared>>)
        tpu.yield
      }) : () -> ()
      %barrier3A = arith.constant 0 : index
      tpu.barrier barrier_id(%barrier3A)
      %dma_start3A = arith.constant 0 : i32
      %dma_start3A_32 = arith.constant 0 : i32
      %dma_start3A_33 = arith.constant 0 : i32
      %dma_start3A_34 = tpu.memref_slice %arg10[%dma_start3A_32, %dma_start3A_33] : memref<128x32xf32, #tpu.memory_space<vmem>> -> memref<128x32xf32, #tpu.memory_space<vmem>>
      %dma_start3A_35 = arith.constant 0 : i32
      %dma_start3A_36 = tpu.memref_slice %arg8[%dma_start3A, %dma_start3A_35] : memref<160x128xi32, #tpu.memory_space<vmem>> -> memref<1x128xi32, #tpu.memory_space<vmem>>
      %dma_start3A_37 = tpu.memref_squeeze %dma_start3A_36 : memref<1x128xi32, #tpu.memory_space<vmem>> -> memref<128xi32, #tpu.memory_space<vmem>>
      %dma_start3A_38 = arith.constant 0 : i32
      %dma_start3A_39 = arith.constant 0 : i32
      %dma_start3A_40 = tpu.memref_slice %arg3[%dma_start3A_38, %dma_start3A_39] : memref<10240x32xf32, #tpu.memory_space<hbm>> -> memref<10240x32xf32, #tpu.memory_space<hbm>>
      tpu.enqueue_indirect_dma source(%dma_start3A_40 : memref<10240x32xf32, #tpu.memory_space<hbm>>) target(%dma_start3A_34 : memref<128x32xf32, #tpu.memory_space<vmem>>) offsets(%dma_start3A_37 : memref<128xi32, #tpu.memory_space<vmem>>) semaphore(%arg15 : memref<!tpu.dma_semaphore, #tpu.memory_space<semaphore_mem>>)
      %dma_start3A_41 = arith.constant 1 : i32
      %dma_start3A_42 = arith.constant 0 : i32
      %dma_start3A_43 = arith.constant 0 : i32
      %dma_start3A_44 = tpu.memref_slice %arg11[%dma_start3A_42, %dma_start3A_43] : memref<128x32xf32, #tpu.memory_space<vmem>> -> memref<128x32xf32, #tpu.memory_space<vmem>>
      %dma_start3A_45 = arith.constant 0 : i32
      %dma_start3A_46 = tpu.memref_slice %arg8[%dma_start3A_41, %dma_start3A_45] : memref<160x128xi32, #tpu.memory_space<vmem>> -> memref<1x128xi32, #tpu.memory_space<vmem>>
      %dma_start3A_47 = tpu.memref_squeeze %dma_start3A_46 : memref<1x128xi32, #tpu.memory_space<vmem>> -> memref<128xi32, #tpu.memory_space<vmem>>
      %dma_start3A_48 = arith.constant 0 : i32
      %dma_start3A_49 = arith.constant 0 : i32
      %dma_start3A_50 = tpu.memref_slice %arg3[%dma_start3A_48, %dma_start3A_49] : memref<10240x32xf32, #tpu.memory_space<hbm>> -> memref<10240x32xf32, #tpu.memory_space<hbm>>
      tpu.enqueue_indirect_dma source(%dma_start3A_50 : memref<10240x32xf32, #tpu.memory_space<hbm>>) target(%dma_start3A_44 : memref<128x32xf32, #tpu.memory_space<vmem>>) offsets(%dma_start3A_47 : memref<128xi32, #tpu.memory_space<vmem>>) semaphore(%arg16 : memref<!tpu.dma_semaphore, #tpu.memory_space<semaphore_mem>>)
      %scan3A_51 = arith.constant 0 : i32
      %scan3A_52 = arith.constant 0 : i32
      %scan3A_53 = arith.constant 40 : i32
      %scan3A_54 = arith.addi %scan3A_52, %scan3A_53 : i32
      %scan3A_55 = arith.constant 1 : i32
      %scan3A_56 = scf.for %scan3A_118 = %scan3A_52 to %scan3A_54 step %scan3A_55 iter_args(%scan3A_119 = %scan3A_51) -> (i32)  : i32 {
        %mul3A_120 = arith.constant 4 : i32
        %mul3A_121 = arith.muli %mul3A_120, %scan3A_118 : i32
        %add3A_122 = arith.constant 0 : i32
        %add3A_123 = arith.addi %mul3A_121, %add3A_122 : i32
        %ge3A = arith.constant 2 : i32
        %ge3A_124 = arith.cmpi sge, %add3A_123, %ge3A : i32
        %convert_element_type3A_125 = arith.extui %ge3A_124 : i1 to i32
        %cond3A_126 = arith.constant 0 : i32
        %cond3A_127 = arith.cmpi ne, %convert_element_type3A_125, %cond3A_126 : i32
        scf.if %cond3A_127 {
          %dma_wait3A_275 = arith.constant 0 : i32
          %dma_wait3A_276 = arith.constant 0 : i32
          %dma_wait3A_277 = arith.constant 0 : i32
          %dma_wait3A_278 = tpu.memref_slice %arg12[%dma_wait3A_276, %dma_wait3A_277] : memref<128x32xf32, #tpu.memory_space<vmem>> -> memref<128x32xf32, #tpu.memory_space<vmem>>
          %dma_wait3A_279 = arith.constant 0 : i32
          %dma_wait3A_280 = tpu.memref_slice %arg9[%dma_wait3A_275, %dma_wait3A_279] : memref<160x128xi32, #tpu.memory_space<vmem>> -> memref<1x128xi32, #tpu.memory_space<vmem>>
          %dma_wait3A_281 = tpu.memref_squeeze %dma_wait3A_280 : memref<1x128xi32, #tpu.memory_space<vmem>> -> memref<128xi32, #tpu.memory_space<vmem>>
          %dma_wait3A_282 = arith.constant 0 : i32
          %dma_wait3A_283 = arith.constant 0 : i32
          %dma_wait3A_284 = tpu.memref_slice %arg14[%dma_wait3A_282, %dma_wait3A_283] : memref<10240x32xf32, #tpu.memory_space<vmem_shared>> -> memref<10240x32xf32, #tpu.memory_space<vmem_shared>>
          tpu.wait_indirect_dma semaphore(%arg21 : memref<!tpu.dma_semaphore, #tpu.memory_space<semaphore_mem>>) src(%dma_wait3A_278 : memref<128x32xf32, #tpu.memory_space<vmem>>) dst(%dma_wait3A_284 : memref<10240x32xf32, #tpu.memory_space<vmem_shared>>)
        } else {
        }
        %add3A_128 = arith.constant 2 : i32
        %add3A_129 = arith.addi %add3A_123, %add3A_128 : i32
        %lt3A = arith.constant 160 : i32
        %lt3A_130 = arith.cmpi slt, %add3A_129, %lt3A : i32
        %convert_element_type3A_131 = arith.extui %lt3A_130 : i1 to i32
        %cond3A_132 = arith.constant 0 : i32
        %cond3A_133 = arith.cmpi ne, %convert_element_type3A_131, %cond3A_132 : i32
        scf.if %cond3A_133 {
          %add3A_275 = arith.constant 2 : i32
          %add3A_276 = arith.addi %add3A_123, %add3A_275 : i32
          %mul3A_277 = arith.constant 1 : i32
          %mul3A_278 = arith.muli %add3A_276, %mul3A_277 : i32
          %add3A_279 = arith.constant 0 : i32
          %add3A_280 = arith.addi %mul3A_278, %add3A_279 : i32
          %dma_start3A_281 = arith.constant 0 : i32
          %dma_start3A_282 = arith.constant 0 : i32
          %dma_start3A_283 = tpu.memref_slice %arg12[%dma_start3A_281, %dma_start3A_282] : memref<128x32xf32, #tpu.memory_space<vmem>> -> memref<128x32xf32, #tpu.memory_space<vmem>>
          %dma_start3A_284 = arith.constant 0 : i32
          %dma_start3A_285 = tpu.memref_slice %arg8[%add3A_280, %dma_start3A_284] : memref<160x128xi32, #tpu.memory_space<vmem>> -> memref<1x128xi32, #tpu.memory_space<vmem>>
          %dma_start3A_286 = tpu.memref_squeeze %dma_start3A_285 : memref<1x128xi32, #tpu.memory_space<vmem>> -> memref<128xi32, #tpu.memory_space<vmem>>
          %dma_start3A_287 = arith.constant 0 : i32
          %dma_start3A_288 = arith.constant 0 : i32
          %dma_start3A_289 = tpu.memref_slice %arg3[%dma_start3A_287, %dma_start3A_288] : memref<10240x32xf32, #tpu.memory_space<hbm>> -> memref<10240x32xf32, #tpu.memory_space<hbm>>
          tpu.enqueue_indirect_dma source(%dma_start3A_289 : memref<10240x32xf32, #tpu.memory_space<hbm>>) target(%dma_start3A_283 : memref<128x32xf32, #tpu.memory_space<vmem>>) offsets(%dma_start3A_286 : memref<128xi32, #tpu.memory_space<vmem>>) semaphore(%arg17 : memref<!tpu.dma_semaphore, #tpu.memory_space<semaphore_mem>>)
        } else {
        }
        %dma_wait3A_134 = arith.constant 0 : i32
        %dma_wait3A_135 = arith.constant 0 : i32
        %dma_wait3A_136 = arith.constant 0 : i32
        %dma_wait3A_137 = tpu.memref_slice %arg10[%dma_wait3A_135, %dma_wait3A_136] : memref<128x32xf32, #tpu.memory_space<vmem>> -> memref<128x32xf32, #tpu.memory_space<vmem>>
        %dma_wait3A_138 = arith.constant 0 : i32
        %dma_wait3A_139 = tpu.memref_slice %arg8[%dma_wait3A_134, %dma_wait3A_138] : memref<160x128xi32, #tpu.memory_space<vmem>> -> memref<1x128xi32, #tpu.memory_space<vmem>>
        %dma_wait3A_140 = tpu.memref_squeeze %dma_wait3A_139 : memref<1x128xi32, #tpu.memory_space<vmem>> -> memref<128xi32, #tpu.memory_space<vmem>>
        %dma_wait3A_141 = arith.constant 0 : i32
        %dma_wait3A_142 = arith.constant 0 : i32
        %dma_wait3A_143 = tpu.memref_slice %arg3[%dma_wait3A_141, %dma_wait3A_142] : memref<10240x32xf32, #tpu.memory_space<hbm>> -> memref<10240x32xf32, #tpu.memory_space<hbm>>
        tpu.wait_indirect_dma semaphore(%arg15 : memref<!tpu.dma_semaphore, #tpu.memory_space<semaphore_mem>>) src(%dma_wait3A_143 : memref<10240x32xf32, #tpu.memory_space<hbm>>) dst(%dma_wait3A_137 : memref<128x32xf32, #tpu.memory_space<vmem>>)
        %mul3A_144 = arith.constant 1 : i32
        %mul3A_145 = arith.muli %add3A_123, %mul3A_144 : i32
        %add3A_146 = arith.constant 0 : i32
        %add3A_147 = arith.addi %mul3A_145, %add3A_146 : i32
        %dma_start3A_148 = arith.constant 0 : i32
        %dma_start3A_149 = arith.constant 0 : i32
        %dma_start3A_150 = tpu.memref_slice %arg10[%dma_start3A_148, %dma_start3A_149] : memref<128x32xf32, #tpu.memory_space<vmem>> -> memref<128x32xf32, #tpu.memory_space<vmem>>
        %dma_start3A_151 = arith.constant 0 : i32
        %dma_start3A_152 = tpu.memref_slice %arg9[%add3A_147, %dma_start3A_151] : memref<160x128xi32, #tpu.memory_space<vmem>> -> memref<1x128xi32, #tpu.memory_space<vmem>>
        %dma_start3A_153 = tpu.memref_squeeze %dma_start3A_152 : memref<1x128xi32, #tpu.memory_space<vmem>> -> memref<128xi32, #tpu.memory_space<vmem>>
        %dma_start3A_154 = arith.constant 0 : i32
        %dma_start3A_155 = arith.constant 0 : i32
        %dma_start3A_156 = tpu.memref_slice %arg14[%dma_start3A_154, %dma_start3A_155] : memref<10240x32xf32, #tpu.memory_space<vmem_shared>> -> memref<10240x32xf32, #tpu.memory_space<vmem_shared>>
        tpu.enqueue_indirect_dma source(%dma_start3A_150 : memref<128x32xf32, #tpu.memory_space<vmem>>) target(%dma_start3A_156 : memref<10240x32xf32, #tpu.memory_space<vmem_shared>>) offsets(%dma_start3A_153 : memref<128xi32, #tpu.memory_space<vmem>>) semaphore(%arg19 : memref<!tpu.dma_semaphore, #tpu.memory_space<semaphore_mem>>) {add = true}
        %mul3A_157 = arith.constant 4 : i32
        %mul3A_158 = arith.muli %mul3A_157, %scan3A_118 : i32
        %add3A_159 = arith.constant 1 : i32
        %add3A_160 = arith.addi %mul3A_158, %add3A_159 : i32
        %ge3A_161 = arith.constant 2 : i32
        %ge3A_162 = arith.cmpi sge, %add3A_160, %ge3A_161 : i32
        %convert_element_type3A_163 = arith.extui %ge3A_162 : i1 to i32
        %cond3A_164 = arith.constant 0 : i32
        %cond3A_165 = arith.cmpi ne, %convert_element_type3A_163, %cond3A_164 : i32
        scf.if %cond3A_165 {
          %dma_wait3A_275 = arith.constant 0 : i32
          %dma_wait3A_276 = arith.constant 0 : i32
          %dma_wait3A_277 = arith.constant 0 : i32
          %dma_wait3A_278 = tpu.memref_slice %arg13[%dma_wait3A_276, %dma_wait3A_277] : memref<128x32xf32, #tpu.memory_space<vmem>> -> memref<128x32xf32, #tpu.memory_space<vmem>>
          %dma_wait3A_279 = arith.constant 0 : i32
          %dma_wait3A_280 = tpu.memref_slice %arg9[%dma_wait3A_275, %dma_wait3A_279] : memref<160x128xi32, #tpu.memory_space<vmem>> -> memref<1x128xi32, #tpu.memory_space<vmem>>
          %dma_wait3A_281 = tpu.memref_squeeze %dma_wait3A_280 : memref<1x128xi32, #tpu.memory_space<vmem>> -> memref<128xi32, #tpu.memory_space<vmem>>
          %dma_wait3A_282 = arith.constant 0 : i32
          %dma_wait3A_283 = arith.constant 0 : i32
          %dma_wait3A_284 = tpu.memref_slice %arg14[%dma_wait3A_282, %dma_wait3A_283] : memref<10240x32xf32, #tpu.memory_space<vmem_shared>> -> memref<10240x32xf32, #tpu.memory_space<vmem_shared>>
          tpu.wait_indirect_dma semaphore(%arg22 : memref<!tpu.dma_semaphore, #tpu.memory_space<semaphore_mem>>) src(%dma_wait3A_278 : memref<128x32xf32, #tpu.memory_space<vmem>>) dst(%dma_wait3A_284 : memref<10240x32xf32, #tpu.memory_space<vmem_shared>>)
        } else {
        }
        %add3A_166 = arith.constant 2 : i32
        %add3A_167 = arith.addi %add3A_160, %add3A_166 : i32
        %lt3A_168 = arith.constant 160 : i32
        %lt3A_169 = arith.cmpi slt, %add3A_167, %lt3A_168 : i32
        %convert_element_type3A_170 = arith.extui %lt3A_169 : i1 to i32
        %cond3A_171 = arith.constant 0 : i32
        %cond3A_172 = arith.cmpi ne, %convert_element_type3A_170, %cond3A_171 : i32
        scf.if %cond3A_172 {
          %add3A_275 = arith.constant 2 : i32
          %add3A_276 = arith.addi %add3A_160, %add3A_275 : i32
          %mul3A_277 = arith.constant 1 : i32
          %mul3A_278 = arith.muli %add3A_276, %mul3A_277 : i32
          %add3A_279 = arith.constant 0 : i32
          %add3A_280 = arith.addi %mul3A_278, %add3A_279 : i32
          %dma_start3A_281 = arith.constant 0 : i32
          %dma_start3A_282 = arith.constant 0 : i32
          %dma_start3A_283 = tpu.memref_slice %arg13[%dma_start3A_281, %dma_start3A_282] : memref<128x32xf32, #tpu.memory_space<vmem>> -> memref<128x32xf32, #tpu.memory_space<vmem>>
          %dma_start3A_284 = arith.constant 0 : i32
          %dma_start3A_285 = tpu.memref_slice %arg8[%add3A_280, %dma_start3A_284] : memref<160x128xi32, #tpu.memory_space<vmem>> -> memref<1x128xi32, #tpu.memory_space<vmem>>
          %dma_start3A_286 = tpu.memref_squeeze %dma_start3A_285 : memref<1x128xi32, #tpu.memory_space<vmem>> -> memref<128xi32, #tpu.memory_space<vmem>>
          %dma_start3A_287 = arith.constant 0 : i32
          %dma_start3A_288 = arith.constant 0 : i32
          %dma_start3A_289 = tpu.memref_slice %arg3[%dma_start3A_287, %dma_start3A_288] : memref<10240x32xf32, #tpu.memory_space<hbm>> -> memref<10240x32xf32, #tpu.memory_space<hbm>>
          tpu.enqueue_indirect_dma source(%dma_start3A_289 : memref<10240x32xf32, #tpu.memory_space<hbm>>) target(%dma_start3A_283 : memref<128x32xf32, #tpu.memory_space<vmem>>) offsets(%dma_start3A_286 : memref<128xi32, #tpu.memory_space<vmem>>) semaphore(%arg18 : memref<!tpu.dma_semaphore, #tpu.memory_space<semaphore_mem>>)
        } else {
        }
        %dma_wait3A_173 = arith.constant 0 : i32
        %dma_wait3A_174 = arith.constant 0 : i32
        %dma_wait3A_175 = arith.constant 0 : i32
        %dma_wait3A_176 = tpu.memref_slice %arg11[%dma_wait3A_174, %dma_wait3A_175] : memref<128x32xf32, #tpu.memory_space<vmem>> -> memref<128x32xf32, #tpu.memory_space<vmem>>
        %dma_wait3A_177 = arith.constant 0 : i32
        %dma_wait3A_178 = tpu.memref_slice %arg8[%dma_wait3A_173, %dma_wait3A_177] : memref<160x128xi32, #tpu.memory_space<vmem>> -> memref<1x128xi32, #tpu.memory_space<vmem>>
        %dma_wait3A_179 = tpu.memref_squeeze %dma_wait3A_178 : memref<1x128xi32, #tpu.memory_space<vmem>> -> memref<128xi32, #tpu.memory_space<vmem>>
        %dma_wait3A_180 = arith.constant 0 : i32
        %dma_wait3A_181 = arith.constant 0 : i32
        %dma_wait3A_182 = tpu.memref_slice %arg3[%dma_wait3A_180, %dma_wait3A_181] : memref<10240x32xf32, #tpu.memory_space<hbm>> -> memref<10240x32xf32, #tpu.memory_space<hbm>>
        tpu.wait_indirect_dma semaphore(%arg16 : memref<!tpu.dma_semaphore, #tpu.memory_space<semaphore_mem>>) src(%dma_wait3A_182 : memref<10240x32xf32, #tpu.memory_space<hbm>>) dst(%dma_wait3A_176 : memref<128x32xf32, #tpu.memory_space<vmem>>)
        %mul3A_183 = arith.constant 1 : i32
        %mul3A_184 = arith.muli %add3A_160, %mul3A_183 : i32
        %add3A_185 = arith.constant 0 : i32
        %add3A_186 = arith.addi %mul3A_184, %add3A_185 : i32
        %dma_start3A_187 = arith.constant 0 : i32
        %dma_start3A_188 = arith.constant 0 : i32
        %dma_start3A_189 = tpu.memref_slice %arg11[%dma_start3A_187, %dma_start3A_188] : memref<128x32xf32, #tpu.memory_space<vmem>> -> memref<128x32xf32, #tpu.memory_space<vmem>>
        %dma_start3A_190 = arith.constant 0 : i32
        %dma_start3A_191 = tpu.memref_slice %arg9[%add3A_186, %dma_start3A_190] : memref<160x128xi32, #tpu.memory_space<vmem>> -> memref<1x128xi32, #tpu.memory_space<vmem>>
        %dma_start3A_192 = tpu.memref_squeeze %dma_start3A_191 : memref<1x128xi32, #tpu.memory_space<vmem>> -> memref<128xi32, #tpu.memory_space<vmem>>
        %dma_start3A_193 = arith.constant 0 : i32
        %dma_start3A_194 = arith.constant 0 : i32
        %dma_start3A_195 = tpu.memref_slice %arg14[%dma_start3A_193, %dma_start3A_194] : memref<10240x32xf32, #tpu.memory_space<vmem_shared>> -> memref<10240x32xf32, #tpu.memory_space<vmem_shared>>
        tpu.enqueue_indirect_dma source(%dma_start3A_189 : memref<128x32xf32, #tpu.memory_space<vmem>>) target(%dma_start3A_195 : memref<10240x32xf32, #tpu.memory_space<vmem_shared>>) offsets(%dma_start3A_192 : memref<128xi32, #tpu.memory_space<vmem>>) semaphore(%arg20 : memref<!tpu.dma_semaphore, #tpu.memory_space<semaphore_mem>>) {add = true}
        %mul3A_196 = arith.constant 4 : i32
        %mul3A_197 = arith.muli %mul3A_196, %scan3A_118 : i32
        %add3A_198 = arith.constant 2 : i32
        %add3A_199 = arith.addi %mul3A_197, %add3A_198 : i32
        %ge3A_200 = arith.constant 2 : i32
        %ge3A_201 = arith.cmpi sge, %add3A_199, %ge3A_200 : i32
        %convert_element_type3A_202 = arith.extui %ge3A_201 : i1 to i32
        %cond3A_203 = arith.constant 0 : i32
        %cond3A_204 = arith.cmpi ne, %convert_element_type3A_202, %cond3A_203 : i32
        scf.if %cond3A_204 {
          %dma_wait3A_275 = arith.constant 0 : i32
          %dma_wait3A_276 = arith.constant 0 : i32
          %dma_wait3A_277 = arith.constant 0 : i32
          %dma_wait3A_278 = tpu.memref_slice %arg10[%dma_wait3A_276, %dma_wait3A_277] : memref<128x32xf32, #tpu.memory_space<vmem>> -> memref<128x32xf32, #tpu.memory_space<vmem>>
          %dma_wait3A_279 = arith.constant 0 : i32
          %dma_wait3A_280 = tpu.memref_slice %arg9[%dma_wait3A_275, %dma_wait3A_279] : memref<160x128xi32, #tpu.memory_space<vmem>> -> memref<1x128xi32, #tpu.memory_space<vmem>>
          %dma_wait3A_281 = tpu.memref_squeeze %dma_wait3A_280 : memref<1x128xi32, #tpu.memory_space<vmem>> -> memref<128xi32, #tpu.memory_space<vmem>>
          %dma_wait3A_282 = arith.constant 0 : i32
          %dma_wait3A_283 = arith.constant 0 : i32
          %dma_wait3A_284 = tpu.memref_slice %arg14[%dma_wait3A_282, %dma_wait3A_283] : memref<10240x32xf32, #tpu.memory_space<vmem_shared>> -> memref<10240x32xf32, #tpu.memory_space<vmem_shared>>
          tpu.wait_indirect_dma semaphore(%arg19 : memref<!tpu.dma_semaphore, #tpu.memory_space<semaphore_mem>>) src(%dma_wait3A_278 : memref<128x32xf32, #tpu.memory_space<vmem>>) dst(%dma_wait3A_284 : memref<10240x32xf32, #tpu.memory_space<vmem_shared>>)
        } else {
        }
        %add3A_205 = arith.constant 2 : i32
        %add3A_206 = arith.addi %add3A_199, %add3A_205 : i32
        %lt3A_207 = arith.constant 160 : i32
        %lt3A_208 = arith.cmpi slt, %add3A_206, %lt3A_207 : i32
        %convert_element_type3A_209 = arith.extui %lt3A_208 : i1 to i32
        %cond3A_210 = arith.constant 0 : i32
        %cond3A_211 = arith.cmpi ne, %convert_element_type3A_209, %cond3A_210 : i32
        scf.if %cond3A_211 {
          %add3A_275 = arith.constant 2 : i32
          %add3A_276 = arith.addi %add3A_199, %add3A_275 : i32
          %mul3A_277 = arith.constant 1 : i32
          %mul3A_278 = arith.muli %add3A_276, %mul3A_277 : i32
          %add3A_279 = arith.constant 0 : i32
          %add3A_280 = arith.addi %mul3A_278, %add3A_279 : i32
          %dma_start3A_281 = arith.constant 0 : i32
          %dma_start3A_282 = arith.constant 0 : i32
          %dma_start3A_283 = tpu.memref_slice %arg10[%dma_start3A_281, %dma_start3A_282] : memref<128x32xf32, #tpu.memory_space<vmem>> -> memref<128x32xf32, #tpu.memory_space<vmem>>
          %dma_start3A_284 = arith.constant 0 : i32
          %dma_start3A_285 = tpu.memref_slice %arg8[%add3A_280, %dma_start3A_284] : memref<160x128xi32, #tpu.memory_space<vmem>> -> memref<1x128xi32, #tpu.memory_space<vmem>>
          %dma_start3A_286 = tpu.memref_squeeze %dma_start3A_285 : memref<1x128xi32, #tpu.memory_space<vmem>> -> memref<128xi32, #tpu.memory_space<vmem>>
          %dma_start3A_287 = arith.constant 0 : i32
          %dma_start3A_288 = arith.constant 0 : i32
          %dma_start3A_289 = tpu.memref_slice %arg3[%dma_start3A_287, %dma_start3A_288] : memref<10240x32xf32, #tpu.memory_space<hbm>> -> memref<10240x32xf32, #tpu.memory_space<hbm>>
          tpu.enqueue_indirect_dma source(%dma_start3A_289 : memref<10240x32xf32, #tpu.memory_space<hbm>>) target(%dma_start3A_283 : memref<128x32xf32, #tpu.memory_space<vmem>>) offsets(%dma_start3A_286 : memref<128xi32, #tpu.memory_space<vmem>>) semaphore(%arg15 : memref<!tpu.dma_semaphore, #tpu.memory_space<semaphore_mem>>)
        } else {
        }
        %dma_wait3A_212 = arith.constant 0 : i32
        %dma_wait3A_213 = arith.constant 0 : i32
        %dma_wait3A_214 = arith.constant 0 : i32
        %dma_wait3A_215 = tpu.memref_slice %arg12[%dma_wait3A_213, %dma_wait3A_214] : memref<128x32xf32, #tpu.memory_space<vmem>> -> memref<128x32xf32, #tpu.memory_space<vmem>>
        %dma_wait3A_216 = arith.constant 0 : i32
        %dma_wait3A_217 = tpu.memref_slice %arg8[%dma_wait3A_212, %dma_wait3A_216] : memref<160x128xi32, #tpu.memory_space<vmem>> -> memref<1x128xi32, #tpu.memory_space<vmem>>
        %dma_wait3A_218 = tpu.memref_squeeze %dma_wait3A_217 : memref<1x128xi32, #tpu.memory_space<vmem>> -> memref<128xi32, #tpu.memory_space<vmem>>
        %dma_wait3A_219 = arith.constant 0 : i32
        %dma_wait3A_220 = arith.constant 0 : i32
        %dma_wait3A_221 = tpu.memref_slice %arg3[%dma_wait3A_219, %dma_wait3A_220] : memref<10240x32xf32, #tpu.memory_space<hbm>> -> memref<10240x32xf32, #tpu.memory_space<hbm>>
        tpu.wait_indirect_dma semaphore(%arg17 : memref<!tpu.dma_semaphore, #tpu.memory_space<semaphore_mem>>) src(%dma_wait3A_221 : memref<10240x32xf32, #tpu.memory_space<hbm>>) dst(%dma_wait3A_215 : memref<128x32xf32, #tpu.memory_space<vmem>>)
        %mul3A_222 = arith.constant 1 : i32
        %mul3A_223 = arith.muli %add3A_199, %mul3A_222 : i32
        %add3A_224 = arith.constant 0 : i32
        %add3A_225 = arith.addi %mul3A_223, %add3A_224 : i32
        %dma_start3A_226 = arith.constant 0 : i32
        %dma_start3A_227 = arith.constant 0 : i32
        %dma_start3A_228 = tpu.memref_slice %arg12[%dma_start3A_226, %dma_start3A_227] : memref<128x32xf32, #tpu.memory_space<vmem>> -> memref<128x32xf32, #tpu.memory_space<vmem>>
        %dma_start3A_229 = arith.constant 0 : i32
        %dma_start3A_230 = tpu.memref_slice %arg9[%add3A_225, %dma_start3A_229] : memref<160x128xi32, #tpu.memory_space<vmem>> -> memref<1x128xi32, #tpu.memory_space<vmem>>
        %dma_start3A_231 = tpu.memref_squeeze %dma_start3A_230 : memref<1x128xi32, #tpu.memory_space<vmem>> -> memref<128xi32, #tpu.memory_space<vmem>>
        %dma_start3A_232 = arith.constant 0 : i32
        %dma_start3A_233 = arith.constant 0 : i32
        %dma_start3A_234 = tpu.memref_slice %arg14[%dma_start3A_232, %dma_start3A_233] : memref<10240x32xf32, #tpu.memory_space<vmem_shared>> -> memref<10240x32xf32, #tpu.memory_space<vmem_shared>>
        tpu.enqueue_indirect_dma source(%dma_start3A_228 : memref<128x32xf32, #tpu.memory_space<vmem>>) target(%dma_start3A_234 : memref<10240x32xf32, #tpu.memory_space<vmem_shared>>) offsets(%dma_start3A_231 : memref<128xi32, #tpu.memory_space<vmem>>) semaphore(%arg21 : memref<!tpu.dma_semaphore, #tpu.memory_space<semaphore_mem>>) {add = true}
        %mul3A_235 = arith.constant 4 : i32
        %mul3A_236 = arith.muli %mul3A_235, %scan3A_118 : i32
        %add3A_237 = arith.constant 3 : i32
        %add3A_238 = arith.addi %mul3A_236, %add3A_237 : i32
        %ge3A_239 = arith.constant 2 : i32
        %ge3A_240 = arith.cmpi sge, %add3A_238, %ge3A_239 : i32
        %convert_element_type3A_241 = arith.extui %ge3A_240 : i1 to i32
        %cond3A_242 = arith.constant 0 : i32
        %cond3A_243 = arith.cmpi ne, %convert_element_type3A_241, %cond3A_242 : i32
        scf.if %cond3A_243 {
          %dma_wait3A_275 = arith.constant 0 : i32
          %dma_wait3A_276 = arith.constant 0 : i32
          %dma_wait3A_277 = arith.constant 0 : i32
          %dma_wait3A_278 = tpu.memref_slice %arg11[%dma_wait3A_276, %dma_wait3A_277] : memref<128x32xf32, #tpu.memory_space<vmem>> -> memref<128x32xf32, #tpu.memory_space<vmem>>
          %dma_wait3A_279 = arith.constant 0 : i32
          %dma_wait3A_280 = tpu.memref_slice %arg9[%dma_wait3A_275, %dma_wait3A_279] : memref<160x128xi32, #tpu.memory_space<vmem>> -> memref<1x128xi32, #tpu.memory_space<vmem>>
          %dma_wait3A_281 = tpu.memref_squeeze %dma_wait3A_280 : memref<1x128xi32, #tpu.memory_space<vmem>> -> memref<128xi32, #tpu.memory_space<vmem>>
          %dma_wait3A_282 = arith.constant 0 : i32
          %dma_wait3A_283 = arith.constant 0 : i32
          %dma_wait3A_284 = tpu.memref_slice %arg14[%dma_wait3A_282, %dma_wait3A_283] : memref<10240x32xf32, #tpu.memory_space<vmem_shared>> -> memref<10240x32xf32, #tpu.memory_space<vmem_shared>>
          tpu.wait_indirect_dma semaphore(%arg20 : memref<!tpu.dma_semaphore, #tpu.memory_space<semaphore_mem>>) src(%dma_wait3A_278 : memref<128x32xf32, #tpu.memory_space<vmem>>) dst(%dma_wait3A_284 : memref<10240x32xf32, #tpu.memory_space<vmem_shared>>)
        } else {
        }
        %add3A_244 = arith.constant 2 : i32
        %add3A_245 = arith.addi %add3A_238, %add3A_244 : i32
        %lt3A_246 = arith.constant 160 : i32
        %lt3A_247 = arith.cmpi slt, %add3A_245, %lt3A_246 : i32
        %convert_element_type3A_248 = arith.extui %lt3A_247 : i1 to i32
        %cond3A_249 = arith.constant 0 : i32
        %cond3A_250 = arith.cmpi ne, %convert_element_type3A_248, %cond3A_249 : i32
        scf.if %cond3A_250 {
          %add3A_275 = arith.constant 2 : i32
          %add3A_276 = arith.addi %add3A_238, %add3A_275 : i32
          %mul3A_277 = arith.constant 1 : i32
          %mul3A_278 = arith.muli %add3A_276, %mul3A_277 : i32
          %add3A_279 = arith.constant 0 : i32
          %add3A_280 = arith.addi %mul3A_278, %add3A_279 : i32
          %dma_start3A_281 = arith.constant 0 : i32
          %dma_start3A_282 = arith.constant 0 : i32
          %dma_start3A_283 = tpu.memref_slice %arg11[%dma_start3A_281, %dma_start3A_282] : memref<128x32xf32, #tpu.memory_space<vmem>> -> memref<128x32xf32, #tpu.memory_space<vmem>>
          %dma_start3A_284 = arith.constant 0 : i32
          %dma_start3A_285 = tpu.memref_slice %arg8[%add3A_280, %dma_start3A_284] : memref<160x128xi32, #tpu.memory_space<vmem>> -> memref<1x128xi32, #tpu.memory_space<vmem>>
          %dma_start3A_286 = tpu.memref_squeeze %dma_start3A_285 : memref<1x128xi32, #tpu.memory_space<vmem>> -> memref<128xi32, #tpu.memory_space<vmem>>
          %dma_start3A_287 = arith.constant 0 : i32
          %dma_start3A_288 = arith.constant 0 : i32
          %dma_start3A_289 = tpu.memref_slice %arg3[%dma_start3A_287, %dma_start3A_288] : memref<10240x32xf32, #tpu.memory_space<hbm>> -> memref<10240x32xf32, #tpu.memory_space<hbm>>
          tpu.enqueue_indirect_dma source(%dma_start3A_289 : memref<10240x32xf32, #tpu.memory_space<hbm>>) target(%dma_start3A_283 : memref<128x32xf32, #tpu.memory_space<vmem>>) offsets(%dma_start3A_286 : memref<128xi32, #tpu.memory_space<vmem>>) semaphore(%arg16 : memref<!tpu.dma_semaphore, #tpu.memory_space<semaphore_mem>>)
        } else {
        }
        %dma_wait3A_251 = arith.constant 0 : i32
        %dma_wait3A_252 = arith.constant 0 : i32
        %dma_wait3A_253 = arith.constant 0 : i32
        %dma_wait3A_254 = tpu.memref_slice %arg13[%dma_wait3A_252, %dma_wait3A_253] : memref<128x32xf32, #tpu.memory_space<vmem>> -> memref<128x32xf32, #tpu.memory_space<vmem>>
        %dma_wait3A_255 = arith.constant 0 : i32
        %dma_wait3A_256 = tpu.memref_slice %arg8[%dma_wait3A_251, %dma_wait3A_255] : memref<160x128xi32, #tpu.memory_space<vmem>> -> memref<1x128xi32, #tpu.memory_space<vmem>>
        %dma_wait3A_257 = tpu.memref_squeeze %dma_wait3A_256 : memref<1x128xi32, #tpu.memory_space<vmem>> -> memref<128xi32, #tpu.memory_space<vmem>>
        %dma_wait3A_258 = arith.constant 0 : i32
        %dma_wait3A_259 = arith.constant 0 : i32
        %dma_wait3A_260 = tpu.memref_slice %arg3[%dma_wait3A_258, %dma_wait3A_259] : memref<10240x32xf32, #tpu.memory_space<hbm>> -> memref<10240x32xf32, #tpu.memory_space<hbm>>
        tpu.wait_indirect_dma semaphore(%arg18 : memref<!tpu.dma_semaphore, #tpu.memory_space<semaphore_mem>>) src(%dma_wait3A_260 : memref<10240x32xf32, #tpu.memory_space<hbm>>) dst(%dma_wait3A_254 : memref<128x32xf32, #tpu.memory_space<vmem>>)
        %mul3A_261 = arith.constant 1 : i32
        %mul3A_262 = arith.muli %add3A_238, %mul3A_261 : i32
        %add3A_263 = arith.constant 0 : i32
        %add3A_264 = arith.addi %mul3A_262, %add3A_263 : i32
        %dma_start3A_265 = arith.constant 0 : i32
        %dma_start3A_266 = arith.constant 0 : i32
        %dma_start3A_267 = tpu.memref_slice %arg13[%dma_start3A_265, %dma_start3A_266] : memref<128x32xf32, #tpu.memory_space<vmem>> -> memref<128x32xf32, #tpu.memory_space<vmem>>
        %dma_start3A_268 = arith.constant 0 : i32
        %dma_start3A_269 = tpu.memref_slice %arg9[%add3A_264, %dma_start3A_268] : memref<160x128xi32, #tpu.memory_space<vmem>> -> memref<1x128xi32, #tpu.memory_space<vmem>>
        %dma_start3A_270 = tpu.memref_squeeze %dma_start3A_269 : memref<1x128xi32, #tpu.memory_space<vmem>> -> memref<128xi32, #tpu.memory_space<vmem>>
        %dma_start3A_271 = arith.constant 0 : i32
        %dma_start3A_272 = arith.constant 0 : i32
        %dma_start3A_273 = tpu.memref_slice %arg14[%dma_start3A_271, %dma_start3A_272] : memref<10240x32xf32, #tpu.memory_space<vmem_shared>> -> memref<10240x32xf32, #tpu.memory_space<vmem_shared>>
        tpu.enqueue_indirect_dma source(%dma_start3A_267 : memref<128x32xf32, #tpu.memory_space<vmem>>) target(%dma_start3A_273 : memref<10240x32xf32, #tpu.memory_space<vmem_shared>>) offsets(%dma_start3A_270 : memref<128xi32, #tpu.memory_space<vmem>>) semaphore(%arg22 : memref<!tpu.dma_semaphore, #tpu.memory_space<semaphore_mem>>) {add = true}
        %scan3A_274 = arith.constant 0 : i32
        scf.yield %scan3A_274 : i32
      }
      %scan3A_57 = arith.constant 40 : i32
      %dma_wait3A = arith.constant 0 : i32
      %dma_wait3A_58 = arith.constant 0 : i32
      %dma_wait3A_59 = arith.constant 0 : i32
      %dma_wait3A_60 = tpu.memref_slice %arg12[%dma_wait3A_58, %dma_wait3A_59] : memref<128x32xf32, #tpu.memory_space<vmem>> -> memref<128x32xf32, #tpu.memory_space<vmem>>
      %dma_wait3A_61 = arith.constant 0 : i32
      %dma_wait3A_62 = tpu.memref_slice %arg9[%dma_wait3A, %dma_wait3A_61] : memref<160x128xi32, #tpu.memory_space<vmem>> -> memref<1x128xi32, #tpu.memory_space<vmem>>
      %dma_wait3A_63 = tpu.memref_squeeze %dma_wait3A_62 : memref<1x128xi32, #tpu.memory_space<vmem>> -> memref<128xi32, #tpu.memory_space<vmem>>
      %dma_wait3A_64 = arith.constant 0 : i32
      %dma_wait3A_65 = arith.constant 0 : i32
      %dma_wait3A_66 = tpu.memref_slice %arg14[%dma_wait3A_64, %dma_wait3A_65] : memref<10240x32xf32, #tpu.memory_space<vmem_shared>> -> memref<10240x32xf32, #tpu.memory_space<vmem_shared>>
      tpu.wait_indirect_dma semaphore(%arg21 : memref<!tpu.dma_semaphore, #tpu.memory_space<semaphore_mem>>) src(%dma_wait3A_60 : memref<128x32xf32, #tpu.memory_space<vmem>>) dst(%dma_wait3A_66 : memref<10240x32xf32, #tpu.memory_space<vmem_shared>>)
      %dma_wait3A_67 = arith.constant 0 : i32
      %dma_wait3A_68 = arith.constant 0 : i32
      %dma_wait3A_69 = arith.constant 0 : i32
      %dma_wait3A_70 = tpu.memref_slice %arg13[%dma_wait3A_68, %dma_wait3A_69] : memref<128x32xf32, #tpu.memory_space<vmem>> -> memref<128x32xf32, #tpu.memory_space<vmem>>
      %dma_wait3A_71 = arith.constant 0 : i32
      %dma_wait3A_72 = tpu.memref_slice %arg9[%dma_wait3A_67, %dma_wait3A_71] : memref<160x128xi32, #tpu.memory_space<vmem>> -> memref<1x128xi32, #tpu.memory_space<vmem>>
      %dma_wait3A_73 = tpu.memref_squeeze %dma_wait3A_72 : memref<1x128xi32, #tpu.memory_space<vmem>> -> memref<128xi32, #tpu.memory_space<vmem>>
      %dma_wait3A_74 = arith.constant 0 : i32
      %dma_wait3A_75 = arith.constant 0 : i32
      %dma_wait3A_76 = tpu.memref_slice %arg14[%dma_wait3A_74, %dma_wait3A_75] : memref<10240x32xf32, #tpu.memory_space<vmem_shared>> -> memref<10240x32xf32, #tpu.memory_space<vmem_shared>>
      tpu.wait_indirect_dma semaphore(%arg22 : memref<!tpu.dma_semaphore, #tpu.memory_space<semaphore_mem>>) src(%dma_wait3A_70 : memref<128x32xf32, #tpu.memory_space<vmem>>) dst(%dma_wait3A_76 : memref<10240x32xf32, #tpu.memory_space<vmem_shared>>)
      %barrier3A_77 = arith.constant 0 : index
      tpu.barrier barrier_id(%barrier3A_77)
      %mul3A_78 = arith.constant 640 : i32
      %mul3A_79 = arith.muli %arg1, %mul3A_78 : i32
      %add3A_80 = arith.constant 0 : i32
      %add3A_81 = arith.addi %mul3A_79, %add3A_80 : i32
      "tpu.region"() ({
        %run_scoped3A = tpu.sem_alloc : memref<!tpu.dma_semaphore, #tpu.memory_space<semaphore_mem>>
        %dma_start3A_118 = arith.constant 0 : i32
        %dma_start3A_119 = tpu.memref_slice %arg14[%add3A_81, %dma_start3A_118] : memref<10240x32xf32, #tpu.memory_space<vmem_shared>> -> memref<128x32xf32, #tpu.memory_space<vmem_shared>>
        %dma_start3A_120 = arith.constant 0 : i32
        %dma_start3A_121 = tpu.memref_slice %arg14[%add3A_81, %dma_start3A_120] : memref<10240x32xf32, #tpu.memory_space<vmem_shared>> -> memref<128x32xf32, #tpu.memory_space<vmem_shared>>
        tpu.enqueue_dma source(%dma_start3A_121 : memref<128x32xf32, #tpu.memory_space<vmem_shared>>) target(%arg10 : memref<128x32xf32, #tpu.memory_space<vmem>>) target_semaphore(%run_scoped3A : memref<!tpu.dma_semaphore, #tpu.memory_space<semaphore_mem>>)
        %dma_wait3A_122 = arith.constant 0 : i32
        %dma_wait3A_123 = tpu.memref_slice %arg14[%add3A_81, %dma_wait3A_122] : memref<10240x32xf32, #tpu.memory_space<vmem_shared>> -> memref<128x32xf32, #tpu.memory_space<vmem_shared>>
        %dma_wait3A_124 = arith.constant 0 : i32
        %dma_wait3A_125 = tpu.memref_slice %arg14[%add3A_81, %dma_wait3A_124] : memref<10240x32xf32, #tpu.memory_space<vmem_shared>> -> memref<128x32xf32, #tpu.memory_space<vmem_shared>>
        tpu.wait_dma2 semaphore(%run_scoped3A : memref<!tpu.dma_semaphore, #tpu.memory_space<semaphore_mem>>) src(%dma_wait3A_125 : memref<128x32xf32, #tpu.memory_space<vmem_shared>>) dst(%arg10 : memref<128x32xf32, #tpu.memory_space<vmem>>)
        tpu.yield
      }) : () -> ()
      %mul3A_82 = arith.constant 640 : i32
      %mul3A_83 = arith.muli %arg1, %mul3A_82 : i32
      %add3A_84 = arith.constant 0 : i32
      %add3A_85 = arith.addi %mul3A_83, %add3A_84 : i32
      "tpu.region"() ({
        %run_scoped3A = tpu.sem_alloc : memref<!tpu.dma_semaphore, #tpu.memory_space<semaphore_mem>>
        %dma_start3A_118 = arith.constant 0 : i32
        %dma_start3A_119 = tpu.memref_slice %arg7[%add3A_85, %dma_start3A_118] : memref<10240x32xf32, #tpu.memory_space<hbm>> -> memref<128x32xf32, #tpu.memory_space<hbm>>
        %dma_start3A_120 = arith.constant 0 : i32
        %dma_start3A_121 = tpu.memref_slice %arg7[%add3A_85, %dma_start3A_120] : memref<10240x32xf32, #tpu.memory_space<hbm>> -> memref<128x32xf32, #tpu.memory_space<hbm>>
        tpu.enqueue_dma source(%arg10 : memref<128x32xf32, #tpu.memory_space<vmem>>) target(%dma_start3A_121 : memref<128x32xf32, #tpu.memory_space<hbm>>) target_semaphore(%run_scoped3A : memref<!tpu.dma_semaphore, #tpu.memory_space<semaphore_mem>>)
        %dma_wait3A_122 = arith.constant 0 : i32
        %dma_wait3A_123 = tpu.memref_slice %arg7[%add3A_85, %dma_wait3A_122] : memref<10240x32xf32, #tpu.memory_space<hbm>> -> memref<128x32xf32, #tpu.memory_space<hbm>>
        %dma_wait3A_124 = arith.constant 0 : i32
        %dma_wait3A_125 = tpu.memref_slice %arg7[%add3A_85, %dma_wait3A_124] : memref<10240x32xf32, #tpu.memory_space<hbm>> -> memref<128x32xf32, #tpu.memory_space<hbm>>
        tpu.wait_dma2 semaphore(%run_scoped3A : memref<!tpu.dma_semaphore, #tpu.memory_space<semaphore_mem>>) src(%arg10 : memref<128x32xf32, #tpu.memory_space<vmem>>) dst(%dma_wait3A_125 : memref<128x32xf32, #tpu.memory_space<hbm>>)
        tpu.yield
      }) : () -> ()
      %mul3A_86 = arith.constant 640 : i32
      %mul3A_87 = arith.muli %arg1, %mul3A_86 : i32
      %add3A_88 = arith.constant 128 : i32
      %add3A_89 = arith.addi %mul3A_87, %add3A_88 : i32
      "tpu.region"() ({
        %run_scoped3A = tpu.sem_alloc : memref<!tpu.dma_semaphore, #tpu.memory_space<semaphore_mem>>
        %dma_start3A_118 = arith.constant 0 : i32
        %dma_start3A_119 = tpu.memref_slice %arg14[%add3A_89, %dma_start3A_118] : memref<10240x32xf32, #tpu.memory_space<vmem_shared>> -> memref<128x32xf32, #tpu.memory_space<vmem_shared>>
        %dma_start3A_120 = arith.constant 0 : i32
        %dma_start3A_121 = tpu.memref_slice %arg14[%add3A_89, %dma_start3A_120] : memref<10240x32xf32, #tpu.memory_space<vmem_shared>> -> memref<128x32xf32, #tpu.memory_space<vmem_shared>>
        tpu.enqueue_dma source(%dma_start3A_121 : memref<128x32xf32, #tpu.memory_space<vmem_shared>>) target(%arg10 : memref<128x32xf32, #tpu.memory_space<vmem>>) target_semaphore(%run_scoped3A : memref<!tpu.dma_semaphore, #tpu.memory_space<semaphore_mem>>)
        %dma_wait3A_122 = arith.constant 0 : i32
        %dma_wait3A_123 = tpu.memref_slice %arg14[%add3A_89, %dma_wait3A_122] : memref<10240x32xf32, #tpu.memory_space<vmem_shared>> -> memref<128x32xf32, #tpu.memory_space<vmem_shared>>
        %dma_wait3A_124 = arith.constant 0 : i32
        %dma_wait3A_125 = tpu.memref_slice %arg14[%add3A_89, %dma_wait3A_124] : memref<10240x32xf32, #tpu.memory_space<vmem_shared>> -> memref<128x32xf32, #tpu.memory_space<vmem_shared>>
        tpu.wait_dma2 semaphore(%run_scoped3A : memref<!tpu.dma_semaphore, #tpu.memory_space<semaphore_mem>>) src(%dma_wait3A_125 : memref<128x32xf32, #tpu.memory_space<vmem_shared>>) dst(%arg10 : memref<128x32xf32, #tpu.memory_space<vmem>>)
        tpu.yield
      }) : () -> ()
      %mul3A_90 = arith.constant 640 : i32
      %mul3A_91 = arith.muli %arg1, %mul3A_90 : i32
      %add3A_92 = arith.constant 128 : i32
      %add3A_93 = arith.addi %mul3A_91, %add3A_92 : i32
      "tpu.region"() ({
        %run_scoped3A = tpu.sem_alloc : memref<!tpu.dma_semaphore, #tpu.memory_space<semaphore_mem>>
        %dma_start3A_118 = arith.constant 0 : i32
        %dma_start3A_119 = tpu.memref_slice %arg7[%add3A_93, %dma_start3A_118] : memref<10240x32xf32, #tpu.memory_space<hbm>> -> memref<128x32xf32, #tpu.memory_space<hbm>>
        %dma_start3A_120 = arith.constant 0 : i32
        %dma_start3A_121 = tpu.memref_slice %arg7[%add3A_93, %dma_start3A_120] : memref<10240x32xf32, #tpu.memory_space<hbm>> -> memref<128x32xf32, #tpu.memory_space<hbm>>
        tpu.enqueue_dma source(%arg10 : memref<128x32xf32, #tpu.memory_space<vmem>>) target(%dma_start3A_121 : memref<128x32xf32, #tpu.memory_space<hbm>>) target_semaphore(%run_scoped3A : memref<!tpu.dma_semaphore, #tpu.memory_space<semaphore_mem>>)
        %dma_wait3A_122 = arith.constant 0 : i32
        %dma_wait3A_123 = tpu.memref_slice %arg7[%add3A_93, %dma_wait3A_122] : memref<10240x32xf32, #tpu.memory_space<hbm>> -> memref<128x32xf32, #tpu.memory_space<hbm>>
        %dma_wait3A_124 = arith.constant 0 : i32
        %dma_wait3A_125 = tpu.memref_slice %arg7[%add3A_93, %dma_wait3A_124] : memref<10240x32xf32, #tpu.memory_space<hbm>> -> memref<128x32xf32, #tpu.memory_space<hbm>>
        tpu.wait_dma2 semaphore(%run_scoped3A : memref<!tpu.dma_semaphore, #tpu.memory_space<semaphore_mem>>) src(%arg10 : memref<128x32xf32, #tpu.memory_space<vmem>>) dst(%dma_wait3A_125 : memref<128x32xf32, #tpu.memory_space<hbm>>)
        tpu.yield
      }) : () -> ()
      %mul3A_94 = arith.constant 640 : i32
      %mul3A_95 = arith.muli %arg1, %mul3A_94 : i32
      %add3A_96 = arith.constant 256 : i32
      %add3A_97 = arith.addi %mul3A_95, %add3A_96 : i32
      "tpu.region"() ({
        %run_scoped3A = tpu.sem_alloc : memref<!tpu.dma_semaphore, #tpu.memory_space<semaphore_mem>>
        %dma_start3A_118 = arith.constant 0 : i32
        %dma_start3A_119 = tpu.memref_slice %arg14[%add3A_97, %dma_start3A_118] : memref<10240x32xf32, #tpu.memory_space<vmem_shared>> -> memref<128x32xf32, #tpu.memory_space<vmem_shared>>
        %dma_start3A_120 = arith.constant 0 : i32
        %dma_start3A_121 = tpu.memref_slice %arg14[%add3A_97, %dma_start3A_120] : memref<10240x32xf32, #tpu.memory_space<vmem_shared>> -> memref<128x32xf32, #tpu.memory_space<vmem_shared>>
        tpu.enqueue_dma source(%dma_start3A_121 : memref<128x32xf32, #tpu.memory_space<vmem_shared>>) target(%arg10 : memref<128x32xf32, #tpu.memory_space<vmem>>) target_semaphore(%run_scoped3A : memref<!tpu.dma_semaphore, #tpu.memory_space<semaphore_mem>>)
        %dma_wait3A_122 = arith.constant 0 : i32
        %dma_wait3A_123 = tpu.memref_slice %arg14[%add3A_97, %dma_wait3A_122] : memref<10240x32xf32, #tpu.memory_space<vmem_shared>> -> memref<128x32xf32, #tpu.memory_space<vmem_shared>>
        %dma_wait3A_124 = arith.constant 0 : i32
        %dma_wait3A_125 = tpu.memref_slice %arg14[%add3A_97, %dma_wait3A_124] : memref<10240x32xf32, #tpu.memory_space<vmem_shared>> -> memref<128x32xf32, #tpu.memory_space<vmem_shared>>
        tpu.wait_dma2 semaphore(%run_scoped3A : memref<!tpu.dma_semaphore, #tpu.memory_space<semaphore_mem>>) src(%dma_wait3A_125 : memref<128x32xf32, #tpu.memory_space<vmem_shared>>) dst(%arg10 : memref<128x32xf32, #tpu.memory_space<vmem>>)
        tpu.yield
      }) : () -> ()
      %mul3A_98 = arith.constant 640 : i32
      %mul3A_99 = arith.muli %arg1, %mul3A_98 : i32
      %add3A_100 = arith.constant 256 : i32
      %add3A_101 = arith.addi %mul3A_99, %add3A_100 : i32
      "tpu.region"() ({
        %run_scoped3A = tpu.sem_alloc : memref<!tpu.dma_semaphore, #tpu.memory_space<semaphore_mem>>
        %dma_start3A_118 = arith.constant 0 : i32
        %dma_start3A_119 = tpu.memref_slice %arg7[%add3A_101, %dma_start3A_118] : memref<10240x32xf32, #tpu.memory_space<hbm>> -> memref<128x32xf32, #tpu.memory_space<hbm>>
        %dma_start3A_120 = arith.constant 0 : i32
        %dma_start3A_121 = tpu.memref_slice %arg7[%add3A_101, %dma_start3A_120] : memref<10240x32xf32, #tpu.memory_space<hbm>> -> memref<128x32xf32, #tpu.memory_space<hbm>>
        tpu.enqueue_dma source(%arg10 : memref<128x32xf32, #tpu.memory_space<vmem>>) target(%dma_start3A_121 : memref<128x32xf32, #tpu.memory_space<hbm>>) target_semaphore(%run_scoped3A : memref<!tpu.dma_semaphore, #tpu.memory_space<semaphore_mem>>)
        %dma_wait3A_122 = arith.constant 0 : i32
        %dma_wait3A_123 = tpu.memref_slice %arg7[%add3A_101, %dma_wait3A_122] : memref<10240x32xf32, #tpu.memory_space<hbm>> -> memref<128x32xf32, #tpu.memory_space<hbm>>
        %dma_wait3A_124 = arith.constant 0 : i32
        %dma_wait3A_125 = tpu.memref_slice %arg7[%add3A_101, %dma_wait3A_124] : memref<10240x32xf32, #tpu.memory_space<hbm>> -> memref<128x32xf32, #tpu.memory_space<hbm>>
        tpu.wait_dma2 semaphore(%run_scoped3A : memref<!tpu.dma_semaphore, #tpu.memory_space<semaphore_mem>>) src(%arg10 : memref<128x32xf32, #tpu.memory_space<vmem>>) dst(%dma_wait3A_125 : memref<128x32xf32, #tpu.memory_space<hbm>>)
        tpu.yield
      }) : () -> ()
      %mul3A_102 = arith.constant 640 : i32
      %mul3A_103 = arith.muli %arg1, %mul3A_102 : i32
      %add3A_104 = arith.constant 384 : i32
      %add3A_105 = arith.addi %mul3A_103, %add3A_104 : i32
      "tpu.region"() ({
        %run_scoped3A = tpu.sem_alloc : memref<!tpu.dma_semaphore, #tpu.memory_space<semaphore_mem>>
        %dma_start3A_118 = arith.constant 0 : i32
        %dma_start3A_119 = tpu.memref_slice %arg14[%add3A_105, %dma_start3A_118] : memref<10240x32xf32, #tpu.memory_space<vmem_shared>> -> memref<128x32xf32, #tpu.memory_space<vmem_shared>>
        %dma_start3A_120 = arith.constant 0 : i32
        %dma_start3A_121 = tpu.memref_slice %arg14[%add3A_105, %dma_start3A_120] : memref<10240x32xf32, #tpu.memory_space<vmem_shared>> -> memref<128x32xf32, #tpu.memory_space<vmem_shared>>
        tpu.enqueue_dma source(%dma_start3A_121 : memref<128x32xf32, #tpu.memory_space<vmem_shared>>) target(%arg10 : memref<128x32xf32, #tpu.memory_space<vmem>>) target_semaphore(%run_scoped3A : memref<!tpu.dma_semaphore, #tpu.memory_space<semaphore_mem>>)
        %dma_wait3A_122 = arith.constant 0 : i32
        %dma_wait3A_123 = tpu.memref_slice %arg14[%add3A_105, %dma_wait3A_122] : memref<10240x32xf32, #tpu.memory_space<vmem_shared>> -> memref<128x32xf32, #tpu.memory_space<vmem_shared>>
        %dma_wait3A_124 = arith.constant 0 : i32
        %dma_wait3A_125 = tpu.memref_slice %arg14[%add3A_105, %dma_wait3A_124] : memref<10240x32xf32, #tpu.memory_space<vmem_shared>> -> memref<128x32xf32, #tpu.memory_space<vmem_shared>>
        tpu.wait_dma2 semaphore(%run_scoped3A : memref<!tpu.dma_semaphore, #tpu.memory_space<semaphore_mem>>) src(%dma_wait3A_125 : memref<128x32xf32, #tpu.memory_space<vmem_shared>>) dst(%arg10 : memref<128x32xf32, #tpu.memory_space<vmem>>)
        tpu.yield
      }) : () -> ()
      %mul3A_106 = arith.constant 640 : i32
      %mul3A_107 = arith.muli %arg1, %mul3A_106 : i32
      %add3A_108 = arith.constant 384 : i32
      %add3A_109 = arith.addi %mul3A_107, %add3A_108 : i32
      "tpu.region"() ({
        %run_scoped3A = tpu.sem_alloc : memref<!tpu.dma_semaphore, #tpu.memory_space<semaphore_mem>>
        %dma_start3A_118 = arith.constant 0 : i32
        %dma_start3A_119 = tpu.memref_slice %arg7[%add3A_109, %dma_start3A_118] : memref<10240x32xf32, #tpu.memory_space<hbm>> -> memref<128x32xf32, #tpu.memory_space<hbm>>
        %dma_start3A_120 = arith.constant 0 : i32
        %dma_start3A_121 = tpu.memref_slice %arg7[%add3A_109, %dma_start3A_120] : memref<10240x32xf32, #tpu.memory_space<hbm>> -> memref<128x32xf32, #tpu.memory_space<hbm>>
        tpu.enqueue_dma source(%arg10 : memref<128x32xf32, #tpu.memory_space<vmem>>) target(%dma_start3A_121 : memref<128x32xf32, #tpu.memory_space<hbm>>) target_semaphore(%run_scoped3A : memref<!tpu.dma_semaphore, #tpu.memory_space<semaphore_mem>>)
        %dma_wait3A_122 = arith.constant 0 : i32
        %dma_wait3A_123 = tpu.memref_slice %arg7[%add3A_109, %dma_wait3A_122] : memref<10240x32xf32, #tpu.memory_space<hbm>> -> memref<128x32xf32, #tpu.memory_space<hbm>>
        %dma_wait3A_124 = arith.constant 0 : i32
        %dma_wait3A_125 = tpu.memref_slice %arg7[%add3A_109, %dma_wait3A_124] : memref<10240x32xf32, #tpu.memory_space<hbm>> -> memref<128x32xf32, #tpu.memory_space<hbm>>
        tpu.wait_dma2 semaphore(%run_scoped3A : memref<!tpu.dma_semaphore, #tpu.memory_space<semaphore_mem>>) src(%arg10 : memref<128x32xf32, #tpu.memory_space<vmem>>) dst(%dma_wait3A_125 : memref<128x32xf32, #tpu.memory_space<hbm>>)
        tpu.yield
      }) : () -> ()
      %mul3A_110 = arith.constant 640 : i32
      %mul3A_111 = arith.muli %arg1, %mul3A_110 : i32
      %add3A_112 = arith.constant 512 : i32
      %add3A_113 = arith.addi %mul3A_111, %add3A_112 : i32
      "tpu.region"() ({
        %run_scoped3A = tpu.sem_alloc : memref<!tpu.dma_semaphore, #tpu.memory_space<semaphore_mem>>
        %dma_start3A_118 = arith.constant 0 : i32
        %dma_start3A_119 = tpu.memref_slice %arg14[%add3A_113, %dma_start3A_118] : memref<10240x32xf32, #tpu.memory_space<vmem_shared>> -> memref<128x32xf32, #tpu.memory_space<vmem_shared>>
        %dma_start3A_120 = arith.constant 0 : i32
        %dma_start3A_121 = tpu.memref_slice %arg14[%add3A_113, %dma_start3A_120] : memref<10240x32xf32, #tpu.memory_space<vmem_shared>> -> memref<128x32xf32, #tpu.memory_space<vmem_shared>>
        tpu.enqueue_dma source(%dma_start3A_121 : memref<128x32xf32, #tpu.memory_space<vmem_shared>>) target(%arg10 : memref<128x32xf32, #tpu.memory_space<vmem>>) target_semaphore(%run_scoped3A : memref<!tpu.dma_semaphore, #tpu.memory_space<semaphore_mem>>)
        %dma_wait3A_122 = arith.constant 0 : i32
        %dma_wait3A_123 = tpu.memref_slice %arg14[%add3A_113, %dma_wait3A_122] : memref<10240x32xf32, #tpu.memory_space<vmem_shared>> -> memref<128x32xf32, #tpu.memory_space<vmem_shared>>
        %dma_wait3A_124 = arith.constant 0 : i32
        %dma_wait3A_125 = tpu.memref_slice %arg14[%add3A_113, %dma_wait3A_124] : memref<10240x32xf32, #tpu.memory_space<vmem_shared>> -> memref<128x32xf32, #tpu.memory_space<vmem_shared>>
        tpu.wait_dma2 semaphore(%run_scoped3A : memref<!tpu.dma_semaphore, #tpu.memory_space<semaphore_mem>>) src(%dma_wait3A_125 : memref<128x32xf32, #tpu.memory_space<vmem_shared>>) dst(%arg10 : memref<128x32xf32, #tpu.memory_space<vmem>>)
        tpu.yield
      }) : () -> ()
      %mul3A_114 = arith.constant 640 : i32
      %mul3A_115 = arith.muli %arg1, %mul3A_114 : i32
      %add3A_116 = arith.constant 512 : i32
      %add3A_117 = arith.addi %mul3A_115, %add3A_116 : i32
      "tpu.region"() ({
        %run_scoped3A = tpu.sem_alloc : memref<!tpu.dma_semaphore, #tpu.memory_space<semaphore_mem>>
        %dma_start3A_118 = arith.constant 0 : i32
        %dma_start3A_119 = tpu.memref_slice %arg7[%add3A_117, %dma_start3A_118] : memref<10240x32xf32, #tpu.memory_space<hbm>> -> memref<128x32xf32, #tpu.memory_space<hbm>>
        %dma_start3A_120 = arith.constant 0 : i32
        %dma_start3A_121 = tpu.memref_slice %arg7[%add3A_117, %dma_start3A_120] : memref<10240x32xf32, #tpu.memory_space<hbm>> -> memref<128x32xf32, #tpu.memory_space<hbm>>
        tpu.enqueue_dma source(%arg10 : memref<128x32xf32, #tpu.memory_space<vmem>>) target(%dma_start3A_121 : memref<128x32xf32, #tpu.memory_space<hbm>>) target_semaphore(%run_scoped3A : memref<!tpu.dma_semaphore, #tpu.memory_space<semaphore_mem>>)
        %dma_wait3A_122 = arith.constant 0 : i32
        %dma_wait3A_123 = tpu.memref_slice %arg7[%add3A_117, %dma_wait3A_122] : memref<10240x32xf32, #tpu.memory_space<hbm>> -> memref<128x32xf32, #tpu.memory_space<hbm>>
        %dma_wait3A_124 = arith.constant 0 : i32
        %dma_wait3A_125 = tpu.memref_slice %arg7[%add3A_117, %dma_wait3A_124] : memref<10240x32xf32, #tpu.memory_space<hbm>> -> memref<128x32xf32, #tpu.memory_space<hbm>>
        tpu.wait_dma2 semaphore(%run_scoped3A : memref<!tpu.dma_semaphore, #tpu.memory_space<semaphore_mem>>) src(%arg10 : memref<128x32xf32, #tpu.memory_space<vmem>>) dst(%dma_wait3A_125 : memref<128x32xf32, #tpu.memory_space<hbm>>)
        tpu.yield
      }) : () -> ()
    } else {
    }
    return
  }
}

#map = affine_map<(d0, d1) -> (0, 0)>
#map1 = affine_map<(d0, d1) -> (0, 0, 0)>
module attributes {stable_mosaic.version = 14 : i64} {
  func.func @_agg_body(%arg0: i32, %arg1: i32, %arg2: memref<10240x64xf32, #tpu.memory_space<hbm>>, %arg3: memref<10240x64xf32, #tpu.memory_space<hbm>>, %arg4: memref<16x160x128xi32, #tpu.memory_space<hbm>>, %arg5: memref<16x160x128xi32, #tpu.memory_space<hbm>>, %arg6: memref<10240x64xf32, #tpu.memory_space<hbm>>, %arg7: memref<10240x64xf32, #tpu.memory_space<hbm>>, %arg8: memref<160x128xi32, #tpu.memory_space<vmem>>, %arg9: memref<160x128xi32, #tpu.memory_space<vmem>>, %arg10: memref<128x64xf32, #tpu.memory_space<vmem>>, %arg11: memref<128x64xf32, #tpu.memory_space<vmem>>, %arg12: memref<128x64xf32, #tpu.memory_space<vmem>>, %arg13: memref<128x64xf32, #tpu.memory_space<vmem>>, %arg14: memref<10240x64xf32, #tpu.memory_space<vmem_shared>>, %arg15: memref<!tpu.dma_semaphore, #tpu.memory_space<semaphore_mem>>, %arg16: memref<!tpu.dma_semaphore, #tpu.memory_space<semaphore_mem>>, %arg17: memref<!tpu.dma_semaphore, #tpu.memory_space<semaphore_mem>>, %arg18: memref<!tpu.dma_semaphore, #tpu.memory_space<semaphore_mem>>, %arg19: memref<!tpu.dma_semaphore, #tpu.memory_space<semaphore_mem>>, %arg20: memref<!tpu.dma_semaphore, #tpu.memory_space<semaphore_mem>>, %arg21: memref<!tpu.dma_semaphore, #tpu.memory_space<semaphore_mem>>, %arg22: memref<!tpu.dma_semaphore, #tpu.memory_space<semaphore_mem>>) attributes {dimension_semantics = [#tpu.dimension_semantics<core_parallel>, #tpu.dimension_semantics<subcore_parallel>], iteration_bounds = array<i64: 2, 16>, scalar_prefetch = 0 : i64, scratch_operands = 15 : i64, tpu.core_type = #tpu.core_type<sc_vector_subcore>, window_params = [{transform_indices = #map}, {transform_indices = #map}, {transform_indices = #map1}, {transform_indices = #map1}, {transform_indices = #map}, {transform_indices = #map}]} {
    "tpu.region"() ({
      %run_scoped3A = tpu.sem_alloc : memref<!tpu.dma_semaphore, #tpu.memory_space<semaphore_mem>>
      %dma_start3A = arith.constant 0 : i32
      %dma_start3A_7 = arith.constant 0 : i32
      %dma_start3A_8 = tpu.memref_slice %arg4[%arg1, %dma_start3A, %dma_start3A_7] : memref<16x160x128xi32, #tpu.memory_space<hbm>> -> memref<1x160x128xi32, #tpu.memory_space<hbm>>
      %dma_start3A_9 = tpu.memref_squeeze %dma_start3A_8 : memref<1x160x128xi32, #tpu.memory_space<hbm>> -> memref<160x128xi32, #tpu.memory_space<hbm>>
      %dma_start3A_10 = arith.constant 0 : i32
      %dma_start3A_11 = arith.constant 0 : i32
      %dma_start3A_12 = tpu.memref_slice %arg4[%arg1, %dma_start3A_10, %dma_start3A_11] : memref<16x160x128xi32, #tpu.memory_space<hbm>> -> memref<1x160x128xi32, #tpu.memory_space<hbm>>
      %dma_start3A_13 = tpu.memref_squeeze %dma_start3A_12 : memref<1x160x128xi32, #tpu.memory_space<hbm>> -> memref<160x128xi32, #tpu.memory_space<hbm>>
      tpu.enqueue_dma source(%dma_start3A_13 : memref<160x128xi32, #tpu.memory_space<hbm>>) target(%arg8 : memref<160x128xi32, #tpu.memory_space<vmem>>) target_semaphore(%run_scoped3A : memref<!tpu.dma_semaphore, #tpu.memory_space<semaphore_mem>>)
      %dma_wait3A = arith.constant 0 : i32
      %dma_wait3A_14 = arith.constant 0 : i32
      %dma_wait3A_15 = tpu.memref_slice %arg4[%arg1, %dma_wait3A, %dma_wait3A_14] : memref<16x160x128xi32, #tpu.memory_space<hbm>> -> memref<1x160x128xi32, #tpu.memory_space<hbm>>
      %dma_wait3A_16 = tpu.memref_squeeze %dma_wait3A_15 : memref<1x160x128xi32, #tpu.memory_space<hbm>> -> memref<160x128xi32, #tpu.memory_space<hbm>>
      %dma_wait3A_17 = arith.constant 0 : i32
      %dma_wait3A_18 = arith.constant 0 : i32
      %dma_wait3A_19 = tpu.memref_slice %arg4[%arg1, %dma_wait3A_17, %dma_wait3A_18] : memref<16x160x128xi32, #tpu.memory_space<hbm>> -> memref<1x160x128xi32, #tpu.memory_space<hbm>>
      %dma_wait3A_20 = tpu.memref_squeeze %dma_wait3A_19 : memref<1x160x128xi32, #tpu.memory_space<hbm>> -> memref<160x128xi32, #tpu.memory_space<hbm>>
      tpu.wait_dma2 semaphore(%run_scoped3A : memref<!tpu.dma_semaphore, #tpu.memory_space<semaphore_mem>>) src(%dma_wait3A_20 : memref<160x128xi32, #tpu.memory_space<hbm>>) dst(%arg8 : memref<160x128xi32, #tpu.memory_space<vmem>>)
      tpu.yield
    }) : () -> ()
    %eq3A = arith.constant 0 : i32
    %eq3A_0 = arith.cmpi eq, %arg0, %eq3A : i32
    %convert_element_type3A = arith.extui %eq3A_0 : i1 to i32
    %cond3A = arith.constant 0 : i32
    %cond3A_1 = arith.cmpi ne, %convert_element_type3A, %cond3A : i32
    scf.if %cond3A_1 {
      "tpu.region"() ({
        %run_scoped3A = tpu.sem_alloc : memref<!tpu.dma_semaphore, #tpu.memory_space<semaphore_mem>>
        %dma_start3A_118 = arith.constant 0 : i32
        %dma_start3A_119 = arith.constant 0 : i32
        %dma_start3A_120 = tpu.memref_slice %arg5[%arg1, %dma_start3A_118, %dma_start3A_119] : memref<16x160x128xi32, #tpu.memory_space<hbm>> -> memref<1x160x128xi32, #tpu.memory_space<hbm>>
        %dma_start3A_121 = tpu.memref_squeeze %dma_start3A_120 : memref<1x160x128xi32, #tpu.memory_space<hbm>> -> memref<160x128xi32, #tpu.memory_space<hbm>>
        %dma_start3A_122 = arith.constant 0 : i32
        %dma_start3A_123 = arith.constant 0 : i32
        %dma_start3A_124 = tpu.memref_slice %arg5[%arg1, %dma_start3A_122, %dma_start3A_123] : memref<16x160x128xi32, #tpu.memory_space<hbm>> -> memref<1x160x128xi32, #tpu.memory_space<hbm>>
        %dma_start3A_125 = tpu.memref_squeeze %dma_start3A_124 : memref<1x160x128xi32, #tpu.memory_space<hbm>> -> memref<160x128xi32, #tpu.memory_space<hbm>>
        tpu.enqueue_dma source(%dma_start3A_125 : memref<160x128xi32, #tpu.memory_space<hbm>>) target(%arg9 : memref<160x128xi32, #tpu.memory_space<vmem>>) target_semaphore(%run_scoped3A : memref<!tpu.dma_semaphore, #tpu.memory_space<semaphore_mem>>)
        %dma_wait3A_126 = arith.constant 0 : i32
        %dma_wait3A_127 = arith.constant 0 : i32
        %dma_wait3A_128 = tpu.memref_slice %arg5[%arg1, %dma_wait3A_126, %dma_wait3A_127] : memref<16x160x128xi32, #tpu.memory_space<hbm>> -> memref<1x160x128xi32, #tpu.memory_space<hbm>>
        %dma_wait3A_129 = tpu.memref_squeeze %dma_wait3A_128 : memref<1x160x128xi32, #tpu.memory_space<hbm>> -> memref<160x128xi32, #tpu.memory_space<hbm>>
        %dma_wait3A_130 = arith.constant 0 : i32
        %dma_wait3A_131 = arith.constant 0 : i32
        %dma_wait3A_132 = tpu.memref_slice %arg5[%arg1, %dma_wait3A_130, %dma_wait3A_131] : memref<16x160x128xi32, #tpu.memory_space<hbm>> -> memref<1x160x128xi32, #tpu.memory_space<hbm>>
        %dma_wait3A_133 = tpu.memref_squeeze %dma_wait3A_132 : memref<1x160x128xi32, #tpu.memory_space<hbm>> -> memref<160x128xi32, #tpu.memory_space<hbm>>
        tpu.wait_dma2 semaphore(%run_scoped3A : memref<!tpu.dma_semaphore, #tpu.memory_space<semaphore_mem>>) src(%dma_wait3A_133 : memref<160x128xi32, #tpu.memory_space<hbm>>) dst(%arg9 : memref<160x128xi32, #tpu.memory_space<vmem>>)
        tpu.yield
      }) : () -> ()
      %broadcast_in_dim3A = arith.constant 0.000000e+00 : f32
      %broadcast_in_dim3A_7 = vector.broadcast %broadcast_in_dim3A : f32 to vector<16xf32>
      %scan3A = arith.constant 0 : i32
      %scan3A_8 = arith.constant 0 : i32
      %scan3A_9 = arith.constant 128 : i32
      %scan3A_10 = arith.addi %scan3A_8, %scan3A_9 : i32
      %scan3A_11 = arith.constant 1 : i32
      %scan3A_12 = scf.for %scan3A_118 = %scan3A_8 to %scan3A_10 step %scan3A_11 iter_args(%scan3A_119 = %scan3A) -> (i32)  : i32 {
        %swap3A = arith.index_cast %scan3A_118 : i32 to index
        %swap3A_120 = arith.constant 0 : index
        %swap3A_121 = tpu.vector_load %arg10[%swap3A, %swap3A_120] {strides = array<i32>} : memref<128x64xf32, #tpu.memory_space<vmem>>, vector<16xf32>,
        tpu.vector_store %arg10[%swap3A, %swap3A_120], %broadcast_in_dim3A_7 {strides = array<i32>} : memref<128x64xf32, #tpu.memory_space<vmem>>, vector<16xf32>,
        %swap3A_122 = arith.index_cast %scan3A_118 : i32 to index
        %swap3A_123 = arith.constant 16 : index
        %swap3A_124 = tpu.vector_load %arg10[%swap3A_122, %swap3A_123] {strides = array<i32>} : memref<128x64xf32, #tpu.memory_space<vmem>>, vector<16xf32>,
        tpu.vector_store %arg10[%swap3A_122, %swap3A_123], %broadcast_in_dim3A_7 {strides = array<i32>} : memref<128x64xf32, #tpu.memory_space<vmem>>, vector<16xf32>,
        %swap3A_125 = arith.index_cast %scan3A_118 : i32 to index
        %swap3A_126 = arith.constant 32 : index
        %swap3A_127 = tpu.vector_load %arg10[%swap3A_125, %swap3A_126] {strides = array<i32>} : memref<128x64xf32, #tpu.memory_space<vmem>>, vector<16xf32>,
        tpu.vector_store %arg10[%swap3A_125, %swap3A_126], %broadcast_in_dim3A_7 {strides = array<i32>} : memref<128x64xf32, #tpu.memory_space<vmem>>, vector<16xf32>,
        %swap3A_128 = arith.index_cast %scan3A_118 : i32 to index
        %swap3A_129 = arith.constant 48 : index
        %swap3A_130 = tpu.vector_load %arg10[%swap3A_128, %swap3A_129] {strides = array<i32>} : memref<128x64xf32, #tpu.memory_space<vmem>>, vector<16xf32>,
        tpu.vector_store %arg10[%swap3A_128, %swap3A_129], %broadcast_in_dim3A_7 {strides = array<i32>} : memref<128x64xf32, #tpu.memory_space<vmem>>, vector<16xf32>,
        %scan3A_131 = arith.constant 0 : i32
        scf.yield %scan3A_131 : i32
      }
      %scan3A_13 = arith.constant 128 : i32
      %mul3A = arith.constant 640 : i32
      %mul3A_14 = arith.muli %arg1, %mul3A : i32
      %add3A = arith.constant 0 : i32
      %add3A_15 = arith.addi %mul3A_14, %add3A : i32
      "tpu.region"() ({
        %run_scoped3A = tpu.sem_alloc : memref<!tpu.dma_semaphore, #tpu.memory_space<semaphore_mem>>
        %dma_start3A_118 = arith.constant 0 : i32
        %dma_start3A_119 = tpu.memref_slice %arg14[%add3A_15, %dma_start3A_118] : memref<10240x64xf32, #tpu.memory_space<vmem_shared>> -> memref<128x64xf32, #tpu.memory_space<vmem_shared>>
        %dma_start3A_120 = arith.constant 0 : i32
        %dma_start3A_121 = tpu.memref_slice %arg14[%add3A_15, %dma_start3A_120] : memref<10240x64xf32, #tpu.memory_space<vmem_shared>> -> memref<128x64xf32, #tpu.memory_space<vmem_shared>>
        tpu.enqueue_dma source(%arg10 : memref<128x64xf32, #tpu.memory_space<vmem>>) target(%dma_start3A_121 : memref<128x64xf32, #tpu.memory_space<vmem_shared>>) target_semaphore(%run_scoped3A : memref<!tpu.dma_semaphore, #tpu.memory_space<semaphore_mem>>)
        %dma_wait3A_122 = arith.constant 0 : i32
        %dma_wait3A_123 = tpu.memref_slice %arg14[%add3A_15, %dma_wait3A_122] : memref<10240x64xf32, #tpu.memory_space<vmem_shared>> -> memref<128x64xf32, #tpu.memory_space<vmem_shared>>
        %dma_wait3A_124 = arith.constant 0 : i32
        %dma_wait3A_125 = tpu.memref_slice %arg14[%add3A_15, %dma_wait3A_124] : memref<10240x64xf32, #tpu.memory_space<vmem_shared>> -> memref<128x64xf32, #tpu.memory_space<vmem_shared>>
        tpu.wait_dma2 semaphore(%run_scoped3A : memref<!tpu.dma_semaphore, #tpu.memory_space<semaphore_mem>>) src(%arg10 : memref<128x64xf32, #tpu.memory_space<vmem>>) dst(%dma_wait3A_125 : memref<128x64xf32, #tpu.memory_space<vmem_shared>>)
        tpu.yield
      }) : () -> ()
      %mul3A_16 = arith.constant 640 : i32
      %mul3A_17 = arith.muli %arg1, %mul3A_16 : i32
      %add3A_18 = arith.constant 128 : i32
      %add3A_19 = arith.addi %mul3A_17, %add3A_18 : i32
      "tpu.region"() ({
        %run_scoped3A = tpu.sem_alloc : memref<!tpu.dma_semaphore, #tpu.memory_space<semaphore_mem>>
        %dma_start3A_118 = arith.constant 0 : i32
        %dma_start3A_119 = tpu.memref_slice %arg14[%add3A_19, %dma_start3A_118] : memref<10240x64xf32, #tpu.memory_space<vmem_shared>> -> memref<128x64xf32, #tpu.memory_space<vmem_shared>>
        %dma_start3A_120 = arith.constant 0 : i32
        %dma_start3A_121 = tpu.memref_slice %arg14[%add3A_19, %dma_start3A_120] : memref<10240x64xf32, #tpu.memory_space<vmem_shared>> -> memref<128x64xf32, #tpu.memory_space<vmem_shared>>
        tpu.enqueue_dma source(%arg10 : memref<128x64xf32, #tpu.memory_space<vmem>>) target(%dma_start3A_121 : memref<128x64xf32, #tpu.memory_space<vmem_shared>>) target_semaphore(%run_scoped3A : memref<!tpu.dma_semaphore, #tpu.memory_space<semaphore_mem>>)
        %dma_wait3A_122 = arith.constant 0 : i32
        %dma_wait3A_123 = tpu.memref_slice %arg14[%add3A_19, %dma_wait3A_122] : memref<10240x64xf32, #tpu.memory_space<vmem_shared>> -> memref<128x64xf32, #tpu.memory_space<vmem_shared>>
        %dma_wait3A_124 = arith.constant 0 : i32
        %dma_wait3A_125 = tpu.memref_slice %arg14[%add3A_19, %dma_wait3A_124] : memref<10240x64xf32, #tpu.memory_space<vmem_shared>> -> memref<128x64xf32, #tpu.memory_space<vmem_shared>>
        tpu.wait_dma2 semaphore(%run_scoped3A : memref<!tpu.dma_semaphore, #tpu.memory_space<semaphore_mem>>) src(%arg10 : memref<128x64xf32, #tpu.memory_space<vmem>>) dst(%dma_wait3A_125 : memref<128x64xf32, #tpu.memory_space<vmem_shared>>)
        tpu.yield
      }) : () -> ()
      %mul3A_20 = arith.constant 640 : i32
      %mul3A_21 = arith.muli %arg1, %mul3A_20 : i32
      %add3A_22 = arith.constant 256 : i32
      %add3A_23 = arith.addi %mul3A_21, %add3A_22 : i32
      "tpu.region"() ({
        %run_scoped3A = tpu.sem_alloc : memref<!tpu.dma_semaphore, #tpu.memory_space<semaphore_mem>>
        %dma_start3A_118 = arith.constant 0 : i32
        %dma_start3A_119 = tpu.memref_slice %arg14[%add3A_23, %dma_start3A_118] : memref<10240x64xf32, #tpu.memory_space<vmem_shared>> -> memref<128x64xf32, #tpu.memory_space<vmem_shared>>
        %dma_start3A_120 = arith.constant 0 : i32
        %dma_start3A_121 = tpu.memref_slice %arg14[%add3A_23, %dma_start3A_120] : memref<10240x64xf32, #tpu.memory_space<vmem_shared>> -> memref<128x64xf32, #tpu.memory_space<vmem_shared>>
        tpu.enqueue_dma source(%arg10 : memref<128x64xf32, #tpu.memory_space<vmem>>) target(%dma_start3A_121 : memref<128x64xf32, #tpu.memory_space<vmem_shared>>) target_semaphore(%run_scoped3A : memref<!tpu.dma_semaphore, #tpu.memory_space<semaphore_mem>>)
        %dma_wait3A_122 = arith.constant 0 : i32
        %dma_wait3A_123 = tpu.memref_slice %arg14[%add3A_23, %dma_wait3A_122] : memref<10240x64xf32, #tpu.memory_space<vmem_shared>> -> memref<128x64xf32, #tpu.memory_space<vmem_shared>>
        %dma_wait3A_124 = arith.constant 0 : i32
        %dma_wait3A_125 = tpu.memref_slice %arg14[%add3A_23, %dma_wait3A_124] : memref<10240x64xf32, #tpu.memory_space<vmem_shared>> -> memref<128x64xf32, #tpu.memory_space<vmem_shared>>
        tpu.wait_dma2 semaphore(%run_scoped3A : memref<!tpu.dma_semaphore, #tpu.memory_space<semaphore_mem>>) src(%arg10 : memref<128x64xf32, #tpu.memory_space<vmem>>) dst(%dma_wait3A_125 : memref<128x64xf32, #tpu.memory_space<vmem_shared>>)
        tpu.yield
      }) : () -> ()
      %mul3A_24 = arith.constant 640 : i32
      %mul3A_25 = arith.muli %arg1, %mul3A_24 : i32
      %add3A_26 = arith.constant 384 : i32
      %add3A_27 = arith.addi %mul3A_25, %add3A_26 : i32
      "tpu.region"() ({
        %run_scoped3A = tpu.sem_alloc : memref<!tpu.dma_semaphore, #tpu.memory_space<semaphore_mem>>
        %dma_start3A_118 = arith.constant 0 : i32
        %dma_start3A_119 = tpu.memref_slice %arg14[%add3A_27, %dma_start3A_118] : memref<10240x64xf32, #tpu.memory_space<vmem_shared>> -> memref<128x64xf32, #tpu.memory_space<vmem_shared>>
        %dma_start3A_120 = arith.constant 0 : i32
        %dma_start3A_121 = tpu.memref_slice %arg14[%add3A_27, %dma_start3A_120] : memref<10240x64xf32, #tpu.memory_space<vmem_shared>> -> memref<128x64xf32, #tpu.memory_space<vmem_shared>>
        tpu.enqueue_dma source(%arg10 : memref<128x64xf32, #tpu.memory_space<vmem>>) target(%dma_start3A_121 : memref<128x64xf32, #tpu.memory_space<vmem_shared>>) target_semaphore(%run_scoped3A : memref<!tpu.dma_semaphore, #tpu.memory_space<semaphore_mem>>)
        %dma_wait3A_122 = arith.constant 0 : i32
        %dma_wait3A_123 = tpu.memref_slice %arg14[%add3A_27, %dma_wait3A_122] : memref<10240x64xf32, #tpu.memory_space<vmem_shared>> -> memref<128x64xf32, #tpu.memory_space<vmem_shared>>
        %dma_wait3A_124 = arith.constant 0 : i32
        %dma_wait3A_125 = tpu.memref_slice %arg14[%add3A_27, %dma_wait3A_124] : memref<10240x64xf32, #tpu.memory_space<vmem_shared>> -> memref<128x64xf32, #tpu.memory_space<vmem_shared>>
        tpu.wait_dma2 semaphore(%run_scoped3A : memref<!tpu.dma_semaphore, #tpu.memory_space<semaphore_mem>>) src(%arg10 : memref<128x64xf32, #tpu.memory_space<vmem>>) dst(%dma_wait3A_125 : memref<128x64xf32, #tpu.memory_space<vmem_shared>>)
        tpu.yield
      }) : () -> ()
      %mul3A_28 = arith.constant 640 : i32
      %mul3A_29 = arith.muli %arg1, %mul3A_28 : i32
      %add3A_30 = arith.constant 512 : i32
      %add3A_31 = arith.addi %mul3A_29, %add3A_30 : i32
      "tpu.region"() ({
        %run_scoped3A = tpu.sem_alloc : memref<!tpu.dma_semaphore, #tpu.memory_space<semaphore_mem>>
        %dma_start3A_118 = arith.constant 0 : i32
        %dma_start3A_119 = tpu.memref_slice %arg14[%add3A_31, %dma_start3A_118] : memref<10240x64xf32, #tpu.memory_space<vmem_shared>> -> memref<128x64xf32, #tpu.memory_space<vmem_shared>>
        %dma_start3A_120 = arith.constant 0 : i32
        %dma_start3A_121 = tpu.memref_slice %arg14[%add3A_31, %dma_start3A_120] : memref<10240x64xf32, #tpu.memory_space<vmem_shared>> -> memref<128x64xf32, #tpu.memory_space<vmem_shared>>
        tpu.enqueue_dma source(%arg10 : memref<128x64xf32, #tpu.memory_space<vmem>>) target(%dma_start3A_121 : memref<128x64xf32, #tpu.memory_space<vmem_shared>>) target_semaphore(%run_scoped3A : memref<!tpu.dma_semaphore, #tpu.memory_space<semaphore_mem>>)
        %dma_wait3A_122 = arith.constant 0 : i32
        %dma_wait3A_123 = tpu.memref_slice %arg14[%add3A_31, %dma_wait3A_122] : memref<10240x64xf32, #tpu.memory_space<vmem_shared>> -> memref<128x64xf32, #tpu.memory_space<vmem_shared>>
        %dma_wait3A_124 = arith.constant 0 : i32
        %dma_wait3A_125 = tpu.memref_slice %arg14[%add3A_31, %dma_wait3A_124] : memref<10240x64xf32, #tpu.memory_space<vmem_shared>> -> memref<128x64xf32, #tpu.memory_space<vmem_shared>>
        tpu.wait_dma2 semaphore(%run_scoped3A : memref<!tpu.dma_semaphore, #tpu.memory_space<semaphore_mem>>) src(%arg10 : memref<128x64xf32, #tpu.memory_space<vmem>>) dst(%dma_wait3A_125 : memref<128x64xf32, #tpu.memory_space<vmem_shared>>)
        tpu.yield
      }) : () -> ()
      %barrier3A = arith.constant 0 : index
      tpu.barrier barrier_id(%barrier3A)
      %dma_start3A = arith.constant 0 : i32
      %dma_start3A_32 = arith.constant 0 : i32
      %dma_start3A_33 = arith.constant 0 : i32
      %dma_start3A_34 = tpu.memref_slice %arg10[%dma_start3A_32, %dma_start3A_33] : memref<128x64xf32, #tpu.memory_space<vmem>> -> memref<128x64xf32, #tpu.memory_space<vmem>>
      %dma_start3A_35 = arith.constant 0 : i32
      %dma_start3A_36 = tpu.memref_slice %arg8[%dma_start3A, %dma_start3A_35] : memref<160x128xi32, #tpu.memory_space<vmem>> -> memref<1x128xi32, #tpu.memory_space<vmem>>
      %dma_start3A_37 = tpu.memref_squeeze %dma_start3A_36 : memref<1x128xi32, #tpu.memory_space<vmem>> -> memref<128xi32, #tpu.memory_space<vmem>>
      %dma_start3A_38 = arith.constant 0 : i32
      %dma_start3A_39 = arith.constant 0 : i32
      %dma_start3A_40 = tpu.memref_slice %arg2[%dma_start3A_38, %dma_start3A_39] : memref<10240x64xf32, #tpu.memory_space<hbm>> -> memref<10240x64xf32, #tpu.memory_space<hbm>>
      tpu.enqueue_indirect_dma source(%dma_start3A_40 : memref<10240x64xf32, #tpu.memory_space<hbm>>) target(%dma_start3A_34 : memref<128x64xf32, #tpu.memory_space<vmem>>) offsets(%dma_start3A_37 : memref<128xi32, #tpu.memory_space<vmem>>) semaphore(%arg15 : memref<!tpu.dma_semaphore, #tpu.memory_space<semaphore_mem>>)
      %dma_start3A_41 = arith.constant 1 : i32
      %dma_start3A_42 = arith.constant 0 : i32
      %dma_start3A_43 = arith.constant 0 : i32
      %dma_start3A_44 = tpu.memref_slice %arg11[%dma_start3A_42, %dma_start3A_43] : memref<128x64xf32, #tpu.memory_space<vmem>> -> memref<128x64xf32, #tpu.memory_space<vmem>>
      %dma_start3A_45 = arith.constant 0 : i32
      %dma_start3A_46 = tpu.memref_slice %arg8[%dma_start3A_41, %dma_start3A_45] : memref<160x128xi32, #tpu.memory_space<vmem>> -> memref<1x128xi32, #tpu.memory_space<vmem>>
      %dma_start3A_47 = tpu.memref_squeeze %dma_start3A_46 : memref<1x128xi32, #tpu.memory_space<vmem>> -> memref<128xi32, #tpu.memory_space<vmem>>
      %dma_start3A_48 = arith.constant 0 : i32
      %dma_start3A_49 = arith.constant 0 : i32
      %dma_start3A_50 = tpu.memref_slice %arg2[%dma_start3A_48, %dma_start3A_49] : memref<10240x64xf32, #tpu.memory_space<hbm>> -> memref<10240x64xf32, #tpu.memory_space<hbm>>
      tpu.enqueue_indirect_dma source(%dma_start3A_50 : memref<10240x64xf32, #tpu.memory_space<hbm>>) target(%dma_start3A_44 : memref<128x64xf32, #tpu.memory_space<vmem>>) offsets(%dma_start3A_47 : memref<128xi32, #tpu.memory_space<vmem>>) semaphore(%arg16 : memref<!tpu.dma_semaphore, #tpu.memory_space<semaphore_mem>>)
      %scan3A_51 = arith.constant 0 : i32
      %scan3A_52 = arith.constant 0 : i32
      %scan3A_53 = arith.constant 40 : i32
      %scan3A_54 = arith.addi %scan3A_52, %scan3A_53 : i32
      %scan3A_55 = arith.constant 1 : i32
      %scan3A_56 = scf.for %scan3A_118 = %scan3A_52 to %scan3A_54 step %scan3A_55 iter_args(%scan3A_119 = %scan3A_51) -> (i32)  : i32 {
        %mul3A_120 = arith.constant 4 : i32
        %mul3A_121 = arith.muli %mul3A_120, %scan3A_118 : i32
        %add3A_122 = arith.constant 0 : i32
        %add3A_123 = arith.addi %mul3A_121, %add3A_122 : i32
        %ge3A = arith.constant 2 : i32
        %ge3A_124 = arith.cmpi sge, %add3A_123, %ge3A : i32
        %convert_element_type3A_125 = arith.extui %ge3A_124 : i1 to i32
        %cond3A_126 = arith.constant 0 : i32
        %cond3A_127 = arith.cmpi ne, %convert_element_type3A_125, %cond3A_126 : i32
        scf.if %cond3A_127 {
          %dma_wait3A_275 = arith.constant 0 : i32
          %dma_wait3A_276 = arith.constant 0 : i32
          %dma_wait3A_277 = arith.constant 0 : i32
          %dma_wait3A_278 = tpu.memref_slice %arg12[%dma_wait3A_276, %dma_wait3A_277] : memref<128x64xf32, #tpu.memory_space<vmem>> -> memref<128x64xf32, #tpu.memory_space<vmem>>
          %dma_wait3A_279 = arith.constant 0 : i32
          %dma_wait3A_280 = tpu.memref_slice %arg9[%dma_wait3A_275, %dma_wait3A_279] : memref<160x128xi32, #tpu.memory_space<vmem>> -> memref<1x128xi32, #tpu.memory_space<vmem>>
          %dma_wait3A_281 = tpu.memref_squeeze %dma_wait3A_280 : memref<1x128xi32, #tpu.memory_space<vmem>> -> memref<128xi32, #tpu.memory_space<vmem>>
          %dma_wait3A_282 = arith.constant 0 : i32
          %dma_wait3A_283 = arith.constant 0 : i32
          %dma_wait3A_284 = tpu.memref_slice %arg14[%dma_wait3A_282, %dma_wait3A_283] : memref<10240x64xf32, #tpu.memory_space<vmem_shared>> -> memref<10240x64xf32, #tpu.memory_space<vmem_shared>>
          tpu.wait_indirect_dma semaphore(%arg21 : memref<!tpu.dma_semaphore, #tpu.memory_space<semaphore_mem>>) src(%dma_wait3A_278 : memref<128x64xf32, #tpu.memory_space<vmem>>) dst(%dma_wait3A_284 : memref<10240x64xf32, #tpu.memory_space<vmem_shared>>)
        } else {
        }
        %add3A_128 = arith.constant 2 : i32
        %add3A_129 = arith.addi %add3A_123, %add3A_128 : i32
        %lt3A = arith.constant 160 : i32
        %lt3A_130 = arith.cmpi slt, %add3A_129, %lt3A : i32
        %convert_element_type3A_131 = arith.extui %lt3A_130 : i1 to i32
        %cond3A_132 = arith.constant 0 : i32
        %cond3A_133 = arith.cmpi ne, %convert_element_type3A_131, %cond3A_132 : i32
        scf.if %cond3A_133 {
          %add3A_275 = arith.constant 2 : i32
          %add3A_276 = arith.addi %add3A_123, %add3A_275 : i32
          %mul3A_277 = arith.constant 1 : i32
          %mul3A_278 = arith.muli %add3A_276, %mul3A_277 : i32
          %add3A_279 = arith.constant 0 : i32
          %add3A_280 = arith.addi %mul3A_278, %add3A_279 : i32
          %dma_start3A_281 = arith.constant 0 : i32
          %dma_start3A_282 = arith.constant 0 : i32
          %dma_start3A_283 = tpu.memref_slice %arg12[%dma_start3A_281, %dma_start3A_282] : memref<128x64xf32, #tpu.memory_space<vmem>> -> memref<128x64xf32, #tpu.memory_space<vmem>>
          %dma_start3A_284 = arith.constant 0 : i32
          %dma_start3A_285 = tpu.memref_slice %arg8[%add3A_280, %dma_start3A_284] : memref<160x128xi32, #tpu.memory_space<vmem>> -> memref<1x128xi32, #tpu.memory_space<vmem>>
          %dma_start3A_286 = tpu.memref_squeeze %dma_start3A_285 : memref<1x128xi32, #tpu.memory_space<vmem>> -> memref<128xi32, #tpu.memory_space<vmem>>
          %dma_start3A_287 = arith.constant 0 : i32
          %dma_start3A_288 = arith.constant 0 : i32
          %dma_start3A_289 = tpu.memref_slice %arg2[%dma_start3A_287, %dma_start3A_288] : memref<10240x64xf32, #tpu.memory_space<hbm>> -> memref<10240x64xf32, #tpu.memory_space<hbm>>
          tpu.enqueue_indirect_dma source(%dma_start3A_289 : memref<10240x64xf32, #tpu.memory_space<hbm>>) target(%dma_start3A_283 : memref<128x64xf32, #tpu.memory_space<vmem>>) offsets(%dma_start3A_286 : memref<128xi32, #tpu.memory_space<vmem>>) semaphore(%arg17 : memref<!tpu.dma_semaphore, #tpu.memory_space<semaphore_mem>>)
        } else {
        }
        %dma_wait3A_134 = arith.constant 0 : i32
        %dma_wait3A_135 = arith.constant 0 : i32
        %dma_wait3A_136 = arith.constant 0 : i32
        %dma_wait3A_137 = tpu.memref_slice %arg10[%dma_wait3A_135, %dma_wait3A_136] : memref<128x64xf32, #tpu.memory_space<vmem>> -> memref<128x64xf32, #tpu.memory_space<vmem>>
        %dma_wait3A_138 = arith.constant 0 : i32
        %dma_wait3A_139 = tpu.memref_slice %arg8[%dma_wait3A_134, %dma_wait3A_138] : memref<160x128xi32, #tpu.memory_space<vmem>> -> memref<1x128xi32, #tpu.memory_space<vmem>>
        %dma_wait3A_140 = tpu.memref_squeeze %dma_wait3A_139 : memref<1x128xi32, #tpu.memory_space<vmem>> -> memref<128xi32, #tpu.memory_space<vmem>>
        %dma_wait3A_141 = arith.constant 0 : i32
        %dma_wait3A_142 = arith.constant 0 : i32
        %dma_wait3A_143 = tpu.memref_slice %arg2[%dma_wait3A_141, %dma_wait3A_142] : memref<10240x64xf32, #tpu.memory_space<hbm>> -> memref<10240x64xf32, #tpu.memory_space<hbm>>
        tpu.wait_indirect_dma semaphore(%arg15 : memref<!tpu.dma_semaphore, #tpu.memory_space<semaphore_mem>>) src(%dma_wait3A_143 : memref<10240x64xf32, #tpu.memory_space<hbm>>) dst(%dma_wait3A_137 : memref<128x64xf32, #tpu.memory_space<vmem>>)
        %mul3A_144 = arith.constant 1 : i32
        %mul3A_145 = arith.muli %add3A_123, %mul3A_144 : i32
        %add3A_146 = arith.constant 0 : i32
        %add3A_147 = arith.addi %mul3A_145, %add3A_146 : i32
        %dma_start3A_148 = arith.constant 0 : i32
        %dma_start3A_149 = arith.constant 0 : i32
        %dma_start3A_150 = tpu.memref_slice %arg10[%dma_start3A_148, %dma_start3A_149] : memref<128x64xf32, #tpu.memory_space<vmem>> -> memref<128x64xf32, #tpu.memory_space<vmem>>
        %dma_start3A_151 = arith.constant 0 : i32
        %dma_start3A_152 = tpu.memref_slice %arg9[%add3A_147, %dma_start3A_151] : memref<160x128xi32, #tpu.memory_space<vmem>> -> memref<1x128xi32, #tpu.memory_space<vmem>>
        %dma_start3A_153 = tpu.memref_squeeze %dma_start3A_152 : memref<1x128xi32, #tpu.memory_space<vmem>> -> memref<128xi32, #tpu.memory_space<vmem>>
        %dma_start3A_154 = arith.constant 0 : i32
        %dma_start3A_155 = arith.constant 0 : i32
        %dma_start3A_156 = tpu.memref_slice %arg14[%dma_start3A_154, %dma_start3A_155] : memref<10240x64xf32, #tpu.memory_space<vmem_shared>> -> memref<10240x64xf32, #tpu.memory_space<vmem_shared>>
        tpu.enqueue_indirect_dma source(%dma_start3A_150 : memref<128x64xf32, #tpu.memory_space<vmem>>) target(%dma_start3A_156 : memref<10240x64xf32, #tpu.memory_space<vmem_shared>>) offsets(%dma_start3A_153 : memref<128xi32, #tpu.memory_space<vmem>>) semaphore(%arg19 : memref<!tpu.dma_semaphore, #tpu.memory_space<semaphore_mem>>) {add = true}
        %mul3A_157 = arith.constant 4 : i32
        %mul3A_158 = arith.muli %mul3A_157, %scan3A_118 : i32
        %add3A_159 = arith.constant 1 : i32
        %add3A_160 = arith.addi %mul3A_158, %add3A_159 : i32
        %ge3A_161 = arith.constant 2 : i32
        %ge3A_162 = arith.cmpi sge, %add3A_160, %ge3A_161 : i32
        %convert_element_type3A_163 = arith.extui %ge3A_162 : i1 to i32
        %cond3A_164 = arith.constant 0 : i32
        %cond3A_165 = arith.cmpi ne, %convert_element_type3A_163, %cond3A_164 : i32
        scf.if %cond3A_165 {
          %dma_wait3A_275 = arith.constant 0 : i32
          %dma_wait3A_276 = arith.constant 0 : i32
          %dma_wait3A_277 = arith.constant 0 : i32
          %dma_wait3A_278 = tpu.memref_slice %arg13[%dma_wait3A_276, %dma_wait3A_277] : memref<128x64xf32, #tpu.memory_space<vmem>> -> memref<128x64xf32, #tpu.memory_space<vmem>>
          %dma_wait3A_279 = arith.constant 0 : i32
          %dma_wait3A_280 = tpu.memref_slice %arg9[%dma_wait3A_275, %dma_wait3A_279] : memref<160x128xi32, #tpu.memory_space<vmem>> -> memref<1x128xi32, #tpu.memory_space<vmem>>
          %dma_wait3A_281 = tpu.memref_squeeze %dma_wait3A_280 : memref<1x128xi32, #tpu.memory_space<vmem>> -> memref<128xi32, #tpu.memory_space<vmem>>
          %dma_wait3A_282 = arith.constant 0 : i32
          %dma_wait3A_283 = arith.constant 0 : i32
          %dma_wait3A_284 = tpu.memref_slice %arg14[%dma_wait3A_282, %dma_wait3A_283] : memref<10240x64xf32, #tpu.memory_space<vmem_shared>> -> memref<10240x64xf32, #tpu.memory_space<vmem_shared>>
          tpu.wait_indirect_dma semaphore(%arg22 : memref<!tpu.dma_semaphore, #tpu.memory_space<semaphore_mem>>) src(%dma_wait3A_278 : memref<128x64xf32, #tpu.memory_space<vmem>>) dst(%dma_wait3A_284 : memref<10240x64xf32, #tpu.memory_space<vmem_shared>>)
        } else {
        }
        %add3A_166 = arith.constant 2 : i32
        %add3A_167 = arith.addi %add3A_160, %add3A_166 : i32
        %lt3A_168 = arith.constant 160 : i32
        %lt3A_169 = arith.cmpi slt, %add3A_167, %lt3A_168 : i32
        %convert_element_type3A_170 = arith.extui %lt3A_169 : i1 to i32
        %cond3A_171 = arith.constant 0 : i32
        %cond3A_172 = arith.cmpi ne, %convert_element_type3A_170, %cond3A_171 : i32
        scf.if %cond3A_172 {
          %add3A_275 = arith.constant 2 : i32
          %add3A_276 = arith.addi %add3A_160, %add3A_275 : i32
          %mul3A_277 = arith.constant 1 : i32
          %mul3A_278 = arith.muli %add3A_276, %mul3A_277 : i32
          %add3A_279 = arith.constant 0 : i32
          %add3A_280 = arith.addi %mul3A_278, %add3A_279 : i32
          %dma_start3A_281 = arith.constant 0 : i32
          %dma_start3A_282 = arith.constant 0 : i32
          %dma_start3A_283 = tpu.memref_slice %arg13[%dma_start3A_281, %dma_start3A_282] : memref<128x64xf32, #tpu.memory_space<vmem>> -> memref<128x64xf32, #tpu.memory_space<vmem>>
          %dma_start3A_284 = arith.constant 0 : i32
          %dma_start3A_285 = tpu.memref_slice %arg8[%add3A_280, %dma_start3A_284] : memref<160x128xi32, #tpu.memory_space<vmem>> -> memref<1x128xi32, #tpu.memory_space<vmem>>
          %dma_start3A_286 = tpu.memref_squeeze %dma_start3A_285 : memref<1x128xi32, #tpu.memory_space<vmem>> -> memref<128xi32, #tpu.memory_space<vmem>>
          %dma_start3A_287 = arith.constant 0 : i32
          %dma_start3A_288 = arith.constant 0 : i32
          %dma_start3A_289 = tpu.memref_slice %arg2[%dma_start3A_287, %dma_start3A_288] : memref<10240x64xf32, #tpu.memory_space<hbm>> -> memref<10240x64xf32, #tpu.memory_space<hbm>>
          tpu.enqueue_indirect_dma source(%dma_start3A_289 : memref<10240x64xf32, #tpu.memory_space<hbm>>) target(%dma_start3A_283 : memref<128x64xf32, #tpu.memory_space<vmem>>) offsets(%dma_start3A_286 : memref<128xi32, #tpu.memory_space<vmem>>) semaphore(%arg18 : memref<!tpu.dma_semaphore, #tpu.memory_space<semaphore_mem>>)
        } else {
        }
        %dma_wait3A_173 = arith.constant 0 : i32
        %dma_wait3A_174 = arith.constant 0 : i32
        %dma_wait3A_175 = arith.constant 0 : i32
        %dma_wait3A_176 = tpu.memref_slice %arg11[%dma_wait3A_174, %dma_wait3A_175] : memref<128x64xf32, #tpu.memory_space<vmem>> -> memref<128x64xf32, #tpu.memory_space<vmem>>
        %dma_wait3A_177 = arith.constant 0 : i32
        %dma_wait3A_178 = tpu.memref_slice %arg8[%dma_wait3A_173, %dma_wait3A_177] : memref<160x128xi32, #tpu.memory_space<vmem>> -> memref<1x128xi32, #tpu.memory_space<vmem>>
        %dma_wait3A_179 = tpu.memref_squeeze %dma_wait3A_178 : memref<1x128xi32, #tpu.memory_space<vmem>> -> memref<128xi32, #tpu.memory_space<vmem>>
        %dma_wait3A_180 = arith.constant 0 : i32
        %dma_wait3A_181 = arith.constant 0 : i32
        %dma_wait3A_182 = tpu.memref_slice %arg2[%dma_wait3A_180, %dma_wait3A_181] : memref<10240x64xf32, #tpu.memory_space<hbm>> -> memref<10240x64xf32, #tpu.memory_space<hbm>>
        tpu.wait_indirect_dma semaphore(%arg16 : memref<!tpu.dma_semaphore, #tpu.memory_space<semaphore_mem>>) src(%dma_wait3A_182 : memref<10240x64xf32, #tpu.memory_space<hbm>>) dst(%dma_wait3A_176 : memref<128x64xf32, #tpu.memory_space<vmem>>)
        %mul3A_183 = arith.constant 1 : i32
        %mul3A_184 = arith.muli %add3A_160, %mul3A_183 : i32
        %add3A_185 = arith.constant 0 : i32
        %add3A_186 = arith.addi %mul3A_184, %add3A_185 : i32
        %dma_start3A_187 = arith.constant 0 : i32
        %dma_start3A_188 = arith.constant 0 : i32
        %dma_start3A_189 = tpu.memref_slice %arg11[%dma_start3A_187, %dma_start3A_188] : memref<128x64xf32, #tpu.memory_space<vmem>> -> memref<128x64xf32, #tpu.memory_space<vmem>>
        %dma_start3A_190 = arith.constant 0 : i32
        %dma_start3A_191 = tpu.memref_slice %arg9[%add3A_186, %dma_start3A_190] : memref<160x128xi32, #tpu.memory_space<vmem>> -> memref<1x128xi32, #tpu.memory_space<vmem>>
        %dma_start3A_192 = tpu.memref_squeeze %dma_start3A_191 : memref<1x128xi32, #tpu.memory_space<vmem>> -> memref<128xi32, #tpu.memory_space<vmem>>
        %dma_start3A_193 = arith.constant 0 : i32
        %dma_start3A_194 = arith.constant 0 : i32
        %dma_start3A_195 = tpu.memref_slice %arg14[%dma_start3A_193, %dma_start3A_194] : memref<10240x64xf32, #tpu.memory_space<vmem_shared>> -> memref<10240x64xf32, #tpu.memory_space<vmem_shared>>
        tpu.enqueue_indirect_dma source(%dma_start3A_189 : memref<128x64xf32, #tpu.memory_space<vmem>>) target(%dma_start3A_195 : memref<10240x64xf32, #tpu.memory_space<vmem_shared>>) offsets(%dma_start3A_192 : memref<128xi32, #tpu.memory_space<vmem>>) semaphore(%arg20 : memref<!tpu.dma_semaphore, #tpu.memory_space<semaphore_mem>>) {add = true}
        %mul3A_196 = arith.constant 4 : i32
        %mul3A_197 = arith.muli %mul3A_196, %scan3A_118 : i32
        %add3A_198 = arith.constant 2 : i32
        %add3A_199 = arith.addi %mul3A_197, %add3A_198 : i32
        %ge3A_200 = arith.constant 2 : i32
        %ge3A_201 = arith.cmpi sge, %add3A_199, %ge3A_200 : i32
        %convert_element_type3A_202 = arith.extui %ge3A_201 : i1 to i32
        %cond3A_203 = arith.constant 0 : i32
        %cond3A_204 = arith.cmpi ne, %convert_element_type3A_202, %cond3A_203 : i32
        scf.if %cond3A_204 {
          %dma_wait3A_275 = arith.constant 0 : i32
          %dma_wait3A_276 = arith.constant 0 : i32
          %dma_wait3A_277 = arith.constant 0 : i32
          %dma_wait3A_278 = tpu.memref_slice %arg10[%dma_wait3A_276, %dma_wait3A_277] : memref<128x64xf32, #tpu.memory_space<vmem>> -> memref<128x64xf32, #tpu.memory_space<vmem>>
          %dma_wait3A_279 = arith.constant 0 : i32
          %dma_wait3A_280 = tpu.memref_slice %arg9[%dma_wait3A_275, %dma_wait3A_279] : memref<160x128xi32, #tpu.memory_space<vmem>> -> memref<1x128xi32, #tpu.memory_space<vmem>>
          %dma_wait3A_281 = tpu.memref_squeeze %dma_wait3A_280 : memref<1x128xi32, #tpu.memory_space<vmem>> -> memref<128xi32, #tpu.memory_space<vmem>>
          %dma_wait3A_282 = arith.constant 0 : i32
          %dma_wait3A_283 = arith.constant 0 : i32
          %dma_wait3A_284 = tpu.memref_slice %arg14[%dma_wait3A_282, %dma_wait3A_283] : memref<10240x64xf32, #tpu.memory_space<vmem_shared>> -> memref<10240x64xf32, #tpu.memory_space<vmem_shared>>
          tpu.wait_indirect_dma semaphore(%arg19 : memref<!tpu.dma_semaphore, #tpu.memory_space<semaphore_mem>>) src(%dma_wait3A_278 : memref<128x64xf32, #tpu.memory_space<vmem>>) dst(%dma_wait3A_284 : memref<10240x64xf32, #tpu.memory_space<vmem_shared>>)
        } else {
        }
        %add3A_205 = arith.constant 2 : i32
        %add3A_206 = arith.addi %add3A_199, %add3A_205 : i32
        %lt3A_207 = arith.constant 160 : i32
        %lt3A_208 = arith.cmpi slt, %add3A_206, %lt3A_207 : i32
        %convert_element_type3A_209 = arith.extui %lt3A_208 : i1 to i32
        %cond3A_210 = arith.constant 0 : i32
        %cond3A_211 = arith.cmpi ne, %convert_element_type3A_209, %cond3A_210 : i32
        scf.if %cond3A_211 {
          %add3A_275 = arith.constant 2 : i32
          %add3A_276 = arith.addi %add3A_199, %add3A_275 : i32
          %mul3A_277 = arith.constant 1 : i32
          %mul3A_278 = arith.muli %add3A_276, %mul3A_277 : i32
          %add3A_279 = arith.constant 0 : i32
          %add3A_280 = arith.addi %mul3A_278, %add3A_279 : i32
          %dma_start3A_281 = arith.constant 0 : i32
          %dma_start3A_282 = arith.constant 0 : i32
          %dma_start3A_283 = tpu.memref_slice %arg10[%dma_start3A_281, %dma_start3A_282] : memref<128x64xf32, #tpu.memory_space<vmem>> -> memref<128x64xf32, #tpu.memory_space<vmem>>
          %dma_start3A_284 = arith.constant 0 : i32
          %dma_start3A_285 = tpu.memref_slice %arg8[%add3A_280, %dma_start3A_284] : memref<160x128xi32, #tpu.memory_space<vmem>> -> memref<1x128xi32, #tpu.memory_space<vmem>>
          %dma_start3A_286 = tpu.memref_squeeze %dma_start3A_285 : memref<1x128xi32, #tpu.memory_space<vmem>> -> memref<128xi32, #tpu.memory_space<vmem>>
          %dma_start3A_287 = arith.constant 0 : i32
          %dma_start3A_288 = arith.constant 0 : i32
          %dma_start3A_289 = tpu.memref_slice %arg2[%dma_start3A_287, %dma_start3A_288] : memref<10240x64xf32, #tpu.memory_space<hbm>> -> memref<10240x64xf32, #tpu.memory_space<hbm>>
          tpu.enqueue_indirect_dma source(%dma_start3A_289 : memref<10240x64xf32, #tpu.memory_space<hbm>>) target(%dma_start3A_283 : memref<128x64xf32, #tpu.memory_space<vmem>>) offsets(%dma_start3A_286 : memref<128xi32, #tpu.memory_space<vmem>>) semaphore(%arg15 : memref<!tpu.dma_semaphore, #tpu.memory_space<semaphore_mem>>)
        } else {
        }
        %dma_wait3A_212 = arith.constant 0 : i32
        %dma_wait3A_213 = arith.constant 0 : i32
        %dma_wait3A_214 = arith.constant 0 : i32
        %dma_wait3A_215 = tpu.memref_slice %arg12[%dma_wait3A_213, %dma_wait3A_214] : memref<128x64xf32, #tpu.memory_space<vmem>> -> memref<128x64xf32, #tpu.memory_space<vmem>>
        %dma_wait3A_216 = arith.constant 0 : i32
        %dma_wait3A_217 = tpu.memref_slice %arg8[%dma_wait3A_212, %dma_wait3A_216] : memref<160x128xi32, #tpu.memory_space<vmem>> -> memref<1x128xi32, #tpu.memory_space<vmem>>
        %dma_wait3A_218 = tpu.memref_squeeze %dma_wait3A_217 : memref<1x128xi32, #tpu.memory_space<vmem>> -> memref<128xi32, #tpu.memory_space<vmem>>
        %dma_wait3A_219 = arith.constant 0 : i32
        %dma_wait3A_220 = arith.constant 0 : i32
        %dma_wait3A_221 = tpu.memref_slice %arg2[%dma_wait3A_219, %dma_wait3A_220] : memref<10240x64xf32, #tpu.memory_space<hbm>> -> memref<10240x64xf32, #tpu.memory_space<hbm>>
        tpu.wait_indirect_dma semaphore(%arg17 : memref<!tpu.dma_semaphore, #tpu.memory_space<semaphore_mem>>) src(%dma_wait3A_221 : memref<10240x64xf32, #tpu.memory_space<hbm>>) dst(%dma_wait3A_215 : memref<128x64xf32, #tpu.memory_space<vmem>>)
        %mul3A_222 = arith.constant 1 : i32
        %mul3A_223 = arith.muli %add3A_199, %mul3A_222 : i32
        %add3A_224 = arith.constant 0 : i32
        %add3A_225 = arith.addi %mul3A_223, %add3A_224 : i32
        %dma_start3A_226 = arith.constant 0 : i32
        %dma_start3A_227 = arith.constant 0 : i32
        %dma_start3A_228 = tpu.memref_slice %arg12[%dma_start3A_226, %dma_start3A_227] : memref<128x64xf32, #tpu.memory_space<vmem>> -> memref<128x64xf32, #tpu.memory_space<vmem>>
        %dma_start3A_229 = arith.constant 0 : i32
        %dma_start3A_230 = tpu.memref_slice %arg9[%add3A_225, %dma_start3A_229] : memref<160x128xi32, #tpu.memory_space<vmem>> -> memref<1x128xi32, #tpu.memory_space<vmem>>
        %dma_start3A_231 = tpu.memref_squeeze %dma_start3A_230 : memref<1x128xi32, #tpu.memory_space<vmem>> -> memref<128xi32, #tpu.memory_space<vmem>>
        %dma_start3A_232 = arith.constant 0 : i32
        %dma_start3A_233 = arith.constant 0 : i32
        %dma_start3A_234 = tpu.memref_slice %arg14[%dma_start3A_232, %dma_start3A_233] : memref<10240x64xf32, #tpu.memory_space<vmem_shared>> -> memref<10240x64xf32, #tpu.memory_space<vmem_shared>>
        tpu.enqueue_indirect_dma source(%dma_start3A_228 : memref<128x64xf32, #tpu.memory_space<vmem>>) target(%dma_start3A_234 : memref<10240x64xf32, #tpu.memory_space<vmem_shared>>) offsets(%dma_start3A_231 : memref<128xi32, #tpu.memory_space<vmem>>) semaphore(%arg21 : memref<!tpu.dma_semaphore, #tpu.memory_space<semaphore_mem>>) {add = true}
        %mul3A_235 = arith.constant 4 : i32
        %mul3A_236 = arith.muli %mul3A_235, %scan3A_118 : i32
        %add3A_237 = arith.constant 3 : i32
        %add3A_238 = arith.addi %mul3A_236, %add3A_237 : i32
        %ge3A_239 = arith.constant 2 : i32
        %ge3A_240 = arith.cmpi sge, %add3A_238, %ge3A_239 : i32
        %convert_element_type3A_241 = arith.extui %ge3A_240 : i1 to i32
        %cond3A_242 = arith.constant 0 : i32
        %cond3A_243 = arith.cmpi ne, %convert_element_type3A_241, %cond3A_242 : i32
        scf.if %cond3A_243 {
          %dma_wait3A_275 = arith.constant 0 : i32
          %dma_wait3A_276 = arith.constant 0 : i32
          %dma_wait3A_277 = arith.constant 0 : i32
          %dma_wait3A_278 = tpu.memref_slice %arg11[%dma_wait3A_276, %dma_wait3A_277] : memref<128x64xf32, #tpu.memory_space<vmem>> -> memref<128x64xf32, #tpu.memory_space<vmem>>
          %dma_wait3A_279 = arith.constant 0 : i32
          %dma_wait3A_280 = tpu.memref_slice %arg9[%dma_wait3A_275, %dma_wait3A_279] : memref<160x128xi32, #tpu.memory_space<vmem>> -> memref<1x128xi32, #tpu.memory_space<vmem>>
          %dma_wait3A_281 = tpu.memref_squeeze %dma_wait3A_280 : memref<1x128xi32, #tpu.memory_space<vmem>> -> memref<128xi32, #tpu.memory_space<vmem>>
          %dma_wait3A_282 = arith.constant 0 : i32
          %dma_wait3A_283 = arith.constant 0 : i32
          %dma_wait3A_284 = tpu.memref_slice %arg14[%dma_wait3A_282, %dma_wait3A_283] : memref<10240x64xf32, #tpu.memory_space<vmem_shared>> -> memref<10240x64xf32, #tpu.memory_space<vmem_shared>>
          tpu.wait_indirect_dma semaphore(%arg20 : memref<!tpu.dma_semaphore, #tpu.memory_space<semaphore_mem>>) src(%dma_wait3A_278 : memref<128x64xf32, #tpu.memory_space<vmem>>) dst(%dma_wait3A_284 : memref<10240x64xf32, #tpu.memory_space<vmem_shared>>)
        } else {
        }
        %add3A_244 = arith.constant 2 : i32
        %add3A_245 = arith.addi %add3A_238, %add3A_244 : i32
        %lt3A_246 = arith.constant 160 : i32
        %lt3A_247 = arith.cmpi slt, %add3A_245, %lt3A_246 : i32
        %convert_element_type3A_248 = arith.extui %lt3A_247 : i1 to i32
        %cond3A_249 = arith.constant 0 : i32
        %cond3A_250 = arith.cmpi ne, %convert_element_type3A_248, %cond3A_249 : i32
        scf.if %cond3A_250 {
          %add3A_275 = arith.constant 2 : i32
          %add3A_276 = arith.addi %add3A_238, %add3A_275 : i32
          %mul3A_277 = arith.constant 1 : i32
          %mul3A_278 = arith.muli %add3A_276, %mul3A_277 : i32
          %add3A_279 = arith.constant 0 : i32
          %add3A_280 = arith.addi %mul3A_278, %add3A_279 : i32
          %dma_start3A_281 = arith.constant 0 : i32
          %dma_start3A_282 = arith.constant 0 : i32
          %dma_start3A_283 = tpu.memref_slice %arg11[%dma_start3A_281, %dma_start3A_282] : memref<128x64xf32, #tpu.memory_space<vmem>> -> memref<128x64xf32, #tpu.memory_space<vmem>>
          %dma_start3A_284 = arith.constant 0 : i32
          %dma_start3A_285 = tpu.memref_slice %arg8[%add3A_280, %dma_start3A_284] : memref<160x128xi32, #tpu.memory_space<vmem>> -> memref<1x128xi32, #tpu.memory_space<vmem>>
          %dma_start3A_286 = tpu.memref_squeeze %dma_start3A_285 : memref<1x128xi32, #tpu.memory_space<vmem>> -> memref<128xi32, #tpu.memory_space<vmem>>
          %dma_start3A_287 = arith.constant 0 : i32
          %dma_start3A_288 = arith.constant 0 : i32
          %dma_start3A_289 = tpu.memref_slice %arg2[%dma_start3A_287, %dma_start3A_288] : memref<10240x64xf32, #tpu.memory_space<hbm>> -> memref<10240x64xf32, #tpu.memory_space<hbm>>
          tpu.enqueue_indirect_dma source(%dma_start3A_289 : memref<10240x64xf32, #tpu.memory_space<hbm>>) target(%dma_start3A_283 : memref<128x64xf32, #tpu.memory_space<vmem>>) offsets(%dma_start3A_286 : memref<128xi32, #tpu.memory_space<vmem>>) semaphore(%arg16 : memref<!tpu.dma_semaphore, #tpu.memory_space<semaphore_mem>>)
        } else {
        }
        %dma_wait3A_251 = arith.constant 0 : i32
        %dma_wait3A_252 = arith.constant 0 : i32
        %dma_wait3A_253 = arith.constant 0 : i32
        %dma_wait3A_254 = tpu.memref_slice %arg13[%dma_wait3A_252, %dma_wait3A_253] : memref<128x64xf32, #tpu.memory_space<vmem>> -> memref<128x64xf32, #tpu.memory_space<vmem>>
        %dma_wait3A_255 = arith.constant 0 : i32
        %dma_wait3A_256 = tpu.memref_slice %arg8[%dma_wait3A_251, %dma_wait3A_255] : memref<160x128xi32, #tpu.memory_space<vmem>> -> memref<1x128xi32, #tpu.memory_space<vmem>>
        %dma_wait3A_257 = tpu.memref_squeeze %dma_wait3A_256 : memref<1x128xi32, #tpu.memory_space<vmem>> -> memref<128xi32, #tpu.memory_space<vmem>>
        %dma_wait3A_258 = arith.constant 0 : i32
        %dma_wait3A_259 = arith.constant 0 : i32
        %dma_wait3A_260 = tpu.memref_slice %arg2[%dma_wait3A_258, %dma_wait3A_259] : memref<10240x64xf32, #tpu.memory_space<hbm>> -> memref<10240x64xf32, #tpu.memory_space<hbm>>
        tpu.wait_indirect_dma semaphore(%arg18 : memref<!tpu.dma_semaphore, #tpu.memory_space<semaphore_mem>>) src(%dma_wait3A_260 : memref<10240x64xf32, #tpu.memory_space<hbm>>) dst(%dma_wait3A_254 : memref<128x64xf32, #tpu.memory_space<vmem>>)
        %mul3A_261 = arith.constant 1 : i32
        %mul3A_262 = arith.muli %add3A_238, %mul3A_261 : i32
        %add3A_263 = arith.constant 0 : i32
        %add3A_264 = arith.addi %mul3A_262, %add3A_263 : i32
        %dma_start3A_265 = arith.constant 0 : i32
        %dma_start3A_266 = arith.constant 0 : i32
        %dma_start3A_267 = tpu.memref_slice %arg13[%dma_start3A_265, %dma_start3A_266] : memref<128x64xf32, #tpu.memory_space<vmem>> -> memref<128x64xf32, #tpu.memory_space<vmem>>
        %dma_start3A_268 = arith.constant 0 : i32
        %dma_start3A_269 = tpu.memref_slice %arg9[%add3A_264, %dma_start3A_268] : memref<160x128xi32, #tpu.memory_space<vmem>> -> memref<1x128xi32, #tpu.memory_space<vmem>>
        %dma_start3A_270 = tpu.memref_squeeze %dma_start3A_269 : memref<1x128xi32, #tpu.memory_space<vmem>> -> memref<128xi32, #tpu.memory_space<vmem>>
        %dma_start3A_271 = arith.constant 0 : i32
        %dma_start3A_272 = arith.constant 0 : i32
        %dma_start3A_273 = tpu.memref_slice %arg14[%dma_start3A_271, %dma_start3A_272] : memref<10240x64xf32, #tpu.memory_space<vmem_shared>> -> memref<10240x64xf32, #tpu.memory_space<vmem_shared>>
        tpu.enqueue_indirect_dma source(%dma_start3A_267 : memref<128x64xf32, #tpu.memory_space<vmem>>) target(%dma_start3A_273 : memref<10240x64xf32, #tpu.memory_space<vmem_shared>>) offsets(%dma_start3A_270 : memref<128xi32, #tpu.memory_space<vmem>>) semaphore(%arg22 : memref<!tpu.dma_semaphore, #tpu.memory_space<semaphore_mem>>) {add = true}
        %scan3A_274 = arith.constant 0 : i32
        scf.yield %scan3A_274 : i32
      }
      %scan3A_57 = arith.constant 40 : i32
      %dma_wait3A = arith.constant 0 : i32
      %dma_wait3A_58 = arith.constant 0 : i32
      %dma_wait3A_59 = arith.constant 0 : i32
      %dma_wait3A_60 = tpu.memref_slice %arg12[%dma_wait3A_58, %dma_wait3A_59] : memref<128x64xf32, #tpu.memory_space<vmem>> -> memref<128x64xf32, #tpu.memory_space<vmem>>
      %dma_wait3A_61 = arith.constant 0 : i32
      %dma_wait3A_62 = tpu.memref_slice %arg9[%dma_wait3A, %dma_wait3A_61] : memref<160x128xi32, #tpu.memory_space<vmem>> -> memref<1x128xi32, #tpu.memory_space<vmem>>
      %dma_wait3A_63 = tpu.memref_squeeze %dma_wait3A_62 : memref<1x128xi32, #tpu.memory_space<vmem>> -> memref<128xi32, #tpu.memory_space<vmem>>
      %dma_wait3A_64 = arith.constant 0 : i32
      %dma_wait3A_65 = arith.constant 0 : i32
      %dma_wait3A_66 = tpu.memref_slice %arg14[%dma_wait3A_64, %dma_wait3A_65] : memref<10240x64xf32, #tpu.memory_space<vmem_shared>> -> memref<10240x64xf32, #tpu.memory_space<vmem_shared>>
      tpu.wait_indirect_dma semaphore(%arg21 : memref<!tpu.dma_semaphore, #tpu.memory_space<semaphore_mem>>) src(%dma_wait3A_60 : memref<128x64xf32, #tpu.memory_space<vmem>>) dst(%dma_wait3A_66 : memref<10240x64xf32, #tpu.memory_space<vmem_shared>>)
      %dma_wait3A_67 = arith.constant 0 : i32
      %dma_wait3A_68 = arith.constant 0 : i32
      %dma_wait3A_69 = arith.constant 0 : i32
      %dma_wait3A_70 = tpu.memref_slice %arg13[%dma_wait3A_68, %dma_wait3A_69] : memref<128x64xf32, #tpu.memory_space<vmem>> -> memref<128x64xf32, #tpu.memory_space<vmem>>
      %dma_wait3A_71 = arith.constant 0 : i32
      %dma_wait3A_72 = tpu.memref_slice %arg9[%dma_wait3A_67, %dma_wait3A_71] : memref<160x128xi32, #tpu.memory_space<vmem>> -> memref<1x128xi32, #tpu.memory_space<vmem>>
      %dma_wait3A_73 = tpu.memref_squeeze %dma_wait3A_72 : memref<1x128xi32, #tpu.memory_space<vmem>> -> memref<128xi32, #tpu.memory_space<vmem>>
      %dma_wait3A_74 = arith.constant 0 : i32
      %dma_wait3A_75 = arith.constant 0 : i32
      %dma_wait3A_76 = tpu.memref_slice %arg14[%dma_wait3A_74, %dma_wait3A_75] : memref<10240x64xf32, #tpu.memory_space<vmem_shared>> -> memref<10240x64xf32, #tpu.memory_space<vmem_shared>>
      tpu.wait_indirect_dma semaphore(%arg22 : memref<!tpu.dma_semaphore, #tpu.memory_space<semaphore_mem>>) src(%dma_wait3A_70 : memref<128x64xf32, #tpu.memory_space<vmem>>) dst(%dma_wait3A_76 : memref<10240x64xf32, #tpu.memory_space<vmem_shared>>)
      %barrier3A_77 = arith.constant 0 : index
      tpu.barrier barrier_id(%barrier3A_77)
      %mul3A_78 = arith.constant 640 : i32
      %mul3A_79 = arith.muli %arg1, %mul3A_78 : i32
      %add3A_80 = arith.constant 0 : i32
      %add3A_81 = arith.addi %mul3A_79, %add3A_80 : i32
      "tpu.region"() ({
        %run_scoped3A = tpu.sem_alloc : memref<!tpu.dma_semaphore, #tpu.memory_space<semaphore_mem>>
        %dma_start3A_118 = arith.constant 0 : i32
        %dma_start3A_119 = tpu.memref_slice %arg14[%add3A_81, %dma_start3A_118] : memref<10240x64xf32, #tpu.memory_space<vmem_shared>> -> memref<128x64xf32, #tpu.memory_space<vmem_shared>>
        %dma_start3A_120 = arith.constant 0 : i32
        %dma_start3A_121 = tpu.memref_slice %arg14[%add3A_81, %dma_start3A_120] : memref<10240x64xf32, #tpu.memory_space<vmem_shared>> -> memref<128x64xf32, #tpu.memory_space<vmem_shared>>
        tpu.enqueue_dma source(%dma_start3A_121 : memref<128x64xf32, #tpu.memory_space<vmem_shared>>) target(%arg10 : memref<128x64xf32, #tpu.memory_space<vmem>>) target_semaphore(%run_scoped3A : memref<!tpu.dma_semaphore, #tpu.memory_space<semaphore_mem>>)
        %dma_wait3A_122 = arith.constant 0 : i32
        %dma_wait3A_123 = tpu.memref_slice %arg14[%add3A_81, %dma_wait3A_122] : memref<10240x64xf32, #tpu.memory_space<vmem_shared>> -> memref<128x64xf32, #tpu.memory_space<vmem_shared>>
        %dma_wait3A_124 = arith.constant 0 : i32
        %dma_wait3A_125 = tpu.memref_slice %arg14[%add3A_81, %dma_wait3A_124] : memref<10240x64xf32, #tpu.memory_space<vmem_shared>> -> memref<128x64xf32, #tpu.memory_space<vmem_shared>>
        tpu.wait_dma2 semaphore(%run_scoped3A : memref<!tpu.dma_semaphore, #tpu.memory_space<semaphore_mem>>) src(%dma_wait3A_125 : memref<128x64xf32, #tpu.memory_space<vmem_shared>>) dst(%arg10 : memref<128x64xf32, #tpu.memory_space<vmem>>)
        tpu.yield
      }) : () -> ()
      %mul3A_82 = arith.constant 640 : i32
      %mul3A_83 = arith.muli %arg1, %mul3A_82 : i32
      %add3A_84 = arith.constant 0 : i32
      %add3A_85 = arith.addi %mul3A_83, %add3A_84 : i32
      "tpu.region"() ({
        %run_scoped3A = tpu.sem_alloc : memref<!tpu.dma_semaphore, #tpu.memory_space<semaphore_mem>>
        %dma_start3A_118 = arith.constant 0 : i32
        %dma_start3A_119 = tpu.memref_slice %arg6[%add3A_85, %dma_start3A_118] : memref<10240x64xf32, #tpu.memory_space<hbm>> -> memref<128x64xf32, #tpu.memory_space<hbm>>
        %dma_start3A_120 = arith.constant 0 : i32
        %dma_start3A_121 = tpu.memref_slice %arg6[%add3A_85, %dma_start3A_120] : memref<10240x64xf32, #tpu.memory_space<hbm>> -> memref<128x64xf32, #tpu.memory_space<hbm>>
        tpu.enqueue_dma source(%arg10 : memref<128x64xf32, #tpu.memory_space<vmem>>) target(%dma_start3A_121 : memref<128x64xf32, #tpu.memory_space<hbm>>) target_semaphore(%run_scoped3A : memref<!tpu.dma_semaphore, #tpu.memory_space<semaphore_mem>>)
        %dma_wait3A_122 = arith.constant 0 : i32
        %dma_wait3A_123 = tpu.memref_slice %arg6[%add3A_85, %dma_wait3A_122] : memref<10240x64xf32, #tpu.memory_space<hbm>> -> memref<128x64xf32, #tpu.memory_space<hbm>>
        %dma_wait3A_124 = arith.constant 0 : i32
        %dma_wait3A_125 = tpu.memref_slice %arg6[%add3A_85, %dma_wait3A_124] : memref<10240x64xf32, #tpu.memory_space<hbm>> -> memref<128x64xf32, #tpu.memory_space<hbm>>
        tpu.wait_dma2 semaphore(%run_scoped3A : memref<!tpu.dma_semaphore, #tpu.memory_space<semaphore_mem>>) src(%arg10 : memref<128x64xf32, #tpu.memory_space<vmem>>) dst(%dma_wait3A_125 : memref<128x64xf32, #tpu.memory_space<hbm>>)
        tpu.yield
      }) : () -> ()
      %mul3A_86 = arith.constant 640 : i32
      %mul3A_87 = arith.muli %arg1, %mul3A_86 : i32
      %add3A_88 = arith.constant 128 : i32
      %add3A_89 = arith.addi %mul3A_87, %add3A_88 : i32
      "tpu.region"() ({
        %run_scoped3A = tpu.sem_alloc : memref<!tpu.dma_semaphore, #tpu.memory_space<semaphore_mem>>
        %dma_start3A_118 = arith.constant 0 : i32
        %dma_start3A_119 = tpu.memref_slice %arg14[%add3A_89, %dma_start3A_118] : memref<10240x64xf32, #tpu.memory_space<vmem_shared>> -> memref<128x64xf32, #tpu.memory_space<vmem_shared>>
        %dma_start3A_120 = arith.constant 0 : i32
        %dma_start3A_121 = tpu.memref_slice %arg14[%add3A_89, %dma_start3A_120] : memref<10240x64xf32, #tpu.memory_space<vmem_shared>> -> memref<128x64xf32, #tpu.memory_space<vmem_shared>>
        tpu.enqueue_dma source(%dma_start3A_121 : memref<128x64xf32, #tpu.memory_space<vmem_shared>>) target(%arg10 : memref<128x64xf32, #tpu.memory_space<vmem>>) target_semaphore(%run_scoped3A : memref<!tpu.dma_semaphore, #tpu.memory_space<semaphore_mem>>)
        %dma_wait3A_122 = arith.constant 0 : i32
        %dma_wait3A_123 = tpu.memref_slice %arg14[%add3A_89, %dma_wait3A_122] : memref<10240x64xf32, #tpu.memory_space<vmem_shared>> -> memref<128x64xf32, #tpu.memory_space<vmem_shared>>
        %dma_wait3A_124 = arith.constant 0 : i32
        %dma_wait3A_125 = tpu.memref_slice %arg14[%add3A_89, %dma_wait3A_124] : memref<10240x64xf32, #tpu.memory_space<vmem_shared>> -> memref<128x64xf32, #tpu.memory_space<vmem_shared>>
        tpu.wait_dma2 semaphore(%run_scoped3A : memref<!tpu.dma_semaphore, #tpu.memory_space<semaphore_mem>>) src(%dma_wait3A_125 : memref<128x64xf32, #tpu.memory_space<vmem_shared>>) dst(%arg10 : memref<128x64xf32, #tpu.memory_space<vmem>>)
        tpu.yield
      }) : () -> ()
      %mul3A_90 = arith.constant 640 : i32
      %mul3A_91 = arith.muli %arg1, %mul3A_90 : i32
      %add3A_92 = arith.constant 128 : i32
      %add3A_93 = arith.addi %mul3A_91, %add3A_92 : i32
      "tpu.region"() ({
        %run_scoped3A = tpu.sem_alloc : memref<!tpu.dma_semaphore, #tpu.memory_space<semaphore_mem>>
        %dma_start3A_118 = arith.constant 0 : i32
        %dma_start3A_119 = tpu.memref_slice %arg6[%add3A_93, %dma_start3A_118] : memref<10240x64xf32, #tpu.memory_space<hbm>> -> memref<128x64xf32, #tpu.memory_space<hbm>>
        %dma_start3A_120 = arith.constant 0 : i32
        %dma_start3A_121 = tpu.memref_slice %arg6[%add3A_93, %dma_start3A_120] : memref<10240x64xf32, #tpu.memory_space<hbm>> -> memref<128x64xf32, #tpu.memory_space<hbm>>
        tpu.enqueue_dma source(%arg10 : memref<128x64xf32, #tpu.memory_space<vmem>>) target(%dma_start3A_121 : memref<128x64xf32, #tpu.memory_space<hbm>>) target_semaphore(%run_scoped3A : memref<!tpu.dma_semaphore, #tpu.memory_space<semaphore_mem>>)
        %dma_wait3A_122 = arith.constant 0 : i32
        %dma_wait3A_123 = tpu.memref_slice %arg6[%add3A_93, %dma_wait3A_122] : memref<10240x64xf32, #tpu.memory_space<hbm>> -> memref<128x64xf32, #tpu.memory_space<hbm>>
        %dma_wait3A_124 = arith.constant 0 : i32
        %dma_wait3A_125 = tpu.memref_slice %arg6[%add3A_93, %dma_wait3A_124] : memref<10240x64xf32, #tpu.memory_space<hbm>> -> memref<128x64xf32, #tpu.memory_space<hbm>>
        tpu.wait_dma2 semaphore(%run_scoped3A : memref<!tpu.dma_semaphore, #tpu.memory_space<semaphore_mem>>) src(%arg10 : memref<128x64xf32, #tpu.memory_space<vmem>>) dst(%dma_wait3A_125 : memref<128x64xf32, #tpu.memory_space<hbm>>)
        tpu.yield
      }) : () -> ()
      %mul3A_94 = arith.constant 640 : i32
      %mul3A_95 = arith.muli %arg1, %mul3A_94 : i32
      %add3A_96 = arith.constant 256 : i32
      %add3A_97 = arith.addi %mul3A_95, %add3A_96 : i32
      "tpu.region"() ({
        %run_scoped3A = tpu.sem_alloc : memref<!tpu.dma_semaphore, #tpu.memory_space<semaphore_mem>>
        %dma_start3A_118 = arith.constant 0 : i32
        %dma_start3A_119 = tpu.memref_slice %arg14[%add3A_97, %dma_start3A_118] : memref<10240x64xf32, #tpu.memory_space<vmem_shared>> -> memref<128x64xf32, #tpu.memory_space<vmem_shared>>
        %dma_start3A_120 = arith.constant 0 : i32
        %dma_start3A_121 = tpu.memref_slice %arg14[%add3A_97, %dma_start3A_120] : memref<10240x64xf32, #tpu.memory_space<vmem_shared>> -> memref<128x64xf32, #tpu.memory_space<vmem_shared>>
        tpu.enqueue_dma source(%dma_start3A_121 : memref<128x64xf32, #tpu.memory_space<vmem_shared>>) target(%arg10 : memref<128x64xf32, #tpu.memory_space<vmem>>) target_semaphore(%run_scoped3A : memref<!tpu.dma_semaphore, #tpu.memory_space<semaphore_mem>>)
        %dma_wait3A_122 = arith.constant 0 : i32
        %dma_wait3A_123 = tpu.memref_slice %arg14[%add3A_97, %dma_wait3A_122] : memref<10240x64xf32, #tpu.memory_space<vmem_shared>> -> memref<128x64xf32, #tpu.memory_space<vmem_shared>>
        %dma_wait3A_124 = arith.constant 0 : i32
        %dma_wait3A_125 = tpu.memref_slice %arg14[%add3A_97, %dma_wait3A_124] : memref<10240x64xf32, #tpu.memory_space<vmem_shared>> -> memref<128x64xf32, #tpu.memory_space<vmem_shared>>
        tpu.wait_dma2 semaphore(%run_scoped3A : memref<!tpu.dma_semaphore, #tpu.memory_space<semaphore_mem>>) src(%dma_wait3A_125 : memref<128x64xf32, #tpu.memory_space<vmem_shared>>) dst(%arg10 : memref<128x64xf32, #tpu.memory_space<vmem>>)
        tpu.yield
      }) : () -> ()
      %mul3A_98 = arith.constant 640 : i32
      %mul3A_99 = arith.muli %arg1, %mul3A_98 : i32
      %add3A_100 = arith.constant 256 : i32
      %add3A_101 = arith.addi %mul3A_99, %add3A_100 : i32
      "tpu.region"() ({
        %run_scoped3A = tpu.sem_alloc : memref<!tpu.dma_semaphore, #tpu.memory_space<semaphore_mem>>
        %dma_start3A_118 = arith.constant 0 : i32
        %dma_start3A_119 = tpu.memref_slice %arg6[%add3A_101, %dma_start3A_118] : memref<10240x64xf32, #tpu.memory_space<hbm>> -> memref<128x64xf32, #tpu.memory_space<hbm>>
        %dma_start3A_120 = arith.constant 0 : i32
        %dma_start3A_121 = tpu.memref_slice %arg6[%add3A_101, %dma_start3A_120] : memref<10240x64xf32, #tpu.memory_space<hbm>> -> memref<128x64xf32, #tpu.memory_space<hbm>>
        tpu.enqueue_dma source(%arg10 : memref<128x64xf32, #tpu.memory_space<vmem>>) target(%dma_start3A_121 : memref<128x64xf32, #tpu.memory_space<hbm>>) target_semaphore(%run_scoped3A : memref<!tpu.dma_semaphore, #tpu.memory_space<semaphore_mem>>)
        %dma_wait3A_122 = arith.constant 0 : i32
        %dma_wait3A_123 = tpu.memref_slice %arg6[%add3A_101, %dma_wait3A_122] : memref<10240x64xf32, #tpu.memory_space<hbm>> -> memref<128x64xf32, #tpu.memory_space<hbm>>
        %dma_wait3A_124 = arith.constant 0 : i32
        %dma_wait3A_125 = tpu.memref_slice %arg6[%add3A_101, %dma_wait3A_124] : memref<10240x64xf32, #tpu.memory_space<hbm>> -> memref<128x64xf32, #tpu.memory_space<hbm>>
        tpu.wait_dma2 semaphore(%run_scoped3A : memref<!tpu.dma_semaphore, #tpu.memory_space<semaphore_mem>>) src(%arg10 : memref<128x64xf32, #tpu.memory_space<vmem>>) dst(%dma_wait3A_125 : memref<128x64xf32, #tpu.memory_space<hbm>>)
        tpu.yield
      }) : () -> ()
      %mul3A_102 = arith.constant 640 : i32
      %mul3A_103 = arith.muli %arg1, %mul3A_102 : i32
      %add3A_104 = arith.constant 384 : i32
      %add3A_105 = arith.addi %mul3A_103, %add3A_104 : i32
      "tpu.region"() ({
        %run_scoped3A = tpu.sem_alloc : memref<!tpu.dma_semaphore, #tpu.memory_space<semaphore_mem>>
        %dma_start3A_118 = arith.constant 0 : i32
        %dma_start3A_119 = tpu.memref_slice %arg14[%add3A_105, %dma_start3A_118] : memref<10240x64xf32, #tpu.memory_space<vmem_shared>> -> memref<128x64xf32, #tpu.memory_space<vmem_shared>>
        %dma_start3A_120 = arith.constant 0 : i32
        %dma_start3A_121 = tpu.memref_slice %arg14[%add3A_105, %dma_start3A_120] : memref<10240x64xf32, #tpu.memory_space<vmem_shared>> -> memref<128x64xf32, #tpu.memory_space<vmem_shared>>
        tpu.enqueue_dma source(%dma_start3A_121 : memref<128x64xf32, #tpu.memory_space<vmem_shared>>) target(%arg10 : memref<128x64xf32, #tpu.memory_space<vmem>>) target_semaphore(%run_scoped3A : memref<!tpu.dma_semaphore, #tpu.memory_space<semaphore_mem>>)
        %dma_wait3A_122 = arith.constant 0 : i32
        %dma_wait3A_123 = tpu.memref_slice %arg14[%add3A_105, %dma_wait3A_122] : memref<10240x64xf32, #tpu.memory_space<vmem_shared>> -> memref<128x64xf32, #tpu.memory_space<vmem_shared>>
        %dma_wait3A_124 = arith.constant 0 : i32
        %dma_wait3A_125 = tpu.memref_slice %arg14[%add3A_105, %dma_wait3A_124] : memref<10240x64xf32, #tpu.memory_space<vmem_shared>> -> memref<128x64xf32, #tpu.memory_space<vmem_shared>>
        tpu.wait_dma2 semaphore(%run_scoped3A : memref<!tpu.dma_semaphore, #tpu.memory_space<semaphore_mem>>) src(%dma_wait3A_125 : memref<128x64xf32, #tpu.memory_space<vmem_shared>>) dst(%arg10 : memref<128x64xf32, #tpu.memory_space<vmem>>)
        tpu.yield
      }) : () -> ()
      %mul3A_106 = arith.constant 640 : i32
      %mul3A_107 = arith.muli %arg1, %mul3A_106 : i32
      %add3A_108 = arith.constant 384 : i32
      %add3A_109 = arith.addi %mul3A_107, %add3A_108 : i32
      "tpu.region"() ({
        %run_scoped3A = tpu.sem_alloc : memref<!tpu.dma_semaphore, #tpu.memory_space<semaphore_mem>>
        %dma_start3A_118 = arith.constant 0 : i32
        %dma_start3A_119 = tpu.memref_slice %arg6[%add3A_109, %dma_start3A_118] : memref<10240x64xf32, #tpu.memory_space<hbm>> -> memref<128x64xf32, #tpu.memory_space<hbm>>
        %dma_start3A_120 = arith.constant 0 : i32
        %dma_start3A_121 = tpu.memref_slice %arg6[%add3A_109, %dma_start3A_120] : memref<10240x64xf32, #tpu.memory_space<hbm>> -> memref<128x64xf32, #tpu.memory_space<hbm>>
        tpu.enqueue_dma source(%arg10 : memref<128x64xf32, #tpu.memory_space<vmem>>) target(%dma_start3A_121 : memref<128x64xf32, #tpu.memory_space<hbm>>) target_semaphore(%run_scoped3A : memref<!tpu.dma_semaphore, #tpu.memory_space<semaphore_mem>>)
        %dma_wait3A_122 = arith.constant 0 : i32
        %dma_wait3A_123 = tpu.memref_slice %arg6[%add3A_109, %dma_wait3A_122] : memref<10240x64xf32, #tpu.memory_space<hbm>> -> memref<128x64xf32, #tpu.memory_space<hbm>>
        %dma_wait3A_124 = arith.constant 0 : i32
        %dma_wait3A_125 = tpu.memref_slice %arg6[%add3A_109, %dma_wait3A_124] : memref<10240x64xf32, #tpu.memory_space<hbm>> -> memref<128x64xf32, #tpu.memory_space<hbm>>
        tpu.wait_dma2 semaphore(%run_scoped3A : memref<!tpu.dma_semaphore, #tpu.memory_space<semaphore_mem>>) src(%arg10 : memref<128x64xf32, #tpu.memory_space<vmem>>) dst(%dma_wait3A_125 : memref<128x64xf32, #tpu.memory_space<hbm>>)
        tpu.yield
      }) : () -> ()
      %mul3A_110 = arith.constant 640 : i32
      %mul3A_111 = arith.muli %arg1, %mul3A_110 : i32
      %add3A_112 = arith.constant 512 : i32
      %add3A_113 = arith.addi %mul3A_111, %add3A_112 : i32
      "tpu.region"() ({
        %run_scoped3A = tpu.sem_alloc : memref<!tpu.dma_semaphore, #tpu.memory_space<semaphore_mem>>
        %dma_start3A_118 = arith.constant 0 : i32
        %dma_start3A_119 = tpu.memref_slice %arg14[%add3A_113, %dma_start3A_118] : memref<10240x64xf32, #tpu.memory_space<vmem_shared>> -> memref<128x64xf32, #tpu.memory_space<vmem_shared>>
        %dma_start3A_120 = arith.constant 0 : i32
        %dma_start3A_121 = tpu.memref_slice %arg14[%add3A_113, %dma_start3A_120] : memref<10240x64xf32, #tpu.memory_space<vmem_shared>> -> memref<128x64xf32, #tpu.memory_space<vmem_shared>>
        tpu.enqueue_dma source(%dma_start3A_121 : memref<128x64xf32, #tpu.memory_space<vmem_shared>>) target(%arg10 : memref<128x64xf32, #tpu.memory_space<vmem>>) target_semaphore(%run_scoped3A : memref<!tpu.dma_semaphore, #tpu.memory_space<semaphore_mem>>)
        %dma_wait3A_122 = arith.constant 0 : i32
        %dma_wait3A_123 = tpu.memref_slice %arg14[%add3A_113, %dma_wait3A_122] : memref<10240x64xf32, #tpu.memory_space<vmem_shared>> -> memref<128x64xf32, #tpu.memory_space<vmem_shared>>
        %dma_wait3A_124 = arith.constant 0 : i32
        %dma_wait3A_125 = tpu.memref_slice %arg14[%add3A_113, %dma_wait3A_124] : memref<10240x64xf32, #tpu.memory_space<vmem_shared>> -> memref<128x64xf32, #tpu.memory_space<vmem_shared>>
        tpu.wait_dma2 semaphore(%run_scoped3A : memref<!tpu.dma_semaphore, #tpu.memory_space<semaphore_mem>>) src(%dma_wait3A_125 : memref<128x64xf32, #tpu.memory_space<vmem_shared>>) dst(%arg10 : memref<128x64xf32, #tpu.memory_space<vmem>>)
        tpu.yield
      }) : () -> ()
      %mul3A_114 = arith.constant 640 : i32
      %mul3A_115 = arith.muli %arg1, %mul3A_114 : i32
      %add3A_116 = arith.constant 512 : i32
      %add3A_117 = arith.addi %mul3A_115, %add3A_116 : i32
      "tpu.region"() ({
        %run_scoped3A = tpu.sem_alloc : memref<!tpu.dma_semaphore, #tpu.memory_space<semaphore_mem>>
        %dma_start3A_118 = arith.constant 0 : i32
        %dma_start3A_119 = tpu.memref_slice %arg6[%add3A_117, %dma_start3A_118] : memref<10240x64xf32, #tpu.memory_space<hbm>> -> memref<128x64xf32, #tpu.memory_space<hbm>>
        %dma_start3A_120 = arith.constant 0 : i32
        %dma_start3A_121 = tpu.memref_slice %arg6[%add3A_117, %dma_start3A_120] : memref<10240x64xf32, #tpu.memory_space<hbm>> -> memref<128x64xf32, #tpu.memory_space<hbm>>
        tpu.enqueue_dma source(%arg10 : memref<128x64xf32, #tpu.memory_space<vmem>>) target(%dma_start3A_121 : memref<128x64xf32, #tpu.memory_space<hbm>>) target_semaphore(%run_scoped3A : memref<!tpu.dma_semaphore, #tpu.memory_space<semaphore_mem>>)
        %dma_wait3A_122 = arith.constant 0 : i32
        %dma_wait3A_123 = tpu.memref_slice %arg6[%add3A_117, %dma_wait3A_122] : memref<10240x64xf32, #tpu.memory_space<hbm>> -> memref<128x64xf32, #tpu.memory_space<hbm>>
        %dma_wait3A_124 = arith.constant 0 : i32
        %dma_wait3A_125 = tpu.memref_slice %arg6[%add3A_117, %dma_wait3A_124] : memref<10240x64xf32, #tpu.memory_space<hbm>> -> memref<128x64xf32, #tpu.memory_space<hbm>>
        tpu.wait_dma2 semaphore(%run_scoped3A : memref<!tpu.dma_semaphore, #tpu.memory_space<semaphore_mem>>) src(%arg10 : memref<128x64xf32, #tpu.memory_space<vmem>>) dst(%dma_wait3A_125 : memref<128x64xf32, #tpu.memory_space<hbm>>)
        tpu.yield
      }) : () -> ()
    } else {
    }
    %eq3A_2 = arith.constant 1 : i32
    %eq3A_3 = arith.cmpi eq, %arg0, %eq3A_2 : i32
    %convert_element_type3A_4 = arith.extui %eq3A_3 : i1 to i32
    %cond3A_5 = arith.constant 0 : i32
    %cond3A_6 = arith.cmpi ne, %convert_element_type3A_4, %cond3A_5 : i32
    scf.if %cond3A_6 {
      "tpu.region"() ({
        %run_scoped3A = tpu.sem_alloc : memref<!tpu.dma_semaphore, #tpu.memory_space<semaphore_mem>>
        %dma_start3A_118 = arith.constant 0 : i32
        %dma_start3A_119 = arith.constant 0 : i32
        %dma_start3A_120 = tpu.memref_slice %arg5[%arg1, %dma_start3A_118, %dma_start3A_119] : memref<16x160x128xi32, #tpu.memory_space<hbm>> -> memref<1x160x128xi32, #tpu.memory_space<hbm>>
        %dma_start3A_121 = tpu.memref_squeeze %dma_start3A_120 : memref<1x160x128xi32, #tpu.memory_space<hbm>> -> memref<160x128xi32, #tpu.memory_space<hbm>>
        %dma_start3A_122 = arith.constant 0 : i32
        %dma_start3A_123 = arith.constant 0 : i32
        %dma_start3A_124 = tpu.memref_slice %arg5[%arg1, %dma_start3A_122, %dma_start3A_123] : memref<16x160x128xi32, #tpu.memory_space<hbm>> -> memref<1x160x128xi32, #tpu.memory_space<hbm>>
        %dma_start3A_125 = tpu.memref_squeeze %dma_start3A_124 : memref<1x160x128xi32, #tpu.memory_space<hbm>> -> memref<160x128xi32, #tpu.memory_space<hbm>>
        tpu.enqueue_dma source(%dma_start3A_125 : memref<160x128xi32, #tpu.memory_space<hbm>>) target(%arg9 : memref<160x128xi32, #tpu.memory_space<vmem>>) target_semaphore(%run_scoped3A : memref<!tpu.dma_semaphore, #tpu.memory_space<semaphore_mem>>)
        %dma_wait3A_126 = arith.constant 0 : i32
        %dma_wait3A_127 = arith.constant 0 : i32
        %dma_wait3A_128 = tpu.memref_slice %arg5[%arg1, %dma_wait3A_126, %dma_wait3A_127] : memref<16x160x128xi32, #tpu.memory_space<hbm>> -> memref<1x160x128xi32, #tpu.memory_space<hbm>>
        %dma_wait3A_129 = tpu.memref_squeeze %dma_wait3A_128 : memref<1x160x128xi32, #tpu.memory_space<hbm>> -> memref<160x128xi32, #tpu.memory_space<hbm>>
        %dma_wait3A_130 = arith.constant 0 : i32
        %dma_wait3A_131 = arith.constant 0 : i32
        %dma_wait3A_132 = tpu.memref_slice %arg5[%arg1, %dma_wait3A_130, %dma_wait3A_131] : memref<16x160x128xi32, #tpu.memory_space<hbm>> -> memref<1x160x128xi32, #tpu.memory_space<hbm>>
        %dma_wait3A_133 = tpu.memref_squeeze %dma_wait3A_132 : memref<1x160x128xi32, #tpu.memory_space<hbm>> -> memref<160x128xi32, #tpu.memory_space<hbm>>
        tpu.wait_dma2 semaphore(%run_scoped3A : memref<!tpu.dma_semaphore, #tpu.memory_space<semaphore_mem>>) src(%dma_wait3A_133 : memref<160x128xi32, #tpu.memory_space<hbm>>) dst(%arg9 : memref<160x128xi32, #tpu.memory_space<vmem>>)
        tpu.yield
      }) : () -> ()
      %broadcast_in_dim3A = arith.constant 0.000000e+00 : f32
      %broadcast_in_dim3A_7 = vector.broadcast %broadcast_in_dim3A : f32 to vector<16xf32>
      %scan3A = arith.constant 0 : i32
      %scan3A_8 = arith.constant 0 : i32
      %scan3A_9 = arith.constant 128 : i32
      %scan3A_10 = arith.addi %scan3A_8, %scan3A_9 : i32
      %scan3A_11 = arith.constant 1 : i32
      %scan3A_12 = scf.for %scan3A_118 = %scan3A_8 to %scan3A_10 step %scan3A_11 iter_args(%scan3A_119 = %scan3A) -> (i32)  : i32 {
        %swap3A = arith.index_cast %scan3A_118 : i32 to index
        %swap3A_120 = arith.constant 0 : index
        %swap3A_121 = tpu.vector_load %arg10[%swap3A, %swap3A_120] {strides = array<i32>} : memref<128x64xf32, #tpu.memory_space<vmem>>, vector<16xf32>,
        tpu.vector_store %arg10[%swap3A, %swap3A_120], %broadcast_in_dim3A_7 {strides = array<i32>} : memref<128x64xf32, #tpu.memory_space<vmem>>, vector<16xf32>,
        %swap3A_122 = arith.index_cast %scan3A_118 : i32 to index
        %swap3A_123 = arith.constant 16 : index
        %swap3A_124 = tpu.vector_load %arg10[%swap3A_122, %swap3A_123] {strides = array<i32>} : memref<128x64xf32, #tpu.memory_space<vmem>>, vector<16xf32>,
        tpu.vector_store %arg10[%swap3A_122, %swap3A_123], %broadcast_in_dim3A_7 {strides = array<i32>} : memref<128x64xf32, #tpu.memory_space<vmem>>, vector<16xf32>,
        %swap3A_125 = arith.index_cast %scan3A_118 : i32 to index
        %swap3A_126 = arith.constant 32 : index
        %swap3A_127 = tpu.vector_load %arg10[%swap3A_125, %swap3A_126] {strides = array<i32>} : memref<128x64xf32, #tpu.memory_space<vmem>>, vector<16xf32>,
        tpu.vector_store %arg10[%swap3A_125, %swap3A_126], %broadcast_in_dim3A_7 {strides = array<i32>} : memref<128x64xf32, #tpu.memory_space<vmem>>, vector<16xf32>,
        %swap3A_128 = arith.index_cast %scan3A_118 : i32 to index
        %swap3A_129 = arith.constant 48 : index
        %swap3A_130 = tpu.vector_load %arg10[%swap3A_128, %swap3A_129] {strides = array<i32>} : memref<128x64xf32, #tpu.memory_space<vmem>>, vector<16xf32>,
        tpu.vector_store %arg10[%swap3A_128, %swap3A_129], %broadcast_in_dim3A_7 {strides = array<i32>} : memref<128x64xf32, #tpu.memory_space<vmem>>, vector<16xf32>,
        %scan3A_131 = arith.constant 0 : i32
        scf.yield %scan3A_131 : i32
      }
      %scan3A_13 = arith.constant 128 : i32
      %mul3A = arith.constant 640 : i32
      %mul3A_14 = arith.muli %arg1, %mul3A : i32
      %add3A = arith.constant 0 : i32
      %add3A_15 = arith.addi %mul3A_14, %add3A : i32
      "tpu.region"() ({
        %run_scoped3A = tpu.sem_alloc : memref<!tpu.dma_semaphore, #tpu.memory_space<semaphore_mem>>
        %dma_start3A_118 = arith.constant 0 : i32
        %dma_start3A_119 = tpu.memref_slice %arg14[%add3A_15, %dma_start3A_118] : memref<10240x64xf32, #tpu.memory_space<vmem_shared>> -> memref<128x64xf32, #tpu.memory_space<vmem_shared>>
        %dma_start3A_120 = arith.constant 0 : i32
        %dma_start3A_121 = tpu.memref_slice %arg14[%add3A_15, %dma_start3A_120] : memref<10240x64xf32, #tpu.memory_space<vmem_shared>> -> memref<128x64xf32, #tpu.memory_space<vmem_shared>>
        tpu.enqueue_dma source(%arg10 : memref<128x64xf32, #tpu.memory_space<vmem>>) target(%dma_start3A_121 : memref<128x64xf32, #tpu.memory_space<vmem_shared>>) target_semaphore(%run_scoped3A : memref<!tpu.dma_semaphore, #tpu.memory_space<semaphore_mem>>)
        %dma_wait3A_122 = arith.constant 0 : i32
        %dma_wait3A_123 = tpu.memref_slice %arg14[%add3A_15, %dma_wait3A_122] : memref<10240x64xf32, #tpu.memory_space<vmem_shared>> -> memref<128x64xf32, #tpu.memory_space<vmem_shared>>
        %dma_wait3A_124 = arith.constant 0 : i32
        %dma_wait3A_125 = tpu.memref_slice %arg14[%add3A_15, %dma_wait3A_124] : memref<10240x64xf32, #tpu.memory_space<vmem_shared>> -> memref<128x64xf32, #tpu.memory_space<vmem_shared>>
        tpu.wait_dma2 semaphore(%run_scoped3A : memref<!tpu.dma_semaphore, #tpu.memory_space<semaphore_mem>>) src(%arg10 : memref<128x64xf32, #tpu.memory_space<vmem>>) dst(%dma_wait3A_125 : memref<128x64xf32, #tpu.memory_space<vmem_shared>>)
        tpu.yield
      }) : () -> ()
      %mul3A_16 = arith.constant 640 : i32
      %mul3A_17 = arith.muli %arg1, %mul3A_16 : i32
      %add3A_18 = arith.constant 128 : i32
      %add3A_19 = arith.addi %mul3A_17, %add3A_18 : i32
      "tpu.region"() ({
        %run_scoped3A = tpu.sem_alloc : memref<!tpu.dma_semaphore, #tpu.memory_space<semaphore_mem>>
        %dma_start3A_118 = arith.constant 0 : i32
        %dma_start3A_119 = tpu.memref_slice %arg14[%add3A_19, %dma_start3A_118] : memref<10240x64xf32, #tpu.memory_space<vmem_shared>> -> memref<128x64xf32, #tpu.memory_space<vmem_shared>>
        %dma_start3A_120 = arith.constant 0 : i32
        %dma_start3A_121 = tpu.memref_slice %arg14[%add3A_19, %dma_start3A_120] : memref<10240x64xf32, #tpu.memory_space<vmem_shared>> -> memref<128x64xf32, #tpu.memory_space<vmem_shared>>
        tpu.enqueue_dma source(%arg10 : memref<128x64xf32, #tpu.memory_space<vmem>>) target(%dma_start3A_121 : memref<128x64xf32, #tpu.memory_space<vmem_shared>>) target_semaphore(%run_scoped3A : memref<!tpu.dma_semaphore, #tpu.memory_space<semaphore_mem>>)
        %dma_wait3A_122 = arith.constant 0 : i32
        %dma_wait3A_123 = tpu.memref_slice %arg14[%add3A_19, %dma_wait3A_122] : memref<10240x64xf32, #tpu.memory_space<vmem_shared>> -> memref<128x64xf32, #tpu.memory_space<vmem_shared>>
        %dma_wait3A_124 = arith.constant 0 : i32
        %dma_wait3A_125 = tpu.memref_slice %arg14[%add3A_19, %dma_wait3A_124] : memref<10240x64xf32, #tpu.memory_space<vmem_shared>> -> memref<128x64xf32, #tpu.memory_space<vmem_shared>>
        tpu.wait_dma2 semaphore(%run_scoped3A : memref<!tpu.dma_semaphore, #tpu.memory_space<semaphore_mem>>) src(%arg10 : memref<128x64xf32, #tpu.memory_space<vmem>>) dst(%dma_wait3A_125 : memref<128x64xf32, #tpu.memory_space<vmem_shared>>)
        tpu.yield
      }) : () -> ()
      %mul3A_20 = arith.constant 640 : i32
      %mul3A_21 = arith.muli %arg1, %mul3A_20 : i32
      %add3A_22 = arith.constant 256 : i32
      %add3A_23 = arith.addi %mul3A_21, %add3A_22 : i32
      "tpu.region"() ({
        %run_scoped3A = tpu.sem_alloc : memref<!tpu.dma_semaphore, #tpu.memory_space<semaphore_mem>>
        %dma_start3A_118 = arith.constant 0 : i32
        %dma_start3A_119 = tpu.memref_slice %arg14[%add3A_23, %dma_start3A_118] : memref<10240x64xf32, #tpu.memory_space<vmem_shared>> -> memref<128x64xf32, #tpu.memory_space<vmem_shared>>
        %dma_start3A_120 = arith.constant 0 : i32
        %dma_start3A_121 = tpu.memref_slice %arg14[%add3A_23, %dma_start3A_120] : memref<10240x64xf32, #tpu.memory_space<vmem_shared>> -> memref<128x64xf32, #tpu.memory_space<vmem_shared>>
        tpu.enqueue_dma source(%arg10 : memref<128x64xf32, #tpu.memory_space<vmem>>) target(%dma_start3A_121 : memref<128x64xf32, #tpu.memory_space<vmem_shared>>) target_semaphore(%run_scoped3A : memref<!tpu.dma_semaphore, #tpu.memory_space<semaphore_mem>>)
        %dma_wait3A_122 = arith.constant 0 : i32
        %dma_wait3A_123 = tpu.memref_slice %arg14[%add3A_23, %dma_wait3A_122] : memref<10240x64xf32, #tpu.memory_space<vmem_shared>> -> memref<128x64xf32, #tpu.memory_space<vmem_shared>>
        %dma_wait3A_124 = arith.constant 0 : i32
        %dma_wait3A_125 = tpu.memref_slice %arg14[%add3A_23, %dma_wait3A_124] : memref<10240x64xf32, #tpu.memory_space<vmem_shared>> -> memref<128x64xf32, #tpu.memory_space<vmem_shared>>
        tpu.wait_dma2 semaphore(%run_scoped3A : memref<!tpu.dma_semaphore, #tpu.memory_space<semaphore_mem>>) src(%arg10 : memref<128x64xf32, #tpu.memory_space<vmem>>) dst(%dma_wait3A_125 : memref<128x64xf32, #tpu.memory_space<vmem_shared>>)
        tpu.yield
      }) : () -> ()
      %mul3A_24 = arith.constant 640 : i32
      %mul3A_25 = arith.muli %arg1, %mul3A_24 : i32
      %add3A_26 = arith.constant 384 : i32
      %add3A_27 = arith.addi %mul3A_25, %add3A_26 : i32
      "tpu.region"() ({
        %run_scoped3A = tpu.sem_alloc : memref<!tpu.dma_semaphore, #tpu.memory_space<semaphore_mem>>
        %dma_start3A_118 = arith.constant 0 : i32
        %dma_start3A_119 = tpu.memref_slice %arg14[%add3A_27, %dma_start3A_118] : memref<10240x64xf32, #tpu.memory_space<vmem_shared>> -> memref<128x64xf32, #tpu.memory_space<vmem_shared>>
        %dma_start3A_120 = arith.constant 0 : i32
        %dma_start3A_121 = tpu.memref_slice %arg14[%add3A_27, %dma_start3A_120] : memref<10240x64xf32, #tpu.memory_space<vmem_shared>> -> memref<128x64xf32, #tpu.memory_space<vmem_shared>>
        tpu.enqueue_dma source(%arg10 : memref<128x64xf32, #tpu.memory_space<vmem>>) target(%dma_start3A_121 : memref<128x64xf32, #tpu.memory_space<vmem_shared>>) target_semaphore(%run_scoped3A : memref<!tpu.dma_semaphore, #tpu.memory_space<semaphore_mem>>)
        %dma_wait3A_122 = arith.constant 0 : i32
        %dma_wait3A_123 = tpu.memref_slice %arg14[%add3A_27, %dma_wait3A_122] : memref<10240x64xf32, #tpu.memory_space<vmem_shared>> -> memref<128x64xf32, #tpu.memory_space<vmem_shared>>
        %dma_wait3A_124 = arith.constant 0 : i32
        %dma_wait3A_125 = tpu.memref_slice %arg14[%add3A_27, %dma_wait3A_124] : memref<10240x64xf32, #tpu.memory_space<vmem_shared>> -> memref<128x64xf32, #tpu.memory_space<vmem_shared>>
        tpu.wait_dma2 semaphore(%run_scoped3A : memref<!tpu.dma_semaphore, #tpu.memory_space<semaphore_mem>>) src(%arg10 : memref<128x64xf32, #tpu.memory_space<vmem>>) dst(%dma_wait3A_125 : memref<128x64xf32, #tpu.memory_space<vmem_shared>>)
        tpu.yield
      }) : () -> ()
      %mul3A_28 = arith.constant 640 : i32
      %mul3A_29 = arith.muli %arg1, %mul3A_28 : i32
      %add3A_30 = arith.constant 512 : i32
      %add3A_31 = arith.addi %mul3A_29, %add3A_30 : i32
      "tpu.region"() ({
        %run_scoped3A = tpu.sem_alloc : memref<!tpu.dma_semaphore, #tpu.memory_space<semaphore_mem>>
        %dma_start3A_118 = arith.constant 0 : i32
        %dma_start3A_119 = tpu.memref_slice %arg14[%add3A_31, %dma_start3A_118] : memref<10240x64xf32, #tpu.memory_space<vmem_shared>> -> memref<128x64xf32, #tpu.memory_space<vmem_shared>>
        %dma_start3A_120 = arith.constant 0 : i32
        %dma_start3A_121 = tpu.memref_slice %arg14[%add3A_31, %dma_start3A_120] : memref<10240x64xf32, #tpu.memory_space<vmem_shared>> -> memref<128x64xf32, #tpu.memory_space<vmem_shared>>
        tpu.enqueue_dma source(%arg10 : memref<128x64xf32, #tpu.memory_space<vmem>>) target(%dma_start3A_121 : memref<128x64xf32, #tpu.memory_space<vmem_shared>>) target_semaphore(%run_scoped3A : memref<!tpu.dma_semaphore, #tpu.memory_space<semaphore_mem>>)
        %dma_wait3A_122 = arith.constant 0 : i32
        %dma_wait3A_123 = tpu.memref_slice %arg14[%add3A_31, %dma_wait3A_122] : memref<10240x64xf32, #tpu.memory_space<vmem_shared>> -> memref<128x64xf32, #tpu.memory_space<vmem_shared>>
        %dma_wait3A_124 = arith.constant 0 : i32
        %dma_wait3A_125 = tpu.memref_slice %arg14[%add3A_31, %dma_wait3A_124] : memref<10240x64xf32, #tpu.memory_space<vmem_shared>> -> memref<128x64xf32, #tpu.memory_space<vmem_shared>>
        tpu.wait_dma2 semaphore(%run_scoped3A : memref<!tpu.dma_semaphore, #tpu.memory_space<semaphore_mem>>) src(%arg10 : memref<128x64xf32, #tpu.memory_space<vmem>>) dst(%dma_wait3A_125 : memref<128x64xf32, #tpu.memory_space<vmem_shared>>)
        tpu.yield
      }) : () -> ()
      %barrier3A = arith.constant 0 : index
      tpu.barrier barrier_id(%barrier3A)
      %dma_start3A = arith.constant 0 : i32
      %dma_start3A_32 = arith.constant 0 : i32
      %dma_start3A_33 = arith.constant 0 : i32
      %dma_start3A_34 = tpu.memref_slice %arg10[%dma_start3A_32, %dma_start3A_33] : memref<128x64xf32, #tpu.memory_space<vmem>> -> memref<128x64xf32, #tpu.memory_space<vmem>>
      %dma_start3A_35 = arith.constant 0 : i32
      %dma_start3A_36 = tpu.memref_slice %arg8[%dma_start3A, %dma_start3A_35] : memref<160x128xi32, #tpu.memory_space<vmem>> -> memref<1x128xi32, #tpu.memory_space<vmem>>
      %dma_start3A_37 = tpu.memref_squeeze %dma_start3A_36 : memref<1x128xi32, #tpu.memory_space<vmem>> -> memref<128xi32, #tpu.memory_space<vmem>>
      %dma_start3A_38 = arith.constant 0 : i32
      %dma_start3A_39 = arith.constant 0 : i32
      %dma_start3A_40 = tpu.memref_slice %arg3[%dma_start3A_38, %dma_start3A_39] : memref<10240x64xf32, #tpu.memory_space<hbm>> -> memref<10240x64xf32, #tpu.memory_space<hbm>>
      tpu.enqueue_indirect_dma source(%dma_start3A_40 : memref<10240x64xf32, #tpu.memory_space<hbm>>) target(%dma_start3A_34 : memref<128x64xf32, #tpu.memory_space<vmem>>) offsets(%dma_start3A_37 : memref<128xi32, #tpu.memory_space<vmem>>) semaphore(%arg15 : memref<!tpu.dma_semaphore, #tpu.memory_space<semaphore_mem>>)
      %dma_start3A_41 = arith.constant 1 : i32
      %dma_start3A_42 = arith.constant 0 : i32
      %dma_start3A_43 = arith.constant 0 : i32
      %dma_start3A_44 = tpu.memref_slice %arg11[%dma_start3A_42, %dma_start3A_43] : memref<128x64xf32, #tpu.memory_space<vmem>> -> memref<128x64xf32, #tpu.memory_space<vmem>>
      %dma_start3A_45 = arith.constant 0 : i32
      %dma_start3A_46 = tpu.memref_slice %arg8[%dma_start3A_41, %dma_start3A_45] : memref<160x128xi32, #tpu.memory_space<vmem>> -> memref<1x128xi32, #tpu.memory_space<vmem>>
      %dma_start3A_47 = tpu.memref_squeeze %dma_start3A_46 : memref<1x128xi32, #tpu.memory_space<vmem>> -> memref<128xi32, #tpu.memory_space<vmem>>
      %dma_start3A_48 = arith.constant 0 : i32
      %dma_start3A_49 = arith.constant 0 : i32
      %dma_start3A_50 = tpu.memref_slice %arg3[%dma_start3A_48, %dma_start3A_49] : memref<10240x64xf32, #tpu.memory_space<hbm>> -> memref<10240x64xf32, #tpu.memory_space<hbm>>
      tpu.enqueue_indirect_dma source(%dma_start3A_50 : memref<10240x64xf32, #tpu.memory_space<hbm>>) target(%dma_start3A_44 : memref<128x64xf32, #tpu.memory_space<vmem>>) offsets(%dma_start3A_47 : memref<128xi32, #tpu.memory_space<vmem>>) semaphore(%arg16 : memref<!tpu.dma_semaphore, #tpu.memory_space<semaphore_mem>>)
      %scan3A_51 = arith.constant 0 : i32
      %scan3A_52 = arith.constant 0 : i32
      %scan3A_53 = arith.constant 40 : i32
      %scan3A_54 = arith.addi %scan3A_52, %scan3A_53 : i32
      %scan3A_55 = arith.constant 1 : i32
      %scan3A_56 = scf.for %scan3A_118 = %scan3A_52 to %scan3A_54 step %scan3A_55 iter_args(%scan3A_119 = %scan3A_51) -> (i32)  : i32 {
        %mul3A_120 = arith.constant 4 : i32
        %mul3A_121 = arith.muli %mul3A_120, %scan3A_118 : i32
        %add3A_122 = arith.constant 0 : i32
        %add3A_123 = arith.addi %mul3A_121, %add3A_122 : i32
        %ge3A = arith.constant 2 : i32
        %ge3A_124 = arith.cmpi sge, %add3A_123, %ge3A : i32
        %convert_element_type3A_125 = arith.extui %ge3A_124 : i1 to i32
        %cond3A_126 = arith.constant 0 : i32
        %cond3A_127 = arith.cmpi ne, %convert_element_type3A_125, %cond3A_126 : i32
        scf.if %cond3A_127 {
          %dma_wait3A_275 = arith.constant 0 : i32
          %dma_wait3A_276 = arith.constant 0 : i32
          %dma_wait3A_277 = arith.constant 0 : i32
          %dma_wait3A_278 = tpu.memref_slice %arg12[%dma_wait3A_276, %dma_wait3A_277] : memref<128x64xf32, #tpu.memory_space<vmem>> -> memref<128x64xf32, #tpu.memory_space<vmem>>
          %dma_wait3A_279 = arith.constant 0 : i32
          %dma_wait3A_280 = tpu.memref_slice %arg9[%dma_wait3A_275, %dma_wait3A_279] : memref<160x128xi32, #tpu.memory_space<vmem>> -> memref<1x128xi32, #tpu.memory_space<vmem>>
          %dma_wait3A_281 = tpu.memref_squeeze %dma_wait3A_280 : memref<1x128xi32, #tpu.memory_space<vmem>> -> memref<128xi32, #tpu.memory_space<vmem>>
          %dma_wait3A_282 = arith.constant 0 : i32
          %dma_wait3A_283 = arith.constant 0 : i32
          %dma_wait3A_284 = tpu.memref_slice %arg14[%dma_wait3A_282, %dma_wait3A_283] : memref<10240x64xf32, #tpu.memory_space<vmem_shared>> -> memref<10240x64xf32, #tpu.memory_space<vmem_shared>>
          tpu.wait_indirect_dma semaphore(%arg21 : memref<!tpu.dma_semaphore, #tpu.memory_space<semaphore_mem>>) src(%dma_wait3A_278 : memref<128x64xf32, #tpu.memory_space<vmem>>) dst(%dma_wait3A_284 : memref<10240x64xf32, #tpu.memory_space<vmem_shared>>)
        } else {
        }
        %add3A_128 = arith.constant 2 : i32
        %add3A_129 = arith.addi %add3A_123, %add3A_128 : i32
        %lt3A = arith.constant 160 : i32
        %lt3A_130 = arith.cmpi slt, %add3A_129, %lt3A : i32
        %convert_element_type3A_131 = arith.extui %lt3A_130 : i1 to i32
        %cond3A_132 = arith.constant 0 : i32
        %cond3A_133 = arith.cmpi ne, %convert_element_type3A_131, %cond3A_132 : i32
        scf.if %cond3A_133 {
          %add3A_275 = arith.constant 2 : i32
          %add3A_276 = arith.addi %add3A_123, %add3A_275 : i32
          %mul3A_277 = arith.constant 1 : i32
          %mul3A_278 = arith.muli %add3A_276, %mul3A_277 : i32
          %add3A_279 = arith.constant 0 : i32
          %add3A_280 = arith.addi %mul3A_278, %add3A_279 : i32
          %dma_start3A_281 = arith.constant 0 : i32
          %dma_start3A_282 = arith.constant 0 : i32
          %dma_start3A_283 = tpu.memref_slice %arg12[%dma_start3A_281, %dma_start3A_282] : memref<128x64xf32, #tpu.memory_space<vmem>> -> memref<128x64xf32, #tpu.memory_space<vmem>>
          %dma_start3A_284 = arith.constant 0 : i32
          %dma_start3A_285 = tpu.memref_slice %arg8[%add3A_280, %dma_start3A_284] : memref<160x128xi32, #tpu.memory_space<vmem>> -> memref<1x128xi32, #tpu.memory_space<vmem>>
          %dma_start3A_286 = tpu.memref_squeeze %dma_start3A_285 : memref<1x128xi32, #tpu.memory_space<vmem>> -> memref<128xi32, #tpu.memory_space<vmem>>
          %dma_start3A_287 = arith.constant 0 : i32
          %dma_start3A_288 = arith.constant 0 : i32
          %dma_start3A_289 = tpu.memref_slice %arg3[%dma_start3A_287, %dma_start3A_288] : memref<10240x64xf32, #tpu.memory_space<hbm>> -> memref<10240x64xf32, #tpu.memory_space<hbm>>
          tpu.enqueue_indirect_dma source(%dma_start3A_289 : memref<10240x64xf32, #tpu.memory_space<hbm>>) target(%dma_start3A_283 : memref<128x64xf32, #tpu.memory_space<vmem>>) offsets(%dma_start3A_286 : memref<128xi32, #tpu.memory_space<vmem>>) semaphore(%arg17 : memref<!tpu.dma_semaphore, #tpu.memory_space<semaphore_mem>>)
        } else {
        }
        %dma_wait3A_134 = arith.constant 0 : i32
        %dma_wait3A_135 = arith.constant 0 : i32
        %dma_wait3A_136 = arith.constant 0 : i32
        %dma_wait3A_137 = tpu.memref_slice %arg10[%dma_wait3A_135, %dma_wait3A_136] : memref<128x64xf32, #tpu.memory_space<vmem>> -> memref<128x64xf32, #tpu.memory_space<vmem>>
        %dma_wait3A_138 = arith.constant 0 : i32
        %dma_wait3A_139 = tpu.memref_slice %arg8[%dma_wait3A_134, %dma_wait3A_138] : memref<160x128xi32, #tpu.memory_space<vmem>> -> memref<1x128xi32, #tpu.memory_space<vmem>>
        %dma_wait3A_140 = tpu.memref_squeeze %dma_wait3A_139 : memref<1x128xi32, #tpu.memory_space<vmem>> -> memref<128xi32, #tpu.memory_space<vmem>>
        %dma_wait3A_141 = arith.constant 0 : i32
        %dma_wait3A_142 = arith.constant 0 : i32
        %dma_wait3A_143 = tpu.memref_slice %arg3[%dma_wait3A_141, %dma_wait3A_142] : memref<10240x64xf32, #tpu.memory_space<hbm>> -> memref<10240x64xf32, #tpu.memory_space<hbm>>
        tpu.wait_indirect_dma semaphore(%arg15 : memref<!tpu.dma_semaphore, #tpu.memory_space<semaphore_mem>>) src(%dma_wait3A_143 : memref<10240x64xf32, #tpu.memory_space<hbm>>) dst(%dma_wait3A_137 : memref<128x64xf32, #tpu.memory_space<vmem>>)
        %mul3A_144 = arith.constant 1 : i32
        %mul3A_145 = arith.muli %add3A_123, %mul3A_144 : i32
        %add3A_146 = arith.constant 0 : i32
        %add3A_147 = arith.addi %mul3A_145, %add3A_146 : i32
        %dma_start3A_148 = arith.constant 0 : i32
        %dma_start3A_149 = arith.constant 0 : i32
        %dma_start3A_150 = tpu.memref_slice %arg10[%dma_start3A_148, %dma_start3A_149] : memref<128x64xf32, #tpu.memory_space<vmem>> -> memref<128x64xf32, #tpu.memory_space<vmem>>
        %dma_start3A_151 = arith.constant 0 : i32
        %dma_start3A_152 = tpu.memref_slice %arg9[%add3A_147, %dma_start3A_151] : memref<160x128xi32, #tpu.memory_space<vmem>> -> memref<1x128xi32, #tpu.memory_space<vmem>>
        %dma_start3A_153 = tpu.memref_squeeze %dma_start3A_152 : memref<1x128xi32, #tpu.memory_space<vmem>> -> memref<128xi32, #tpu.memory_space<vmem>>
        %dma_start3A_154 = arith.constant 0 : i32
        %dma_start3A_155 = arith.constant 0 : i32
        %dma_start3A_156 = tpu.memref_slice %arg14[%dma_start3A_154, %dma_start3A_155] : memref<10240x64xf32, #tpu.memory_space<vmem_shared>> -> memref<10240x64xf32, #tpu.memory_space<vmem_shared>>
        tpu.enqueue_indirect_dma source(%dma_start3A_150 : memref<128x64xf32, #tpu.memory_space<vmem>>) target(%dma_start3A_156 : memref<10240x64xf32, #tpu.memory_space<vmem_shared>>) offsets(%dma_start3A_153 : memref<128xi32, #tpu.memory_space<vmem>>) semaphore(%arg19 : memref<!tpu.dma_semaphore, #tpu.memory_space<semaphore_mem>>) {add = true}
        %mul3A_157 = arith.constant 4 : i32
        %mul3A_158 = arith.muli %mul3A_157, %scan3A_118 : i32
        %add3A_159 = arith.constant 1 : i32
        %add3A_160 = arith.addi %mul3A_158, %add3A_159 : i32
        %ge3A_161 = arith.constant 2 : i32
        %ge3A_162 = arith.cmpi sge, %add3A_160, %ge3A_161 : i32
        %convert_element_type3A_163 = arith.extui %ge3A_162 : i1 to i32
        %cond3A_164 = arith.constant 0 : i32
        %cond3A_165 = arith.cmpi ne, %convert_element_type3A_163, %cond3A_164 : i32
        scf.if %cond3A_165 {
          %dma_wait3A_275 = arith.constant 0 : i32
          %dma_wait3A_276 = arith.constant 0 : i32
          %dma_wait3A_277 = arith.constant 0 : i32
          %dma_wait3A_278 = tpu.memref_slice %arg13[%dma_wait3A_276, %dma_wait3A_277] : memref<128x64xf32, #tpu.memory_space<vmem>> -> memref<128x64xf32, #tpu.memory_space<vmem>>
          %dma_wait3A_279 = arith.constant 0 : i32
          %dma_wait3A_280 = tpu.memref_slice %arg9[%dma_wait3A_275, %dma_wait3A_279] : memref<160x128xi32, #tpu.memory_space<vmem>> -> memref<1x128xi32, #tpu.memory_space<vmem>>
          %dma_wait3A_281 = tpu.memref_squeeze %dma_wait3A_280 : memref<1x128xi32, #tpu.memory_space<vmem>> -> memref<128xi32, #tpu.memory_space<vmem>>
          %dma_wait3A_282 = arith.constant 0 : i32
          %dma_wait3A_283 = arith.constant 0 : i32
          %dma_wait3A_284 = tpu.memref_slice %arg14[%dma_wait3A_282, %dma_wait3A_283] : memref<10240x64xf32, #tpu.memory_space<vmem_shared>> -> memref<10240x64xf32, #tpu.memory_space<vmem_shared>>
          tpu.wait_indirect_dma semaphore(%arg22 : memref<!tpu.dma_semaphore, #tpu.memory_space<semaphore_mem>>) src(%dma_wait3A_278 : memref<128x64xf32, #tpu.memory_space<vmem>>) dst(%dma_wait3A_284 : memref<10240x64xf32, #tpu.memory_space<vmem_shared>>)
        } else {
        }
        %add3A_166 = arith.constant 2 : i32
        %add3A_167 = arith.addi %add3A_160, %add3A_166 : i32
        %lt3A_168 = arith.constant 160 : i32
        %lt3A_169 = arith.cmpi slt, %add3A_167, %lt3A_168 : i32
        %convert_element_type3A_170 = arith.extui %lt3A_169 : i1 to i32
        %cond3A_171 = arith.constant 0 : i32
        %cond3A_172 = arith.cmpi ne, %convert_element_type3A_170, %cond3A_171 : i32
        scf.if %cond3A_172 {
          %add3A_275 = arith.constant 2 : i32
          %add3A_276 = arith.addi %add3A_160, %add3A_275 : i32
          %mul3A_277 = arith.constant 1 : i32
          %mul3A_278 = arith.muli %add3A_276, %mul3A_277 : i32
          %add3A_279 = arith.constant 0 : i32
          %add3A_280 = arith.addi %mul3A_278, %add3A_279 : i32
          %dma_start3A_281 = arith.constant 0 : i32
          %dma_start3A_282 = arith.constant 0 : i32
          %dma_start3A_283 = tpu.memref_slice %arg13[%dma_start3A_281, %dma_start3A_282] : memref<128x64xf32, #tpu.memory_space<vmem>> -> memref<128x64xf32, #tpu.memory_space<vmem>>
          %dma_start3A_284 = arith.constant 0 : i32
          %dma_start3A_285 = tpu.memref_slice %arg8[%add3A_280, %dma_start3A_284] : memref<160x128xi32, #tpu.memory_space<vmem>> -> memref<1x128xi32, #tpu.memory_space<vmem>>
          %dma_start3A_286 = tpu.memref_squeeze %dma_start3A_285 : memref<1x128xi32, #tpu.memory_space<vmem>> -> memref<128xi32, #tpu.memory_space<vmem>>
          %dma_start3A_287 = arith.constant 0 : i32
          %dma_start3A_288 = arith.constant 0 : i32
          %dma_start3A_289 = tpu.memref_slice %arg3[%dma_start3A_287, %dma_start3A_288] : memref<10240x64xf32, #tpu.memory_space<hbm>> -> memref<10240x64xf32, #tpu.memory_space<hbm>>
          tpu.enqueue_indirect_dma source(%dma_start3A_289 : memref<10240x64xf32, #tpu.memory_space<hbm>>) target(%dma_start3A_283 : memref<128x64xf32, #tpu.memory_space<vmem>>) offsets(%dma_start3A_286 : memref<128xi32, #tpu.memory_space<vmem>>) semaphore(%arg18 : memref<!tpu.dma_semaphore, #tpu.memory_space<semaphore_mem>>)
        } else {
        }
        %dma_wait3A_173 = arith.constant 0 : i32
        %dma_wait3A_174 = arith.constant 0 : i32
        %dma_wait3A_175 = arith.constant 0 : i32
        %dma_wait3A_176 = tpu.memref_slice %arg11[%dma_wait3A_174, %dma_wait3A_175] : memref<128x64xf32, #tpu.memory_space<vmem>> -> memref<128x64xf32, #tpu.memory_space<vmem>>
        %dma_wait3A_177 = arith.constant 0 : i32
        %dma_wait3A_178 = tpu.memref_slice %arg8[%dma_wait3A_173, %dma_wait3A_177] : memref<160x128xi32, #tpu.memory_space<vmem>> -> memref<1x128xi32, #tpu.memory_space<vmem>>
        %dma_wait3A_179 = tpu.memref_squeeze %dma_wait3A_178 : memref<1x128xi32, #tpu.memory_space<vmem>> -> memref<128xi32, #tpu.memory_space<vmem>>
        %dma_wait3A_180 = arith.constant 0 : i32
        %dma_wait3A_181 = arith.constant 0 : i32
        %dma_wait3A_182 = tpu.memref_slice %arg3[%dma_wait3A_180, %dma_wait3A_181] : memref<10240x64xf32, #tpu.memory_space<hbm>> -> memref<10240x64xf32, #tpu.memory_space<hbm>>
        tpu.wait_indirect_dma semaphore(%arg16 : memref<!tpu.dma_semaphore, #tpu.memory_space<semaphore_mem>>) src(%dma_wait3A_182 : memref<10240x64xf32, #tpu.memory_space<hbm>>) dst(%dma_wait3A_176 : memref<128x64xf32, #tpu.memory_space<vmem>>)
        %mul3A_183 = arith.constant 1 : i32
        %mul3A_184 = arith.muli %add3A_160, %mul3A_183 : i32
        %add3A_185 = arith.constant 0 : i32
        %add3A_186 = arith.addi %mul3A_184, %add3A_185 : i32
        %dma_start3A_187 = arith.constant 0 : i32
        %dma_start3A_188 = arith.constant 0 : i32
        %dma_start3A_189 = tpu.memref_slice %arg11[%dma_start3A_187, %dma_start3A_188] : memref<128x64xf32, #tpu.memory_space<vmem>> -> memref<128x64xf32, #tpu.memory_space<vmem>>
        %dma_start3A_190 = arith.constant 0 : i32
        %dma_start3A_191 = tpu.memref_slice %arg9[%add3A_186, %dma_start3A_190] : memref<160x128xi32, #tpu.memory_space<vmem>> -> memref<1x128xi32, #tpu.memory_space<vmem>>
        %dma_start3A_192 = tpu.memref_squeeze %dma_start3A_191 : memref<1x128xi32, #tpu.memory_space<vmem>> -> memref<128xi32, #tpu.memory_space<vmem>>
        %dma_start3A_193 = arith.constant 0 : i32
        %dma_start3A_194 = arith.constant 0 : i32
        %dma_start3A_195 = tpu.memref_slice %arg14[%dma_start3A_193, %dma_start3A_194] : memref<10240x64xf32, #tpu.memory_space<vmem_shared>> -> memref<10240x64xf32, #tpu.memory_space<vmem_shared>>
        tpu.enqueue_indirect_dma source(%dma_start3A_189 : memref<128x64xf32, #tpu.memory_space<vmem>>) target(%dma_start3A_195 : memref<10240x64xf32, #tpu.memory_space<vmem_shared>>) offsets(%dma_start3A_192 : memref<128xi32, #tpu.memory_space<vmem>>) semaphore(%arg20 : memref<!tpu.dma_semaphore, #tpu.memory_space<semaphore_mem>>) {add = true}
        %mul3A_196 = arith.constant 4 : i32
        %mul3A_197 = arith.muli %mul3A_196, %scan3A_118 : i32
        %add3A_198 = arith.constant 2 : i32
        %add3A_199 = arith.addi %mul3A_197, %add3A_198 : i32
        %ge3A_200 = arith.constant 2 : i32
        %ge3A_201 = arith.cmpi sge, %add3A_199, %ge3A_200 : i32
        %convert_element_type3A_202 = arith.extui %ge3A_201 : i1 to i32
        %cond3A_203 = arith.constant 0 : i32
        %cond3A_204 = arith.cmpi ne, %convert_element_type3A_202, %cond3A_203 : i32
        scf.if %cond3A_204 {
          %dma_wait3A_275 = arith.constant 0 : i32
          %dma_wait3A_276 = arith.constant 0 : i32
          %dma_wait3A_277 = arith.constant 0 : i32
          %dma_wait3A_278 = tpu.memref_slice %arg10[%dma_wait3A_276, %dma_wait3A_277] : memref<128x64xf32, #tpu.memory_space<vmem>> -> memref<128x64xf32, #tpu.memory_space<vmem>>
          %dma_wait3A_279 = arith.constant 0 : i32
          %dma_wait3A_280 = tpu.memref_slice %arg9[%dma_wait3A_275, %dma_wait3A_279] : memref<160x128xi32, #tpu.memory_space<vmem>> -> memref<1x128xi32, #tpu.memory_space<vmem>>
          %dma_wait3A_281 = tpu.memref_squeeze %dma_wait3A_280 : memref<1x128xi32, #tpu.memory_space<vmem>> -> memref<128xi32, #tpu.memory_space<vmem>>
          %dma_wait3A_282 = arith.constant 0 : i32
          %dma_wait3A_283 = arith.constant 0 : i32
          %dma_wait3A_284 = tpu.memref_slice %arg14[%dma_wait3A_282, %dma_wait3A_283] : memref<10240x64xf32, #tpu.memory_space<vmem_shared>> -> memref<10240x64xf32, #tpu.memory_space<vmem_shared>>
          tpu.wait_indirect_dma semaphore(%arg19 : memref<!tpu.dma_semaphore, #tpu.memory_space<semaphore_mem>>) src(%dma_wait3A_278 : memref<128x64xf32, #tpu.memory_space<vmem>>) dst(%dma_wait3A_284 : memref<10240x64xf32, #tpu.memory_space<vmem_shared>>)
        } else {
        }
        %add3A_205 = arith.constant 2 : i32
        %add3A_206 = arith.addi %add3A_199, %add3A_205 : i32
        %lt3A_207 = arith.constant 160 : i32
        %lt3A_208 = arith.cmpi slt, %add3A_206, %lt3A_207 : i32
        %convert_element_type3A_209 = arith.extui %lt3A_208 : i1 to i32
        %cond3A_210 = arith.constant 0 : i32
        %cond3A_211 = arith.cmpi ne, %convert_element_type3A_209, %cond3A_210 : i32
        scf.if %cond3A_211 {
          %add3A_275 = arith.constant 2 : i32
          %add3A_276 = arith.addi %add3A_199, %add3A_275 : i32
          %mul3A_277 = arith.constant 1 : i32
          %mul3A_278 = arith.muli %add3A_276, %mul3A_277 : i32
          %add3A_279 = arith.constant 0 : i32
          %add3A_280 = arith.addi %mul3A_278, %add3A_279 : i32
          %dma_start3A_281 = arith.constant 0 : i32
          %dma_start3A_282 = arith.constant 0 : i32
          %dma_start3A_283 = tpu.memref_slice %arg10[%dma_start3A_281, %dma_start3A_282] : memref<128x64xf32, #tpu.memory_space<vmem>> -> memref<128x64xf32, #tpu.memory_space<vmem>>
          %dma_start3A_284 = arith.constant 0 : i32
          %dma_start3A_285 = tpu.memref_slice %arg8[%add3A_280, %dma_start3A_284] : memref<160x128xi32, #tpu.memory_space<vmem>> -> memref<1x128xi32, #tpu.memory_space<vmem>>
          %dma_start3A_286 = tpu.memref_squeeze %dma_start3A_285 : memref<1x128xi32, #tpu.memory_space<vmem>> -> memref<128xi32, #tpu.memory_space<vmem>>
          %dma_start3A_287 = arith.constant 0 : i32
          %dma_start3A_288 = arith.constant 0 : i32
          %dma_start3A_289 = tpu.memref_slice %arg3[%dma_start3A_287, %dma_start3A_288] : memref<10240x64xf32, #tpu.memory_space<hbm>> -> memref<10240x64xf32, #tpu.memory_space<hbm>>
          tpu.enqueue_indirect_dma source(%dma_start3A_289 : memref<10240x64xf32, #tpu.memory_space<hbm>>) target(%dma_start3A_283 : memref<128x64xf32, #tpu.memory_space<vmem>>) offsets(%dma_start3A_286 : memref<128xi32, #tpu.memory_space<vmem>>) semaphore(%arg15 : memref<!tpu.dma_semaphore, #tpu.memory_space<semaphore_mem>>)
        } else {
        }
        %dma_wait3A_212 = arith.constant 0 : i32
        %dma_wait3A_213 = arith.constant 0 : i32
        %dma_wait3A_214 = arith.constant 0 : i32
        %dma_wait3A_215 = tpu.memref_slice %arg12[%dma_wait3A_213, %dma_wait3A_214] : memref<128x64xf32, #tpu.memory_space<vmem>> -> memref<128x64xf32, #tpu.memory_space<vmem>>
        %dma_wait3A_216 = arith.constant 0 : i32
        %dma_wait3A_217 = tpu.memref_slice %arg8[%dma_wait3A_212, %dma_wait3A_216] : memref<160x128xi32, #tpu.memory_space<vmem>> -> memref<1x128xi32, #tpu.memory_space<vmem>>
        %dma_wait3A_218 = tpu.memref_squeeze %dma_wait3A_217 : memref<1x128xi32, #tpu.memory_space<vmem>> -> memref<128xi32, #tpu.memory_space<vmem>>
        %dma_wait3A_219 = arith.constant 0 : i32
        %dma_wait3A_220 = arith.constant 0 : i32
        %dma_wait3A_221 = tpu.memref_slice %arg3[%dma_wait3A_219, %dma_wait3A_220] : memref<10240x64xf32, #tpu.memory_space<hbm>> -> memref<10240x64xf32, #tpu.memory_space<hbm>>
        tpu.wait_indirect_dma semaphore(%arg17 : memref<!tpu.dma_semaphore, #tpu.memory_space<semaphore_mem>>) src(%dma_wait3A_221 : memref<10240x64xf32, #tpu.memory_space<hbm>>) dst(%dma_wait3A_215 : memref<128x64xf32, #tpu.memory_space<vmem>>)
        %mul3A_222 = arith.constant 1 : i32
        %mul3A_223 = arith.muli %add3A_199, %mul3A_222 : i32
        %add3A_224 = arith.constant 0 : i32
        %add3A_225 = arith.addi %mul3A_223, %add3A_224 : i32
        %dma_start3A_226 = arith.constant 0 : i32
        %dma_start3A_227 = arith.constant 0 : i32
        %dma_start3A_228 = tpu.memref_slice %arg12[%dma_start3A_226, %dma_start3A_227] : memref<128x64xf32, #tpu.memory_space<vmem>> -> memref<128x64xf32, #tpu.memory_space<vmem>>
        %dma_start3A_229 = arith.constant 0 : i32
        %dma_start3A_230 = tpu.memref_slice %arg9[%add3A_225, %dma_start3A_229] : memref<160x128xi32, #tpu.memory_space<vmem>> -> memref<1x128xi32, #tpu.memory_space<vmem>>
        %dma_start3A_231 = tpu.memref_squeeze %dma_start3A_230 : memref<1x128xi32, #tpu.memory_space<vmem>> -> memref<128xi32, #tpu.memory_space<vmem>>
        %dma_start3A_232 = arith.constant 0 : i32
        %dma_start3A_233 = arith.constant 0 : i32
        %dma_start3A_234 = tpu.memref_slice %arg14[%dma_start3A_232, %dma_start3A_233] : memref<10240x64xf32, #tpu.memory_space<vmem_shared>> -> memref<10240x64xf32, #tpu.memory_space<vmem_shared>>
        tpu.enqueue_indirect_dma source(%dma_start3A_228 : memref<128x64xf32, #tpu.memory_space<vmem>>) target(%dma_start3A_234 : memref<10240x64xf32, #tpu.memory_space<vmem_shared>>) offsets(%dma_start3A_231 : memref<128xi32, #tpu.memory_space<vmem>>) semaphore(%arg21 : memref<!tpu.dma_semaphore, #tpu.memory_space<semaphore_mem>>) {add = true}
        %mul3A_235 = arith.constant 4 : i32
        %mul3A_236 = arith.muli %mul3A_235, %scan3A_118 : i32
        %add3A_237 = arith.constant 3 : i32
        %add3A_238 = arith.addi %mul3A_236, %add3A_237 : i32
        %ge3A_239 = arith.constant 2 : i32
        %ge3A_240 = arith.cmpi sge, %add3A_238, %ge3A_239 : i32
        %convert_element_type3A_241 = arith.extui %ge3A_240 : i1 to i32
        %cond3A_242 = arith.constant 0 : i32
        %cond3A_243 = arith.cmpi ne, %convert_element_type3A_241, %cond3A_242 : i32
        scf.if %cond3A_243 {
          %dma_wait3A_275 = arith.constant 0 : i32
          %dma_wait3A_276 = arith.constant 0 : i32
          %dma_wait3A_277 = arith.constant 0 : i32
          %dma_wait3A_278 = tpu.memref_slice %arg11[%dma_wait3A_276, %dma_wait3A_277] : memref<128x64xf32, #tpu.memory_space<vmem>> -> memref<128x64xf32, #tpu.memory_space<vmem>>
          %dma_wait3A_279 = arith.constant 0 : i32
          %dma_wait3A_280 = tpu.memref_slice %arg9[%dma_wait3A_275, %dma_wait3A_279] : memref<160x128xi32, #tpu.memory_space<vmem>> -> memref<1x128xi32, #tpu.memory_space<vmem>>
          %dma_wait3A_281 = tpu.memref_squeeze %dma_wait3A_280 : memref<1x128xi32, #tpu.memory_space<vmem>> -> memref<128xi32, #tpu.memory_space<vmem>>
          %dma_wait3A_282 = arith.constant 0 : i32
          %dma_wait3A_283 = arith.constant 0 : i32
          %dma_wait3A_284 = tpu.memref_slice %arg14[%dma_wait3A_282, %dma_wait3A_283] : memref<10240x64xf32, #tpu.memory_space<vmem_shared>> -> memref<10240x64xf32, #tpu.memory_space<vmem_shared>>
          tpu.wait_indirect_dma semaphore(%arg20 : memref<!tpu.dma_semaphore, #tpu.memory_space<semaphore_mem>>) src(%dma_wait3A_278 : memref<128x64xf32, #tpu.memory_space<vmem>>) dst(%dma_wait3A_284 : memref<10240x64xf32, #tpu.memory_space<vmem_shared>>)
        } else {
        }
        %add3A_244 = arith.constant 2 : i32
        %add3A_245 = arith.addi %add3A_238, %add3A_244 : i32
        %lt3A_246 = arith.constant 160 : i32
        %lt3A_247 = arith.cmpi slt, %add3A_245, %lt3A_246 : i32
        %convert_element_type3A_248 = arith.extui %lt3A_247 : i1 to i32
        %cond3A_249 = arith.constant 0 : i32
        %cond3A_250 = arith.cmpi ne, %convert_element_type3A_248, %cond3A_249 : i32
        scf.if %cond3A_250 {
          %add3A_275 = arith.constant 2 : i32
          %add3A_276 = arith.addi %add3A_238, %add3A_275 : i32
          %mul3A_277 = arith.constant 1 : i32
          %mul3A_278 = arith.muli %add3A_276, %mul3A_277 : i32
          %add3A_279 = arith.constant 0 : i32
          %add3A_280 = arith.addi %mul3A_278, %add3A_279 : i32
          %dma_start3A_281 = arith.constant 0 : i32
          %dma_start3A_282 = arith.constant 0 : i32
          %dma_start3A_283 = tpu.memref_slice %arg11[%dma_start3A_281, %dma_start3A_282] : memref<128x64xf32, #tpu.memory_space<vmem>> -> memref<128x64xf32, #tpu.memory_space<vmem>>
          %dma_start3A_284 = arith.constant 0 : i32
          %dma_start3A_285 = tpu.memref_slice %arg8[%add3A_280, %dma_start3A_284] : memref<160x128xi32, #tpu.memory_space<vmem>> -> memref<1x128xi32, #tpu.memory_space<vmem>>
          %dma_start3A_286 = tpu.memref_squeeze %dma_start3A_285 : memref<1x128xi32, #tpu.memory_space<vmem>> -> memref<128xi32, #tpu.memory_space<vmem>>
          %dma_start3A_287 = arith.constant 0 : i32
          %dma_start3A_288 = arith.constant 0 : i32
          %dma_start3A_289 = tpu.memref_slice %arg3[%dma_start3A_287, %dma_start3A_288] : memref<10240x64xf32, #tpu.memory_space<hbm>> -> memref<10240x64xf32, #tpu.memory_space<hbm>>
          tpu.enqueue_indirect_dma source(%dma_start3A_289 : memref<10240x64xf32, #tpu.memory_space<hbm>>) target(%dma_start3A_283 : memref<128x64xf32, #tpu.memory_space<vmem>>) offsets(%dma_start3A_286 : memref<128xi32, #tpu.memory_space<vmem>>) semaphore(%arg16 : memref<!tpu.dma_semaphore, #tpu.memory_space<semaphore_mem>>)
        } else {
        }
        %dma_wait3A_251 = arith.constant 0 : i32
        %dma_wait3A_252 = arith.constant 0 : i32
        %dma_wait3A_253 = arith.constant 0 : i32
        %dma_wait3A_254 = tpu.memref_slice %arg13[%dma_wait3A_252, %dma_wait3A_253] : memref<128x64xf32, #tpu.memory_space<vmem>> -> memref<128x64xf32, #tpu.memory_space<vmem>>
        %dma_wait3A_255 = arith.constant 0 : i32
        %dma_wait3A_256 = tpu.memref_slice %arg8[%dma_wait3A_251, %dma_wait3A_255] : memref<160x128xi32, #tpu.memory_space<vmem>> -> memref<1x128xi32, #tpu.memory_space<vmem>>
        %dma_wait3A_257 = tpu.memref_squeeze %dma_wait3A_256 : memref<1x128xi32, #tpu.memory_space<vmem>> -> memref<128xi32, #tpu.memory_space<vmem>>
        %dma_wait3A_258 = arith.constant 0 : i32
        %dma_wait3A_259 = arith.constant 0 : i32
        %dma_wait3A_260 = tpu.memref_slice %arg3[%dma_wait3A_258, %dma_wait3A_259] : memref<10240x64xf32, #tpu.memory_space<hbm>> -> memref<10240x64xf32, #tpu.memory_space<hbm>>
        tpu.wait_indirect_dma semaphore(%arg18 : memref<!tpu.dma_semaphore, #tpu.memory_space<semaphore_mem>>) src(%dma_wait3A_260 : memref<10240x64xf32, #tpu.memory_space<hbm>>) dst(%dma_wait3A_254 : memref<128x64xf32, #tpu.memory_space<vmem>>)
        %mul3A_261 = arith.constant 1 : i32
        %mul3A_262 = arith.muli %add3A_238, %mul3A_261 : i32
        %add3A_263 = arith.constant 0 : i32
        %add3A_264 = arith.addi %mul3A_262, %add3A_263 : i32
        %dma_start3A_265 = arith.constant 0 : i32
        %dma_start3A_266 = arith.constant 0 : i32
        %dma_start3A_267 = tpu.memref_slice %arg13[%dma_start3A_265, %dma_start3A_266] : memref<128x64xf32, #tpu.memory_space<vmem>> -> memref<128x64xf32, #tpu.memory_space<vmem>>
        %dma_start3A_268 = arith.constant 0 : i32
        %dma_start3A_269 = tpu.memref_slice %arg9[%add3A_264, %dma_start3A_268] : memref<160x128xi32, #tpu.memory_space<vmem>> -> memref<1x128xi32, #tpu.memory_space<vmem>>
        %dma_start3A_270 = tpu.memref_squeeze %dma_start3A_269 : memref<1x128xi32, #tpu.memory_space<vmem>> -> memref<128xi32, #tpu.memory_space<vmem>>
        %dma_start3A_271 = arith.constant 0 : i32
        %dma_start3A_272 = arith.constant 0 : i32
        %dma_start3A_273 = tpu.memref_slice %arg14[%dma_start3A_271, %dma_start3A_272] : memref<10240x64xf32, #tpu.memory_space<vmem_shared>> -> memref<10240x64xf32, #tpu.memory_space<vmem_shared>>
        tpu.enqueue_indirect_dma source(%dma_start3A_267 : memref<128x64xf32, #tpu.memory_space<vmem>>) target(%dma_start3A_273 : memref<10240x64xf32, #tpu.memory_space<vmem_shared>>) offsets(%dma_start3A_270 : memref<128xi32, #tpu.memory_space<vmem>>) semaphore(%arg22 : memref<!tpu.dma_semaphore, #tpu.memory_space<semaphore_mem>>) {add = true}
        %scan3A_274 = arith.constant 0 : i32
        scf.yield %scan3A_274 : i32
      }
      %scan3A_57 = arith.constant 40 : i32
      %dma_wait3A = arith.constant 0 : i32
      %dma_wait3A_58 = arith.constant 0 : i32
      %dma_wait3A_59 = arith.constant 0 : i32
      %dma_wait3A_60 = tpu.memref_slice %arg12[%dma_wait3A_58, %dma_wait3A_59] : memref<128x64xf32, #tpu.memory_space<vmem>> -> memref<128x64xf32, #tpu.memory_space<vmem>>
      %dma_wait3A_61 = arith.constant 0 : i32
      %dma_wait3A_62 = tpu.memref_slice %arg9[%dma_wait3A, %dma_wait3A_61] : memref<160x128xi32, #tpu.memory_space<vmem>> -> memref<1x128xi32, #tpu.memory_space<vmem>>
      %dma_wait3A_63 = tpu.memref_squeeze %dma_wait3A_62 : memref<1x128xi32, #tpu.memory_space<vmem>> -> memref<128xi32, #tpu.memory_space<vmem>>
      %dma_wait3A_64 = arith.constant 0 : i32
      %dma_wait3A_65 = arith.constant 0 : i32
      %dma_wait3A_66 = tpu.memref_slice %arg14[%dma_wait3A_64, %dma_wait3A_65] : memref<10240x64xf32, #tpu.memory_space<vmem_shared>> -> memref<10240x64xf32, #tpu.memory_space<vmem_shared>>
      tpu.wait_indirect_dma semaphore(%arg21 : memref<!tpu.dma_semaphore, #tpu.memory_space<semaphore_mem>>) src(%dma_wait3A_60 : memref<128x64xf32, #tpu.memory_space<vmem>>) dst(%dma_wait3A_66 : memref<10240x64xf32, #tpu.memory_space<vmem_shared>>)
      %dma_wait3A_67 = arith.constant 0 : i32
      %dma_wait3A_68 = arith.constant 0 : i32
      %dma_wait3A_69 = arith.constant 0 : i32
      %dma_wait3A_70 = tpu.memref_slice %arg13[%dma_wait3A_68, %dma_wait3A_69] : memref<128x64xf32, #tpu.memory_space<vmem>> -> memref<128x64xf32, #tpu.memory_space<vmem>>
      %dma_wait3A_71 = arith.constant 0 : i32
      %dma_wait3A_72 = tpu.memref_slice %arg9[%dma_wait3A_67, %dma_wait3A_71] : memref<160x128xi32, #tpu.memory_space<vmem>> -> memref<1x128xi32, #tpu.memory_space<vmem>>
      %dma_wait3A_73 = tpu.memref_squeeze %dma_wait3A_72 : memref<1x128xi32, #tpu.memory_space<vmem>> -> memref<128xi32, #tpu.memory_space<vmem>>
      %dma_wait3A_74 = arith.constant 0 : i32
      %dma_wait3A_75 = arith.constant 0 : i32
      %dma_wait3A_76 = tpu.memref_slice %arg14[%dma_wait3A_74, %dma_wait3A_75] : memref<10240x64xf32, #tpu.memory_space<vmem_shared>> -> memref<10240x64xf32, #tpu.memory_space<vmem_shared>>
      tpu.wait_indirect_dma semaphore(%arg22 : memref<!tpu.dma_semaphore, #tpu.memory_space<semaphore_mem>>) src(%dma_wait3A_70 : memref<128x64xf32, #tpu.memory_space<vmem>>) dst(%dma_wait3A_76 : memref<10240x64xf32, #tpu.memory_space<vmem_shared>>)
      %barrier3A_77 = arith.constant 0 : index
      tpu.barrier barrier_id(%barrier3A_77)
      %mul3A_78 = arith.constant 640 : i32
      %mul3A_79 = arith.muli %arg1, %mul3A_78 : i32
      %add3A_80 = arith.constant 0 : i32
      %add3A_81 = arith.addi %mul3A_79, %add3A_80 : i32
      "tpu.region"() ({
        %run_scoped3A = tpu.sem_alloc : memref<!tpu.dma_semaphore, #tpu.memory_space<semaphore_mem>>
        %dma_start3A_118 = arith.constant 0 : i32
        %dma_start3A_119 = tpu.memref_slice %arg14[%add3A_81, %dma_start3A_118] : memref<10240x64xf32, #tpu.memory_space<vmem_shared>> -> memref<128x64xf32, #tpu.memory_space<vmem_shared>>
        %dma_start3A_120 = arith.constant 0 : i32
        %dma_start3A_121 = tpu.memref_slice %arg14[%add3A_81, %dma_start3A_120] : memref<10240x64xf32, #tpu.memory_space<vmem_shared>> -> memref<128x64xf32, #tpu.memory_space<vmem_shared>>
        tpu.enqueue_dma source(%dma_start3A_121 : memref<128x64xf32, #tpu.memory_space<vmem_shared>>) target(%arg10 : memref<128x64xf32, #tpu.memory_space<vmem>>) target_semaphore(%run_scoped3A : memref<!tpu.dma_semaphore, #tpu.memory_space<semaphore_mem>>)
        %dma_wait3A_122 = arith.constant 0 : i32
        %dma_wait3A_123 = tpu.memref_slice %arg14[%add3A_81, %dma_wait3A_122] : memref<10240x64xf32, #tpu.memory_space<vmem_shared>> -> memref<128x64xf32, #tpu.memory_space<vmem_shared>>
        %dma_wait3A_124 = arith.constant 0 : i32
        %dma_wait3A_125 = tpu.memref_slice %arg14[%add3A_81, %dma_wait3A_124] : memref<10240x64xf32, #tpu.memory_space<vmem_shared>> -> memref<128x64xf32, #tpu.memory_space<vmem_shared>>
        tpu.wait_dma2 semaphore(%run_scoped3A : memref<!tpu.dma_semaphore, #tpu.memory_space<semaphore_mem>>) src(%dma_wait3A_125 : memref<128x64xf32, #tpu.memory_space<vmem_shared>>) dst(%arg10 : memref<128x64xf32, #tpu.memory_space<vmem>>)
        tpu.yield
      }) : () -> ()
      %mul3A_82 = arith.constant 640 : i32
      %mul3A_83 = arith.muli %arg1, %mul3A_82 : i32
      %add3A_84 = arith.constant 0 : i32
      %add3A_85 = arith.addi %mul3A_83, %add3A_84 : i32
      "tpu.region"() ({
        %run_scoped3A = tpu.sem_alloc : memref<!tpu.dma_semaphore, #tpu.memory_space<semaphore_mem>>
        %dma_start3A_118 = arith.constant 0 : i32
        %dma_start3A_119 = tpu.memref_slice %arg7[%add3A_85, %dma_start3A_118] : memref<10240x64xf32, #tpu.memory_space<hbm>> -> memref<128x64xf32, #tpu.memory_space<hbm>>
        %dma_start3A_120 = arith.constant 0 : i32
        %dma_start3A_121 = tpu.memref_slice %arg7[%add3A_85, %dma_start3A_120] : memref<10240x64xf32, #tpu.memory_space<hbm>> -> memref<128x64xf32, #tpu.memory_space<hbm>>
        tpu.enqueue_dma source(%arg10 : memref<128x64xf32, #tpu.memory_space<vmem>>) target(%dma_start3A_121 : memref<128x64xf32, #tpu.memory_space<hbm>>) target_semaphore(%run_scoped3A : memref<!tpu.dma_semaphore, #tpu.memory_space<semaphore_mem>>)
        %dma_wait3A_122 = arith.constant 0 : i32
        %dma_wait3A_123 = tpu.memref_slice %arg7[%add3A_85, %dma_wait3A_122] : memref<10240x64xf32, #tpu.memory_space<hbm>> -> memref<128x64xf32, #tpu.memory_space<hbm>>
        %dma_wait3A_124 = arith.constant 0 : i32
        %dma_wait3A_125 = tpu.memref_slice %arg7[%add3A_85, %dma_wait3A_124] : memref<10240x64xf32, #tpu.memory_space<hbm>> -> memref<128x64xf32, #tpu.memory_space<hbm>>
        tpu.wait_dma2 semaphore(%run_scoped3A : memref<!tpu.dma_semaphore, #tpu.memory_space<semaphore_mem>>) src(%arg10 : memref<128x64xf32, #tpu.memory_space<vmem>>) dst(%dma_wait3A_125 : memref<128x64xf32, #tpu.memory_space<hbm>>)
        tpu.yield
      }) : () -> ()
      %mul3A_86 = arith.constant 640 : i32
      %mul3A_87 = arith.muli %arg1, %mul3A_86 : i32
      %add3A_88 = arith.constant 128 : i32
      %add3A_89 = arith.addi %mul3A_87, %add3A_88 : i32
      "tpu.region"() ({
        %run_scoped3A = tpu.sem_alloc : memref<!tpu.dma_semaphore, #tpu.memory_space<semaphore_mem>>
        %dma_start3A_118 = arith.constant 0 : i32
        %dma_start3A_119 = tpu.memref_slice %arg14[%add3A_89, %dma_start3A_118] : memref<10240x64xf32, #tpu.memory_space<vmem_shared>> -> memref<128x64xf32, #tpu.memory_space<vmem_shared>>
        %dma_start3A_120 = arith.constant 0 : i32
        %dma_start3A_121 = tpu.memref_slice %arg14[%add3A_89, %dma_start3A_120] : memref<10240x64xf32, #tpu.memory_space<vmem_shared>> -> memref<128x64xf32, #tpu.memory_space<vmem_shared>>
        tpu.enqueue_dma source(%dma_start3A_121 : memref<128x64xf32, #tpu.memory_space<vmem_shared>>) target(%arg10 : memref<128x64xf32, #tpu.memory_space<vmem>>) target_semaphore(%run_scoped3A : memref<!tpu.dma_semaphore, #tpu.memory_space<semaphore_mem>>)
        %dma_wait3A_122 = arith.constant 0 : i32
        %dma_wait3A_123 = tpu.memref_slice %arg14[%add3A_89, %dma_wait3A_122] : memref<10240x64xf32, #tpu.memory_space<vmem_shared>> -> memref<128x64xf32, #tpu.memory_space<vmem_shared>>
        %dma_wait3A_124 = arith.constant 0 : i32
        %dma_wait3A_125 = tpu.memref_slice %arg14[%add3A_89, %dma_wait3A_124] : memref<10240x64xf32, #tpu.memory_space<vmem_shared>> -> memref<128x64xf32, #tpu.memory_space<vmem_shared>>
        tpu.wait_dma2 semaphore(%run_scoped3A : memref<!tpu.dma_semaphore, #tpu.memory_space<semaphore_mem>>) src(%dma_wait3A_125 : memref<128x64xf32, #tpu.memory_space<vmem_shared>>) dst(%arg10 : memref<128x64xf32, #tpu.memory_space<vmem>>)
        tpu.yield
      }) : () -> ()
      %mul3A_90 = arith.constant 640 : i32
      %mul3A_91 = arith.muli %arg1, %mul3A_90 : i32
      %add3A_92 = arith.constant 128 : i32
      %add3A_93 = arith.addi %mul3A_91, %add3A_92 : i32
      "tpu.region"() ({
        %run_scoped3A = tpu.sem_alloc : memref<!tpu.dma_semaphore, #tpu.memory_space<semaphore_mem>>
        %dma_start3A_118 = arith.constant 0 : i32
        %dma_start3A_119 = tpu.memref_slice %arg7[%add3A_93, %dma_start3A_118] : memref<10240x64xf32, #tpu.memory_space<hbm>> -> memref<128x64xf32, #tpu.memory_space<hbm>>
        %dma_start3A_120 = arith.constant 0 : i32
        %dma_start3A_121 = tpu.memref_slice %arg7[%add3A_93, %dma_start3A_120] : memref<10240x64xf32, #tpu.memory_space<hbm>> -> memref<128x64xf32, #tpu.memory_space<hbm>>
        tpu.enqueue_dma source(%arg10 : memref<128x64xf32, #tpu.memory_space<vmem>>) target(%dma_start3A_121 : memref<128x64xf32, #tpu.memory_space<hbm>>) target_semaphore(%run_scoped3A : memref<!tpu.dma_semaphore, #tpu.memory_space<semaphore_mem>>)
        %dma_wait3A_122 = arith.constant 0 : i32
        %dma_wait3A_123 = tpu.memref_slice %arg7[%add3A_93, %dma_wait3A_122] : memref<10240x64xf32, #tpu.memory_space<hbm>> -> memref<128x64xf32, #tpu.memory_space<hbm>>
        %dma_wait3A_124 = arith.constant 0 : i32
        %dma_wait3A_125 = tpu.memref_slice %arg7[%add3A_93, %dma_wait3A_124] : memref<10240x64xf32, #tpu.memory_space<hbm>> -> memref<128x64xf32, #tpu.memory_space<hbm>>
        tpu.wait_dma2 semaphore(%run_scoped3A : memref<!tpu.dma_semaphore, #tpu.memory_space<semaphore_mem>>) src(%arg10 : memref<128x64xf32, #tpu.memory_space<vmem>>) dst(%dma_wait3A_125 : memref<128x64xf32, #tpu.memory_space<hbm>>)
        tpu.yield
      }) : () -> ()
      %mul3A_94 = arith.constant 640 : i32
      %mul3A_95 = arith.muli %arg1, %mul3A_94 : i32
      %add3A_96 = arith.constant 256 : i32
      %add3A_97 = arith.addi %mul3A_95, %add3A_96 : i32
      "tpu.region"() ({
        %run_scoped3A = tpu.sem_alloc : memref<!tpu.dma_semaphore, #tpu.memory_space<semaphore_mem>>
        %dma_start3A_118 = arith.constant 0 : i32
        %dma_start3A_119 = tpu.memref_slice %arg14[%add3A_97, %dma_start3A_118] : memref<10240x64xf32, #tpu.memory_space<vmem_shared>> -> memref<128x64xf32, #tpu.memory_space<vmem_shared>>
        %dma_start3A_120 = arith.constant 0 : i32
        %dma_start3A_121 = tpu.memref_slice %arg14[%add3A_97, %dma_start3A_120] : memref<10240x64xf32, #tpu.memory_space<vmem_shared>> -> memref<128x64xf32, #tpu.memory_space<vmem_shared>>
        tpu.enqueue_dma source(%dma_start3A_121 : memref<128x64xf32, #tpu.memory_space<vmem_shared>>) target(%arg10 : memref<128x64xf32, #tpu.memory_space<vmem>>) target_semaphore(%run_scoped3A : memref<!tpu.dma_semaphore, #tpu.memory_space<semaphore_mem>>)
        %dma_wait3A_122 = arith.constant 0 : i32
        %dma_wait3A_123 = tpu.memref_slice %arg14[%add3A_97, %dma_wait3A_122] : memref<10240x64xf32, #tpu.memory_space<vmem_shared>> -> memref<128x64xf32, #tpu.memory_space<vmem_shared>>
        %dma_wait3A_124 = arith.constant 0 : i32
        %dma_wait3A_125 = tpu.memref_slice %arg14[%add3A_97, %dma_wait3A_124] : memref<10240x64xf32, #tpu.memory_space<vmem_shared>> -> memref<128x64xf32, #tpu.memory_space<vmem_shared>>
        tpu.wait_dma2 semaphore(%run_scoped3A : memref<!tpu.dma_semaphore, #tpu.memory_space<semaphore_mem>>) src(%dma_wait3A_125 : memref<128x64xf32, #tpu.memory_space<vmem_shared>>) dst(%arg10 : memref<128x64xf32, #tpu.memory_space<vmem>>)
        tpu.yield
      }) : () -> ()
      %mul3A_98 = arith.constant 640 : i32
      %mul3A_99 = arith.muli %arg1, %mul3A_98 : i32
      %add3A_100 = arith.constant 256 : i32
      %add3A_101 = arith.addi %mul3A_99, %add3A_100 : i32
      "tpu.region"() ({
        %run_scoped3A = tpu.sem_alloc : memref<!tpu.dma_semaphore, #tpu.memory_space<semaphore_mem>>
        %dma_start3A_118 = arith.constant 0 : i32
        %dma_start3A_119 = tpu.memref_slice %arg7[%add3A_101, %dma_start3A_118] : memref<10240x64xf32, #tpu.memory_space<hbm>> -> memref<128x64xf32, #tpu.memory_space<hbm>>
        %dma_start3A_120 = arith.constant 0 : i32
        %dma_start3A_121 = tpu.memref_slice %arg7[%add3A_101, %dma_start3A_120] : memref<10240x64xf32, #tpu.memory_space<hbm>> -> memref<128x64xf32, #tpu.memory_space<hbm>>
        tpu.enqueue_dma source(%arg10 : memref<128x64xf32, #tpu.memory_space<vmem>>) target(%dma_start3A_121 : memref<128x64xf32, #tpu.memory_space<hbm>>) target_semaphore(%run_scoped3A : memref<!tpu.dma_semaphore, #tpu.memory_space<semaphore_mem>>)
        %dma_wait3A_122 = arith.constant 0 : i32
        %dma_wait3A_123 = tpu.memref_slice %arg7[%add3A_101, %dma_wait3A_122] : memref<10240x64xf32, #tpu.memory_space<hbm>> -> memref<128x64xf32, #tpu.memory_space<hbm>>
        %dma_wait3A_124 = arith.constant 0 : i32
        %dma_wait3A_125 = tpu.memref_slice %arg7[%add3A_101, %dma_wait3A_124] : memref<10240x64xf32, #tpu.memory_space<hbm>> -> memref<128x64xf32, #tpu.memory_space<hbm>>
        tpu.wait_dma2 semaphore(%run_scoped3A : memref<!tpu.dma_semaphore, #tpu.memory_space<semaphore_mem>>) src(%arg10 : memref<128x64xf32, #tpu.memory_space<vmem>>) dst(%dma_wait3A_125 : memref<128x64xf32, #tpu.memory_space<hbm>>)
        tpu.yield
      }) : () -> ()
      %mul3A_102 = arith.constant 640 : i32
      %mul3A_103 = arith.muli %arg1, %mul3A_102 : i32
      %add3A_104 = arith.constant 384 : i32
      %add3A_105 = arith.addi %mul3A_103, %add3A_104 : i32
      "tpu.region"() ({
        %run_scoped3A = tpu.sem_alloc : memref<!tpu.dma_semaphore, #tpu.memory_space<semaphore_mem>>
        %dma_start3A_118 = arith.constant 0 : i32
        %dma_start3A_119 = tpu.memref_slice %arg14[%add3A_105, %dma_start3A_118] : memref<10240x64xf32, #tpu.memory_space<vmem_shared>> -> memref<128x64xf32, #tpu.memory_space<vmem_shared>>
        %dma_start3A_120 = arith.constant 0 : i32
        %dma_start3A_121 = tpu.memref_slice %arg14[%add3A_105, %dma_start3A_120] : memref<10240x64xf32, #tpu.memory_space<vmem_shared>> -> memref<128x64xf32, #tpu.memory_space<vmem_shared>>
        tpu.enqueue_dma source(%dma_start3A_121 : memref<128x64xf32, #tpu.memory_space<vmem_shared>>) target(%arg10 : memref<128x64xf32, #tpu.memory_space<vmem>>) target_semaphore(%run_scoped3A : memref<!tpu.dma_semaphore, #tpu.memory_space<semaphore_mem>>)
        %dma_wait3A_122 = arith.constant 0 : i32
        %dma_wait3A_123 = tpu.memref_slice %arg14[%add3A_105, %dma_wait3A_122] : memref<10240x64xf32, #tpu.memory_space<vmem_shared>> -> memref<128x64xf32, #tpu.memory_space<vmem_shared>>
        %dma_wait3A_124 = arith.constant 0 : i32
        %dma_wait3A_125 = tpu.memref_slice %arg14[%add3A_105, %dma_wait3A_124] : memref<10240x64xf32, #tpu.memory_space<vmem_shared>> -> memref<128x64xf32, #tpu.memory_space<vmem_shared>>
        tpu.wait_dma2 semaphore(%run_scoped3A : memref<!tpu.dma_semaphore, #tpu.memory_space<semaphore_mem>>) src(%dma_wait3A_125 : memref<128x64xf32, #tpu.memory_space<vmem_shared>>) dst(%arg10 : memref<128x64xf32, #tpu.memory_space<vmem>>)
        tpu.yield
      }) : () -> ()
      %mul3A_106 = arith.constant 640 : i32
      %mul3A_107 = arith.muli %arg1, %mul3A_106 : i32
      %add3A_108 = arith.constant 384 : i32
      %add3A_109 = arith.addi %mul3A_107, %add3A_108 : i32
      "tpu.region"() ({
        %run_scoped3A = tpu.sem_alloc : memref<!tpu.dma_semaphore, #tpu.memory_space<semaphore_mem>>
        %dma_start3A_118 = arith.constant 0 : i32
        %dma_start3A_119 = tpu.memref_slice %arg7[%add3A_109, %dma_start3A_118] : memref<10240x64xf32, #tpu.memory_space<hbm>> -> memref<128x64xf32, #tpu.memory_space<hbm>>
        %dma_start3A_120 = arith.constant 0 : i32
        %dma_start3A_121 = tpu.memref_slice %arg7[%add3A_109, %dma_start3A_120] : memref<10240x64xf32, #tpu.memory_space<hbm>> -> memref<128x64xf32, #tpu.memory_space<hbm>>
        tpu.enqueue_dma source(%arg10 : memref<128x64xf32, #tpu.memory_space<vmem>>) target(%dma_start3A_121 : memref<128x64xf32, #tpu.memory_space<hbm>>) target_semaphore(%run_scoped3A : memref<!tpu.dma_semaphore, #tpu.memory_space<semaphore_mem>>)
        %dma_wait3A_122 = arith.constant 0 : i32
        %dma_wait3A_123 = tpu.memref_slice %arg7[%add3A_109, %dma_wait3A_122] : memref<10240x64xf32, #tpu.memory_space<hbm>> -> memref<128x64xf32, #tpu.memory_space<hbm>>
        %dma_wait3A_124 = arith.constant 0 : i32
        %dma_wait3A_125 = tpu.memref_slice %arg7[%add3A_109, %dma_wait3A_124] : memref<10240x64xf32, #tpu.memory_space<hbm>> -> memref<128x64xf32, #tpu.memory_space<hbm>>
        tpu.wait_dma2 semaphore(%run_scoped3A : memref<!tpu.dma_semaphore, #tpu.memory_space<semaphore_mem>>) src(%arg10 : memref<128x64xf32, #tpu.memory_space<vmem>>) dst(%dma_wait3A_125 : memref<128x64xf32, #tpu.memory_space<hbm>>)
        tpu.yield
      }) : () -> ()
      %mul3A_110 = arith.constant 640 : i32
      %mul3A_111 = arith.muli %arg1, %mul3A_110 : i32
      %add3A_112 = arith.constant 512 : i32
      %add3A_113 = arith.addi %mul3A_111, %add3A_112 : i32
      "tpu.region"() ({
        %run_scoped3A = tpu.sem_alloc : memref<!tpu.dma_semaphore, #tpu.memory_space<semaphore_mem>>
        %dma_start3A_118 = arith.constant 0 : i32
        %dma_start3A_119 = tpu.memref_slice %arg14[%add3A_113, %dma_start3A_118] : memref<10240x64xf32, #tpu.memory_space<vmem_shared>> -> memref<128x64xf32, #tpu.memory_space<vmem_shared>>
        %dma_start3A_120 = arith.constant 0 : i32
        %dma_start3A_121 = tpu.memref_slice %arg14[%add3A_113, %dma_start3A_120] : memref<10240x64xf32, #tpu.memory_space<vmem_shared>> -> memref<128x64xf32, #tpu.memory_space<vmem_shared>>
        tpu.enqueue_dma source(%dma_start3A_121 : memref<128x64xf32, #tpu.memory_space<vmem_shared>>) target(%arg10 : memref<128x64xf32, #tpu.memory_space<vmem>>) target_semaphore(%run_scoped3A : memref<!tpu.dma_semaphore, #tpu.memory_space<semaphore_mem>>)
        %dma_wait3A_122 = arith.constant 0 : i32
        %dma_wait3A_123 = tpu.memref_slice %arg14[%add3A_113, %dma_wait3A_122] : memref<10240x64xf32, #tpu.memory_space<vmem_shared>> -> memref<128x64xf32, #tpu.memory_space<vmem_shared>>
        %dma_wait3A_124 = arith.constant 0 : i32
        %dma_wait3A_125 = tpu.memref_slice %arg14[%add3A_113, %dma_wait3A_124] : memref<10240x64xf32, #tpu.memory_space<vmem_shared>> -> memref<128x64xf32, #tpu.memory_space<vmem_shared>>
        tpu.wait_dma2 semaphore(%run_scoped3A : memref<!tpu.dma_semaphore, #tpu.memory_space<semaphore_mem>>) src(%dma_wait3A_125 : memref<128x64xf32, #tpu.memory_space<vmem_shared>>) dst(%arg10 : memref<128x64xf32, #tpu.memory_space<vmem>>)
        tpu.yield
      }) : () -> ()
      %mul3A_114 = arith.constant 640 : i32
      %mul3A_115 = arith.muli %arg1, %mul3A_114 : i32
      %add3A_116 = arith.constant 512 : i32
      %add3A_117 = arith.addi %mul3A_115, %add3A_116 : i32
      "tpu.region"() ({
        %run_scoped3A = tpu.sem_alloc : memref<!tpu.dma_semaphore, #tpu.memory_space<semaphore_mem>>
        %dma_start3A_118 = arith.constant 0 : i32
        %dma_start3A_119 = tpu.memref_slice %arg7[%add3A_117, %dma_start3A_118] : memref<10240x64xf32, #tpu.memory_space<hbm>> -> memref<128x64xf32, #tpu.memory_space<hbm>>
        %dma_start3A_120 = arith.constant 0 : i32
        %dma_start3A_121 = tpu.memref_slice %arg7[%add3A_117, %dma_start3A_120] : memref<10240x64xf32, #tpu.memory_space<hbm>> -> memref<128x64xf32, #tpu.memory_space<hbm>>
        tpu.enqueue_dma source(%arg10 : memref<128x64xf32, #tpu.memory_space<vmem>>) target(%dma_start3A_121 : memref<128x64xf32, #tpu.memory_space<hbm>>) target_semaphore(%run_scoped3A : memref<!tpu.dma_semaphore, #tpu.memory_space<semaphore_mem>>)
        %dma_wait3A_122 = arith.constant 0 : i32
        %dma_wait3A_123 = tpu.memref_slice %arg7[%add3A_117, %dma_wait3A_122] : memref<10240x64xf32, #tpu.memory_space<hbm>> -> memref<128x64xf32, #tpu.memory_space<hbm>>
        %dma_wait3A_124 = arith.constant 0 : i32
        %dma_wait3A_125 = tpu.memref_slice %arg7[%add3A_117, %dma_wait3A_124] : memref<10240x64xf32, #tpu.memory_space<hbm>> -> memref<128x64xf32, #tpu.memory_space<hbm>>
        tpu.wait_dma2 semaphore(%run_scoped3A : memref<!tpu.dma_semaphore, #tpu.memory_space<semaphore_mem>>) src(%arg10 : memref<128x64xf32, #tpu.memory_space<vmem>>) dst(%dma_wait3A_125 : memref<128x64xf32, #tpu.memory_space<hbm>>)
        tpu.yield
      }) : () -> ()
    } else {
    }
    return
  }
}

#map = affine_map<(d0, d1) -> (0, 0)>
module attributes {stable_mosaic.version = 14 : i64} {
  func.func @_deg_body(%arg0: i32, %arg1: i32, %arg2: memref<32x10240xi32, #tpu.memory_space<hbm>>, %arg3: memref<32x10240xf32, #tpu.memory_space<hbm>>, %arg4: memref<10240xi32, #tpu.memory_space<vmem>>, %arg5: memref<10240xf32, #tpu.memory_space<vmem>>) attributes {dimension_semantics = [#tpu.dimension_semantics<core_parallel>, #tpu.dimension_semantics<subcore_parallel>], iteration_bounds = array<i64: 2, 16>, scalar_prefetch = 0 : i64, scratch_operands = 2 : i64, tpu.core_type = #tpu.core_type<sc_vector_subcore>, window_params = [{transform_indices = #map}, {transform_indices = #map}]} {
    %mul3A = arith.constant 2 : i32
    %mul3A_0 = arith.muli %arg1, %mul3A : i32
    %add3A = arith.addi %mul3A_0, %arg0 : i32
    "tpu.region"() ({
      %run_scoped3A = tpu.sem_alloc : memref<!tpu.dma_semaphore, #tpu.memory_space<semaphore_mem>>
      %dma_start3A = arith.constant 0 : i32
      %dma_start3A_15 = tpu.memref_slice %arg2[%add3A, %dma_start3A] : memref<32x10240xi32, #tpu.memory_space<hbm>> -> memref<1x10240xi32, #tpu.memory_space<hbm>>
      %dma_start3A_16 = tpu.memref_squeeze %dma_start3A_15 : memref<1x10240xi32, #tpu.memory_space<hbm>> -> memref<10240xi32, #tpu.memory_space<hbm>>
      %dma_start3A_17 = arith.constant 0 : i32
      %dma_start3A_18 = tpu.memref_slice %arg2[%add3A, %dma_start3A_17] : memref<32x10240xi32, #tpu.memory_space<hbm>> -> memref<1x10240xi32, #tpu.memory_space<hbm>>
      %dma_start3A_19 = tpu.memref_squeeze %dma_start3A_18 : memref<1x10240xi32, #tpu.memory_space<hbm>> -> memref<10240xi32, #tpu.memory_space<hbm>>
      tpu.enqueue_dma source(%dma_start3A_19 : memref<10240xi32, #tpu.memory_space<hbm>>) target(%arg4 : memref<10240xi32, #tpu.memory_space<vmem>>) target_semaphore(%run_scoped3A : memref<!tpu.dma_semaphore, #tpu.memory_space<semaphore_mem>>)
      %dma_wait3A = arith.constant 0 : i32
      %dma_wait3A_20 = tpu.memref_slice %arg2[%add3A, %dma_wait3A] : memref<32x10240xi32, #tpu.memory_space<hbm>> -> memref<1x10240xi32, #tpu.memory_space<hbm>>
      %dma_wait3A_21 = tpu.memref_squeeze %dma_wait3A_20 : memref<1x10240xi32, #tpu.memory_space<hbm>> -> memref<10240xi32, #tpu.memory_space<hbm>>
      %dma_wait3A_22 = arith.constant 0 : i32
      %dma_wait3A_23 = tpu.memref_slice %arg2[%add3A, %dma_wait3A_22] : memref<32x10240xi32, #tpu.memory_space<hbm>> -> memref<1x10240xi32, #tpu.memory_space<hbm>>
      %dma_wait3A_24 = tpu.memref_squeeze %dma_wait3A_23 : memref<1x10240xi32, #tpu.memory_space<hbm>> -> memref<10240xi32, #tpu.memory_space<hbm>>
      tpu.wait_dma2 semaphore(%run_scoped3A : memref<!tpu.dma_semaphore, #tpu.memory_space<semaphore_mem>>) src(%dma_wait3A_24 : memref<10240xi32, #tpu.memory_space<hbm>>) dst(%arg4 : memref<10240xi32, #tpu.memory_space<vmem>>)
      tpu.yield
    }) : () -> ()
    %scan3A = arith.constant 0 : i32
    %scan3A_1 = arith.constant 0 : i32
    %scan3A_2 = arith.constant 640 : i32
    %scan3A_3 = arith.addi %scan3A_1, %scan3A_2 : i32
    %scan3A_4 = arith.constant 1 : i32
    %scan3A_5 = scf.for %scan3A_15 = %scan3A_1 to %scan3A_3 step %scan3A_4 iter_args(%scan3A_16 = %scan3A) -> (i32)  : i32 {
      %broadcast_in_dim3A_17 = arith.constant 0.000000e+00 : f32
      %broadcast_in_dim3A_18 = vector.broadcast %broadcast_in_dim3A_17 : f32 to vector<16xf32>
      %mul3A_19 = arith.constant 16 : i32
      %mul3A_20 = arith.muli %scan3A_15, %mul3A_19 : i32
      %swap3A = arith.index_cast %mul3A_20 : i32 to index
      %swap3A_21 = tpu.vector_load %arg5[%swap3A] {strides = array<i32>} : memref<10240xf32, #tpu.memory_space<vmem>>, vector<16xf32>,
      tpu.vector_store %arg5[%swap3A], %broadcast_in_dim3A_18 {strides = array<i32>} : memref<10240xf32, #tpu.memory_space<vmem>>, vector<16xf32>,
      %scan3A_22 = arith.constant 0 : i32
      scf.yield %scan3A_22 : i32
    }
    %scan3A_6 = arith.constant 640 : i32
    %broadcast_in_dim3A = arith.constant 1.000000e+00 : f32
    %broadcast_in_dim3A_7 = vector.broadcast %broadcast_in_dim3A : f32 to vector<16xf32>
    %scan3A_8 = arith.constant 0 : i32
    %scan3A_9 = arith.constant 0 : i32
    %scan3A_10 = arith.constant 640 : i32
    %scan3A_11 = arith.addi %scan3A_9, %scan3A_10 : i32
    %scan3A_12 = arith.constant 1 : i32
    %scan3A_13 = scf.for %scan3A_15 = %scan3A_9 to %scan3A_11 step %scan3A_12 iter_args(%scan3A_16 = %scan3A_8) -> (i32)  : i32 {
      %mul3A_17 = arith.constant 16 : i32
      %mul3A_18 = arith.muli %scan3A_15, %mul3A_17 : i32
      %get3A = arith.index_cast %mul3A_18 : i32 to index
      %get3A_19 = tpu.vector_load %arg4[%get3A] {strides = array<i32>} : memref<10240xi32, #tpu.memory_space<vmem>>, vector<16xi32>,
      tpu.vector_store_idx %arg5[%get3A_19], %broadcast_in_dim3A_7 {add = true} : memref<10240xf32, #tpu.memory_space<vmem>>[vector<16xi32>], vector<16xf32>,
      %scan3A_20 = arith.constant 0 : i32
      scf.yield %scan3A_20 : i32
    }
    %scan3A_14 = arith.constant 640 : i32
    "tpu.region"() ({
      %run_scoped3A = tpu.sem_alloc : memref<!tpu.dma_semaphore, #tpu.memory_space<semaphore_mem>>
      %dma_start3A = arith.constant 0 : i32
      %dma_start3A_15 = tpu.memref_slice %arg3[%add3A, %dma_start3A] : memref<32x10240xf32, #tpu.memory_space<hbm>> -> memref<1x10240xf32, #tpu.memory_space<hbm>>
      %dma_start3A_16 = tpu.memref_squeeze %dma_start3A_15 : memref<1x10240xf32, #tpu.memory_space<hbm>> -> memref<10240xf32, #tpu.memory_space<hbm>>
      %dma_start3A_17 = arith.constant 0 : i32
      %dma_start3A_18 = tpu.memref_slice %arg3[%add3A, %dma_start3A_17] : memref<32x10240xf32, #tpu.memory_space<hbm>> -> memref<1x10240xf32, #tpu.memory_space<hbm>>
      %dma_start3A_19 = tpu.memref_squeeze %dma_start3A_18 : memref<1x10240xf32, #tpu.memory_space<hbm>> -> memref<10240xf32, #tpu.memory_space<hbm>>
      tpu.enqueue_dma source(%arg5 : memref<10240xf32, #tpu.memory_space<vmem>>) target(%dma_start3A_19 : memref<10240xf32, #tpu.memory_space<hbm>>) target_semaphore(%run_scoped3A : memref<!tpu.dma_semaphore, #tpu.memory_space<semaphore_mem>>)
      %dma_wait3A = arith.constant 0 : i32
      %dma_wait3A_20 = tpu.memref_slice %arg3[%add3A, %dma_wait3A] : memref<32x10240xf32, #tpu.memory_space<hbm>> -> memref<1x10240xf32, #tpu.memory_space<hbm>>
      %dma_wait3A_21 = tpu.memref_squeeze %dma_wait3A_20 : memref<1x10240xf32, #tpu.memory_space<hbm>> -> memref<10240xf32, #tpu.memory_space<hbm>>
      %dma_wait3A_22 = arith.constant 0 : i32
      %dma_wait3A_23 = tpu.memref_slice %arg3[%add3A, %dma_wait3A_22] : memref<32x10240xf32, #tpu.memory_space<hbm>> -> memref<1x10240xf32, #tpu.memory_space<hbm>>
      %dma_wait3A_24 = tpu.memref_squeeze %dma_wait3A_23 : memref<1x10240xf32, #tpu.memory_space<hbm>> -> memref<10240xf32, #tpu.memory_space<hbm>>
      tpu.wait_dma2 semaphore(%run_scoped3A : memref<!tpu.dma_semaphore, #tpu.memory_space<semaphore_mem>>) src(%arg5 : memref<10240xf32, #tpu.memory_space<vmem>>) dst(%dma_wait3A_24 : memref<10240xf32, #tpu.memory_space<hbm>>)
      tpu.yield
    }) : () -> ()
    return
  }
}

module attributes {stable_mosaic.version = 14 : i64} {
  func.func @_mm1_body(%arg0: i32, %arg1: memref<1024x128xf32, #tpu.memory_space<vmem>>, %arg2: memref<128x128xf32, #tpu.memory_space<vmem>>, %arg3: memref<128x128xf32, #tpu.memory_space<vmem>>, %arg4: memref<1x128xf32, #tpu.memory_space<vmem>>, %arg5: memref<1024x128xf32, #tpu.memory_space<vmem>>, %arg6: memref<1024x128xf32, #tpu.memory_space<vmem>>) attributes {dimension_semantics = [#tpu.dimension_semantics<arbitrary>], iteration_bounds = array<i64: 10>, scalar_prefetch = 0 : i64, scratch_operands = 0 : i64, tpu.core_type = #tpu.core_type<tc>, window_params = [{transform_indices = @transform_0, window_bounds = array<i64: 1024, 128>}, {pipeline_mode = #tpu.pipeline_mode<synchronous>, transform_indices = @transform_1, window_bounds = array<i64: 128, 128>}, {pipeline_mode = #tpu.pipeline_mode<synchronous>, transform_indices = @transform_2, window_bounds = array<i64: 128, 128>}, {pipeline_mode = #tpu.pipeline_mode<synchronous>, transform_indices = @transform_3, window_bounds = array<i64: 1, 128>}, {transform_indices = @transform_4, window_bounds = array<i64: 1024, 128>}, {transform_indices = @transform_5, window_bounds = array<i64: 1024, 128>}]} {
    %get3A = arith.constant 0 : index
    %get3A_0 = arith.constant 0 : index
    %get3A_1 = vector.load %arg1[%get3A, %get3A_0] : memref<1024x128xf32, #tpu.memory_space<vmem>>, vector<1024x128xf32>
    %get3A_2 = arith.constant 0 : index
    %get3A_3 = arith.constant 0 : index
    %get3A_4 = vector.load %arg2[%get3A_2, %get3A_3] : memref<128x128xf32, #tpu.memory_space<vmem>>, vector<128x128xf32>
    %dot_general3A = arith.constant dense<0.000000e+00> : vector<1024x128xf32>
    %dot_general3A_5 = tpu.matmul %get3A_1, %get3A_4, %dot_general3A {dimension_numbers = #tpu.dot_dimension_numbers<[1], [1], [0], [0], [0, 0, 1, 0], [], []>, transpose_lhs_hint = false} : vector<1024x128xf32>, vector<128x128xf32>, vector<1024x128xf32> -> vector<1024x128xf32>
    %swap3A = arith.constant 0 : index
    %swap3A_6 = arith.constant 0 : index
    %swap3A_7 = vector.load %arg5[%swap3A, %swap3A_6] : memref<1024x128xf32, #tpu.memory_space<vmem>>, vector<1024x128xf32>
    tpu.vector_store %arg5[%swap3A, %swap3A_6], %dot_general3A_5 {strides = array<i32>} : memref<1024x128xf32, #tpu.memory_space<vmem>>, vector<1024x128xf32>,
    %get3A_8 = arith.constant 0 : index
    %get3A_9 = arith.constant 0 : index
    %get3A_10 = vector.load %arg3[%get3A_8, %get3A_9] : memref<128x128xf32, #tpu.memory_space<vmem>>, vector<128x128xf32>
    %dot_general3A_11 = arith.constant dense<0.000000e+00> : vector<1024x128xf32>
    %dot_general3A_12 = tpu.matmul %get3A_1, %get3A_10, %dot_general3A_11 {dimension_numbers = #tpu.dot_dimension_numbers<[1], [1], [0], [0], [0, 0, 1, 0], [], []>, transpose_lhs_hint = false} : vector<1024x128xf32>, vector<128x128xf32>, vector<1024x128xf32> -> vector<1024x128xf32>
    %get3A_13 = arith.constant 0 : index
    %get3A_14 = arith.constant 0 : index
    %get3A_15 = vector.load %arg4[%get3A_13, %get3A_14] : memref<1x128xf32, #tpu.memory_space<vmem>>, vector<1x128xf32>
    %add3A = vector.broadcast %get3A_15 : vector<1x128xf32> to vector<1024x128xf32>
    %add3A_16 = arith.addf %dot_general3A_12, %add3A : vector<1024x128xf32>
    %swap3A_17 = arith.constant 0 : index
    %swap3A_18 = arith.constant 0 : index
    %swap3A_19 = vector.load %arg6[%swap3A_17, %swap3A_18] : memref<1024x128xf32, #tpu.memory_space<vmem>>, vector<1024x128xf32>
    tpu.vector_store %arg6[%swap3A_17, %swap3A_18], %add3A_16 {strides = array<i32>} : memref<1024x128xf32, #tpu.memory_space<vmem>>, vector<1024x128xf32>,
    return
  }
  func.func @transform_0(%arg0: i32) -> (i32, i32) {
    %c0_i32 = arith.constant 0 : i32
    %c0_i32_0 = arith.constant 0 : i32
    return %arg0, %c0_i32 : i32, i32
  }
  func.func @transform_1(%arg0: i32) -> (i32, i32) {
    %c0_i32 = arith.constant 0 : i32
    %c0_i32_0 = arith.constant 0 : i32
    %c0_i32_1 = arith.constant 0 : i32
    return %c0_i32, %c0_i32_0 : i32, i32
  }
  func.func @transform_2(%arg0: i32) -> (i32, i32) {
    %c0_i32 = arith.constant 0 : i32
    %c0_i32_0 = arith.constant 0 : i32
    %c0_i32_1 = arith.constant 0 : i32
    return %c0_i32, %c0_i32_0 : i32, i32
  }
  func.func @transform_3(%arg0: i32) -> (i32, i32) {
    %c0_i32 = arith.constant 0 : i32
    %c0_i32_0 = arith.constant 0 : i32
    %c0_i32_1 = arith.constant 0 : i32
    return %c0_i32, %c0_i32_0 : i32, i32
  }
  func.func @transform_4(%arg0: i32) -> (i32, i32) {
    %c0_i32 = arith.constant 0 : i32
    %c0_i32_0 = arith.constant 0 : i32
    return %arg0, %c0_i32 : i32, i32
  }
  func.func @transform_5(%arg0: i32) -> (i32, i32) {
    %c0_i32 = arith.constant 0 : i32
    %c0_i32_0 = arith.constant 0 : i32
    return %arg0, %c0_i32 : i32, i32
  }
}

module attributes {stable_mosaic.version = 14 : i64} {
  func.func @_scale_body(%arg0: i32, %arg1: memref<32x1024xf32, #tpu.memory_space<vmem>>, %arg2: memref<1024x128xf32, #tpu.memory_space<vmem>>, %arg3: memref<1024x64xf32, #tpu.memory_space<vmem>>, %arg4: memref<1024x64xf32, #tpu.memory_space<vmem>>, %arg5: memref<1024x1xf32, #tpu.memory_space<vmem>>) attributes {dimension_semantics = [#tpu.dimension_semantics<arbitrary>], iteration_bounds = array<i64: 10>, scalar_prefetch = 0 : i64, scratch_operands = 0 : i64, tpu.core_type = #tpu.core_type<tc>, window_params = [{transform_indices = @transform_0, window_bounds = array<i64: 32, 1024>}, {transform_indices = @transform_1, window_bounds = array<i64: 1024, 128>}, {transform_indices = @transform_2, window_bounds = array<i64: 1024, 64>}, {transform_indices = @transform_3, window_bounds = array<i64: 1024, 64>}, {transform_indices = @transform_4, window_bounds = array<i64: 1024, 1>}]} {
    %get3A = arith.constant 0 : index
    %get3A_0 = arith.constant 0 : index
    %get3A_1 = vector.load %arg1[%get3A, %get3A_0] : memref<32x1024xf32, #tpu.memory_space<vmem>>, vector<32x1024xf32>
    %reduce_sum3A = arith.constant dense<0.000000e+00> : vector<1024xf32>
    %reduce_sum3A_2 = vector.multi_reduction <add>, %get3A_1, %reduce_sum3A [0] : vector<32x1024xf32> to vector<1024xf32>
    %add3A = arith.constant 1.000000e+00 : f32
    %add3A_3 = vector.broadcast %add3A : f32 to vector<1024xf32>
    %add3A_4 = arith.addf %reduce_sum3A_2, %add3A_3 : vector<1024xf32>
    %rsqrt3A = math.rsqrt %add3A_4 : vector<1024xf32>
    %broadcast_in_dim3A = vector.shape_cast %rsqrt3A : vector<1024xf32> to vector<1024x1xf32>
    %swap3A = arith.constant 0 : index
    %swap3A_5 = arith.constant 0 : index
    %swap3A_6 = vector.load %arg5[%swap3A, %swap3A_5] : memref<1024x1xf32, #tpu.memory_space<vmem>>, vector<1024x1xf32>
    tpu.vector_store %arg5[%swap3A, %swap3A_5], %broadcast_in_dim3A {strides = array<i32>} : memref<1024x1xf32, #tpu.memory_space<vmem>>, vector<1024x1xf32>,
    %get3A_7 = arith.constant 0 : index
    %get3A_8 = arith.constant 0 : index
    %get3A_9 = vector.load %arg2[%get3A_7, %get3A_8] : memref<1024x128xf32, #tpu.memory_space<vmem>>, vector<1024x128xf32>
    %broadcast_in_dim3A_10 = vector.shape_cast %rsqrt3A : vector<1024xf32> to vector<1024x1xf32>
    %mul3A = vector.broadcast %broadcast_in_dim3A_10 : vector<1024x1xf32> to vector<1024x128xf32>
    %mul3A_11 = arith.mulf %get3A_9, %mul3A : vector<1024x128xf32>
    %slice3A = vector.extract_strided_slice %mul3A_11 {offsets = [0, 0], sizes = [1024, 64], strides = [1, 1]} : vector<1024x128xf32> to vector<1024x64xf32>
    %swap3A_12 = arith.constant 0 : index
    %swap3A_13 = arith.constant 0 : index
    %swap3A_14 = vector.load %arg3[%swap3A_12, %swap3A_13] : memref<1024x64xf32, #tpu.memory_space<vmem>>, vector<1024x64xf32>
    tpu.vector_store %arg3[%swap3A_12, %swap3A_13], %slice3A {strides = array<i32>} : memref<1024x64xf32, #tpu.memory_space<vmem>>, vector<1024x64xf32>,
    %slice3A_15 = vector.extract_strided_slice %mul3A_11 {offsets = [0, 64], sizes = [1024, 64], strides = [1, 1]} : vector<1024x128xf32> to vector<1024x64xf32>
    %swap3A_16 = arith.constant 0 : index
    %swap3A_17 = arith.constant 0 : index
    %swap3A_18 = vector.load %arg4[%swap3A_16, %swap3A_17] : memref<1024x64xf32, #tpu.memory_space<vmem>>, vector<1024x64xf32>
    tpu.vector_store %arg4[%swap3A_16, %swap3A_17], %slice3A_15 {strides = array<i32>} : memref<1024x64xf32, #tpu.memory_space<vmem>>, vector<1024x64xf32>,
    return
  }
  func.func @transform_0(%arg0: i32) -> (i32, i32) {
    %c0_i32 = arith.constant 0 : i32
    %c0_i32_0 = arith.constant 0 : i32
    return %c0_i32, %arg0 : i32, i32
  }
  func.func @transform_1(%arg0: i32) -> (i32, i32) {
    %c0_i32 = arith.constant 0 : i32
    %c0_i32_0 = arith.constant 0 : i32
    return %arg0, %c0_i32 : i32, i32
  }
  func.func @transform_2(%arg0: i32) -> (i32, i32) {
    %c0_i32 = arith.constant 0 : i32
    %c0_i32_0 = arith.constant 0 : i32
    return %arg0, %c0_i32 : i32, i32
  }
  func.func @transform_3(%arg0: i32) -> (i32, i32) {
    %c0_i32 = arith.constant 0 : i32
    %c0_i32_0 = arith.constant 0 : i32
    return %arg0, %c0_i32 : i32, i32
  }
  func.func @transform_4(%arg0: i32) -> (i32, i32) {
    %c0_i32 = arith.constant 0 : i32
    %c0_i32_0 = arith.constant 0 : i32
    return %arg0, %c0_i32 : i32, i32
  }
}

module attributes {stable_mosaic.version = 14 : i64} {
  func.func @_stats_body(%arg0: i32, %arg1: memref<1024x64xf32, #tpu.memory_space<vmem>>, %arg2: memref<1024x64xf32, #tpu.memory_space<vmem>>, %arg3: memref<1024x64xf32, #tpu.memory_space<vmem>>, %arg4: memref<1024x64xf32, #tpu.memory_space<vmem>>, %arg5: memref<1024x1xf32, #tpu.memory_space<vmem>>, %arg6: memref<1x128xf32, #tpu.memory_space<vmem>>, %arg7: memref<1024x128xf32, #tpu.memory_space<vmem>>, %arg8: memref<8x128xf32, #tpu.memory_space<vmem>>) attributes {dimension_semantics = [#tpu.dimension_semantics<arbitrary>], iteration_bounds = array<i64: 10>, scalar_prefetch = 0 : i64, scratch_operands = 0 : i64, tpu.core_type = #tpu.core_type<tc>, window_params = [{transform_indices = @transform_0, window_bounds = array<i64: 1024, 64>}, {transform_indices = @transform_1, window_bounds = array<i64: 1024, 64>}, {transform_indices = @transform_2, window_bounds = array<i64: 1024, 64>}, {transform_indices = @transform_3, window_bounds = array<i64: 1024, 64>}, {transform_indices = @transform_4, window_bounds = array<i64: 1024, 1>}, {pipeline_mode = #tpu.pipeline_mode<synchronous>, transform_indices = @transform_5, window_bounds = array<i64: 1, 128>}, {transform_indices = @transform_6, window_bounds = array<i64: 1024, 128>}, {pipeline_mode = #tpu.pipeline_mode<synchronous>, transform_indices = @transform_7, window_bounds = array<i64: 8, 128>}]} {
    %get3A = arith.constant 0 : index
    %get3A_0 = arith.constant 0 : index
    %get3A_1 = vector.load %arg1[%get3A, %get3A_0] : memref<1024x64xf32, #tpu.memory_space<vmem>>, vector<1024x64xf32>
    %get3A_2 = arith.constant 0 : index
    %get3A_3 = arith.constant 0 : index
    %get3A_4 = vector.load %arg3[%get3A_2, %get3A_3] : memref<1024x64xf32, #tpu.memory_space<vmem>>, vector<1024x64xf32>
    %add3A = arith.addf %get3A_1, %get3A_4 : vector<1024x64xf32>
    %get3A_5 = arith.constant 0 : index
    %get3A_6 = arith.constant 0 : index
    %get3A_7 = vector.load %arg2[%get3A_5, %get3A_6] : memref<1024x64xf32, #tpu.memory_space<vmem>>, vector<1024x64xf32>
    %get3A_8 = arith.constant 0 : index
    %get3A_9 = arith.constant 0 : index
    %get3A_10 = vector.load %arg4[%get3A_8, %get3A_9] : memref<1024x64xf32, #tpu.memory_space<vmem>>, vector<1024x64xf32>
    %add3A_11 = arith.addf %get3A_7, %get3A_10 : vector<1024x64xf32>
    %concatenate3A = tpu.concatenate %add3A, %add3A_11 in 1 : vector<1024x64xf32>, vector<1024x64xf32> -> vector<1024x128xf32>
    %get3A_12 = arith.constant 0 : index
    %get3A_13 = arith.constant 0 : index
    %get3A_14 = vector.load %arg5[%get3A_12, %get3A_13] : memref<1024x1xf32, #tpu.memory_space<vmem>>, vector<1024x1xf32>
    %mul3A = vector.broadcast %get3A_14 : vector<1024x1xf32> to vector<1024x128xf32>
    %mul3A_15 = arith.mulf %concatenate3A, %mul3A : vector<1024x128xf32>
    %get3A_16 = arith.constant 0 : index
    %get3A_17 = arith.constant 0 : index
    %get3A_18 = vector.load %arg6[%get3A_16, %get3A_17] : memref<1x128xf32, #tpu.memory_space<vmem>>, vector<1x128xf32>
    %add3A_19 = vector.broadcast %get3A_18 : vector<1x128xf32> to vector<1024x128xf32>
    %add3A_20 = arith.addf %mul3A_15, %add3A_19 : vector<1024x128xf32>
    %swap3A = arith.constant 0 : index
    %swap3A_21 = arith.constant 0 : index
    %swap3A_22 = vector.load %arg7[%swap3A, %swap3A_21] : memref<1024x128xf32, #tpu.memory_space<vmem>>, vector<1024x128xf32>
    tpu.vector_store %arg7[%swap3A, %swap3A_21], %add3A_20 {strides = array<i32>} : memref<1024x128xf32, #tpu.memory_space<vmem>>, vector<1024x128xf32>,
    %eq3A = arith.constant 0 : i32
    %eq3A_23 = arith.cmpi eq, %arg0, %eq3A : i32
    %convert_element_type3A = arith.extui %eq3A_23 : i1 to i32
    %cond3A = arith.constant 0 : i32
    %cond3A_24 = arith.cmpi ne, %convert_element_type3A, %cond3A : i32
    scf.if %cond3A_24 {
      %broadcast_in_dim3A_51 = arith.constant 0.000000e+00 : f32
      %broadcast_in_dim3A_52 = vector.broadcast %broadcast_in_dim3A_51 : f32 to vector<8x128xf32>
      %swap3A_53 = arith.constant 0 : index
      %swap3A_54 = arith.constant 0 : index
      %swap3A_55 = vector.load %arg8[%swap3A_53, %swap3A_54] : memref<8x128xf32, #tpu.memory_space<vmem>>, vector<8x128xf32>
      tpu.vector_store %arg8[%swap3A_53, %swap3A_54], %broadcast_in_dim3A_52 {strides = array<i32>} : memref<8x128xf32, #tpu.memory_space<vmem>>, vector<8x128xf32>,
    } else {
    }
    %iota3A = tpu.iota {dimensions = array<i32: 0>} : vector<1024x1xi32>
    %mul3A_25 = arith.constant 1024 : i32
    %mul3A_26 = arith.muli %arg0, %mul3A_25 : i32
    %add3A_27 = vector.broadcast %mul3A_26 : i32 to vector<1024x1xi32>
    %add3A_28 = arith.addi %iota3A, %add3A_27 : vector<1024x1xi32>
    %lt3A = arith.constant 10000 : i32
    %lt3A_29 = vector.broadcast %lt3A : i32 to vector<1024x1xi32>
    %lt3A_30 = arith.cmpi slt, %add3A_28, %lt3A_29 : vector<1024x1xi32>
    %jit3A = arith.constant 1.000000e+00 : f32
    %jit3A_31 = arith.constant 0.000000e+00 : f32
    %broadcast_in_dim3A = vector.broadcast %jit3A : f32 to vector<1024x1xf32>
    %broadcast_in_dim3A_32 = vector.broadcast %jit3A_31 : f32 to vector<1024x1xf32>
    %select_n3A = arith.select %lt3A_30, %broadcast_in_dim3A, %broadcast_in_dim3A_32 : vector<1024x1xi1>, vector<1024x1xf32>
    %mul3A_33 = vector.broadcast %select_n3A : vector<1024x1xf32> to vector<1024x128xf32>
    %mul3A_34 = arith.mulf %add3A_20, %mul3A_33 : vector<1024x128xf32>
    %reduce_sum3A = arith.constant dense<0.000000e+00> : vector<128xf32>
    %reduce_sum3A_35 = vector.multi_reduction <add>, %mul3A_34, %reduce_sum3A [0] : vector<1024x128xf32> to vector<128xf32>
    %mul3A_36 = arith.mulf %mul3A_34, %mul3A_34 : vector<1024x128xf32>
    %reduce_sum3A_37 = arith.constant dense<0.000000e+00> : vector<128xf32>
    %reduce_sum3A_38 = vector.multi_reduction <add>, %mul3A_36, %reduce_sum3A_37 [0] : vector<1024x128xf32> to vector<128xf32>
    %broadcast_in_dim3A_39 = vector.shape_cast %reduce_sum3A_35 : vector<128xf32> to vector<1x128xf32>
    %broadcast_in_dim3A_40 = vector.shape_cast %reduce_sum3A_38 : vector<128xf32> to vector<1x128xf32>
    %broadcast_in_dim3A_41 = arith.constant 0.000000e+00 : f32
    %broadcast_in_dim3A_42 = vector.broadcast %broadcast_in_dim3A_41 : f32 to vector<6x128xf32>
    %concatenate3A_43 = tpu.concatenate %broadcast_in_dim3A_39, %broadcast_in_dim3A_40, %broadcast_in_dim3A_42 in 0 : vector<1x128xf32>, vector<1x128xf32>, vector<6x128xf32> -> vector<8x128xf32>
    %get3A_44 = arith.constant 0 : index
    %get3A_45 = arith.constant 0 : index
    %get3A_46 = vector.load %arg8[%get3A_44, %get3A_45] : memref<8x128xf32, #tpu.memory_space<vmem>>, vector<8x128xf32>
    %add3A_47 = arith.addf %get3A_46, %concatenate3A_43 : vector<8x128xf32>
    %swap3A_48 = arith.constant 0 : index
    %swap3A_49 = arith.constant 0 : index
    %swap3A_50 = vector.load %arg8[%swap3A_48, %swap3A_49] : memref<8x128xf32, #tpu.memory_space<vmem>>, vector<8x128xf32>
    tpu.vector_store %arg8[%swap3A_48, %swap3A_49], %add3A_47 {strides = array<i32>} : memref<8x128xf32, #tpu.memory_space<vmem>>, vector<8x128xf32>,
    return
  }
  func.func @transform_0(%arg0: i32) -> (i32, i32) {
    %c0_i32 = arith.constant 0 : i32
    %c0_i32_0 = arith.constant 0 : i32
    return %arg0, %c0_i32 : i32, i32
  }
  func.func @transform_1(%arg0: i32) -> (i32, i32) {
    %c0_i32 = arith.constant 0 : i32
    %c0_i32_0 = arith.constant 0 : i32
    return %arg0, %c0_i32 : i32, i32
  }
  func.func @transform_2(%arg0: i32) -> (i32, i32) {
    %c0_i32 = arith.constant 0 : i32
    %c0_i32_0 = arith.constant 0 : i32
    return %arg0, %c0_i32 : i32, i32
  }
  func.func @transform_3(%arg0: i32) -> (i32, i32) {
    %c0_i32 = arith.constant 0 : i32
    %c0_i32_0 = arith.constant 0 : i32
    return %arg0, %c0_i32 : i32, i32
  }
  func.func @transform_4(%arg0: i32) -> (i32, i32) {
    %c0_i32 = arith.constant 0 : i32
    %c0_i32_0 = arith.constant 0 : i32
    return %arg0, %c0_i32 : i32, i32
  }
  func.func @transform_5(%arg0: i32) -> (i32, i32) {
    %c0_i32 = arith.constant 0 : i32
    %c0_i32_0 = arith.constant 0 : i32
    %c0_i32_1 = arith.constant 0 : i32
    return %c0_i32, %c0_i32_0 : i32, i32
  }
  func.func @transform_6(%arg0: i32) -> (i32, i32) {
    %c0_i32 = arith.constant 0 : i32
    %c0_i32_0 = arith.constant 0 : i32
    return %arg0, %c0_i32 : i32, i32
  }
  func.func @transform_7(%arg0: i32) -> (i32, i32) {
    %c0_i32 = arith.constant 0 : i32
    %c0_i32_0 = arith.constant 0 : i32
    %c0_i32_1 = arith.constant 0 : i32
    return %c0_i32, %c0_i32_0 : i32, i32
  }
}

module attributes {stable_mosaic.version = 14 : i64} {
  func.func @_mid_body(%arg0: i32, %arg1: memref<1024x128xf32, #tpu.memory_space<vmem>>, %arg2: memref<8x128xf32, #tpu.memory_space<vmem>>, %arg3: memref<1x128xf32, #tpu.memory_space<vmem>>, %arg4: memref<1x128xf32, #tpu.memory_space<vmem>>, %arg5: memref<1024x128xf32, #tpu.memory_space<vmem>>, %arg6: memref<64x128xf32, #tpu.memory_space<vmem>>, %arg7: memref<1024x1xf32, #tpu.memory_space<vmem>>, %arg8: memref<1024x32xf32, #tpu.memory_space<vmem>>, %arg9: memref<1024x32xf32, #tpu.memory_space<vmem>>) attributes {dimension_semantics = [#tpu.dimension_semantics<arbitrary>], iteration_bounds = array<i64: 10>, scalar_prefetch = 0 : i64, scratch_operands = 0 : i64, tpu.core_type = #tpu.core_type<tc>, window_params = [{transform_indices = @transform_0, window_bounds = array<i64: 1024, 128>}, {pipeline_mode = #tpu.pipeline_mode<synchronous>, transform_indices = @transform_1, window_bounds = array<i64: 8, 128>}, {pipeline_mode = #tpu.pipeline_mode<synchronous>, transform_indices = @transform_2, window_bounds = array<i64: 1, 128>}, {pipeline_mode = #tpu.pipeline_mode<synchronous>, transform_indices = @transform_3, window_bounds = array<i64: 1, 128>}, {transform_indices = @transform_4, window_bounds = array<i64: 1024, 128>}, {pipeline_mode = #tpu.pipeline_mode<synchronous>, transform_indices = @transform_5, window_bounds = array<i64: 64, 128>}, {transform_indices = @transform_6, window_bounds = array<i64: 1024, 1>}, {transform_indices = @transform_7, window_bounds = array<i64: 1024, 32>}, {transform_indices = @transform_8, window_bounds = array<i64: 1024, 32>}]} {
    %get3A = arith.constant 0 : index
    %get3A_0 = arith.constant 0 : index
    %get3A_1 = vector.load %arg2[%get3A, %get3A_0] : memref<8x128xf32, #tpu.memory_space<vmem>>, vector<8x128xf32>
    %slice3A = vector.extract_strided_slice %get3A_1 {offsets = [0, 0], sizes = [1, 128], strides = [1, 1]} : vector<8x128xf32> to vector<1x128xf32>
    %squeeze3A = vector.shape_cast %slice3A : vector<1x128xf32> to vector<128xf32>
    %mul3A = arith.constant 9.99999974E-5 : f32
    %mul3A_2 = vector.broadcast %mul3A : f32 to vector<128xf32>
    %mul3A_3 = arith.mulf %squeeze3A, %mul3A_2 : vector<128xf32>
    %slice3A_4 = vector.extract_strided_slice %get3A_1 {offsets = [1, 0], sizes = [1, 128], strides = [1, 1]} : vector<8x128xf32> to vector<1x128xf32>
    %squeeze3A_5 = vector.shape_cast %slice3A_4 : vector<1x128xf32> to vector<128xf32>
    %mul3A_6 = arith.constant 9.99999974E-5 : f32
    %mul3A_7 = vector.broadcast %mul3A_6 : f32 to vector<128xf32>
    %mul3A_8 = arith.mulf %squeeze3A_5, %mul3A_7 : vector<128xf32>
    %mul3A_9 = arith.mulf %mul3A_3, %mul3A_3 : vector<128xf32>
    %sub3A = arith.subf %mul3A_8, %mul3A_9 : vector<128xf32>
    %get3A_10 = arith.constant 0 : index
    %get3A_11 = arith.constant 0 : index
    %get3A_12 = vector.load %arg3[%get3A_10, %get3A_11] : memref<1x128xf32, #tpu.memory_space<vmem>>, vector<1x128xf32>
    %get3A_13 = vector.shape_cast %get3A_12 : vector<1x128xf32> to vector<128xf32>
    %add3A = arith.constant 9.99999974E-6 : f32
    %add3A_14 = vector.broadcast %add3A : f32 to vector<128xf32>
    %add3A_15 = arith.addf %sub3A, %add3A_14 : vector<128xf32>
    %rsqrt3A = math.rsqrt %add3A_15 : vector<128xf32>
    %mul3A_16 = arith.mulf %get3A_13, %rsqrt3A : vector<128xf32>
    %get3A_17 = arith.constant 0 : index
    %get3A_18 = arith.constant 0 : index
    %get3A_19 = vector.load %arg4[%get3A_17, %get3A_18] : memref<1x128xf32, #tpu.memory_space<vmem>>, vector<1x128xf32>
    %get3A_20 = vector.shape_cast %get3A_19 : vector<1x128xf32> to vector<128xf32>
    %mul3A_21 = arith.mulf %mul3A_3, %mul3A_16 : vector<128xf32>
    %sub3A_22 = arith.subf %get3A_20, %mul3A_21 : vector<128xf32>
    %get3A_23 = arith.constant 0 : index
    %get3A_24 = arith.constant 0 : index
    %get3A_25 = vector.load %arg1[%get3A_23, %get3A_24] : memref<1024x128xf32, #tpu.memory_space<vmem>>, vector<1024x128xf32>
    %broadcast_in_dim3A = vector.shape_cast %mul3A_16 : vector<128xf32> to vector<1x128xf32>
    %mul3A_26 = vector.broadcast %broadcast_in_dim3A : vector<1x128xf32> to vector<1024x128xf32>
    %mul3A_27 = arith.mulf %get3A_25, %mul3A_26 : vector<1024x128xf32>
    %broadcast_in_dim3A_28 = vector.shape_cast %sub3A_22 : vector<128xf32> to vector<1x128xf32>
    %add3A_29 = vector.broadcast %broadcast_in_dim3A_28 : vector<1x128xf32> to vector<1024x128xf32>
    %add3A_30 = arith.addf %mul3A_27, %add3A_29 : vector<1024x128xf32>
    %max3A = arith.constant 0.000000e+00 : f32
    %max3A_31 = vector.broadcast %max3A : f32 to vector<1024x128xf32>
    %max3A_32 = arith.maximumf %add3A_30, %max3A_31 : vector<1024x128xf32>
    %get3A_33 = arith.constant 0 : index
    %get3A_34 = arith.constant 0 : index
    %get3A_35 = vector.load %arg5[%get3A_33, %get3A_34] : memref<1024x128xf32, #tpu.memory_space<vmem>>, vector<1024x128xf32>
    %add3A_36 = arith.addf %max3A_32, %get3A_35 : vector<1024x128xf32>
    %get3A_37 = arith.constant 0 : index
    %get3A_38 = arith.constant 0 : index
    %get3A_39 = vector.load %arg6[%get3A_37, %get3A_38] : memref<64x128xf32, #tpu.memory_space<vmem>>, vector<64x128xf32>
    %dot_general3A = arith.constant dense<0.000000e+00> : vector<1024x64xf32>
    %dot_general3A_40 = tpu.matmul %add3A_36, %get3A_39, %dot_general3A {dimension_numbers = #tpu.dot_dimension_numbers<[1], [1], [0], [0], [0, 0, 1, 0], [], []>, transpose_lhs_hint = false} : vector<1024x128xf32>, vector<64x128xf32>, vector<1024x64xf32> -> vector<1024x64xf32>
    %get3A_41 = arith.constant 0 : index
    %get3A_42 = arith.constant 0 : index
    %get3A_43 = vector.load %arg7[%get3A_41, %get3A_42] : memref<1024x1xf32, #tpu.memory_space<vmem>>, vector<1024x1xf32>
    %mul3A_44 = vector.broadcast %get3A_43 : vector<1024x1xf32> to vector<1024x64xf32>
    %mul3A_45 = arith.mulf %dot_general3A_40, %mul3A_44 : vector<1024x64xf32>
    %slice3A_46 = vector.extract_strided_slice %mul3A_45 {offsets = [0, 0], sizes = [1024, 32], strides = [1, 1]} : vector<1024x64xf32> to vector<1024x32xf32>
    %swap3A = arith.constant 0 : index
    %swap3A_47 = arith.constant 0 : index
    %swap3A_48 = vector.load %arg8[%swap3A, %swap3A_47] : memref<1024x32xf32, #tpu.memory_space<vmem>>, vector<1024x32xf32>
    tpu.vector_store %arg8[%swap3A, %swap3A_47], %slice3A_46 {strides = array<i32>} : memref<1024x32xf32, #tpu.memory_space<vmem>>, vector<1024x32xf32>,
    %slice3A_49 = vector.extract_strided_slice %mul3A_45 {offsets = [0, 32], sizes = [1024, 32], strides = [1, 1]} : vector<1024x64xf32> to vector<1024x32xf32>
    %swap3A_50 = arith.constant 0 : index
    %swap3A_51 = arith.constant 0 : index
    %swap3A_52 = vector.load %arg9[%swap3A_50, %swap3A_51] : memref<1024x32xf32, #tpu.memory_space<vmem>>, vector<1024x32xf32>
    tpu.vector_store %arg9[%swap3A_50, %swap3A_51], %slice3A_49 {strides = array<i32>} : memref<1024x32xf32, #tpu.memory_space<vmem>>, vector<1024x32xf32>,
    return
  }
  func.func @transform_0(%arg0: i32) -> (i32, i32) {
    %c0_i32 = arith.constant 0 : i32
    %c0_i32_0 = arith.constant 0 : i32
    return %arg0, %c0_i32 : i32, i32
  }
  func.func @transform_1(%arg0: i32) -> (i32, i32) {
    %c0_i32 = arith.constant 0 : i32
    %c0_i32_0 = arith.constant 0 : i32
    %c0_i32_1 = arith.constant 0 : i32
    return %c0_i32, %c0_i32_0 : i32, i32
  }
  func.func @transform_2(%arg0: i32) -> (i32, i32) {
    %c0_i32 = arith.constant 0 : i32
    %c0_i32_0 = arith.constant 0 : i32
    %c0_i32_1 = arith.constant 0 : i32
    return %c0_i32, %c0_i32_0 : i32, i32
  }
  func.func @transform_3(%arg0: i32) -> (i32, i32) {
    %c0_i32 = arith.constant 0 : i32
    %c0_i32_0 = arith.constant 0 : i32
    %c0_i32_1 = arith.constant 0 : i32
    return %c0_i32, %c0_i32_0 : i32, i32
  }
  func.func @transform_4(%arg0: i32) -> (i32, i32) {
    %c0_i32 = arith.constant 0 : i32
    %c0_i32_0 = arith.constant 0 : i32
    return %arg0, %c0_i32 : i32, i32
  }
  func.func @transform_5(%arg0: i32) -> (i32, i32) {
    %c0_i32 = arith.constant 0 : i32
    %c0_i32_0 = arith.constant 0 : i32
    %c0_i32_1 = arith.constant 0 : i32
    return %c0_i32, %c0_i32_0 : i32, i32
  }
  func.func @transform_6(%arg0: i32) -> (i32, i32) {
    %c0_i32 = arith.constant 0 : i32
    %c0_i32_0 = arith.constant 0 : i32
    return %arg0, %c0_i32 : i32, i32
  }
  func.func @transform_7(%arg0: i32) -> (i32, i32) {
    %c0_i32 = arith.constant 0 : i32
    %c0_i32_0 = arith.constant 0 : i32
    return %arg0, %c0_i32 : i32, i32
  }
  func.func @transform_8(%arg0: i32) -> (i32, i32) {
    %c0_i32 = arith.constant 0 : i32
    %c0_i32_0 = arith.constant 0 : i32
    return %arg0, %c0_i32 : i32, i32
  }
}

module attributes {stable_mosaic.version = 14 : i64} {
  func.func @_fcpre_body(%arg0: i32, %arg1: memref<1000x1024xf32, #tpu.memory_space<vmem>>, %arg2: memref<1000x1280xf32, #tpu.memory_space<vmem>>, %arg3: memref<512x1024xf32, #tpu.memory_space<vmem>>, %arg4: memref<512x1280xf32, #tpu.memory_space<vmem>>, %arg5: memref<1000x512xf32, #tpu.memory_space<vmem>>) attributes {dimension_semantics = [#tpu.dimension_semantics<arbitrary>], iteration_bounds = array<i64: 10>, scalar_prefetch = 0 : i64, scratch_operands = 0 : i64, tpu.core_type = #tpu.core_type<tc>, window_params = [{transform_indices = @transform_0, window_bounds = array<i64: 1000, 1024>}, {transform_indices = @transform_1, window_bounds = array<i64: 1000, 1280>}, {pipeline_mode = #tpu.pipeline_mode<synchronous>, transform_indices = @transform_2, window_bounds = array<i64: 512, 1024>}, {pipeline_mode = #tpu.pipeline_mode<synchronous>, transform_indices = @transform_3, window_bounds = array<i64: 512, 1280>}, {transform_indices = @transform_4, window_bounds = array<i64: 1000, 512>}]} {
    %get3A = arith.constant 0 : index
    %get3A_0 = arith.constant 0 : index
    %get3A_1 = vector.load %arg1[%get3A, %get3A_0] : memref<1000x1024xf32, #tpu.memory_space<vmem>>, vector<1000x1024xf32>
    %get3A_2 = arith.constant 0 : index
    %get3A_3 = arith.constant 0 : index
    %get3A_4 = vector.load %arg3[%get3A_2, %get3A_3] : memref<512x1024xf32, #tpu.memory_space<vmem>>, vector<512x1024xf32>
    %dot_general3A = arith.constant dense<0.000000e+00> : vector<1000x512xf32>
    %dot_general3A_5 = tpu.matmul %get3A_1, %get3A_4, %dot_general3A {dimension_numbers = #tpu.dot_dimension_numbers<[1], [1], [0], [0], [0, 0, 1, 0], [], []>, transpose_lhs_hint = false} : vector<1000x1024xf32>, vector<512x1024xf32>, vector<1000x512xf32> -> vector<1000x512xf32>
    %get3A_6 = arith.constant 0 : index
    %get3A_7 = arith.constant 0 : index
    %get3A_8 = vector.load %arg2[%get3A_6, %get3A_7] : memref<1000x1280xf32, #tpu.memory_space<vmem>>, vector<1000x1280xf32>
    %get3A_9 = arith.constant 0 : index
    %get3A_10 = arith.constant 0 : index
    %get3A_11 = vector.load %arg4[%get3A_9, %get3A_10] : memref<512x1280xf32, #tpu.memory_space<vmem>>, vector<512x1280xf32>
    %dot_general3A_12 = arith.constant dense<0.000000e+00> : vector<1000x512xf32>
    %dot_general3A_13 = tpu.matmul %get3A_8, %get3A_11, %dot_general3A_12 {dimension_numbers = #tpu.dot_dimension_numbers<[1], [1], [0], [0], [0, 0, 1, 0], [], []>, transpose_lhs_hint = false} : vector<1000x1280xf32>, vector<512x1280xf32>, vector<1000x512xf32> -> vector<1000x512xf32>
    %add3A = arith.addf %dot_general3A_5, %dot_general3A_13 : vector<1000x512xf32>
    %swap3A = arith.constant 0 : index
    %swap3A_14 = arith.constant 0 : index
    %swap3A_15 = vector.load %arg5[%swap3A, %swap3A_14] : memref<1000x512xf32, #tpu.memory_space<vmem>>, vector<1000x512xf32>
    tpu.vector_store %arg5[%swap3A, %swap3A_14], %add3A {strides = array<i32>} : memref<1000x512xf32, #tpu.memory_space<vmem>>, vector<1000x512xf32>,
    return
  }
  func.func @transform_0(%arg0: i32) -> (i32, i32) {
    %c0_i32 = arith.constant 0 : i32
    %c0_i32_0 = arith.constant 0 : i32
    return %arg0, %c0_i32 : i32, i32
  }
  func.func @transform_1(%arg0: i32) -> (i32, i32) {
    %c0_i32 = arith.constant 0 : i32
    %c0_i32_0 = arith.constant 0 : i32
    return %arg0, %c0_i32 : i32, i32
  }
  func.func @transform_2(%arg0: i32) -> (i32, i32) {
    %c0_i32 = arith.constant 0 : i32
    %c0_i32_0 = arith.constant 0 : i32
    %c0_i32_1 = arith.constant 0 : i32
    return %c0_i32, %c0_i32_0 : i32, i32
  }
  func.func @transform_3(%arg0: i32) -> (i32, i32) {
    %c0_i32 = arith.constant 0 : i32
    %c0_i32_0 = arith.constant 0 : i32
    %c0_i32_1 = arith.constant 0 : i32
    return %c0_i32, %c0_i32_0 : i32, i32
  }
  func.func @transform_4(%arg0: i32) -> (i32, i32) {
    %c0_i32 = arith.constant 0 : i32
    %c0_i32_0 = arith.constant 0 : i32
    return %arg0, %c0_i32 : i32, i32
  }
}

module attributes {stable_mosaic.version = 14 : i64} {
  func.func @_stats_body(%arg0: i32, %arg1: memref<1024x32xf32, #tpu.memory_space<vmem>>, %arg2: memref<1024x32xf32, #tpu.memory_space<vmem>>, %arg3: memref<1024x32xf32, #tpu.memory_space<vmem>>, %arg4: memref<1024x32xf32, #tpu.memory_space<vmem>>, %arg5: memref<1024x1xf32, #tpu.memory_space<vmem>>, %arg6: memref<1x64xf32, #tpu.memory_space<vmem>>, %arg7: memref<1024x64xf32, #tpu.memory_space<vmem>>, %arg8: memref<8x64xf32, #tpu.memory_space<vmem>>) attributes {dimension_semantics = [#tpu.dimension_semantics<arbitrary>], iteration_bounds = array<i64: 10>, scalar_prefetch = 0 : i64, scratch_operands = 0 : i64, tpu.core_type = #tpu.core_type<tc>, window_params = [{transform_indices = @transform_0, window_bounds = array<i64: 1024, 32>}, {transform_indices = @transform_1, window_bounds = array<i64: 1024, 32>}, {transform_indices = @transform_2, window_bounds = array<i64: 1024, 32>}, {transform_indices = @transform_3, window_bounds = array<i64: 1024, 32>}, {transform_indices = @transform_4, window_bounds = array<i64: 1024, 1>}, {pipeline_mode = #tpu.pipeline_mode<synchronous>, transform_indices = @transform_5, window_bounds = array<i64: 1, 64>}, {transform_indices = @transform_6, window_bounds = array<i64: 1024, 64>}, {pipeline_mode = #tpu.pipeline_mode<synchronous>, transform_indices = @transform_7, window_bounds = array<i64: 8, 64>}]} {
    %get3A = arith.constant 0 : index
    %get3A_0 = arith.constant 0 : index
    %get3A_1 = vector.load %arg1[%get3A, %get3A_0] : memref<1024x32xf32, #tpu.memory_space<vmem>>, vector<1024x32xf32>
    %get3A_2 = arith.constant 0 : index
    %get3A_3 = arith.constant 0 : index
    %get3A_4 = vector.load %arg3[%get3A_2, %get3A_3] : memref<1024x32xf32, #tpu.memory_space<vmem>>, vector<1024x32xf32>
    %add3A = arith.addf %get3A_1, %get3A_4 : vector<1024x32xf32>
    %get3A_5 = arith.constant 0 : index
    %get3A_6 = arith.constant 0 : index
    %get3A_7 = vector.load %arg2[%get3A_5, %get3A_6] : memref<1024x32xf32, #tpu.memory_space<vmem>>, vector<1024x32xf32>
    %get3A_8 = arith.constant 0 : index
    %get3A_9 = arith.constant 0 : index
    %get3A_10 = vector.load %arg4[%get3A_8, %get3A_9] : memref<1024x32xf32, #tpu.memory_space<vmem>>, vector<1024x32xf32>
    %add3A_11 = arith.addf %get3A_7, %get3A_10 : vector<1024x32xf32>
    %concatenate3A = tpu.concatenate %add3A, %add3A_11 in 1 : vector<1024x32xf32>, vector<1024x32xf32> -> vector<1024x64xf32>
    %get3A_12 = arith.constant 0 : index
    %get3A_13 = arith.constant 0 : index
    %get3A_14 = vector.load %arg5[%get3A_12, %get3A_13] : memref<1024x1xf32, #tpu.memory_space<vmem>>, vector<1024x1xf32>
    %mul3A = vector.broadcast %get3A_14 : vector<1024x1xf32> to vector<1024x64xf32>
    %mul3A_15 = arith.mulf %concatenate3A, %mul3A : vector<1024x64xf32>
    %get3A_16 = arith.constant 0 : index
    %get3A_17 = arith.constant 0 : index
    %get3A_18 = vector.load %arg6[%get3A_16, %get3A_17] : memref<1x64xf32, #tpu.memory_space<vmem>>, vector<1x64xf32>
    %add3A_19 = vector.broadcast %get3A_18 : vector<1x64xf32> to vector<1024x64xf32>
    %add3A_20 = arith.addf %mul3A_15, %add3A_19 : vector<1024x64xf32>
    %swap3A = arith.constant 0 : index
    %swap3A_21 = arith.constant 0 : index
    %swap3A_22 = vector.load %arg7[%swap3A, %swap3A_21] : memref<1024x64xf32, #tpu.memory_space<vmem>>, vector<1024x64xf32>
    tpu.vector_store %arg7[%swap3A, %swap3A_21], %add3A_20 {strides = array<i32>} : memref<1024x64xf32, #tpu.memory_space<vmem>>, vector<1024x64xf32>,
    %eq3A = arith.constant 0 : i32
    %eq3A_23 = arith.cmpi eq, %arg0, %eq3A : i32
    %convert_element_type3A = arith.extui %eq3A_23 : i1 to i32
    %cond3A = arith.constant 0 : i32
    %cond3A_24 = arith.cmpi ne, %convert_element_type3A, %cond3A : i32
    scf.if %cond3A_24 {
      %broadcast_in_dim3A_51 = arith.constant 0.000000e+00 : f32
      %broadcast_in_dim3A_52 = vector.broadcast %broadcast_in_dim3A_51 : f32 to vector<8x64xf32>
      %swap3A_53 = arith.constant 0 : index
      %swap3A_54 = arith.constant 0 : index
      %swap3A_55 = vector.load %arg8[%swap3A_53, %swap3A_54] : memref<8x64xf32, #tpu.memory_space<vmem>>, vector<8x64xf32>
      tpu.vector_store %arg8[%swap3A_53, %swap3A_54], %broadcast_in_dim3A_52 {strides = array<i32>} : memref<8x64xf32, #tpu.memory_space<vmem>>, vector<8x64xf32>,
    } else {
    }
    %iota3A = tpu.iota {dimensions = array<i32: 0>} : vector<1024x1xi32>
    %mul3A_25 = arith.constant 1024 : i32
    %mul3A_26 = arith.muli %arg0, %mul3A_25 : i32
    %add3A_27 = vector.broadcast %mul3A_26 : i32 to vector<1024x1xi32>
    %add3A_28 = arith.addi %iota3A, %add3A_27 : vector<1024x1xi32>
    %lt3A = arith.constant 10000 : i32
    %lt3A_29 = vector.broadcast %lt3A : i32 to vector<1024x1xi32>
    %lt3A_30 = arith.cmpi slt, %add3A_28, %lt3A_29 : vector<1024x1xi32>
    %jit3A = arith.constant 1.000000e+00 : f32
    %jit3A_31 = arith.constant 0.000000e+00 : f32
    %broadcast_in_dim3A = vector.broadcast %jit3A : f32 to vector<1024x1xf32>
    %broadcast_in_dim3A_32 = vector.broadcast %jit3A_31 : f32 to vector<1024x1xf32>
    %select_n3A = arith.select %lt3A_30, %broadcast_in_dim3A, %broadcast_in_dim3A_32 : vector<1024x1xi1>, vector<1024x1xf32>
    %mul3A_33 = vector.broadcast %select_n3A : vector<1024x1xf32> to vector<1024x64xf32>
    %mul3A_34 = arith.mulf %add3A_20, %mul3A_33 : vector<1024x64xf32>
    %reduce_sum3A = arith.constant dense<0.000000e+00> : vector<64xf32>
    %reduce_sum3A_35 = vector.multi_reduction <add>, %mul3A_34, %reduce_sum3A [0] : vector<1024x64xf32> to vector<64xf32>
    %mul3A_36 = arith.mulf %mul3A_34, %mul3A_34 : vector<1024x64xf32>
    %reduce_sum3A_37 = arith.constant dense<0.000000e+00> : vector<64xf32>
    %reduce_sum3A_38 = vector.multi_reduction <add>, %mul3A_36, %reduce_sum3A_37 [0] : vector<1024x64xf32> to vector<64xf32>
    %broadcast_in_dim3A_39 = vector.shape_cast %reduce_sum3A_35 : vector<64xf32> to vector<1x64xf32>
    %broadcast_in_dim3A_40 = vector.shape_cast %reduce_sum3A_38 : vector<64xf32> to vector<1x64xf32>
    %broadcast_in_dim3A_41 = arith.constant 0.000000e+00 : f32
    %broadcast_in_dim3A_42 = vector.broadcast %broadcast_in_dim3A_41 : f32 to vector<6x64xf32>
    %concatenate3A_43 = tpu.concatenate %broadcast_in_dim3A_39, %broadcast_in_dim3A_40, %broadcast_in_dim3A_42 in 0 : vector<1x64xf32>, vector<1x64xf32>, vector<6x64xf32> -> vector<8x64xf32>
    %get3A_44 = arith.constant 0 : index
    %get3A_45 = arith.constant 0 : index
    %get3A_46 = vector.load %arg8[%get3A_44, %get3A_45] : memref<8x64xf32, #tpu.memory_space<vmem>>, vector<8x64xf32>
    %add3A_47 = arith.addf %get3A_46, %concatenate3A_43 : vector<8x64xf32>
    %swap3A_48 = arith.constant 0 : index
    %swap3A_49 = arith.constant 0 : index
    %swap3A_50 = vector.load %arg8[%swap3A_48, %swap3A_49] : memref<8x64xf32, #tpu.memory_space<vmem>>, vector<8x64xf32>
    tpu.vector_store %arg8[%swap3A_48, %swap3A_49], %add3A_47 {strides = array<i32>} : memref<8x64xf32, #tpu.memory_space<vmem>>, vector<8x64xf32>,
    return
  }
  func.func @transform_0(%arg0: i32) -> (i32, i32) {
    %c0_i32 = arith.constant 0 : i32
    %c0_i32_0 = arith.constant 0 : i32
    return %arg0, %c0_i32 : i32, i32
  }
  func.func @transform_1(%arg0: i32) -> (i32, i32) {
    %c0_i32 = arith.constant 0 : i32
    %c0_i32_0 = arith.constant 0 : i32
    return %arg0, %c0_i32 : i32, i32
  }
  func.func @transform_2(%arg0: i32) -> (i32, i32) {
    %c0_i32 = arith.constant 0 : i32
    %c0_i32_0 = arith.constant 0 : i32
    return %arg0, %c0_i32 : i32, i32
  }
  func.func @transform_3(%arg0: i32) -> (i32, i32) {
    %c0_i32 = arith.constant 0 : i32
    %c0_i32_0 = arith.constant 0 : i32
    return %arg0, %c0_i32 : i32, i32
  }
  func.func @transform_4(%arg0: i32) -> (i32, i32) {
    %c0_i32 = arith.constant 0 : i32
    %c0_i32_0 = arith.constant 0 : i32
    return %arg0, %c0_i32 : i32, i32
  }
  func.func @transform_5(%arg0: i32) -> (i32, i32) {
    %c0_i32 = arith.constant 0 : i32
    %c0_i32_0 = arith.constant 0 : i32
    %c0_i32_1 = arith.constant 0 : i32
    return %c0_i32, %c0_i32_0 : i32, i32
  }
  func.func @transform_6(%arg0: i32) -> (i32, i32) {
    %c0_i32 = arith.constant 0 : i32
    %c0_i32_0 = arith.constant 0 : i32
    return %arg0, %c0_i32 : i32, i32
  }
  func.func @transform_7(%arg0: i32) -> (i32, i32) {
    %c0_i32 = arith.constant 0 : i32
    %c0_i32_0 = arith.constant 0 : i32
    %c0_i32_1 = arith.constant 0 : i32
    return %c0_i32, %c0_i32_0 : i32, i32
  }
}

module attributes {stable_mosaic.version = 14 : i64} {
  func.func @_fc_body(%arg0: i32, %arg1: memref<1000x64xf32, #tpu.memory_space<vmem>>, %arg2: memref<8x64xf32, #tpu.memory_space<vmem>>, %arg3: memref<1x64xf32, #tpu.memory_space<vmem>>, %arg4: memref<1x64xf32, #tpu.memory_space<vmem>>, %arg5: memref<1000x512xf32, #tpu.memory_space<vmem>>, %arg6: memref<512x64xf32, #tpu.memory_space<vmem>>, %arg7: memref<1x512xf32, #tpu.memory_space<vmem>>, %arg8: memref<128x512xf32, #tpu.memory_space<vmem>>, %arg9: memref<1x128xf32, #tpu.memory_space<vmem>>, %arg10: memref<128x128xf32, #tpu.memory_space<vmem>>, %arg11: memref<1x128xf32, #tpu.memory_space<vmem>>, %arg12: memref<1000x128xf32, #tpu.memory_space<vmem>>) attributes {dimension_semantics = [#tpu.dimension_semantics<arbitrary>], iteration_bounds = array<i64: 10>, scalar_prefetch = 0 : i64, scratch_operands = 0 : i64, tpu.core_type = #tpu.core_type<tc>, window_params = [{transform_indices = @transform_0, window_bounds = array<i64: 1000, 64>}, {pipeline_mode = #tpu.pipeline_mode<synchronous>, transform_indices = @transform_1, window_bounds = array<i64: 8, 64>}, {pipeline_mode = #tpu.pipeline_mode<synchronous>, transform_indices = @transform_2, window_bounds = array<i64: 1, 64>}, {pipeline_mode = #tpu.pipeline_mode<synchronous>, transform_indices = @transform_3, window_bounds = array<i64: 1, 64>}, {transform_indices = @transform_4, window_bounds = array<i64: 1000, 512>}, {pipeline_mode = #tpu.pipeline_mode<synchronous>, transform_indices = @transform_5, window_bounds = array<i64: 512, 64>}, {pipeline_mode = #tpu.pipeline_mode<synchronous>, transform_indices = @transform_6, window_bounds = array<i64: 1, 512>}, {pipeline_mode = #tpu.pipeline_mode<synchronous>, transform_indices = @transform_7, window_bounds = array<i64: 128, 512>}, {pipeline_mode = #tpu.pipeline_mode<synchronous>, transform_indices = @transform_8, window_bounds = array<i64: 1, 128>}, {pipeline_mode = #tpu.pipeline_mode<synchronous>, transform_indices = @transform_9, window_bounds = array<i64: 128, 128>}, {pipeline_mode = #tpu.pipeline_mode<synchronous>, transform_indices = @transform_10, window_bounds = array<i64: 1, 128>}, {transform_indices = @transform_11, window_bounds = array<i64: 1000, 128>}]} {
    %get3A = arith.constant 0 : index
    %get3A_0 = arith.constant 0 : index
    %get3A_1 = vector.load %arg2[%get3A, %get3A_0] : memref<8x64xf32, #tpu.memory_space<vmem>>, vector<8x64xf32>
    %slice3A = vector.extract_strided_slice %get3A_1 {offsets = [0, 0], sizes = [1, 64], strides = [1, 1]} : vector<8x64xf32> to vector<1x64xf32>
    %squeeze3A = vector.shape_cast %slice3A : vector<1x64xf32> to vector<64xf32>
    %mul3A = arith.constant 9.99999974E-5 : f32
    %mul3A_2 = vector.broadcast %mul3A : f32 to vector<64xf32>
    %mul3A_3 = arith.mulf %squeeze3A, %mul3A_2 : vector<64xf32>
    %slice3A_4 = vector.extract_strided_slice %get3A_1 {offsets = [1, 0], sizes = [1, 64], strides = [1, 1]} : vector<8x64xf32> to vector<1x64xf32>
    %squeeze3A_5 = vector.shape_cast %slice3A_4 : vector<1x64xf32> to vector<64xf32>
    %mul3A_6 = arith.constant 9.99999974E-5 : f32
    %mul3A_7 = vector.broadcast %mul3A_6 : f32 to vector<64xf32>
    %mul3A_8 = arith.mulf %squeeze3A_5, %mul3A_7 : vector<64xf32>
    %mul3A_9 = arith.mulf %mul3A_3, %mul3A_3 : vector<64xf32>
    %sub3A = arith.subf %mul3A_8, %mul3A_9 : vector<64xf32>
    %get3A_10 = arith.constant 0 : index
    %get3A_11 = arith.constant 0 : index
    %get3A_12 = vector.load %arg3[%get3A_10, %get3A_11] : memref<1x64xf32, #tpu.memory_space<vmem>>, vector<1x64xf32>
    %get3A_13 = vector.shape_cast %get3A_12 : vector<1x64xf32> to vector<64xf32>
    %add3A = arith.constant 9.99999974E-6 : f32
    %add3A_14 = vector.broadcast %add3A : f32 to vector<64xf32>
    %add3A_15 = arith.addf %sub3A, %add3A_14 : vector<64xf32>
    %rsqrt3A = math.rsqrt %add3A_15 : vector<64xf32>
    %mul3A_16 = arith.mulf %get3A_13, %rsqrt3A : vector<64xf32>
    %get3A_17 = arith.constant 0 : index
    %get3A_18 = arith.constant 0 : index
    %get3A_19 = vector.load %arg4[%get3A_17, %get3A_18] : memref<1x64xf32, #tpu.memory_space<vmem>>, vector<1x64xf32>
    %get3A_20 = vector.shape_cast %get3A_19 : vector<1x64xf32> to vector<64xf32>
    %mul3A_21 = arith.mulf %mul3A_3, %mul3A_16 : vector<64xf32>
    %sub3A_22 = arith.subf %get3A_20, %mul3A_21 : vector<64xf32>
    %get3A_23 = arith.constant 0 : index
    %get3A_24 = arith.constant 0 : index
    %get3A_25 = vector.load %arg1[%get3A_23, %get3A_24] : memref<1000x64xf32, #tpu.memory_space<vmem>>, vector<1000x64xf32>
    %broadcast_in_dim3A = vector.shape_cast %mul3A_16 : vector<64xf32> to vector<1x64xf32>
    %mul3A_26 = vector.broadcast %broadcast_in_dim3A : vector<1x64xf32> to vector<1000x64xf32>
    %mul3A_27 = arith.mulf %get3A_25, %mul3A_26 : vector<1000x64xf32>
    %broadcast_in_dim3A_28 = vector.shape_cast %sub3A_22 : vector<64xf32> to vector<1x64xf32>
    %add3A_29 = vector.broadcast %broadcast_in_dim3A_28 : vector<1x64xf32> to vector<1000x64xf32>
    %add3A_30 = arith.addf %mul3A_27, %add3A_29 : vector<1000x64xf32>
    %max3A = arith.constant 0.000000e+00 : f32
    %max3A_31 = vector.broadcast %max3A : f32 to vector<1000x64xf32>
    %max3A_32 = arith.maximumf %add3A_30, %max3A_31 : vector<1000x64xf32>
    %get3A_33 = arith.constant 0 : index
    %get3A_34 = arith.constant 0 : index
    %get3A_35 = vector.load %arg6[%get3A_33, %get3A_34] : memref<512x64xf32, #tpu.memory_space<vmem>>, vector<512x64xf32>
    %dot_general3A = arith.constant dense<0.000000e+00> : vector<1000x512xf32>
    %dot_general3A_36 = tpu.matmul %max3A_32, %get3A_35, %dot_general3A {dimension_numbers = #tpu.dot_dimension_numbers<[1], [1], [0], [0], [0, 0, 1, 0], [], []>, transpose_lhs_hint = false} : vector<1000x64xf32>, vector<512x64xf32>, vector<1000x512xf32> -> vector<1000x512xf32>
    %get3A_37 = arith.constant 0 : index
    %get3A_38 = arith.constant 0 : index
    %get3A_39 = vector.load %arg5[%get3A_37, %get3A_38] : memref<1000x512xf32, #tpu.memory_space<vmem>>, vector<1000x512xf32>
    %add3A_40 = arith.addf %dot_general3A_36, %get3A_39 : vector<1000x512xf32>
    %get3A_41 = arith.constant 0 : index
    %get3A_42 = arith.constant 0 : index
    %get3A_43 = vector.load %arg7[%get3A_41, %get3A_42] : memref<1x512xf32, #tpu.memory_space<vmem>>, vector<1x512xf32>
    %add3A_44 = vector.broadcast %get3A_43 : vector<1x512xf32> to vector<1000x512xf32>
    %add3A_45 = arith.addf %add3A_40, %add3A_44 : vector<1000x512xf32>
    %max3A_46 = arith.constant 0.000000e+00 : f32
    %max3A_47 = vector.broadcast %max3A_46 : f32 to vector<1000x512xf32>
    %max3A_48 = arith.maximumf %add3A_45, %max3A_47 : vector<1000x512xf32>
    %get3A_49 = arith.constant 0 : index
    %get3A_50 = arith.constant 0 : index
    %get3A_51 = vector.load %arg8[%get3A_49, %get3A_50] : memref<128x512xf32, #tpu.memory_space<vmem>>, vector<128x512xf32>
    %dot_general3A_52 = arith.constant dense<0.000000e+00> : vector<1000x128xf32>
    %dot_general3A_53 = tpu.matmul %max3A_48, %get3A_51, %dot_general3A_52 {dimension_numbers = #tpu.dot_dimension_numbers<[1], [1], [0], [0], [0, 0, 1, 0], [], []>, transpose_lhs_hint = false} : vector<1000x512xf32>, vector<128x512xf32>, vector<1000x128xf32> -> vector<1000x128xf32>
    %get3A_54 = arith.constant 0 : index
    %get3A_55 = arith.constant 0 : index
    %get3A_56 = vector.load %arg9[%get3A_54, %get3A_55] : memref<1x128xf32, #tpu.memory_space<vmem>>, vector<1x128xf32>
    %add3A_57 = vector.broadcast %get3A_56 : vector<1x128xf32> to vector<1000x128xf32>
    %add3A_58 = arith.addf %dot_general3A_53, %add3A_57 : vector<1000x128xf32>
    %max3A_59 = arith.constant 0.000000e+00 : f32
    %max3A_60 = vector.broadcast %max3A_59 : f32 to vector<1000x128xf32>
    %max3A_61 = arith.maximumf %add3A_58, %max3A_60 : vector<1000x128xf32>
    %get3A_62 = arith.constant 0 : index
    %get3A_63 = arith.constant 0 : index
    %get3A_64 = vector.load %arg10[%get3A_62, %get3A_63] : memref<128x128xf32, #tpu.memory_space<vmem>>, vector<128x128xf32>
    %dot_general3A_65 = arith.constant dense<0.000000e+00> : vector<1000x128xf32>
    %dot_general3A_66 = tpu.matmul %max3A_61, %get3A_64, %dot_general3A_65 {dimension_numbers = #tpu.dot_dimension_numbers<[1], [1], [0], [0], [0, 0, 1, 0], [], []>, transpose_lhs_hint = false} : vector<1000x128xf32>, vector<128x128xf32>, vector<1000x128xf32> -> vector<1000x128xf32>
    %get3A_67 = arith.constant 0 : index
    %get3A_68 = arith.constant 0 : index
    %get3A_69 = vector.load %arg11[%get3A_67, %get3A_68] : memref<1x128xf32, #tpu.memory_space<vmem>>, vector<1x128xf32>
    %add3A_70 = vector.broadcast %get3A_69 : vector<1x128xf32> to vector<1000x128xf32>
    %add3A_71 = arith.addf %dot_general3A_66, %add3A_70 : vector<1000x128xf32>
    %swap3A = arith.constant 0 : index
    %swap3A_72 = arith.constant 0 : index
    %swap3A_73 = vector.load %arg12[%swap3A, %swap3A_72] : memref<1000x128xf32, #tpu.memory_space<vmem>>, vector<1000x128xf32>
    tpu.vector_store %arg12[%swap3A, %swap3A_72], %add3A_71 {strides = array<i32>} : memref<1000x128xf32, #tpu.memory_space<vmem>>, vector<1000x128xf32>,
    return
  }
  func.func @transform_0(%arg0: i32) -> (i32, i32) {
    %c0_i32 = arith.constant 0 : i32
    %c0_i32_0 = arith.constant 0 : i32
    return %arg0, %c0_i32 : i32, i32
  }
  func.func @transform_1(%arg0: i32) -> (i32, i32) {
    %c0_i32 = arith.constant 0 : i32
    %c0_i32_0 = arith.constant 0 : i32
    %c0_i32_1 = arith.constant 0 : i32
    return %c0_i32, %c0_i32_0 : i32, i32
  }
  func.func @transform_2(%arg0: i32) -> (i32, i32) {
    %c0_i32 = arith.constant 0 : i32
    %c0_i32_0 = arith.constant 0 : i32
    %c0_i32_1 = arith.constant 0 : i32
    return %c0_i32, %c0_i32_0 : i32, i32
  }
  func.func @transform_3(%arg0: i32) -> (i32, i32) {
    %c0_i32 = arith.constant 0 : i32
    %c0_i32_0 = arith.constant 0 : i32
    %c0_i32_1 = arith.constant 0 : i32
    return %c0_i32, %c0_i32_0 : i32, i32
  }
  func.func @transform_4(%arg0: i32) -> (i32, i32) {
    %c0_i32 = arith.constant 0 : i32
    %c0_i32_0 = arith.constant 0 : i32
    return %arg0, %c0_i32 : i32, i32
  }
  func.func @transform_5(%arg0: i32) -> (i32, i32) {
    %c0_i32 = arith.constant 0 : i32
    %c0_i32_0 = arith.constant 0 : i32
    %c0_i32_1 = arith.constant 0 : i32
    return %c0_i32, %c0_i32_0 : i32, i32
  }
  func.func @transform_6(%arg0: i32) -> (i32, i32) {
    %c0_i32 = arith.constant 0 : i32
    %c0_i32_0 = arith.constant 0 : i32
    %c0_i32_1 = arith.constant 0 : i32
    return %c0_i32, %c0_i32_0 : i32, i32
  }
  func.func @transform_7(%arg0: i32) -> (i32, i32) {
    %c0_i32 = arith.constant 0 : i32
    %c0_i32_0 = arith.constant 0 : i32
    %c0_i32_1 = arith.constant 0 : i32
    return %c0_i32, %c0_i32_0 : i32, i32
  }
  func.func @transform_8(%arg0: i32) -> (i32, i32) {
    %c0_i32 = arith.constant 0 : i32
    %c0_i32_0 = arith.constant 0 : i32
    %c0_i32_1 = arith.constant 0 : i32
    return %c0_i32, %c0_i32_0 : i32, i32
  }
  func.func @transform_9(%arg0: i32) -> (i32, i32) {
    %c0_i32 = arith.constant 0 : i32
    %c0_i32_0 = arith.constant 0 : i32
    %c0_i32_1 = arith.constant 0 : i32
    return %c0_i32, %c0_i32_0 : i32, i32
  }
  func.func @transform_10(%arg0: i32) -> (i32, i32) {
    %c0_i32 = arith.constant 0 : i32
    %c0_i32_0 = arith.constant 0 : i32
    %c0_i32_1 = arith.constant 0 : i32
    return %c0_i32, %c0_i32_0 : i32, i32
  }
  func.func @transform_11(%arg0: i32) -> (i32, i32) {
    %c0_i32 = arith.constant 0 : i32
    %c0_i32_0 = arith.constant 0 : i32
    return %arg0, %c0_i32 : i32, i32
  }
}

</mosaic_0001>

<sc_bundles>
// kernel: kernel.12.cloned.1.call-start
scs
__scs_entry_jumppad:
0x0: {  	(pc) =	sbr.rel $0x88, $3  }
0x1: {  	(tag) =	ssettag $0x0;
	lr =	simm.s32 $0x1  }
0x2: {  	[smem:$0x3F8D] =	sst lr;
	_ =	strace $0xD0000000  }
0x3: {  	_ = 	snop  }
0x4: {  	_ = 	snop  }
0x5: {  	_ = 	snop  }
0x6: {  	_ = 	snop  }
0x7: {  	_ = 	snop  }
__scs_overlays_trampoline_lowered:
0x8: {  	[smem:$0x3F9C] =	sst s0  }
0x9: {  	[smem:$0x3F9D] =	sst s1  }
0xa: {  	[smem:$0x3F9E] =	sst s2  }
0xb: {  	[smem:$0x3F9F] =	sst s3  }
0xc: {  	[smem:$0x3FA0] =	sst s4  }
0xd: {  	[smem:$0x3FA1] =	sst s5  }
0xe: {  	[smem:$0x3FA2] =	sst s6  }
0xf: {  	[smem:$0x3FA3] =	sst s7  }
0x10: {  	[smem:$0x3FA4] =	sst s8  }
0x11: {  	[smem:$0x3FA5] =	sst s9;
	s0 =	simm.s32 @!p0 $0x0  }
0x12: {  	s1 =	sld [smem:$0x3F8B];
	s0 =	simm.s32 @p0 $0x1  }
0x13: {  	[smem:$0x3FA6] =	sst s0;
	s0 =	simm.s32 @!p1 $0x0  }
0x14: {  	s2 =	sld [smem:$0x3F8A];
	s0 =	simm.s32 @p1 $0x1  }
0x15: {  	[smem:$0x3FA7] =	sst s0;
	s0 =	simm.s32 @!p2 $0x0  }
0x16: {  	s3 =	sld [smem:$0x3FDB];
	s0 =	simm.s32 @p2 $0x1  }
0x17: {  	s4 =	simm.s32 $0x1BF5;
	[smem:$0x3FA9] =	sst s0  }
0x18: {  	s0 =	sld [smem:$0x3F8C];
	_ =	swait.ge [sflag:s4], $0x0  }
0x19: {  	s7 =	sld [smem:$0x3F8D]  }
0x1a: {  	s8 =	sadd.s32 $0xFFFFE003, lr  }
0x1b: {  	s9 =	sadd.s32 $0xFFFFFEF7, lr;
	s5 =	simm.s32 $0xFFFFFFFF;
	p2 =	slt.u32 s8, $0xFFFFF086  }
0x1c: {  	p1 =	slt.u32 s9, $0xF7A;
	s5 =	simm.s32 @!p2 $0x0  }
0x1d: {  	s5 =	simm.s32 @p1 $0x1;
	p0 =	seq.s32 s7, s2  }
0x1e: {  	s7 =	smul.u32 @!p0 $0xF7A, s2;
	p2 =	seq.s32 @!p0 s5, $0x0  }
0x1f: {  	s9 =	smul.u32 $0xF7A, s1;
	s8 =	simm.s32 @!p0 $0x1BF5;
	p2 =	por !p2, p0  }
0x20: {  	[sflag:s8] =	ssyncset.s32 @!p0 $0xFFFFF086;
	s6 =	sadd.s32 @!p0 s3, s7;
	s7 =	simm.s32 @!p0 $0x108  }
0x21: {  	s3 =	sadd.s32 s3, s9;
	s6 =	sadd.s32 @!p0 $0x88, s6;
	s7 =	simm.s32 @p2 $0x1082  }
0x22: {  	[simem:s7], [sflag:s8] =	dma.local @!p0 [hbm:s6], $0xF7A  }
0x23: {  	s9 =	sor.u32 $0xD0000000, s2;
	s6 =	simm.s32 $0x108;
	_ =	swait.ge @!p0 [sflag:s8], $0x0  }
0x24: {  	s3 =	sadd.s32 $0x88, s3;
	s6 =	simm.s32 @!p1 $0x1082;
	[sflag:s4] =	ssyncset.s32 $0xFFFFF086  }
0x25: {  	[simem:s6], [sflag:s4] =	dma.local [hbm:s3], $0xF7A  }
0x26: {  	[smem:$0x3F8D] =	sst s1;
	(tag) =	ssettag s2;
	_ =	strace s9  }
0x27: {  	s1 =	sld [smem:$0x3F9D]  }
0x28: {  	s2 =	sld [smem:$0x3F9E]  }
0x29: {  	s4 =	sld [smem:$0x3FA0]  }
0x2a: {  	p0 =	seq.s32 s5, $0x0;
	s5 =	sld [smem:$0x3FA1]  }
0x2b: {  	s6 =	sld [smem:$0x3FA2]  }
0x2c: {  	s7 =	sld [smem:$0x3FA3]  }
0x2d: {  	s3 =	simm.s32 $0x108;
	s8 =	sld [smem:$0x3FA4]  }
0x2e: {  	s3 =	simm.s32 @!p0 $0x1082;
	s9 =	sld [smem:$0x3FA5]  }
0x2f: {  	lr =	sadd.s32 s0, s3;
	s0 =	sld [smem:$0x3F9C]  }
0x30: {  	s3 =	sld [smem:$0x3F9F]  }
0x31: {  	[smem:$0x3FA8] =	sst s10  }
0x32: {  	s10 =	sld [smem:$0x3FA6];
	_ =	sdelay $0x3  }
0x33: {  	p0 =	seq.s32 s10, $0x1;
	s10 =	sld [smem:$0x3FA8];
	_ =	sdelay $0x3  }
0x34: {  	[smem:$0x3FA8] =	sst s10  }
0x35: {  	s10 =	sld [smem:$0x3FA7];
	_ =	sdelay $0x3  }
0x36: {  	p1 =	seq.s32 s10, $0x1;
	s10 =	sld [smem:$0x3FA8];
	_ =	sdelay $0x3  }
0x37: {  	[smem:$0x3FA8] =	sst s10  }
0x38: {  	s10 =	sld [smem:$0x3FA9]  }
0x39: {  	_ = 	snop;
	(pc) =	sbr.ind lr, $3  }
0x3a: {  	_ = 	snop  }
0x3b: {  	_ = 	snop  }
0x3c: {  	p2 =	seq.s32 s10, $0x1;
	s10 =	sld [smem:$0x3FA8]  }
0x3d: {  	_ =	shalt  }
0x3e: {  	_ =	shalt  }
0x3f: {  	_ =	shalt  }
0x40: {  	_ =	shalt  }
0x41: {  	_ =	shalt  }
0x42: {  	_ =	shalt  }
0x43: {  	_ =	shalt  }
0x44: {  	_ =	shalt  }
0x45: {  	_ =	shalt  }
0x46: {  	_ =	shalt  }
0x47: {  	_ =	shalt  }
0x48: {  	_ =	shalt  }
0x49: {  	_ =	shalt  }
0x4a: {  	_ =	shalt  }
0x4b: {  	_ =	shalt  }
0x4c: {  	_ =	shalt  }
0x4d: {  	_ =	shalt  }
0x4e: {  	_ =	shalt  }
0x4f: {  	_ =	shalt  }
0x50: {  	_ =	shalt  }
0x51: {  	_ =	shalt  }
0x52: {  	_ =	shalt  }
0x53: {  	_ =	shalt  }
0x54: {  	_ =	shalt  }
0x55: {  	_ =	shalt  }
0x56: {  	_ =	shalt  }
0x57: {  	_ =	shalt  }
0x58: {  	_ =	shalt  }
0x59: {  	_ =	shalt  }
0x5a: {  	_ =	shalt  }
0x5b: {  	_ =	shalt  }
0x5c: {  	_ =	shalt  }
0x5d: {  	_ =	shalt  }
0x5e: {  	_ =	shalt  }
0x5f: {  	_ =	shalt  }
0x60: {  	_ =	shalt  }
0x61: {  	_ =	shalt  }
0x62: {  	_ =	shalt  }
0x63: {  	_ =	shalt  }
0x64: {  	_ =	shalt  }
0x65: {  	_ =	shalt  }
0x66: {  	_ =	shalt  }
0x67: {  	_ =	shalt  }
0x68: {  	_ =	shalt  }
0x69: {  	_ =	shalt  }
0x6a: {  	_ =	shalt  }
0x6b: {  	_ =	shalt  }
0x6c: {  	_ =	shalt  }
0x6d: {  	_ =	shalt  }
0x6e: {  	_ =	shalt  }
0x6f: {  	_ =	shalt  }
0x70: {  	_ =	shalt  }
0x71: {  	_ =	shalt  }
0x72: {  	_ =	shalt  }
0x73: {  	_ =	shalt  }
0x74: {  	_ =	shalt  }
0x75: {  	_ =	shalt  }
0x76: {  	_ =	shalt  }
0x77: {  	_ =	shalt  }
0x78: {  	_ =	shalt  }
0x79: {  	_ =	shalt  }
0x7a: {  	_ =	shalt  }
0x7b: {  	_ =	shalt  }
0x7c: {  	_ =	shalt  }
0x7d: {  	_ =	shalt  }
0x7e: {  	_ =	shalt  }
0x7f: {  	_ =	shalt  }
0x80: {  	_ =	shalt  }
0x81: {  	_ =	shalt  }
0x82: {  	_ =	shalt  }
0x83: {  	_ =	shalt  }
0x84: {  	_ =	shalt  }
0x85: {  	_ =	shalt  }
0x86: {  	_ =	shalt  }
0x87: {  	_ =	shalt  }
.Lfunc_end0:
.L_simem_size_0:
called_computation_lowered:
.L_overlay_start_0:
0x88: {  	s2 =	sld [smem:$0x3FD9]  }
0x89: {  	s3 =	sld [smem:$0x3FFE];
	_ =	sdelay $0x1  }
0x8a: {  	s1 =	srdreg.scid  }
0x8b: {  	s0 =	sand.u32 $0x1, s1  }
0x8c: {  	s16 =	sshll.u32 s0, $0xA;
	s2 =	sadd.s32 s3, s2  }
0x8d: {  	s2 =	sadd.s32 s2, s16  }
0x8e: {  	[smem:$0x3FB4] =	sst s2  }
0x8f: {  	_ = 	snop  }
0x90: {  	(tm) =	ssettm $0x1  }
0x91: {  	s17 =	sld [smem:$0x3FFB];
	_ =	sdelay $0x3  }
0x92: {  	_ =	strace s17  }
0x93: {  	s2 =	sld [smem:$0x3FFC];
	_ =	sdelay $0x3  }
0x94: {  	_ =	strace s2  }
0x95: {  	s2 =	sld [smem:$0x3FFD];
	_ =	sdelay $0x3  }
0x96: {  	_ =	strace s2  }
0x97: {  	_ =	strace $0x8FFFFFFF  }
0x98: {  	s18 =	sld [smem:$0x3FDB];
	_ =	sdelay $0x1  }
0x99: {  	s19 =	simm.s32 $_scs_section_size  }
0x9a: {  	s4 =	simm.s32 $_size__tile_overlayer_lowered;
	s5 =	simm.s32 $_tile_overlayer_lowered  }
0x9b: {  	s22 =	simm.s32 $0x1BFF;
	s21 =	sshll.u32 s5, $0x1;
	s2 =	sadd.s32 s19, s18  }
0x9c: {  	s6 =	simm.s32 $0x0;
	s20 =	sshll.u32 s4, $0x1;
	s4 =	sadd.s32 s21, s2  }
0x9d: {  	[timem:s6], [sflag:s22] =	dma.local [hbm:s4], s20  }
0x9e: {  	_ =	swait.ge [sflag:s22], s20  }
0x9f: {  	s3 =	ssub.s32 $0x0, s20;
	[sflag:s22] =	ssyncset.done $0x0  }
0xa0: {  	[sflag:s22] =	ssyncadd.s32 s3;
	_ =	sdelay $0x1  }
0xa1: {  	s23 =	simm.s32 $0x1B8B  }
0xa2: {  	_ =	swait.ge [sflag:s23], $0x1  }
0xa3: {  	[sflag:s23] =	ssyncset.done $0x0  }
0xa4: {  	s25 =	simm.s32 $0x1B8E;
	s24 =	sld [smem:$0x3FFE];
	[sflag:s23] =	ssyncadd.s32 $0xFFFFFFFF  }
0xa5: {  	s26 =	simm.s32 $execute0_lowered;
	[smem:$0x3FD2] =	sst s25  }
0xa6: {  	s4 =	sshll.u32 s26, $0x1;
	_ =	strace $0x80000046;
	[dreg:$0x1] =	wrdreg $0xFFFFFFFF  }
0xa7: {  	s28 =	simm.s32 $_size_execute0_lowered;
	s2 =	sadd.s32 s2, s4;
	[dreg:$0x0] =	wrdreg $0x0  }
0xa8: {  	s4 =	sshll.u32 s28, $0x1;
	[dreg:$0x2] =	wrdreg s2  }
0xa9: {  	[dreg:$0x3] =	wrdreg s4  }
0xaa: {  	[dreg:$0x4] =	wrdreg $0xC0  }
0xab: {  	_ =	task [dreg:s6], $0x5FFFF  }
0xac: {  	[dreg:$0x1] =	wrdreg $0xFFFFFFFF  }
0xad: {  	[dreg:$0x0] =	wrdreg $0x60  }
0xae: {  	[dreg:$0x2] =	wrdreg s24  }
0xaf: {  	[dreg:$0x3] =	wrdreg $0x9  }
0xb0: {  	_ =	task.clear_ibuf [dreg:s6], $0x4FFFF;
	_ =	strace $0x90000046  }
0xb1: {  	s29 =	simm.s32 $0x9;
	_ =	strace $0x80000048  }
0xb2: {  	_ =	swait.ge [sflag:s29], $0x1  }
0xb3: {  	[sflag:s29] =	ssyncadd.s32 $0xFFFFFFFF  }
0xb4: {  	_ =	strace $0x90000048  }
0xb5: {  	_ =	sfence  }
0xb6: {  	s30 =	sld [smem:$0x0];
	_ =	sdelay $0x2  }
0xb7: {  	s31 =	sshll.u32 s1, $0xD;
	s1 =	sshrl.u32 s1, $0x2  }
0xb8: {  	s3 =	sand.u32 $0x4000, s31;
	s1 =	sadd.s32 s1, s30  }
0xb9: {  	s0 =	sor.u32 s3, s0;
	s1 =	sshll.u32 s1, $0x11  }
0xba: {  	s0 =	sor.u32 s1, s0  }
0xbb: {  	s0 =	sadd.s32 $0x8F2B, s0  }
0xbc: {  	[sflag:s0] =	ssyncadd.remote.s32 $0x1  }
0xbd: {  	_ =	sfence.sel $0xFFFF  }
0xbe: {  	[dreg:$0x0] =	wrdreg $0xFFFFFFFF;
	(pc) =	sbr.abs _section_cstart, $3  }
0xbf: {  	[dreg:$0x1] =	wrdreg $0xFFFFFFFF  }
0xc0: {  	_ =	task.clear_ibuf [dreg:s6], $0x2FFFF;
	_ =	strace $0x9FFFFFFF  }
0xc1: {  	(tm) =	ssettm $0x7FFFFFFF  }
tec
execute0_lowered:
.L_overlay_start_1:
0x0: {  	(tag) =	ssettag $0x1  }
0x1: {  	s1 =	srdreg.scid;
	s0 =	stileid.u32  }
0x2: {  	s4 =	sand.u32 $0x1, s1;
	s2 =	sshll.u32 s0, $0x1  }
0x3: {  	s3 =	rddreg [dreg:$0x0];
	s5 =	sor.u32 s4, s2  }
0x4: {  	s7 =	simm.s32 $0x2800;
	s8 =	simm.s32 $0x0;
	s5 =	smul.u32 $0x500, s5  }
0x5: {  	s1 =	rddreg [dreg:$0x1];
	s2 =	simm.s32 $0x0;
	s4 =	ssub.s32 $0x2, s4  }
0x6: {  	[smem:$0x7FF] =	sst s2;
	s6 =	sshrl.u32 s4, $0x1;
	s5 =	sadd.s32 s5, s3  }
0x7: {  	_ =	strace $0x80000047;
	s6 =	ssub.s32 s4, s6;
	s3 =	sadd.s32 $0x5400, s5  }
0x8: {  	v0 =	vimm.f32 $0.0e+00;
	v1 =	vimm.f32 $1.000000000e+00;
	s4 =	sadd.s32 $0xF400, s5;
	s5 =	smax.u32 s6, $0x1;
	s6 =	simm.s32 $0x1  }
.LBB2_1:
0x9: {  	[tilespmem:s2], [sflag:$0x1] =	stream.linear.gather [hbm4b:s3+s2], $0x2800, $0x38;
	[tilespmem:$0x5000] =	vst v63  }
0xa: {  	_ =	swait.ge [sflag:s6], $0x2800  }
0xb: {  	[sflag:s6] =	ssyncset.done $0x0  }
0xc: {  	s9 =	simm.s32 $0x0;
	[sflag:s6] =	ssyncadd.s32 $0xFFFFD800  }
.LBB2_2:
0xd: {  	p0 =	sne.s32 s9, $0x9FC0  }
.Ltmp0:
0xe: {  	_ = 	snop;
	(pc) =	sbr.rel @p0 .LBB2_2-.Ltmp0, $3  }
0xf: {  	_ =	sdelay $0x1  }
0x10: {  	s10 =	sshra.s32 s9, $0x2  }
0x11: {  	s9 =	sadd.s32 $0x40, s9;
	[tilespmem:s10+$0x2800] =	vst v0  }
0x12: {  	s10 =	simm.s32 $0x0;
	s9 =	simm.s32 $0x40  }
.LBB2_4:
0x13: {  	p0 =	sne.s32 s9, $0x9FC0;
	v2 =	vld [tilespmem:s10+$0x0];
	_ =	sdelay $0x3  }
.Ltmp1:
0x14: {  	(pc) =	sbr.rel @p0 .LBB2_4-.Ltmp1, $2  }
0x15: {  	_ =	sdelay $0x2  }
0x16: {  	s10 =	sshra.s32 s9, $0x2;
	s9 =	sadd.s32 $0x40, s9;
	[tilespmem:v2+s7+$0x0] =	vst.idx.add.f32.msk $0xffff, v1  }
0x17: {  	v2 =	vld [tilespmem:s10+$0x0];
	_ =	sdelay $0x5  }
0x18: {  	s8 =	sadd.s32 $0x1, s8  }
0x19: {  	p0 =	sne.s32 s8, s5  }
.Ltmp2:
0x1a: {  	[tilespmem:v2+s7+$0x0] =	vst.idx.add.f32.msk $0xffff, v1;
	(pc) =	sbr.rel @p0 .LBB2_1-.Ltmp2, $4  }
0x1b: {  	[hbm4b:s4+s2] =	stream.linear.scatter [tilespmem:s7], [sflag:$0x1], $0x2800, $0x38;
	[tilespmem:$0x5000] =	vst v63  }
0x1c: {  	_ =	swait.ge [sflag:s6], $0x2800  }
0x1d: {  	[sflag:s6] =	ssyncset.done $0x0  }
0x1e: {  	[sflag:s6] =	ssyncadd.s32 $0xFFFFD800  }
0x1f: {  	_ =	sfence.sel $0x180000  }
0x20: {  	[bflag:$0x0] =	sbarrier.arrive $0xFFFF  }
0x21: {  	p0 =	sne.s32 s0, $0x0;
	_ =	strace $0x90000047  }
0x22: {  	s0 =	sadd.s32 @!p0 $0x100000, s1;
	[bflag:$0x2] =	sbarrier.arrive $0xFFFF  }
0x23: {  	[sflag:s0] =	ssyncadd.tile.s32 @!p0 $0x1;
	_ =	shalt  }
.Lfunc_end2:
_tile_overlayer_lowered:
.L_overlay_start_2:
0x24: {  	(tag) =	ssettag $0x2  }
0x25: {  	s0 =	rddreg [dreg:$0x0];
	s2 =	stileid.u32  }
0x26: {  	s1 =	rddreg [dreg:$0x1];
	p0 =	sne.s32 s2, $0x0  }
0x27: {  	s3 =	rddreg [dreg:$0x2];
	[bflag:$0x3] =	sbarrier.arrive $0xFFFF;
	s2 =	simm.s32 @!p0 $0x1C01  }
0x28: {  	[timem:s3], [sflag:s2] =	dma.local @!p0 [hbm:s0], s1  }
0x29: {  	s0 =	simm.s32 @!p0 $0x1  }
0x2a: {  	_ =	swait.ge @!p0 [sflag:s0], s1  }
0x2b: {  	s1 =	ssub.s32 @!p0 $0x0, s1;
	[sflag:s0] =	ssyncset.done @!p0 $0x0  }
0x2c: {  	[sflag:s0] =	ssyncadd.s32 @!p0 s1  }
0x2d: {  	[bflag:$0x3] =	sbarrier.arrive $0xFFFF  }
0x2e: {  	_ =	shalt  }

// kernel: kernel.15.cloned.1.call-start
scs
__scs_entry_jumppad:
0x0: {  	(pc) =	sbr.rel $0x88, $3  }
0x1: {  	(tag) =	ssettag $0x0;
	lr =	simm.s32 $0x1  }
0x2: {  	[smem:$0x3F8D] =	sst lr;
	_ =	strace $0xD0000000  }
0x3: {  	_ = 	snop  }
0x4: {  	_ = 	snop  }
0x5: {  	_ = 	snop  }
0x6: {  	_ = 	snop  }
0x7: {  	_ = 	snop  }
__scs_overlays_trampoline_lowered:
0x8: {  	[smem:$0x3F9C] =	sst s0  }
0x9: {  	[smem:$0x3F9D] =	sst s1  }
0xa: {  	[smem:$0x3F9E] =	sst s2  }
0xb: {  	[smem:$0x3F9F] =	sst s3  }
0xc: {  	[smem:$0x3FA0] =	sst s4  }
0xd: {  	[smem:$0x3FA1] =	sst s5  }
0xe: {  	[smem:$0x3FA2] =	sst s6  }
0xf: {  	[smem:$0x3FA3] =	sst s7  }
0x10: {  	[smem:$0x3FA4] =	sst s8  }
0x11: {  	[smem:$0x3FA5] =	sst s9;
	s0 =	simm.s32 @!p0 $0x0  }
0x12: {  	s1 =	sld [smem:$0x3F8B];
	s0 =	simm.s32 @p0 $0x1  }
0x13: {  	[smem:$0x3FA6] =	sst s0;
	s0 =	simm.s32 @!p1 $0x0  }
0x14: {  	s2 =	sld [smem:$0x3F8A];
	s0 =	simm.s32 @p1 $0x1  }
0x15: {  	[smem:$0x3FA7] =	sst s0;
	s0 =	simm.s32 @!p2 $0x0  }
0x16: {  	s3 =	sld [smem:$0x3FDB];
	s0 =	simm.s32 @p2 $0x1  }
0x17: {  	s4 =	simm.s32 $0x1BF5;
	[smem:$0x3FA9] =	sst s0  }
0x18: {  	s0 =	sld [smem:$0x3F8C];
	_ =	swait.ge [sflag:s4], $0x0  }
0x19: {  	s7 =	sld [smem:$0x3F8D]  }
0x1a: {  	s8 =	sadd.s32 $0xFFFFE003, lr  }
0x1b: {  	s9 =	sadd.s32 $0xFFFFFEF7, lr;
	s5 =	simm.s32 $0xFFFFFFFF;
	p2 =	slt.u32 s8, $0xFFFFF086  }
0x1c: {  	p1 =	slt.u32 s9, $0xF7A;
	s5 =	simm.s32 @!p2 $0x0  }
0x1d: {  	s5 =	simm.s32 @p1 $0x1;
	p0 =	seq.s32 s7, s2  }
0x1e: {  	s7 =	smul.u32 @!p0 $0xF7A, s2;
	p2 =	seq.s32 @!p0 s5, $0x0  }
0x1f: {  	s9 =	smul.u32 $0xF7A, s1;
	s8 =	simm.s32 @!p0 $0x1BF5;
	p2 =	por !p2, p0  }
0x20: {  	[sflag:s8] =	ssyncset.s32 @!p0 $0xFFFFF086;
	s6 =	sadd.s32 @!p0 s3, s7;
	s7 =	simm.s32 @!p0 $0x108  }
0x21: {  	s3 =	sadd.s32 s3, s9;
	s6 =	sadd.s32 @!p0 $0x88, s6;
	s7 =	simm.s32 @p2 $0x1082  }
0x22: {  	[simem:s7], [sflag:s8] =	dma.local @!p0 [hbm:s6], $0xF7A  }
0x23: {  	s9 =	sor.u32 $0xD0000000, s2;
	s6 =	simm.s32 $0x108;
	_ =	swait.ge @!p0 [sflag:s8], $0x0  }
0x24: {  	s3 =	sadd.s32 $0x88, s3;
	s6 =	simm.s32 @!p1 $0x1082;
	[sflag:s4] =	ssyncset.s32 $0xFFFFF086  }
0x25: {  	[simem:s6], [sflag:s4] =	dma.local [hbm:s3], $0xF7A  }
0x26: {  	[smem:$0x3F8D] =	sst s1;
	(tag) =	ssettag s2;
	_ =	strace s9  }
0x27: {  	s1 =	sld [smem:$0x3F9D]  }
0x28: {  	s2 =	sld [smem:$0x3F9E]  }
0x29: {  	s4 =	sld [smem:$0x3FA0]  }
0x2a: {  	p0 =	seq.s32 s5, $0x0;
	s5 =	sld [smem:$0x3FA1]  }
0x2b: {  	s6 =	sld [smem:$0x3FA2]  }
0x2c: {  	s7 =	sld [smem:$0x3FA3]  }
0x2d: {  	s3 =	simm.s32 $0x108;
	s8 =	sld [smem:$0x3FA4]  }
0x2e: {  	s3 =	simm.s32 @!p0 $0x1082;
	s9 =	sld [smem:$0x3FA5]  }
0x2f: {  	lr =	sadd.s32 s0, s3;
	s0 =	sld [smem:$0x3F9C]  }
0x30: {  	s3 =	sld [smem:$0x3F9F]  }
0x31: {  	[smem:$0x3FA8] =	sst s10  }
0x32: {  	s10 =	sld [smem:$0x3FA6];
	_ =	sdelay $0x3  }
0x33: {  	p0 =	seq.s32 s10, $0x1;
	s10 =	sld [smem:$0x3FA8];
	_ =	sdelay $0x3  }
0x34: {  	[smem:$0x3FA8] =	sst s10  }
0x35: {  	s10 =	sld [smem:$0x3FA7];
	_ =	sdelay $0x3  }
0x36: {  	p1 =	seq.s32 s10, $0x1;
	s10 =	sld [smem:$0x3FA8];
	_ =	sdelay $0x3  }
0x37: {  	[smem:$0x3FA8] =	sst s10  }
0x38: {  	s10 =	sld [smem:$0x3FA9]  }
0x39: {  	_ = 	snop;
	(pc) =	sbr.ind lr, $3  }
0x3a: {  	_ = 	snop  }
0x3b: {  	_ = 	snop  }
0x3c: {  	p2 =	seq.s32 s10, $0x1;
	s10 =	sld [smem:$0x3FA8]  }
0x3d: {  	_ =	shalt  }
0x3e: {  	_ =	shalt  }
0x3f: {  	_ =	shalt  }
0x40: {  	_ =	shalt  }
0x41: {  	_ =	shalt  }
0x42: {  	_ =	shalt  }
0x43: {  	_ =	shalt  }
0x44: {  	_ =	shalt  }
0x45: {  	_ =	shalt  }
0x46: {  	_ =	shalt  }
0x47: {  	_ =	shalt  }
0x48: {  	_ =	shalt  }
0x49: {  	_ =	shalt  }
0x4a: {  	_ =	shalt  }
0x4b: {  	_ =	shalt  }
0x4c: {  	_ =	shalt  }
0x4d: {  	_ =	shalt  }
0x4e: {  	_ =	shalt  }
0x4f: {  	_ =	shalt  }
0x50: {  	_ =	shalt  }
0x51: {  	_ =	shalt  }
0x52: {  	_ =	shalt  }
0x53: {  	_ =	shalt  }
0x54: {  	_ =	shalt  }
0x55: {  	_ =	shalt  }
0x56: {  	_ =	shalt  }
0x57: {  	_ =	shalt  }
0x58: {  	_ =	shalt  }
0x59: {  	_ =	shalt  }
0x5a: {  	_ =	shalt  }
0x5b: {  	_ =	shalt  }
0x5c: {  	_ =	shalt  }
0x5d: {  	_ =	shalt  }
0x5e: {  	_ =	shalt  }
0x5f: {  	_ =	shalt  }
0x60: {  	_ =	shalt  }
0x61: {  	_ =	shalt  }
0x62: {  	_ =	shalt  }
0x63: {  	_ =	shalt  }
0x64: {  	_ =	shalt  }
0x65: {  	_ =	shalt  }
0x66: {  	_ =	shalt  }
0x67: {  	_ =	shalt  }
0x68: {  	_ =	shalt  }
0x69: {  	_ =	shalt  }
0x6a: {  	_ =	shalt  }
0x6b: {  	_ =	shalt  }
0x6c: {  	_ =	shalt  }
0x6d: {  	_ =	shalt  }
0x6e: {  	_ =	shalt  }
0x6f: {  	_ =	shalt  }
0x70: {  	_ =	shalt  }
0x71: {  	_ =	shalt  }
0x72: {  	_ =	shalt  }
0x73: {  	_ =	shalt  }
0x74: {  	_ =	shalt  }
0x75: {  	_ =	shalt  }
0x76: {  	_ =	shalt  }
0x77: {  	_ =	shalt  }
0x78: {  	_ =	shalt  }
0x79: {  	_ =	shalt  }
0x7a: {  	_ =	shalt  }
0x7b: {  	_ =	shalt  }
0x7c: {  	_ =	shalt  }
0x7d: {  	_ =	shalt  }
0x7e: {  	_ =	shalt  }
0x7f: {  	_ =	shalt  }
0x80: {  	_ =	shalt  }
0x81: {  	_ =	shalt  }
0x82: {  	_ =	shalt  }
0x83: {  	_ =	shalt  }
0x84: {  	_ =	shalt  }
0x85: {  	_ =	shalt  }
0x86: {  	_ =	shalt  }
0x87: {  	_ =	shalt  }
.Lfunc_end0:
.L_simem_size_0:
called_computation.1_lowered:
.L_overlay_start_0:
0x88: {  	s2 =	sld [smem:$0x3FD9]  }
0x89: {  	s3 =	sld [smem:$0x3FFE];
	_ =	sdelay $0x1  }
0x8a: {  	s1 =	srdreg.scid  }
0x8b: {  	s0 =	sand.u32 $0x1, s1  }
0x8c: {  	s16 =	sshll.u32 s0, $0xA;
	s2 =	sadd.s32 s3, s2  }
0x8d: {  	s2 =	sadd.s32 s2, s16  }
0x8e: {  	[smem:$0x3FB4] =	sst s2  }
0x8f: {  	_ = 	snop  }
0x90: {  	(tm) =	ssettm $0x1  }
0x91: {  	s17 =	sld [smem:$0x3FFB];
	_ =	sdelay $0x3  }
0x92: {  	_ =	strace s17  }
0x93: {  	s2 =	sld [smem:$0x3FFC];
	_ =	sdelay $0x3  }
0x94: {  	_ =	strace s2  }
0x95: {  	s2 =	sld [smem:$0x3FFD];
	_ =	sdelay $0x3  }
0x96: {  	_ =	strace s2  }
0x97: {  	_ =	strace $0x8FFFFFFF  }
0x98: {  	s18 =	sld [smem:$0x3FDB];
	_ =	sdelay $0x1  }
0x99: {  	s19 =	simm.s32 $_scs_section_size  }
0x9a: {  	s4 =	simm.s32 $_size__tile_overlayer_lowered;
	s5 =	simm.s32 $_tile_overlayer_lowered  }
0x9b: {  	s22 =	simm.s32 $0x1BFF;
	s21 =	sshll.u32 s5, $0x1;
	s2 =	sadd.s32 s19, s18  }
0x9c: {  	s6 =	simm.s32 $0x0;
	s20 =	sshll.u32 s4, $0x1;
	s4 =	sadd.s32 s21, s2  }
0x9d: {  	[timem:s6], [sflag:s22] =	dma.local [hbm:s4], s20  }
0x9e: {  	_ =	swait.ge [sflag:s22], s20  }
0x9f: {  	s3 =	ssub.s32 $0x0, s20;
	[sflag:s22] =	ssyncset.done $0x0  }
0xa0: {  	[sflag:s22] =	ssyncadd.s32 s3;
	_ =	sdelay $0x1  }
0xa1: {  	s23 =	simm.s32 $0x1B8B  }
0xa2: {  	_ =	swait.ge [sflag:s23], $0x1  }
0xa3: {  	[sflag:s23] =	ssyncset.done $0x0  }
0xa4: {  	s25 =	simm.s32 $0x1B8E;
	s24 =	sld [smem:$0x3FFE];
	[sflag:s23] =	ssyncadd.s32 $0xFFFFFFFF  }
0xa5: {  	s26 =	simm.s32 $execute0_lowered;
	[smem:$0x3FD2] =	sst s25  }
0xa6: {  	s4 =	sshll.u32 s26, $0x1;
	_ =	strace $0x80000049;
	[dreg:$0x1] =	wrdreg $0xFFFFFFFF  }
0xa7: {  	s28 =	simm.s32 $_size_execute0_lowered;
	s2 =	sadd.s32 s2, s4;
	[dreg:$0x0] =	wrdreg $0x0  }
0xa8: {  	s4 =	sshll.u32 s28, $0x1;
	[dreg:$0x2] =	wrdreg s2  }
0xa9: {  	[dreg:$0x3] =	wrdreg s4  }
0xaa: {  	[dreg:$0x4] =	wrdreg $0xC0  }
0xab: {  	_ =	task [dreg:s6], $0x5FFFF  }
0xac: {  	[dreg:$0x1] =	wrdreg $0xFFFFFFFF  }
0xad: {  	[dreg:$0x0] =	wrdreg $0x60  }
0xae: {  	[dreg:$0x2] =	wrdreg s24  }
0xaf: {  	[dreg:$0x3] =	wrdreg $0x120000  }
0xb0: {  	[dreg:$0x4] =	wrdreg $0x9  }
0xb1: {  	_ =	task.clear_ibuf [dreg:s6], $0x5FFFF;
	_ =	strace $0x90000049  }
0xb2: {  	s29 =	simm.s32 $0x9;
	_ =	strace $0x8000004B  }
0xb3: {  	_ =	swait.ge [sflag:s29], $0x1  }
0xb4: {  	[sflag:s29] =	ssyncadd.s32 $0xFFFFFFFF  }
0xb5: {  	_ =	strace $0x9000004B  }
0xb6: {  	_ =	sfence  }
0xb7: {  	s30 =	sld [smem:$0x0];
	_ =	sdelay $0x2  }
0xb8: {  	s31 =	sshll.u32 s1, $0xD;
	s1 =	sshrl.u32 s1, $0x2  }
0xb9: {  	s3 =	sand.u32 $0x4000, s31;
	s1 =	sadd.s32 s1, s30  }
0xba: {  	s0 =	sor.u32 s3, s0;
	s1 =	sshll.u32 s1, $0x11  }
0xbb: {  	s0 =	sor.u32 s1, s0  }
0xbc: {  	s0 =	sadd.s32 $0x8F2B, s0  }
0xbd: {  	[sflag:s0] =	ssyncadd.remote.s32 $0x1  }
0xbe: {  	_ =	sfence.sel $0xFFFF  }
0xbf: {  	[dreg:$0x0] =	wrdreg $0xFFFFFFFF;
	(pc) =	sbr.abs _section_cstart, $3  }
0xc0: {  	[dreg:$0x1] =	wrdreg $0xFFFFFFFF  }
0xc1: {  	_ =	task.clear_ibuf [dreg:s6], $0x2FFFF;
	_ =	strace $0x9FFFFFFF  }
0xc2: {  	(tm) =	ssettm $0x7FFFFFFF  }
0xc3: {  	_ =	shalt  }
tec
execute0_lowered:
.L_overlay_start_1:
0x0: {  	(tag) =	ssettag $0x1  }
0x1: {  	s0 =	rddreg [dreg:$0x0]  }
0x2: {  	s2 =	rddreg [dreg:$0x1];
	s3 =	simm.s32 $0x0;
	s8 =	stileid.u32  }
0x3: {  	s6 =	srdreg.scid;
	s28 =	simm.s32 $0xE000;
	s29 =	simm.s32 $0x1  }
0x4: {  	s31 =	simm.s32 $0x10000;
	s30 =	simm.s32 $0x4;
	[smem:$0x7FF] =	sst s3  }
0x5: {  	s1 =	smul.u32 $0xA00, s8;
	s4 =	sadd.s32 $0x9B400, s0;
	s5 =	sadd.s32 $0xAF400, s0  }
0x6: {  	s6 =	sand.u32 $0x1, s6;
	s7 =	sadd.s32 $0xD7400, s0;
	s8 =	smul.u32 $0xA000, s8  }
0x7: {  	_ =	strace $0x8000004A;
	[dreg:$0x3] =	wrdreg s7;
	s21 =	ssub.s32 $0x2, s6  }
0x8: {  	p0 =	seq.s32 s6, $0x1;
	s6 =	simm.s32 $0x5;
	s7 =	simm.s32 $0x7  }
0x9: {  	s1 =	sadd.s32 s1, s0;
	s0 =	sadd.s32 $0xC3400, s0;
	s22 =	sshrl.u32 s21, $0x1  }
0xa: {  	s10 =	sadd.s32 s8, s2;
	s24 =	sadd.s32 $0x2000, s8;
	s25 =	sadd.s32 $0x4000, s8  }
0xb: {  	s26 =	sadd.s32 $0x6000, s8;
	s9 =	sadd.s32 $0x8000, s8;
	s8 =	sshrl.u32 s8, $0x3  }
0xc: {  	[dreg:$0x4] =	wrdreg s0;
	s0 =	ssub.s32 s21, s22;
	s23 =	sadd.s32 $0x19400, s1  }
0xd: {  	s1 =	sadd.s32 $0x5400, s1;
	s11 =	sadd.s32 s24, s2;
	s12 =	sadd.s32 s25, s2  }
0xe: {  	s13 =	sadd.s32 s26, s2;
	s14 =	sadd.s32 s9, s2;
	[dreg:$0x7] =	wrdreg s8  }
0xf: {  	s17 =	sshrl.u32 s25, $0x3;
	s18 =	sshrl.u32 s26, $0x3;
	s19 =	sshrl.u32 s9, $0x3  }
.Ltmp0:
0x10: {  	s21 =	simm.s32 $0x9;
	s25 =	simm.s32 $0xC000;
	(pc) =	sbr.rel .LBB2_1-.Ltmp0, $4  }
0x11: {  	s26 =	simm.s32 $0x3;
	s8 =	simm.s32 $0x8;
	[dreg:$0x5] =	wrdreg s23  }
0x12: {  	s9 =	simm.s32 $0x0;
	[dreg:$0x6] =	wrdreg s1;
	s1 =	sshrl.u32 s24, $0x3  }
0x13: {  	s20 =	smax.u32 s0, $0x1;
	s23 =	simm.s32 $0xA000;
	s24 =	simm.s32 $0x80  }
0x14: {  	v0 =	vimm.f32 $0.0e+00;
	s0 =	simm.s32 $0x2;
	[dreg:$0x8] =	wrdreg s1;
	s1 =	simm.s32 $0x6  }
.LBB2_9:
0x15: {  	[spmem:s2] =	stream.indirect.scatter.add.f32 [tilespmem:s31], [sflag:$0x8], $0x40, s15, s24, $0xb8;
	[tilespmem:$0x1C000] =	vst v63  }
0x16: {  	_ =	swait.ge [sflag:s7], $0x2000  }
0x17: {  	[sflag:s7] =	ssyncset.done $0x0  }
0x18: {  	s16 =	simm.s32 $0x4F00;
	[sflag:s7] =	ssyncadd.s32 $0xFFFFE000  }
0x19: {  	[tilespmem:s28], [sflag:$0x3] =	stream.indirect.gather [hbm4b:s5+s24], $0x40, s16, s24, $0xb8;
	[tilespmem:$0x1C000] =	vst v63  }
0x1a: {  	_ =	swait.ge [sflag:s29], $0x2000  }
0x1b: {  	[sflag:s29] =	ssyncset.done $0x0  }
0x1c: {  	s22 =	simm.s32 $0x9E00;
	[sflag:s29] =	ssyncadd.s32 $0xFFFFE000  }
0x1d: {  	[spmem:s2] =	stream.indirect.scatter.add.f32 [tilespmem:s23], [sflag:$0x5], $0x40, s22, s24, $0xb8;
	[tilespmem:$0x1C000] =	vst v63  }
0x1e: {  	_ =	swait.ge [sflag:s8], $0x2000  }
0x1f: {  	[sflag:s8] =	ssyncset.done $0x0  }
0x20: {  	s16 =	simm.s32 $0x4F80;
	[sflag:s8] =	ssyncadd.s32 $0xFFFFE000  }
0x21: {  	[tilespmem:s31], [sflag:$0x4] =	stream.indirect.gather [hbm4b:s5+s24], $0x40, s16, s24, $0xb8;
	[tilespmem:$0x1C000] =	vst v63  }
0x22: {  	_ =	swait.ge [sflag:s0], $0x2000  }
0x23: {  	[sflag:s0] =	ssyncset.done $0x0  }
0x24: {  	s22 =	simm.s32 $0x9E80;
	[sflag:s0] =	ssyncadd.s32 $0xFFFFE000  }
0x25: {  	[spmem:s2] =	stream.indirect.scatter.add.f32 [tilespmem:s25], [sflag:$0x6], $0x40, s22, s24, $0xb8;
	[tilespmem:$0x1C000] =	vst v63  }
0x26: {  	_ =	swait.ge [sflag:s6], $0x2000  }
0x27: {  	[sflag:s6] =	ssyncset.done $0x0  }
0x28: {  	[sflag:s6] =	ssyncadd.s32 $0xFFFFE000  }
0x29: {  	_ =	swait.ge [sflag:s26], $0x2000  }
0x2a: {  	[sflag:s26] =	ssyncset.done $0x0  }
0x2b: {  	s16 =	simm.s32 $0x9F00;
	[sflag:s26] =	ssyncadd.s32 $0xFFFFE000  }
0x2c: {  	[spmem:s2] =	stream.indirect.scatter.add.f32 [tilespmem:s28], [sflag:$0x7], $0x40, s16, s24, $0xb8;
	[tilespmem:$0x1C000] =	vst v63  }
0x2d: {  	_ =	swait.ge [sflag:s1], $0x2000  }
0x2e: {  	[sflag:s1] =	ssyncset.done $0x0  }
0x2f: {  	[sflag:s1] =	ssyncadd.s32 $0xFFFFE000  }
0x30: {  	_ =	swait.ge [sflag:s30], $0x2000  }
0x31: {  	[sflag:s30] =	ssyncset.done $0x0  }
0x32: {  	s22 =	simm.s32 $0x9F80;
	s15 =	rddreg [dreg:$0x4];
	[sflag:s30] =	ssyncadd.s32 $0xFFFFE000  }
0x33: {  	[spmem:s2] =	stream.indirect.scatter.add.f32 [tilespmem:s31], [sflag:$0x8], $0x40, s22, s24, $0xb8;
	[tilespmem:$0x1C000] =	vst v63  }
.LBB2_10:
0x34: {  	_ =	swait.ge [sflag:s7], $0x2000  }
0x35: {  	[sflag:s7] =	ssyncset.done $0x0  }
0x36: {  	[sflag:s7] =	ssyncadd.s32 $0xFFFFE000  }
0x37: {  	_ =	swait.ge [sflag:s8], $0x2000  }
0x38: {  	[sflag:s8] =	ssyncset.done $0x0  }
0x39: {  	[sflag:s8] =	ssyncadd.s32 $0xFFFFE000  }
0x3a: {  	[bflag:$0x0] =	sbarrier.arrive $0xFFFF  }
0x3b: {  	[tilespmem:s23], [sflag:$0x9] =	stream.linear.gather [spmem:s10], $0x2000, $0x38;
	[tilespmem:$0x1C000] =	vst v63  }
0x3c: {  	_ =	swait.ge [sflag:s21], $0x2000  }
0x3d: {  	[sflag:s21] =	ssyncset.done $0x0;
	s16 =	rddreg [dreg:$0x7]  }
0x3e: {  	s16 =	sadd.s32 s15, s16;
	[sflag:s21] =	ssyncadd.s32 $0xFFFFE000  }
0x3f: {  	[hbm4b:s16+s3] =	stream.linear.scatter [tilespmem:s23], [sflag:$0x9], $0x2000, $0x38;
	[tilespmem:$0x1C000] =	vst v63  }
0x40: {  	_ =	swait.ge [sflag:s21], $0x2000  }
0x41: {  	[sflag:s21] =	ssyncset.done $0x0  }
0x42: {  	[sflag:s21] =	ssyncadd.s32 $0xFFFFE000  }
0x43: {  	[tilespmem:s23], [sflag:$0x9] =	stream.linear.gather [spmem:s11], $0x2000, $0x38;
	[tilespmem:$0x1C000] =	vst v63  }
0x44: {  	_ =	swait.ge [sflag:s21], $0x2000  }
0x45: {  	[sflag:s21] =	ssyncset.done $0x0;
	s22 =	rddreg [dreg:$0x8]  }
0x46: {  	s16 =	sadd.s32 s15, s22;
	[sflag:s21] =	ssyncadd.s32 $0xFFFFE000  }
0x47: {  	[hbm4b:s16+s3] =	stream.linear.scatter [tilespmem:s23], [sflag:$0x9], $0x2000, $0x38;
	[tilespmem:$0x1C000] =	vst v63  }
0x48: {  	_ =	swait.ge [sflag:s21], $0x2000  }
0x49: {  	[sflag:s21] =	ssyncset.done $0x0  }
0x4a: {  	[sflag:s21] =	ssyncadd.s32 $0xFFFFE000  }
0x4b: {  	[tilespmem:s23], [sflag:$0x9] =	stream.linear.gather [spmem:s12], $0x2000, $0x38;
	[tilespmem:$0x1C000] =	vst v63  }
0x4c: {  	_ =	swait.ge [sflag:s21], $0x2000  }
0x4d: {  	[sflag:s21] =	ssyncset.done $0x0  }
0x4e: {  	s22 =	sadd.s32 s15, s17;
	[sflag:s21] =	ssyncadd.s32 $0xFFFFE000  }
0x4f: {  	[hbm4b:s22+s3] =	stream.linear.scatter [tilespmem:s23], [sflag:$0x9], $0x2000, $0x38;
	[tilespmem:$0x1C000] =	vst v63  }
0x50: {  	_ =	swait.ge [sflag:s21], $0x2000  }
0x51: {  	[sflag:s21] =	ssyncset.done $0x0  }
0x52: {  	[sflag:s21] =	ssyncadd.s32 $0xFFFFE000  }
0x53: {  	[tilespmem:s23], [sflag:$0x9] =	stream.linear.gather [spmem:s13], $0x2000, $0x38;
	[tilespmem:$0x1C000] =	vst v63  }
0x54: {  	_ =	swait.ge [sflag:s21], $0x2000  }
0x55: {  	[sflag:s21] =	ssyncset.done $0x0  }
0x56: {  	s22 =	sadd.s32 s15, s18;
	[sflag:s21] =	ssyncadd.s32 $0xFFFFE000  }
0x57: {  	[hbm4b:s22+s3] =	stream.linear.scatter [tilespmem:s23], [sflag:$0x9], $0x2000, $0x38;
	[tilespmem:$0x1C000] =	vst v63  }
0x58: {  	_ =	swait.ge [sflag:s21], $0x2000  }
0x59: {  	[sflag:s21] =	ssyncset.done $0x0  }
0x5a: {  	[sflag:s21] =	ssyncadd.s32 $0xFFFFE000  }
0x5b: {  	[tilespmem:s23], [sflag:$0x9] =	stream.linear.gather [spmem:s14], $0x2000, $0x38;
	[tilespmem:$0x1C000] =	vst v63  }
0x5c: {  	s9 =	sadd.s32 $0x1, s9;
	_ =	swait.ge [sflag:s21], $0x2000  }
0x5d: {  	p1 =	sne.s32 s9, s20;
	[sflag:s21] =	ssyncset.done $0x0  }
.Ltmp1:
0x5e: {  	s22 =	sadd.s32 s15, s19;
	[sflag:s21] =	ssyncadd.s32 $0xFFFFE000;
	(pc) =	sbr.rel @!p1 .LBB2_11-.Ltmp1, $4  }
0x5f: {  	[hbm4b:s22+s3] =	stream.linear.scatter [tilespmem:s23], [sflag:$0x9], $0x2000, $0x38;
	[tilespmem:$0x1C000] =	vst v63  }
0x60: {  	_ =	swait.ge [sflag:s21], $0x2000  }
0x61: {  	[sflag:s21] =	ssyncset.done $0x0  }
0x62: {  	[sflag:s21] =	ssyncadd.s32 $0xFFFFE000  }
.LBB2_1:
0x63: {  	s15 =	rddreg [dreg:$0x5]  }
0x64: {  	[tilespmem:s3], [sflag:$0x9] =	stream.linear.gather [hbm4b:s15+s3], $0x5000, $0x38;
	[tilespmem:$0x1C000] =	vst v63  }
0x65: {  	_ =	swait.ge [sflag:s21], $0x5000  }
0x66: {  	s16 =	simm.s32 $0x5000;
	[sflag:s21] =	ssyncset.done $0x0  }
.Ltmp2:
0x67: {  	s22 =	rddreg [dreg:$0x6];
	[sflag:s21] =	ssyncadd.s32 $0xFFFFB000;
	(pc) =	sbr.rel @!p0 .LBB2_2-.Ltmp2, $4  }
0x68: {  	[tilespmem:s16], [sflag:$0x9] =	stream.linear.gather [hbm4b:s22+s3], $0x5000, $0x38;
	[tilespmem:$0x1C000] =	vst v63  }
0x69: {  	_ =	swait.ge [sflag:s21], $0x5000  }
0x6a: {  	[sflag:s21] =	ssyncset.done $0x0  }
0x6b: {  	s15 =	simm.s32 $0x0;
	s22 =	simm.s32 $0x100;
	[sflag:s21] =	ssyncadd.s32 $0xFFFFB000  }
.LBB2_6:
0x6c: {  	p1 =	sne.s32 s22, $0x7F00;
	[tilespmem:s15+$0xA030] =	vst v0;
	s16 =	smov.u32 s22;
	s22 =	sadd.s32 $0x100, s22  }
.Ltmp3:
0x6d: {  	[tilespmem:s15+$0xA020] =	vst v0;
	(pc) =	sbr.rel @p1 .LBB2_6-.Ltmp3, $3  }
0x6e: {  	[tilespmem:s15+$0xA000] =	vst v0  }
0x6f: {  	[tilespmem:s15+$0xA010] =	vst v0;
	_ =	sdelay $0x1  }
0x70: {  	s15 =	sshra.s32 s16, $0x2  }
0x71: {  	[tilespmem:s15+$0xA030] =	vst v0  }
0x72: {  	[tilespmem:s15+$0xA020] =	vst v0  }
0x73: {  	[tilespmem:s15+$0xA000] =	vst v0  }
0x74: {  	[tilespmem:s15+$0xA010] =	vst v0  }
0x75: {  	[spmem:s10] =	stream.linear.scatter [tilespmem:s23], [sflag:$0x9], $0x2000, $0x38;
	[tilespmem:$0x1C000] =	vst v63  }
0x76: {  	_ =	swait.ge [sflag:s21], $0x2000  }
0x77: {  	[sflag:s21] =	ssyncset.done $0x0  }
0x78: {  	[sflag:s21] =	ssyncadd.s32 $0xFFFFE000  }
0x79: {  	[spmem:s11] =	stream.linear.scatter [tilespmem:s23], [sflag:$0x9], $0x2000, $0x38;
	[tilespmem:$0x1C000] =	vst v63  }
0x7a: {  	_ =	swait.ge [sflag:s21], $0x2000  }
0x7b: {  	[sflag:s21] =	ssyncset.done $0x0  }
0x7c: {  	[sflag:s21] =	ssyncadd.s32 $0xFFFFE000  }
0x7d: {  	[spmem:s12] =	stream.linear.scatter [tilespmem:s23], [sflag:$0x9], $0x2000, $0x38;
	[tilespmem:$0x1C000] =	vst v63  }
0x7e: {  	_ =	swait.ge [sflag:s21], $0x2000  }
0x7f: {  	[sflag:s21] =	ssyncset.done $0x0  }
0x80: {  	[sflag:s21] =	ssyncadd.s32 $0xFFFFE000  }
0x81: {  	[spmem:s13] =	stream.linear.scatter [tilespmem:s23], [sflag:$0x9], $0x2000, $0x38;
	[tilespmem:$0x1C000] =	vst v63  }
0x82: {  	_ =	swait.ge [sflag:s21], $0x2000  }
0x83: {  	[sflag:s21] =	ssyncset.done $0x0  }
0x84: {  	[sflag:s21] =	ssyncadd.s32 $0xFFFFE000  }
0x85: {  	[spmem:s14] =	stream.linear.scatter [tilespmem:s23], [sflag:$0x9], $0x2000, $0x38;
	[tilespmem:$0x1C000] =	vst v63  }
0x86: {  	_ =	swait.ge [sflag:s21], $0x2000  }
0x87: {  	[sflag:s21] =	ssyncset.done $0x0  }
0x88: {  	[sflag:s21] =	ssyncadd.s32 $0xFFFFE000  }
0x89: {  	s16 =	simm.s32 $0x0;
	[bflag:$0x0] =	sbarrier.arrive $0xFFFF  }
0x8a: {  	[tilespmem:s23], [sflag:$0x1] =	stream.indirect.gather [hbm4b:s5+s24], $0x40, s16, s24, $0xb8;
	[tilespmem:$0x1C000] =	vst v63  }
0x8b: {  	_ = 	snop  }
0x8c: {  	[tilespmem:s25], [sflag:$0x2] =	stream.indirect.gather [hbm4b:s5+s24], $0x40, s24, s24, $0xb8;
	[tilespmem:$0x1C000] =	vst v63  }
0x8d: {  	s22 =	simm.s32 $0x100  }
0x8e: {  	[tilespmem:s28], [sflag:$0x3] =	stream.indirect.gather [hbm4b:s5+s24], $0x40, s22, s24, $0xb8;
	[tilespmem:$0x1C000] =	vst v63  }
0x8f: {  	_ =	swait.ge [sflag:s29], $0x2000  }
0x90: {  	[sflag:s29] =	ssyncset.done $0x0  }
0x91: {  	s16 =	simm.s32 $0x5000;
	[sflag:s29] =	ssyncadd.s32 $0xFFFFE000  }
0x92: {  	[spmem:s2] =	stream.indirect.scatter.add.f32 [tilespmem:s23], [sflag:$0x5], $0x40, s16, s24, $0xb8;
	[tilespmem:$0x1C000] =	vst v63  }
0x93: {  	s22 =	simm.s32 $0x180  }
0x94: {  	[tilespmem:s31], [sflag:$0x4] =	stream.indirect.gather [hbm4b:s5+s24], $0x40, s22, s24, $0xb8;
	[tilespmem:$0x1C000] =	vst v63  }
0x95: {  	_ =	swait.ge [sflag:s0], $0x2000  }
0x96: {  	[sflag:s0] =	ssyncset.done $0x0  }
0x97: {  	s16 =	simm.s32 $0x5080;
	[sflag:s0] =	ssyncadd.s32 $0xFFFFE000  }
0x98: {  	[spmem:s2] =	stream.indirect.scatter.add.f32 [tilespmem:s25], [sflag:$0x6], $0x40, s16, s24, $0xb8;
	[tilespmem:$0x1C000] =	vst v63  }
0x99: {  	_ =	swait.ge [sflag:s6], $0x2000  }
0x9a: {  	[sflag:s6] =	ssyncset.done $0x0  }
0x9b: {  	s22 =	simm.s32 $0x200;
	[sflag:s6] =	ssyncadd.s32 $0xFFFFE000  }
0x9c: {  	[tilespmem:s23], [sflag:$0x1] =	stream.indirect.gather [hbm4b:s5+s24], $0x40, s22, s24, $0xb8;
	[tilespmem:$0x1C000] =	vst v63  }
0x9d: {  	_ =	swait.ge [sflag:s26], $0x2000  }
0x9e: {  	[sflag:s26] =	ssyncset.done $0x0  }
0x9f: {  	s16 =	simm.s32 $0x5100;
	[sflag:s26] =	ssyncadd.s32 $0xFFFFE000  }
0xa0: {  	[spmem:s2] =	stream.indirect.scatter.add.f32 [tilespmem:s28], [sflag:$0x7], $0x40, s16, s24, $0xb8;
	[tilespmem:$0x1C000] =	vst v63  }
0xa1: {  	_ =	swait.ge [sflag:s1], $0x2000  }
0xa2: {  	[sflag:s1] =	ssyncset.done $0x0  }
0xa3: {  	s22 =	simm.s32 $0x280;
	[sflag:s1] =	ssyncadd.s32 $0xFFFFE000  }
0xa4: {  	[tilespmem:s25], [sflag:$0x2] =	stream.indirect.gather [hbm4b:s5+s24], $0x40, s22, s24, $0xb8;
	[tilespmem:$0x1C000] =	vst v63  }
0xa5: {  	_ =	swait.ge [sflag:s30], $0x2000  }
0xa6: {  	[sflag:s30] =	ssyncset.done $0x0  }
0xa7: {  	s16 =	simm.s32 $0x5180;
	[sflag:s30] =	ssyncadd.s32 $0xFFFFE000  }
0xa8: {  	[spmem:s2] =	stream.indirect.scatter.add.f32 [tilespmem:s31], [sflag:$0x8], $0x40, s16, s24, $0xb8;
	[tilespmem:$0x1C000] =	vst v63  }
0xa9: {  	_ =	swait.ge [sflag:s7], $0x2000  }
0xaa: {  	[sflag:s7] =	ssyncset.done $0x0  }
0xab: {  	s22 =	simm.s32 $0x300;
	[sflag:s7] =	ssyncadd.s32 $0xFFFFE000  }
0xac: {  	[tilespmem:s28], [sflag:$0x3] =	stream.indirect.gather [hbm4b:s5+s24], $0x40, s22, s24, $0xb8;
	[tilespmem:$0x1C000] =	vst v63  }
0xad: {  	_ =	swait.ge [sflag:s29], $0x2000  }
0xae: {  	[sflag:s29] =	ssyncset.done $0x0  }
0xaf: {  	s16 =	simm.s32 $0x5200;
	[sflag:s29] =	ssyncadd.s32 $0xFFFFE000  }
0xb0: {  	[spmem:s2] =	stream.indirect.scatter.add.f32 [tilespmem:s23], [sflag:$0x5], $0x40, s16, s24, $0xb8;
	[tilespmem:$0x1C000] =	vst v63  }
0xb1: {  	_ =	swait.ge [sflag:s8], $0x2000  }
0xb2: {  	[sflag:s8] =	ssyncset.done $0x0  }
0xb3: {  	s22 =	simm.s32 $0x380;
	[sflag:s8] =	ssyncadd.s32 $0xFFFFE000  }
0xb4: {  	[tilespmem:s31], [sflag:$0x4] =	stream.indirect.gather [hbm4b:s5+s24], $0x40, s22, s24, $0xb8;
	[tilespmem:$0x1C000] =	vst v63  }
0xb5: {  	_ =	swait.ge [sflag:s0], $0x2000  }
0xb6: {  	[sflag:s0] =	ssyncset.done $0x0  }
0xb7: {  	s16 =	simm.s32 $0x5280;
	[sflag:s0] =	ssyncadd.s32 $0xFFFFE000  }
0xb8: {  	[spmem:s2] =	stream.indirect.scatter.add.f32 [tilespmem:s25], [sflag:$0x6], $0x40, s16, s24, $0xb8;
	[tilespmem:$0x1C000] =	vst v63  }
0xb9: {  	_ =	swait.ge [sflag:s6], $0x2000  }
0xba: {  	[sflag:s6] =	ssyncset.done $0x0  }
0xbb: {  	s22 =	simm.s32 $0x400;
	[sflag:s6] =	ssyncadd.s32 $0xFFFFE000  }
0xbc: {  	[tilespmem:s23], [sflag:$0x1] =	stream.indirect.gather [hbm4b:s5+s24], $0x40, s22, s24, $0xb8;
	[tilespmem:$0x1C000] =	vst v63  }
0xbd: {  	_ =	swait.ge [sflag:s26], $0x2000  }
0xbe: {  	[sflag:s26] =	ssyncset.done $0x0  }
0xbf: {  	s16 =	simm.s32 $0x5300;
	[sflag:s26] =	ssyncadd.s32 $0xFFFFE000  }
0xc0: {  	[spmem:s2] =	stream.indirect.scatter.add.f32 [tilespmem:s28], [sflag:$0x7], $0x40, s16, s24, $0xb8;
	[tilespmem:$0x1C000] =	vst v63  }
0xc1: {  	_ =	swait.ge [sflag:s1], $0x2000  }
0xc2: {  	[sflag:s1] =	ssyncset.done $0x0  }
0xc3: {  	s22 =	simm.s32 $0x480;
	[sflag:s1] =	ssyncadd.s32 $0xFFFFE000  }
0xc4: {  	[tilespmem:s25], [sflag:$0x2] =	stream.indirect.gather [hbm4b:s5+s24], $0x40, s22, s24, $0xb8;
	[tilespmem:$0x1C000] =	vst v63  }
0xc5: {  	_ =	swait.ge [sflag:s30], $0x2000  }
0xc6: {  	[sflag:s30] =	ssyncset.done $0x0  }
0xc7: {  	s15 =	simm.s32 $0x5380;
	s22 =	simm.s32 $0x800;
	[sflag:s30] =	ssyncadd.s32 $0xFFFFE000  }
.LBB2_8:
0xc8: {  	[spmem:s2] =	stream.indirect.scatter.add.f32 [tilespmem:s31], [sflag:$0x8], $0x40, s15, s24, $0xb8;
	[tilespmem:$0x1C000] =	vst v63  }
0xc9: {  	s15 =	smov.u32 s22  }
0xca: {  	p1 =	sne.s32 s22, $0x12800;
	s22 =	sadd.s32 $0x800, s22;
	_ =	swait.ge [sflag:s7], $0x2000  }
0xcb: {  	s15 =	sshra.s32 s15, $0x2;
	[sflag:s7] =	ssyncset.done $0x0  }
0xcc: {  	s16 =	sadd.s32 $0x300, s15;
	[sflag:s7] =	ssyncadd.s32 $0xFFFFE000  }
0xcd: {  	[tilespmem:s28], [sflag:$0x3] =	stream.indirect.gather [hbm4b:s5+s24], $0x40, s16, s24, $0xb8;
	[tilespmem:$0x1C000] =	vst v63  }
0xce: {  	_ =	swait.ge [sflag:s29], $0x2000  }
0xcf: {  	[sflag:s29] =	ssyncset.done $0x0  }
0xd0: {  	s16 =	sadd.s32 $0x5200, s15;
	[sflag:s29] =	ssyncadd.s32 $0xFFFFE000  }
0xd1: {  	[spmem:s2] =	stream.indirect.scatter.add.f32 [tilespmem:s23], [sflag:$0x5], $0x40, s16, s24, $0xb8;
	[tilespmem:$0x1C000] =	vst v63  }
0xd2: {  	_ =	swait.ge [sflag:s8], $0x2000  }
0xd3: {  	[sflag:s8] =	ssyncset.done $0x0  }
0xd4: {  	s16 =	sadd.s32 $0x380, s15;
	[sflag:s8] =	ssyncadd.s32 $0xFFFFE000  }
0xd5: {  	[tilespmem:s31], [sflag:$0x4] =	stream.indirect.gather [hbm4b:s5+s24], $0x40, s16, s24, $0xb8;
	[tilespmem:$0x1C000] =	vst v63  }
0xd6: {  	_ =	swait.ge [sflag:s0], $0x2000  }
0xd7: {  	[sflag:s0] =	ssyncset.done $0x0  }
0xd8: {  	s16 =	sadd.s32 $0x5280, s15;
	[sflag:s0] =	ssyncadd.s32 $0xFFFFE000  }
0xd9: {  	[spmem:s2] =	stream.indirect.scatter.add.f32 [tilespmem:s25], [sflag:$0x6], $0x40, s16, s24, $0xb8;
	[tilespmem:$0x1C000] =	vst v63  }
0xda: {  	_ =	swait.ge [sflag:s6], $0x2000  }
0xdb: {  	[sflag:s6] =	ssyncset.done $0x0  }
0xdc: {  	s16 =	sadd.s32 $0x400, s15;
	[sflag:s6] =	ssyncadd.s32 $0xFFFFE000  }
0xdd: {  	[tilespmem:s23], [sflag:$0x1] =	stream.indirect.gather [hbm4b:s5+s24], $0x40, s16, s24, $0xb8;
	[tilespmem:$0x1C000] =	vst v63  }
0xde: {  	_ =	swait.ge [sflag:s26], $0x2000  }
0xdf: {  	[sflag:s26] =	ssyncset.done $0x0  }
0xe0: {  	s16 =	sadd.s32 $0x5300, s15;
	[sflag:s26] =	ssyncadd.s32 $0xFFFFE000  }
0xe1: {  	[spmem:s2] =	stream.indirect.scatter.add.f32 [tilespmem:s28], [sflag:$0x7], $0x40, s16, s24, $0xb8;
	[tilespmem:$0x1C000] =	vst v63  }
0xe2: {  	_ =	swait.ge [sflag:s1], $0x2000  }
0xe3: {  	[sflag:s1] =	ssyncset.done $0x0  }
.Ltmp4:
0xe4: {  	s16 =	sadd.s32 $0x480, s15;
	[sflag:s1] =	ssyncadd.s32 $0xFFFFE000;
	(pc) =	sbr.rel @p1 .LBB2_8-.Ltmp4, $4  }
0xe5: {  	[tilespmem:s25], [sflag:$0x2] =	stream.indirect.gather [hbm4b:s5+s24], $0x40, s16, s24, $0xb8;
	[tilespmem:$0x1C000] =	vst v63  }
0xe6: {  	_ =	swait.ge [sflag:s30], $0x2000  }
0xe7: {  	[sflag:s30] =	ssyncset.done $0x0  }
0xe8: {  	s15 =	sadd.s32 $0x5380, s15;
	[sflag:s30] =	ssyncadd.s32 $0xFFFFE000  }
.Ltmp5:
0xe9: {  	_ = 	snop;
	(pc) =	sbr.rel .LBB2_9-.Ltmp5, $1  }
0xea: {  	_ =	sdelay $0x3  }
.LBB2_2:
0xeb: {  	p1 =	sne.s32 s22, $0x7F00;
	[tilespmem:s15+$0xA030] =	vst v0;
	s16 =	smov.u32 s22;
	s22 =	sadd.s32 $0x100, s22  }
.Ltmp6:
0xec: {  	[tilespmem:s15+$0xA020] =	vst v0;
	(pc) =	sbr.rel @p1 .LBB2_2-.Ltmp6, $3  }
0xed: {  	[tilespmem:s15+$0xA000] =	vst v0  }
0xee: {  	[tilespmem:s15+$0xA010] =	vst v0;
	_ =	sdelay $0x1  }
0xef: {  	s15 =	sshra.s32 s16, $0x2  }
0xf0: {  	[tilespmem:s15+$0xA030] =	vst v0  }
0xf1: {  	[tilespmem:s15+$0xA020] =	vst v0  }
0xf2: {  	[tilespmem:s15+$0xA000] =	vst v0  }
0xf3: {  	[tilespmem:s15+$0xA010] =	vst v0  }
0xf4: {  	[spmem:s10] =	stream.linear.scatter [tilespmem:s23], [sflag:$0x9], $0x2000, $0x38;
	[tilespmem:$0x1C000] =	vst v63  }
0xf5: {  	_ =	swait.ge [sflag:s21], $0x2000  }
0xf6: {  	[sflag:s21] =	ssyncset.done $0x0  }
0xf7: {  	[sflag:s21] =	ssyncadd.s32 $0xFFFFE000  }
0xf8: {  	[spmem:s11] =	stream.linear.scatter [tilespmem:s23], [sflag:$0x9], $0x2000, $0x38;
	[tilespmem:$0x1C000] =	vst v63  }
0xf9: {  	_ =	swait.ge [sflag:s21], $0x2000  }
0xfa: {  	[sflag:s21] =	ssyncset.done $0x0  }
0xfb: {  	[sflag:s21] =	ssyncadd.s32 $0xFFFFE000  }
0xfc: {  	[spmem:s12] =	stream.linear.scatter [tilespmem:s23], [sflag:$0x9], $0x2000, $0x38;
	[tilespmem:$0x1C000] =	vst v63  }
0xfd: {  	_ =	swait.ge [sflag:s21], $0x2000  }
0xfe: {  	[sflag:s21] =	ssyncset.done $0x0  }
0xff: {  	[sflag:s21] =	ssyncadd.s32 $0xFFFFE000  }
0x100: {  	[spmem:s13] =	stream.linear.scatter [tilespmem:s23], [sflag:$0x9], $0x2000, $0x38;
	[tilespmem:$0x1C000] =	vst v63  }
0x101: {  	_ =	swait.ge [sflag:s21], $0x2000  }
0x102: {  	[sflag:s21] =	ssyncset.done $0x0  }
0x103: {  	[sflag:s21] =	ssyncadd.s32 $0xFFFFE000  }
0x104: {  	[spmem:s14] =	stream.linear.scatter [tilespmem:s23], [sflag:$0x9], $0x2000, $0x38;
	[tilespmem:$0x1C000] =	vst v63  }
0x105: {  	_ =	swait.ge [sflag:s21], $0x2000  }
0x106: {  	[sflag:s21] =	ssyncset.done $0x0  }
0x107: {  	[sflag:s21] =	ssyncadd.s32 $0xFFFFE000  }
0x108: {  	s16 =	simm.s32 $0x0;
	[bflag:$0x0] =	sbarrier.arrive $0xFFFF  }
0x109: {  	[tilespmem:s23], [sflag:$0x1] =	stream.indirect.gather [hbm4b:s4+s24], $0x40, s16, s24, $0xb8;
	[tilespmem:$0x1C000] =	vst v63  }
0x10a: {  	_ = 	snop  }
0x10b: {  	[tilespmem:s25], [sflag:$0x2] =	stream.indirect.gather [hbm4b:s4+s24], $0x40, s24, s24, $0xb8;
	[tilespmem:$0x1C000] =	vst v63  }
0x10c: {  	s22 =	simm.s32 $0x100  }
0x10d: {  	[tilespmem:s28], [sflag:$0x3] =	stream.indirect.gather [hbm4b:s4+s24], $0x40, s22, s24, $0xb8;
	[tilespmem:$0x1C000] =	vst v63  }
0x10e: {  	_ =	swait.ge [sflag:s29], $0x2000  }
0x10f: {  	[sflag:s29] =	ssyncset.done $0x0  }
0x110: {  	s16 =	simm.s32 $0x5000;
	[sflag:s29] =	ssyncadd.s32 $0xFFFFE000  }
0x111: {  	[spmem:s2] =	stream.indirect.scatter.add.f32 [tilespmem:s23], [sflag:$0x5], $0x40, s16, s24, $0xb8;
	[tilespmem:$0x1C000] =	vst v63  }
0x112: {  	s22 =	simm.s32 $0x180  }
0x113: {  	[tilespmem:s31], [sflag:$0x4] =	stream.indirect.gather [hbm4b:s4+s24], $0x40, s22, s24, $0xb8;
	[tilespmem:$0x1C000] =	vst v63  }
0x114: {  	_ =	swait.ge [sflag:s0], $0x2000  }
0x115: {  	[sflag:s0] =	ssyncset.done $0x0  }
0x116: {  	s16 =	simm.s32 $0x5080;
	[sflag:s0] =	ssyncadd.s32 $0xFFFFE000  }
0x117: {  	[spmem:s2] =	stream.indirect.scatter.add.f32 [tilespmem:s25], [sflag:$0x6], $0x40, s16, s24, $0xb8;
	[tilespmem:$0x1C000] =	vst v63  }
0x118: {  	_ =	swait.ge [sflag:s6], $0x2000  }
0x119: {  	[sflag:s6] =	ssyncset.done $0x0  }
0x11a: {  	s22 =	simm.s32 $0x200;
	[sflag:s6] =	ssyncadd.s32 $0xFFFFE000  }
0x11b: {  	[tilespmem:s23], [sflag:$0x1] =	stream.indirect.gather [hbm4b:s4+s24], $0x40, s22, s24, $0xb8;
	[tilespmem:$0x1C000] =	vst v63  }
0x11c: {  	_ =	swait.ge [sflag:s26], $0x2000  }
0x11d: {  	[sflag:s26] =	ssyncset.done $0x0  }
0x11e: {  	s16 =	simm.s32 $0x5100;
	[sflag:s26] =	ssyncadd.s32 $0xFFFFE000  }
0x11f: {  	[spmem:s2] =	stream.indirect.scatter.add.f32 [tilespmem:s28], [sflag:$0x7], $0x40, s16, s24, $0xb8;
	[tilespmem:$0x1C000] =	vst v63  }
0x120: {  	_ =	swait.ge [sflag:s1], $0x2000  }
0x121: {  	[sflag:s1] =	ssyncset.done $0x0  }
0x122: {  	s22 =	simm.s32 $0x280;
	[sflag:s1] =	ssyncadd.s32 $0xFFFFE000  }
0x123: {  	[tilespmem:s25], [sflag:$0x2] =	stream.indirect.gather [hbm4b:s4+s24], $0x40, s22, s24, $0xb8;
	[tilespmem:$0x1C000] =	vst v63  }
0x124: {  	_ =	swait.ge [sflag:s30], $0x2000  }
0x125: {  	[sflag:s30] =	ssyncset.done $0x0  }
0x126: {  	s16 =	simm.s32 $0x5180;
	[sflag:s30] =	ssyncadd.s32 $0xFFFFE000  }
0x127: {  	[spmem:s2] =	stream.indirect.scatter.add.f32 [tilespmem:s31], [sflag:$0x8], $0x40, s16, s24, $0xb8;
	[tilespmem:$0x1C000] =	vst v63  }
0x128: {  	_ =	swait.ge [sflag:s7], $0x2000  }
0x129: {  	[sflag:s7] =	ssyncset.done $0x0  }
0x12a: {  	s22 =	simm.s32 $0x300;
	[sflag:s7] =	ssyncadd.s32 $0xFFFFE000  }
0x12b: {  	[tilespmem:s28], [sflag:$0x3] =	stream.indirect.gather [hbm4b:s4+s24], $0x40, s22, s24, $0xb8;
	[tilespmem:$0x1C000] =	vst v63  }
0x12c: {  	_ =	swait.ge [sflag:s29], $0x2000  }
0x12d: {  	[sflag:s29] =	ssyncset.done $0x0  }
0x12e: {  	s16 =	simm.s32 $0x5200;
	[sflag:s29] =	ssyncadd.s32 $0xFFFFE000  }
0x12f: {  	[spmem:s2] =	stream.indirect.scatter.add.f32 [tilespmem:s23], [sflag:$0x5], $0x40, s16, s24, $0xb8;
	[tilespmem:$0x1C000] =	vst v63  }
0x130: {  	_ =	swait.ge [sflag:s8], $0x2000  }
0x131: {  	[sflag:s8] =	ssyncset.done $0x0  }
0x132: {  	s22 =	simm.s32 $0x380;
	[sflag:s8] =	ssyncadd.s32 $0xFFFFE000  }
0x133: {  	[tilespmem:s31], [sflag:$0x4] =	stream.indirect.gather [hbm4b:s4+s24], $0x40, s22, s24, $0xb8;
	[tilespmem:$0x1C000] =	vst v63  }
0x134: {  	_ =	swait.ge [sflag:s0], $0x2000  }
0x135: {  	[sflag:s0] =	ssyncset.done $0x0  }
0x136: {  	s16 =	simm.s32 $0x5280;
	[sflag:s0] =	ssyncadd.s32 $0xFFFFE000  }
0x137: {  	[spmem:s2] =	stream.indirect.scatter.add.f32 [tilespmem:s25], [sflag:$0x6], $0x40, s16, s24, $0xb8;
	[tilespmem:$0x1C000] =	vst v63  }
0x138: {  	_ =	swait.ge [sflag:s6], $0x2000  }
0x139: {  	[sflag:s6] =	ssyncset.done $0x0  }
0x13a: {  	s22 =	simm.s32 $0x400;
	[sflag:s6] =	ssyncadd.s32 $0xFFFFE000  }
0x13b: {  	[tilespmem:s23], [sflag:$0x1] =	stream.indirect.gather [hbm4b:s4+s24], $0x40, s22, s24, $0xb8;
	[tilespmem:$0x1C000] =	vst v63  }
0x13c: {  	_ =	swait.ge [sflag:s26], $0x2000  }
0x13d: {  	[sflag:s26] =	ssyncset.done $0x0  }
0x13e: {  	s16 =	simm.s32 $0x5300;
	[sflag:s26] =	ssyncadd.s32 $0xFFFFE000  }
0x13f: {  	[spmem:s2] =	stream.indirect.scatter.add.f32 [tilespmem:s28], [sflag:$0x7], $0x40, s16, s24, $0xb8;
	[tilespmem:$0x1C000] =	vst v63  }
0x140: {  	_ =	swait.ge [sflag:s1], $0x2000  }
0x141: {  	[sflag:s1] =	ssyncset.done $0x0  }
0x142: {  	s22 =	simm.s32 $0x480;
	[sflag:s1] =	ssyncadd.s32 $0xFFFFE000  }
0x143: {  	[tilespmem:s25], [sflag:$0x2] =	stream.indirect.gather [hbm4b:s4+s24], $0x40, s22, s24, $0xb8;
	[tilespmem:$0x1C000] =	vst v63  }
0x144: {  	_ =	swait.ge [sflag:s30], $0x2000  }
0x145: {  	[sflag:s30] =	ssyncset.done $0x0  }
0x146: {  	s15 =	simm.s32 $0x5380;
	s22 =	simm.s32 $0x800;
	[sflag:s30] =	ssyncadd.s32 $0xFFFFE000  }
.LBB2_4:
0x147: {  	[spmem:s2] =	stream.indirect.scatter.add.f32 [tilespmem:s31], [sflag:$0x8], $0x40, s15, s24, $0xb8;
	[tilespmem:$0x1C000] =	vst v63  }
0x148: {  	s15 =	smov.u32 s22  }
0x149: {  	p1 =	seq.s32 s22, $0x12800;
	s22 =	sadd.s32 $0x800, s22;
	_ =	swait.ge [sflag:s7], $0x2000  }
0x14a: {  	s15 =	sshra.s32 s15, $0x2;
	[sflag:s7] =	ssyncset.done $0x0  }
0x14b: {  	s16 =	sadd.s32 $0x300, s15;
	[sflag:s7] =	ssyncadd.s32 $0xFFFFE000  }
0x14c: {  	[tilespmem:s28], [sflag:$0x3] =	stream.indirect.gather [hbm4b:s4+s24], $0x40, s16, s24, $0xb8;
	[tilespmem:$0x1C000] =	vst v63  }
0x14d: {  	_ =	swait.ge [sflag:s29], $0x2000  }
0x14e: {  	[sflag:s29] =	ssyncset.done $0x0  }
0x14f: {  	s16 =	sadd.s32 $0x5200, s15;
	[sflag:s29] =	ssyncadd.s32 $0xFFFFE000  }
0x150: {  	[spmem:s2] =	stream.indirect.scatter.add.f32 [tilespmem:s23], [sflag:$0x5], $0x40, s16, s24, $0xb8;
	[tilespmem:$0x1C000] =	vst v63  }
0x151: {  	_ =	swait.ge [sflag:s8], $0x2000  }
0x152: {  	[sflag:s8] =	ssyncset.done $0x0  }
0x153: {  	s16 =	sadd.s32 $0x380, s15;
	[sflag:s8] =	ssyncadd.s32 $0xFFFFE000  }
0x154: {  	[tilespmem:s31], [sflag:$0x4] =	stream.indirect.gather [hbm4b:s4+s24], $0x40, s16, s24, $0xb8;
	[tilespmem:$0x1C000] =	vst v63  }
0x155: {  	_ =	swait.ge [sflag:s0], $0x2000  }
0x156: {  	[sflag:s0] =	ssyncset.done $0x0  }
0x157: {  	s16 =	sadd.s32 $0x5280, s15;
	[sflag:s0] =	ssyncadd.s32 $0xFFFFE000  }
0x158: {  	[spmem:s2] =	stream.indirect.scatter.add.f32 [tilespmem:s25], [sflag:$0x6], $0x40, s16, s24, $0xb8;
	[tilespmem:$0x1C000] =	vst v63  }
0x159: {  	_ =	swait.ge [sflag:s6], $0x2000  }
0x15a: {  	[sflag:s6] =	ssyncset.done $0x0  }
0x15b: {  	s16 =	sadd.s32 $0x400, s15;
	[sflag:s6] =	ssyncadd.s32 $0xFFFFE000  }
0x15c: {  	[tilespmem:s23], [sflag:$0x1] =	stream.indirect.gather [hbm4b:s4+s24], $0x40, s16, s24, $0xb8;
	[tilespmem:$0x1C000] =	vst v63  }
0x15d: {  	_ =	swait.ge [sflag:s26], $0x2000  }
0x15e: {  	[sflag:s26] =	ssyncset.done $0x0  }
0x15f: {  	s16 =	sadd.s32 $0x5300, s15;
	[sflag:s26] =	ssyncadd.s32 $0xFFFFE000  }
0x160: {  	[spmem:s2] =	stream.indirect.scatter.add.f32 [tilespmem:s28], [sflag:$0x7], $0x40, s16, s24, $0xb8;
	[tilespmem:$0x1C000] =	vst v63  }
0x161: {  	_ =	swait.ge [sflag:s1], $0x2000  }
0x162: {  	[sflag:s1] =	ssyncset.done $0x0  }
.Ltmp7:
0x163: {  	s16 =	sadd.s32 $0x480, s15;
	[sflag:s1] =	ssyncadd.s32 $0xFFFFE000;
	(pc) =	sbr.rel @!p1 .LBB2_4-.Ltmp7, $4  }
0x164: {  	[tilespmem:s25], [sflag:$0x2] =	stream.indirect.gather [hbm4b:s4+s24], $0x40, s16, s24, $0xb8;
	[tilespmem:$0x1C000] =	vst v63  }
0x165: {  	_ =	swait.ge [sflag:s30], $0x2000  }
0x166: {  	[sflag:s30] =	ssyncset.done $0x0  }
0x167: {  	s15 =	sadd.s32 $0x5380, s15;
	[sflag:s30] =	ssyncadd.s32 $0xFFFFE000  }
0x168: {  	[spmem:s2] =	stream.indirect.scatter.add.f32 [tilespmem:s31], [sflag:$0x8], $0x40, s15, s24, $0xb8;
	[tilespmem:$0x1C000] =	vst v63  }
0x169: {  	_ =	swait.ge [sflag:s7], $0x2000  }
0x16a: {  	[sflag:s7] =	ssyncset.done $0x0  }
0x16b: {  	s16 =	simm.s32 $0x4F00;
	[sflag:s7] =	ssyncadd.s32 $0xFFFFE000  }
0x16c: {  	[tilespmem:s28], [sflag:$0x3] =	stream.indirect.gather [hbm4b:s4+s24], $0x40, s16, s24, $0xb8;
	[tilespmem:$0x1C000] =	vst v63  }
0x16d: {  	_ =	swait.ge [sflag:s29], $0x2000  }
0x16e: {  	[sflag:s29] =	ssyncset.done $0x0  }
0x16f: {  	s22 =	simm.s32 $0x9E00;
	[sflag:s29] =	ssyncadd.s32 $0xFFFFE000  }
0x170: {  	[spmem:s2] =	stream.indirect.scatter.add.f32 [tilespmem:s23], [sflag:$0x5], $0x40, s22, s24, $0xb8;
	[tilespmem:$0x1C000] =	vst v63  }
0x171: {  	_ =	swait.ge [sflag:s8], $0x2000  }
0x172: {  	[sflag:s8] =	ssyncset.done $0x0  }
0x173: {  	s16 =	simm.s32 $0x4F80;
	[sflag:s8] =	ssyncadd.s32 $0xFFFFE000  }
0x174: {  	[tilespmem:s31], [sflag:$0x4] =	stream.indirect.gather [hbm4b:s4+s24], $0x40, s16, s24, $0xb8;
	[tilespmem:$0x1C000] =	vst v63  }
0x175: {  	_ =	swait.ge [sflag:s0], $0x2000  }
0x176: {  	[sflag:s0] =	ssyncset.done $0x0  }
0x177: {  	s22 =	simm.s32 $0x9E80;
	[sflag:s0] =	ssyncadd.s32 $0xFFFFE000  }
0x178: {  	[spmem:s2] =	stream.indirect.scatter.add.f32 [tilespmem:s25], [sflag:$0x6], $0x40, s22, s24, $0xb8;
	[tilespmem:$0x1C000] =	vst v63  }
0x179: {  	_ =	swait.ge [sflag:s6], $0x2000  }
0x17a: {  	[sflag:s6] =	ssyncset.done $0x0  }
0x17b: {  	[sflag:s6] =	ssyncadd.s32 $0xFFFFE000  }
0x17c: {  	_ =	swait.ge [sflag:s26], $0x2000  }
0x17d: {  	[sflag:s26] =	ssyncset.done $0x0  }
0x17e: {  	s16 =	simm.s32 $0x9F00;
	[sflag:s26] =	ssyncadd.s32 $0xFFFFE000  }
0x17f: {  	[spmem:s2] =	stream.indirect.scatter.add.f32 [tilespmem:s28], [sflag:$0x7], $0x40, s16, s24, $0xb8;
	[tilespmem:$0x1C000] =	vst v63  }
0x180: {  	_ =	swait.ge [sflag:s1], $0x2000  }
0x181: {  	[sflag:s1] =	ssyncset.done $0x0  }
.Ltmp8:
0x182: {  	[sflag:s1] =	ssyncadd.s32 $0xFFFFE000;
	(pc) =	sbr.rel .LBB2_10-.Ltmp8, $4  }
0x183: {  	_ =	swait.ge [sflag:s30], $0x2000  }
0x184: {  	[sflag:s30] =	ssyncset.done $0x0  }
0x185: {  	s22 =	simm.s32 $0x9F80;
	s15 =	rddreg [dreg:$0x3];
	[sflag:s30] =	ssyncadd.s32 $0xFFFFE000  }
0x186: {  	[spmem:s2] =	stream.indirect.scatter.add.f32 [tilespmem:s31], [sflag:$0x8], $0x40, s22, s24, $0xb8;
	[tilespmem:$0x1C000] =	vst v63  }
.LBB2_11:
0x187: {  	_ =	sfence.sel $0x180000  }
0x188: {  	[bflag:$0x0] =	sbarrier.arrive $0xFFFF  }
0x189: {  	_ =	strace $0x9000004A  }
0x18a: {  	s0 =	stileid.u32;
	[bflag:$0x2] =	sbarrier.arrive $0xFFFF  }
0x18b: {  	p0 =	sne.s32 s0, $0x0;
	s0 =	rddreg [dreg:$0x2]  }
0x18c: {  	s0 =	sadd.s32 @!p0 $0x100000, s0  }
0x18d: {  	[sflag:s0] =	ssyncadd.tile.s32 @!p0 $0x1;
	_ =	shalt  }
.Lfunc_end2:
_tile_overlayer_lowered:
.L_overlay_start_2:
0x18e: {  	(tag) =	ssettag $0x2  }
0x18f: {  	s0 =	rddreg [dreg:$0x0];
	s2 =	stileid.u32  }
0x190: {  	s1 =	rddreg [dreg:$0x1];
	p0 =	sne.s32 s2, $0x0  }
0x191: {  	s3 =	rddreg [dreg:$0x2];
	[bflag:$0x3] =	sbarrier.arrive $0xFFFF;
	s2 =	simm.s32 @!p0 $0x1C09  }
0x192: {  	[timem:s3], [sflag:s2] =	dma.local @!p0 [hbm:s0], s1  }
0x193: {  	s0 =	simm.s32 @!p0 $0x9  }
0x194: {  	_ =	swait.ge @!p0 [sflag:s0], s1  }
0x195: {  	s1 =	ssub.s32 @!p0 $0x0, s1;
	[sflag:s0] =	ssyncset.done @!p0 $0x0  }
0x196: {  	[sflag:s0] =	ssyncadd.s32 @!p0 s1  }
0x197: {  	[bflag:$0x3] =	sbarrier.arrive $0xFFFF  }
0x198: {  	_ =	shalt  }

// kernel: kernel.18.cloned.1.call-start
scs
__scs_entry_jumppad:
0x0: {  	(pc) =	sbr.rel $0x88, $3  }
0x1: {  	(tag) =	ssettag $0x0;
	lr =	simm.s32 $0x1  }
0x2: {  	[smem:$0x3F8D] =	sst lr;
	_ =	strace $0xD0000000  }
0x3: {  	_ = 	snop  }
0x4: {  	_ = 	snop  }
0x5: {  	_ = 	snop  }
0x6: {  	_ = 	snop  }
0x7: {  	_ = 	snop  }
__scs_overlays_trampoline_lowered:
0x8: {  	[smem:$0x3F9C] =	sst s0  }
0x9: {  	[smem:$0x3F9D] =	sst s1  }
0xa: {  	[smem:$0x3F9E] =	sst s2  }
0xb: {  	[smem:$0x3F9F] =	sst s3  }
0xc: {  	[smem:$0x3FA0] =	sst s4  }
0xd: {  	[smem:$0x3FA1] =	sst s5  }
0xe: {  	[smem:$0x3FA2] =	sst s6  }
0xf: {  	[smem:$0x3FA3] =	sst s7  }
0x10: {  	[smem:$0x3FA4] =	sst s8  }
0x11: {  	[smem:$0x3FA5] =	sst s9;
	s0 =	simm.s32 @!p0 $0x0  }
0x12: {  	s1 =	sld [smem:$0x3F8B];
	s0 =	simm.s32 @p0 $0x1  }
0x13: {  	[smem:$0x3FA6] =	sst s0;
	s0 =	simm.s32 @!p1 $0x0  }
0x14: {  	s2 =	sld [smem:$0x3F8A];
	s0 =	simm.s32 @p1 $0x1  }
0x15: {  	[smem:$0x3FA7] =	sst s0;
	s0 =	simm.s32 @!p2 $0x0  }
0x16: {  	s3 =	sld [smem:$0x3FDB];
	s0 =	simm.s32 @p2 $0x1  }
0x17: {  	s4 =	simm.s32 $0x1BF5;
	[smem:$0x3FA9] =	sst s0  }
0x18: {  	s0 =	sld [smem:$0x3F8C];
	_ =	swait.ge [sflag:s4], $0x0  }
0x19: {  	s7 =	sld [smem:$0x3F8D]  }
0x1a: {  	s8 =	sadd.s32 $0xFFFFE003, lr  }
0x1b: {  	s9 =	sadd.s32 $0xFFFFFEF7, lr;
	s5 =	simm.s32 $0xFFFFFFFF;
	p2 =	slt.u32 s8, $0xFFFFF086  }
0x1c: {  	p1 =	slt.u32 s9, $0xF7A;
	s5 =	simm.s32 @!p2 $0x0  }
0x1d: {  	s5 =	simm.s32 @p1 $0x1;
	p0 =	seq.s32 s7, s2  }
0x1e: {  	s7 =	smul.u32 @!p0 $0xF7A, s2;
	p2 =	seq.s32 @!p0 s5, $0x0  }
0x1f: {  	s9 =	smul.u32 $0xF7A, s1;
	s8 =	simm.s32 @!p0 $0x1BF5;
	p2 =	por !p2, p0  }
0x20: {  	[sflag:s8] =	ssyncset.s32 @!p0 $0xFFFFF086;
	s6 =	sadd.s32 @!p0 s3, s7;
	s7 =	simm.s32 @!p0 $0x108  }
0x21: {  	s3 =	sadd.s32 s3, s9;
	s6 =	sadd.s32 @!p0 $0x88, s6;
	s7 =	simm.s32 @p2 $0x1082  }
0x22: {  	[simem:s7], [sflag:s8] =	dma.local @!p0 [hbm:s6], $0xF7A  }
0x23: {  	s9 =	sor.u32 $0xD0000000, s2;
	s6 =	simm.s32 $0x108;
	_ =	swait.ge @!p0 [sflag:s8], $0x0  }
0x24: {  	s3 =	sadd.s32 $0x88, s3;
	s6 =	simm.s32 @!p1 $0x1082;
	[sflag:s4] =	ssyncset.s32 $0xFFFFF086  }
0x25: {  	[simem:s6], [sflag:s4] =	dma.local [hbm:s3], $0xF7A  }
0x26: {  	[smem:$0x3F8D] =	sst s1;
	(tag) =	ssettag s2;
	_ =	strace s9  }
0x27: {  	s1 =	sld [smem:$0x3F9D]  }
0x28: {  	s2 =	sld [smem:$0x3F9E]  }
0x29: {  	s4 =	sld [smem:$0x3FA0]  }
0x2a: {  	p0 =	seq.s32 s5, $0x0;
	s5 =	sld [smem:$0x3FA1]  }
0x2b: {  	s6 =	sld [smem:$0x3FA2]  }
0x2c: {  	s7 =	sld [smem:$0x3FA3]  }
0x2d: {  	s3 =	simm.s32 $0x108;
	s8 =	sld [smem:$0x3FA4]  }
0x2e: {  	s3 =	simm.s32 @!p0 $0x1082;
	s9 =	sld [smem:$0x3FA5]  }
0x2f: {  	lr =	sadd.s32 s0, s3;
	s0 =	sld [smem:$0x3F9C]  }
0x30: {  	s3 =	sld [smem:$0x3F9F]  }
0x31: {  	[smem:$0x3FA8] =	sst s10  }
0x32: {  	s10 =	sld [smem:$0x3FA6];
	_ =	sdelay $0x3  }
0x33: {  	p0 =	seq.s32 s10, $0x1;
	s10 =	sld [smem:$0x3FA8];
	_ =	sdelay $0x3  }
0x34: {  	[smem:$0x3FA8] =	sst s10  }
0x35: {  	s10 =	sld [smem:$0x3FA7];
	_ =	sdelay $0x3  }
0x36: {  	p1 =	seq.s32 s10, $0x1;
	s10 =	sld [smem:$0x3FA8];
	_ =	sdelay $0x3  }
0x37: {  	[smem:$0x3FA8] =	sst s10  }
0x38: {  	s10 =	sld [smem:$0x3FA9]  }
0x39: {  	_ = 	snop;
	(pc) =	sbr.ind lr, $3  }
0x3a: {  	_ = 	snop  }
0x3b: {  	_ = 	snop  }
0x3c: {  	p2 =	seq.s32 s10, $0x1;
	s10 =	sld [smem:$0x3FA8]  }
0x3d: {  	_ =	shalt  }
0x3e: {  	_ =	shalt  }
0x3f: {  	_ =	shalt  }
0x40: {  	_ =	shalt  }
0x41: {  	_ =	shalt  }
0x42: {  	_ =	shalt  }
0x43: {  	_ =	shalt  }
0x44: {  	_ =	shalt  }
0x45: {  	_ =	shalt  }
0x46: {  	_ =	shalt  }
0x47: {  	_ =	shalt  }
0x48: {  	_ =	shalt  }
0x49: {  	_ =	shalt  }
0x4a: {  	_ =	shalt  }
0x4b: {  	_ =	shalt  }
0x4c: {  	_ =	shalt  }
0x4d: {  	_ =	shalt  }
0x4e: {  	_ =	shalt  }
0x4f: {  	_ =	shalt  }
0x50: {  	_ =	shalt  }
0x51: {  	_ =	shalt  }
0x52: {  	_ =	shalt  }
0x53: {  	_ =	shalt  }
0x54: {  	_ =	shalt  }
0x55: {  	_ =	shalt  }
0x56: {  	_ =	shalt  }
0x57: {  	_ =	shalt  }
0x58: {  	_ =	shalt  }
0x59: {  	_ =	shalt  }
0x5a: {  	_ =	shalt  }
0x5b: {  	_ =	shalt  }
0x5c: {  	_ =	shalt  }
0x5d: {  	_ =	shalt  }
0x5e: {  	_ =	shalt  }
0x5f: {  	_ =	shalt  }
0x60: {  	_ =	shalt  }
0x61: {  	_ =	shalt  }
0x62: {  	_ =	shalt  }
0x63: {  	_ =	shalt  }
0x64: {  	_ =	shalt  }
0x65: {  	_ =	shalt  }
0x66: {  	_ =	shalt  }
0x67: {  	_ =	shalt  }
0x68: {  	_ =	shalt  }
0x69: {  	_ =	shalt  }
0x6a: {  	_ =	shalt  }
0x6b: {  	_ =	shalt  }
0x6c: {  	_ =	shalt  }
0x6d: {  	_ =	shalt  }
0x6e: {  	_ =	shalt  }
0x6f: {  	_ =	shalt  }
0x70: {  	_ =	shalt  }
0x71: {  	_ =	shalt  }
0x72: {  	_ =	shalt  }
0x73: {  	_ =	shalt  }
0x74: {  	_ =	shalt  }
0x75: {  	_ =	shalt  }
0x76: {  	_ =	shalt  }
0x77: {  	_ =	shalt  }
0x78: {  	_ =	shalt  }
0x79: {  	_ =	shalt  }
0x7a: {  	_ =	shalt  }
0x7b: {  	_ =	shalt  }
0x7c: {  	_ =	shalt  }
0x7d: {  	_ =	shalt  }
0x7e: {  	_ =	shalt  }
0x7f: {  	_ =	shalt  }
0x80: {  	_ =	shalt  }
0x81: {  	_ =	shalt  }
0x82: {  	_ =	shalt  }
0x83: {  	_ =	shalt  }
0x84: {  	_ =	shalt  }
0x85: {  	_ =	shalt  }
0x86: {  	_ =	shalt  }
0x87: {  	_ =	shalt  }
.Lfunc_end0:
.L_simem_size_0:
called_computation.2_lowered:
.L_overlay_start_0:
0x88: {  	s2 =	sld [smem:$0x3FD9]  }
0x89: {  	s3 =	sld [smem:$0x3FFE];
	_ =	sdelay $0x1  }
0x8a: {  	s1 =	srdreg.scid  }
0x8b: {  	s0 =	sand.u32 $0x1, s1  }
0x8c: {  	s16 =	sshll.u32 s0, $0xA;
	s2 =	sadd.s32 s3, s2  }
0x8d: {  	s2 =	sadd.s32 s2, s16  }
0x8e: {  	[smem:$0x3FB4] =	sst s2  }
0x8f: {  	_ = 	snop  }
0x90: {  	(tm) =	ssettm $0x1  }
0x91: {  	s17 =	sld [smem:$0x3FFB];
	_ =	sdelay $0x3  }
0x92: {  	_ =	strace s17  }
0x93: {  	s2 =	sld [smem:$0x3FFC];
	_ =	sdelay $0x3  }
0x94: {  	_ =	strace s2  }
0x95: {  	s2 =	sld [smem:$0x3FFD];
	_ =	sdelay $0x3  }
0x96: {  	_ =	strace s2  }
0x97: {  	_ =	strace $0x8FFFFFFF  }
0x98: {  	s18 =	sld [smem:$0x3FDB];
	_ =	sdelay $0x1  }
0x99: {  	s19 =	simm.s32 $_scs_section_size  }
0x9a: {  	s4 =	simm.s32 $_size__tile_overlayer_lowered;
	s5 =	simm.s32 $_tile_overlayer_lowered  }
0x9b: {  	s22 =	simm.s32 $0x1BFF;
	s21 =	sshll.u32 s5, $0x1;
	s2 =	sadd.s32 s19, s18  }
0x9c: {  	s6 =	simm.s32 $0x0;
	s20 =	sshll.u32 s4, $0x1;
	s4 =	sadd.s32 s21, s2  }
0x9d: {  	[timem:s6], [sflag:s22] =	dma.local [hbm:s4], s20  }
0x9e: {  	_ =	swait.ge [sflag:s22], s20  }
0x9f: {  	s3 =	ssub.s32 $0x0, s20;
	[sflag:s22] =	ssyncset.done $0x0  }
0xa0: {  	[sflag:s22] =	ssyncadd.s32 s3;
	_ =	sdelay $0x1  }
0xa1: {  	s23 =	simm.s32 $0x1B8B  }
0xa2: {  	_ =	swait.ge [sflag:s23], $0x1  }
0xa3: {  	[sflag:s23] =	ssyncset.done $0x0  }
0xa4: {  	s25 =	simm.s32 $0x1B8E;
	s24 =	sld [smem:$0x3FFE];
	[sflag:s23] =	ssyncadd.s32 $0xFFFFFFFF  }
0xa5: {  	s26 =	simm.s32 $execute0_lowered;
	[smem:$0x3FD2] =	sst s25  }
0xa6: {  	s4 =	sshll.u32 s26, $0x1;
	_ =	strace $0x8000004C;
	[dreg:$0x1] =	wrdreg $0xFFFFFFFF  }
0xa7: {  	s28 =	simm.s32 $_size_execute0_lowered;
	s2 =	sadd.s32 s2, s4;
	[dreg:$0x0] =	wrdreg $0x0  }
0xa8: {  	s4 =	sshll.u32 s28, $0x1;
	[dreg:$0x2] =	wrdreg s2  }
0xa9: {  	[dreg:$0x3] =	wrdreg s4  }
0xaa: {  	[dreg:$0x4] =	wrdreg $0xC0  }
0xab: {  	_ =	task [dreg:s6], $0x5FFFF  }
0xac: {  	[dreg:$0x1] =	wrdreg $0xFFFFFFFF  }
0xad: {  	[dreg:$0x0] =	wrdreg $0x60  }
0xae: {  	[dreg:$0x2] =	wrdreg s24  }
0xaf: {  	[dreg:$0x3] =	wrdreg $0xE0000  }
0xb0: {  	[dreg:$0x4] =	wrdreg $0x9  }
0xb1: {  	_ =	task.clear_ibuf [dreg:s6], $0x5FFFF;
	_ =	strace $0x9000004C  }
0xb2: {  	s29 =	simm.s32 $0x9;
	_ =	strace $0x8000004E  }
0xb3: {  	_ =	swait.ge [sflag:s29], $0x1  }
0xb4: {  	[sflag:s29] =	ssyncadd.s32 $0xFFFFFFFF  }
0xb5: {  	_ =	strace $0x9000004E  }
0xb6: {  	_ =	sfence  }
0xb7: {  	s30 =	sld [smem:$0x0];
	_ =	sdelay $0x2  }
0xb8: {  	s31 =	sshll.u32 s1, $0xD;
	s1 =	sshrl.u32 s1, $0x2  }
0xb9: {  	s3 =	sand.u32 $0x4000, s31;
	s1 =	sadd.s32 s1, s30  }
0xba: {  	s0 =	sor.u32 s3, s0;
	s1 =	sshll.u32 s1, $0x11  }
0xbb: {  	s0 =	sor.u32 s1, s0  }
0xbc: {  	s0 =	sadd.s32 $0x8F2B, s0  }
0xbd: {  	[sflag:s0] =	ssyncadd.remote.s32 $0x1  }
0xbe: {  	_ =	sfence.sel $0xFFFF  }
0xbf: {  	[dreg:$0x0] =	wrdreg $0xFFFFFFFF;
	(pc) =	sbr.abs _section_cstart, $3  }
0xc0: {  	[dreg:$0x1] =	wrdreg $0xFFFFFFFF  }
0xc1: {  	_ =	task.clear_ibuf [dreg:s6], $0x2FFFF;
	_ =	strace $0x9FFFFFFF  }
0xc2: {  	(tm) =	ssettm $0x7FFFFFFF  }
0xc3: {  	_ =	shalt  }
tec
execute0_lowered:
.L_overlay_start_1:
0x0: {  	(tag) =	ssettag $0x1  }
0x1: {  	s0 =	rddreg [dreg:$0x0]  }
0x2: {  	s2 =	rddreg [dreg:$0x1];
	s3 =	simm.s32 $0x0;
	s8 =	stileid.u32  }
0x3: {  	s6 =	srdreg.scid;
	s28 =	simm.s32 $0xC000;
	s29 =	simm.s32 $0x1  }
0x4: {  	s31 =	simm.s32 $0xD000;
	s30 =	simm.s32 $0x4;
	[smem:$0x7FF] =	sst s3  }
0x5: {  	s1 =	smul.u32 $0xA00, s8;
	s4 =	sadd.s32 $0x73400, s0;
	s5 =	sadd.s32 $0xF400, s0  }
0x6: {  	s6 =	sand.u32 $0x1, s6;
	s7 =	sadd.s32 $0x87400, s0;
	s8 =	smul.u32 $0x5000, s8  }
0x7: {  	_ =	strace $0x8000004D;
	[dreg:$0x3] =	wrdreg s7;
	s21 =	ssub.s32 $0x2, s6  }
0x8: {  	p0 =	seq.s32 s6, $0x1;
	s6 =	simm.s32 $0x5;
	s7 =	simm.s32 $0x7  }
0x9: {  	s1 =	sadd.s32 s1, s0;
	s0 =	sadd.s32 $0x7D400, s0;
	s22 =	sshrl.u32 s21, $0x1  }
0xa: {  	s10 =	sadd.s32 s8, s2;
	s24 =	sadd.s32 $0x1000, s8;
	s25 =	sadd.s32 $0x2000, s8  }
0xb: {  	s26 =	sadd.s32 $0x3000, s8;
	s9 =	sadd.s32 $0x4000, s8;
	s8 =	sshrl.u32 s8, $0x3  }
0xc: {  	[dreg:$0x4] =	wrdreg s0;
	s0 =	ssub.s32 s21, s22;
	s23 =	sadd.s32 $0x19400, s1  }
0xd: {  	s1 =	sadd.s32 $0x5400, s1;
	s11 =	sadd.s32 s24, s2;
	s12 =	sadd.s32 s25, s2  }
0xe: {  	s13 =	sadd.s32 s26, s2;
	s14 =	sadd.s32 s9, s2;
	[dreg:$0x7] =	wrdreg s8  }
0xf: {  	s17 =	sshrl.u32 s25, $0x3;
	s18 =	sshrl.u32 s26, $0x3;
	s19 =	sshrl.u32 s9, $0x3  }
.Ltmp0:
0x10: {  	s21 =	simm.s32 $0x9;
	s25 =	simm.s32 $0xB000;
	(pc) =	sbr.rel .LBB2_1-.Ltmp0, $4  }
0x11: {  	s26 =	simm.s32 $0x3;
	s8 =	simm.s32 $0x8;
	[dreg:$0x5] =	wrdreg s23  }
0x12: {  	s9 =	simm.s32 $0x0;
	[dreg:$0x6] =	wrdreg s1;
	s1 =	sshrl.u32 s24, $0x3  }
0x13: {  	s20 =	smax.u32 s0, $0x1;
	s23 =	simm.s32 $0xA000;
	s24 =	simm.s32 $0x80  }
0x14: {  	v0 =	vimm.f32 $0.0e+00;
	s0 =	simm.s32 $0x2;
	[dreg:$0x8] =	wrdreg s1;
	s1 =	simm.s32 $0x6  }
.LBB2_9:
0x15: {  	[spmem:s2] =	stream.indirect.scatter.add.f32 [tilespmem:s31], [sflag:$0x8], $0x20, s15, s24, $0xb8;
	[tilespmem:$0x13000] =	vst v63  }
0x16: {  	_ =	swait.ge [sflag:s7], $0x1000  }
0x17: {  	[sflag:s7] =	ssyncset.done $0x0  }
0x18: {  	s16 =	simm.s32 $0x4F00;
	[sflag:s7] =	ssyncadd.s32 $0xFFFFF000  }
0x19: {  	[tilespmem:s28], [sflag:$0x3] =	stream.indirect.gather [hbm4b:s5+s24], $0x20, s16, s24, $0xb8;
	[tilespmem:$0x13000] =	vst v63  }
0x1a: {  	_ =	swait.ge [sflag:s29], $0x1000  }
0x1b: {  	[sflag:s29] =	ssyncset.done $0x0  }
0x1c: {  	s22 =	simm.s32 $0x9E00;
	[sflag:s29] =	ssyncadd.s32 $0xFFFFF000  }
0x1d: {  	[spmem:s2] =	stream.indirect.scatter.add.f32 [tilespmem:s23], [sflag:$0x5], $0x20, s22, s24, $0xb8;
	[tilespmem:$0x13000] =	vst v63  }
0x1e: {  	_ =	swait.ge [sflag:s8], $0x1000  }
0x1f: {  	[sflag:s8] =	ssyncset.done $0x0  }
0x20: {  	s16 =	simm.s32 $0x4F80;
	[sflag:s8] =	ssyncadd.s32 $0xFFFFF000  }
0x21: {  	[tilespmem:s31], [sflag:$0x4] =	stream.indirect.gather [hbm4b:s5+s24], $0x20, s16, s24, $0xb8;
	[tilespmem:$0x13000] =	vst v63  }
0x22: {  	_ =	swait.ge [sflag:s0], $0x1000  }
0x23: {  	[sflag:s0] =	ssyncset.done $0x0  }
0x24: {  	s22 =	simm.s32 $0x9E80;
	[sflag:s0] =	ssyncadd.s32 $0xFFFFF000  }
0x25: {  	[spmem:s2] =	stream.indirect.scatter.add.f32 [tilespmem:s25], [sflag:$0x6], $0x20, s22, s24, $0xb8;
	[tilespmem:$0x13000] =	vst v63  }
0x26: {  	_ =	swait.ge [sflag:s6], $0x1000  }
0x27: {  	[sflag:s6] =	ssyncset.done $0x0  }
0x28: {  	[sflag:s6] =	ssyncadd.s32 $0xFFFFF000  }
0x29: {  	_ =	swait.ge [sflag:s26], $0x1000  }
0x2a: {  	[sflag:s26] =	ssyncset.done $0x0  }
0x2b: {  	s16 =	simm.s32 $0x9F00;
	[sflag:s26] =	ssyncadd.s32 $0xFFFFF000  }
0x2c: {  	[spmem:s2] =	stream.indirect.scatter.add.f32 [tilespmem:s28], [sflag:$0x7], $0x20, s16, s24, $0xb8;
	[tilespmem:$0x13000] =	vst v63  }
0x2d: {  	_ =	swait.ge [sflag:s1], $0x1000  }
0x2e: {  	[sflag:s1] =	ssyncset.done $0x0  }
0x2f: {  	[sflag:s1] =	ssyncadd.s32 $0xFFFFF000  }
0x30: {  	_ =	swait.ge [sflag:s30], $0x1000  }
0x31: {  	[sflag:s30] =	ssyncset.done $0x0  }
0x32: {  	s22 =	simm.s32 $0x9F80;
	s15 =	rddreg [dreg:$0x4];
	[sflag:s30] =	ssyncadd.s32 $0xFFFFF000  }
0x33: {  	[spmem:s2] =	stream.indirect.scatter.add.f32 [tilespmem:s31], [sflag:$0x8], $0x20, s22, s24, $0xb8;
	[tilespmem:$0x13000] =	vst v63  }
.LBB2_10:
0x34: {  	_ =	swait.ge [sflag:s7], $0x1000  }
0x35: {  	[sflag:s7] =	ssyncset.done $0x0  }
0x36: {  	[sflag:s7] =	ssyncadd.s32 $0xFFFFF000  }
0x37: {  	_ =	swait.ge [sflag:s8], $0x1000  }
0x38: {  	[sflag:s8] =	ssyncset.done $0x0  }
0x39: {  	[sflag:s8] =	ssyncadd.s32 $0xFFFFF000  }
0x3a: {  	[bflag:$0x0] =	sbarrier.arrive $0xFFFF  }
0x3b: {  	[tilespmem:s23], [sflag:$0x9] =	stream.linear.gather [spmem:s10], $0x1000, $0x38;
	[tilespmem:$0x13000] =	vst v63  }
0x3c: {  	_ =	swait.ge [sflag:s21], $0x1000  }
0x3d: {  	[sflag:s21] =	ssyncset.done $0x0;
	s16 =	rddreg [dreg:$0x7]  }
0x3e: {  	s16 =	sadd.s32 s15, s16;
	[sflag:s21] =	ssyncadd.s32 $0xFFFFF000  }
0x3f: {  	[hbm4b:s16+s3] =	stream.linear.scatter [tilespmem:s23], [sflag:$0x9], $0x1000, $0x38;
	[tilespmem:$0x13000] =	vst v63  }
0x40: {  	_ =	swait.ge [sflag:s21], $0x1000  }
0x41: {  	[sflag:s21] =	ssyncset.done $0x0  }
0x42: {  	[sflag:s21] =	ssyncadd.s32 $0xFFFFF000  }
0x43: {  	[tilespmem:s23], [sflag:$0x9] =	stream.linear.gather [spmem:s11], $0x1000, $0x38;
	[tilespmem:$0x13000] =	vst v63  }
0x44: {  	_ =	swait.ge [sflag:s21], $0x1000  }
0x45: {  	[sflag:s21] =	ssyncset.done $0x0;
	s22 =	rddreg [dreg:$0x8]  }
0x46: {  	s16 =	sadd.s32 s15, s22;
	[sflag:s21] =	ssyncadd.s32 $0xFFFFF000  }
0x47: {  	[hbm4b:s16+s3] =	stream.linear.scatter [tilespmem:s23], [sflag:$0x9], $0x1000, $0x38;
	[tilespmem:$0x13000] =	vst v63  }
0x48: {  	_ =	swait.ge [sflag:s21], $0x1000  }
0x49: {  	[sflag:s21] =	ssyncset.done $0x0  }
0x4a: {  	[sflag:s21] =	ssyncadd.s32 $0xFFFFF000  }
0x4b: {  	[tilespmem:s23], [sflag:$0x9] =	stream.linear.gather [spmem:s12], $0x1000, $0x38;
	[tilespmem:$0x13000] =	vst v63  }
0x4c: {  	_ =	swait.ge [sflag:s21], $0x1000  }
0x4d: {  	[sflag:s21] =	ssyncset.done $0x0  }
0x4e: {  	s22 =	sadd.s32 s15, s17;
	[sflag:s21] =	ssyncadd.s32 $0xFFFFF000  }
0x4f: {  	[hbm4b:s22+s3] =	stream.linear.scatter [tilespmem:s23], [sflag:$0x9], $0x1000, $0x38;
	[tilespmem:$0x13000] =	vst v63  }
0x50: {  	_ =	swait.ge [sflag:s21], $0x1000  }
0x51: {  	[sflag:s21] =	ssyncset.done $0x0  }
0x52: {  	[sflag:s21] =	ssyncadd.s32 $0xFFFFF000  }
0x53: {  	[tilespmem:s23], [sflag:$0x9] =	stream.linear.gather [spmem:s13], $0x1000, $0x38;
	[tilespmem:$0x13000] =	vst v63  }
0x54: {  	_ =	swait.ge [sflag:s21], $0x1000  }
0x55: {  	[sflag:s21] =	ssyncset.done $0x0  }
0x56: {  	s22 =	sadd.s32 s15, s18;
	[sflag:s21] =	ssyncadd.s32 $0xFFFFF000  }
0x57: {  	[hbm4b:s22+s3] =	stream.linear.scatter [tilespmem:s23], [sflag:$0x9], $0x1000, $0x38;
	[tilespmem:$0x13000] =	vst v63  }
0x58: {  	_ =	swait.ge [sflag:s21], $0x1000  }
0x59: {  	[sflag:s21] =	ssyncset.done $0x0  }
0x5a: {  	[sflag:s21] =	ssyncadd.s32 $0xFFFFF000  }
0x5b: {  	[tilespmem:s23], [sflag:$0x9] =	stream.linear.gather [spmem:s14], $0x1000, $0x38;
	[tilespmem:$0x13000] =	vst v63  }
0x5c: {  	s9 =	sadd.s32 $0x1, s9;
	_ =	swait.ge [sflag:s21], $0x1000  }
0x5d: {  	p1 =	sne.s32 s9, s20;
	[sflag:s21] =	ssyncset.done $0x0  }
.Ltmp1:
0x5e: {  	s22 =	sadd.s32 s15, s19;
	[sflag:s21] =	ssyncadd.s32 $0xFFFFF000;
	(pc) =	sbr.rel @!p1 .LBB2_11-.Ltmp1, $4  }
0x5f: {  	[hbm4b:s22+s3] =	stream.linear.scatter [tilespmem:s23], [sflag:$0x9], $0x1000, $0x38;
	[tilespmem:$0x13000] =	vst v63  }
0x60: {  	_ =	swait.ge [sflag:s21], $0x1000  }
0x61: {  	[sflag:s21] =	ssyncset.done $0x0  }
0x62: {  	[sflag:s21] =	ssyncadd.s32 $0xFFFFF000  }
.LBB2_1:
0x63: {  	s15 =	rddreg [dreg:$0x5]  }
0x64: {  	[tilespmem:s3], [sflag:$0x9] =	stream.linear.gather [hbm4b:s15+s3], $0x5000, $0x38;
	[tilespmem:$0x13000] =	vst v63  }
0x65: {  	_ =	swait.ge [sflag:s21], $0x5000  }
0x66: {  	s16 =	simm.s32 $0x5000;
	[sflag:s21] =	ssyncset.done $0x0  }
.Ltmp2:
0x67: {  	s22 =	rddreg [dreg:$0x6];
	[sflag:s21] =	ssyncadd.s32 $0xFFFFB000;
	(pc) =	sbr.rel @!p0 .LBB2_2-.Ltmp2, $4  }
0x68: {  	[tilespmem:s16], [sflag:$0x9] =	stream.linear.gather [hbm4b:s22+s3], $0x5000, $0x38;
	[tilespmem:$0x13000] =	vst v63  }
0x69: {  	_ =	swait.ge [sflag:s21], $0x5000  }
0x6a: {  	[sflag:s21] =	ssyncset.done $0x0  }
0x6b: {  	s15 =	simm.s32 $0x80;
	s22 =	simm.s32 $0x0;
	[sflag:s21] =	ssyncadd.s32 $0xFFFFB000  }
.LBB2_6:
0x6c: {  	p1 =	sne.s32 s15, $0x3F80;
	[tilespmem:s22+$0xA000] =	vst v0;
	s16 =	smov.u32 s15;
	s15 =	sadd.s32 $0x80, s15  }
.Ltmp3:
0x6d: {  	[tilespmem:s22+$0xA010] =	vst v0;
	(pc) =	sbr.rel @p1 .LBB2_6-.Ltmp3, $2  }
0x6e: {  	_ =	sdelay $0x2  }
0x6f: {  	s22 =	sshra.s32 s16, $0x2  }
0x70: {  	[tilespmem:s22+$0xA000] =	vst v0  }
0x71: {  	[tilespmem:s22+$0xA010] =	vst v0  }
0x72: {  	[spmem:s10] =	stream.linear.scatter [tilespmem:s23], [sflag:$0x9], $0x1000, $0x38;
	[tilespmem:$0x13000] =	vst v63  }
0x73: {  	_ =	swait.ge [sflag:s21], $0x1000  }
0x74: {  	[sflag:s21] =	ssyncset.done $0x0  }
0x75: {  	[sflag:s21] =	ssyncadd.s32 $0xFFFFF000  }
0x76: {  	[spmem:s11] =	stream.linear.scatter [tilespmem:s23], [sflag:$0x9], $0x1000, $0x38;
	[tilespmem:$0x13000] =	vst v63  }
0x77: {  	_ =	swait.ge [sflag:s21], $0x1000  }
0x78: {  	[sflag:s21] =	ssyncset.done $0x0  }
0x79: {  	[sflag:s21] =	ssyncadd.s32 $0xFFFFF000  }
0x7a: {  	[spmem:s12] =	stream.linear.scatter [tilespmem:s23], [sflag:$0x9], $0x1000, $0x38;
	[tilespmem:$0x13000] =	vst v63  }
0x7b: {  	_ =	swait.ge [sflag:s21], $0x1000  }
0x7c: {  	[sflag:s21] =	ssyncset.done $0x0  }
0x7d: {  	[sflag:s21] =	ssyncadd.s32 $0xFFFFF000  }
0x7e: {  	[spmem:s13] =	stream.linear.scatter [tilespmem:s23], [sflag:$0x9], $0x1000, $0x38;
	[tilespmem:$0x13000] =	vst v63  }
0x7f: {  	_ =	swait.ge [sflag:s21], $0x1000  }
0x80: {  	[sflag:s21] =	ssyncset.done $0x0  }
0x81: {  	[sflag:s21] =	ssyncadd.s32 $0xFFFFF000  }
0x82: {  	[spmem:s14] =	stream.linear.scatter [tilespmem:s23], [sflag:$0x9], $0x1000, $0x38;
	[tilespmem:$0x13000] =	vst v63  }
0x83: {  	_ =	swait.ge [sflag:s21], $0x1000  }
0x84: {  	[sflag:s21] =	ssyncset.done $0x0  }
0x85: {  	[sflag:s21] =	ssyncadd.s32 $0xFFFFF000  }
0x86: {  	s15 =	simm.s32 $0x0;
	[bflag:$0x0] =	sbarrier.arrive $0xFFFF  }
0x87: {  	[tilespmem:s23], [sflag:$0x1] =	stream.indirect.gather [hbm4b:s5+s24], $0x20, s15, s24, $0xb8;
	[tilespmem:$0x13000] =	vst v63  }
0x88: {  	_ = 	snop  }
0x89: {  	[tilespmem:s25], [sflag:$0x2] =	stream.indirect.gather [hbm4b:s5+s24], $0x20, s24, s24, $0xb8;
	[tilespmem:$0x13000] =	vst v63  }
0x8a: {  	s22 =	simm.s32 $0x100  }
0x8b: {  	[tilespmem:s28], [sflag:$0x3] =	stream.indirect.gather [hbm4b:s5+s24], $0x20, s22, s24, $0xb8;
	[tilespmem:$0x13000] =	vst v63  }
0x8c: {  	_ =	swait.ge [sflag:s29], $0x1000  }
0x8d: {  	[sflag:s29] =	ssyncset.done $0x0  }
0x8e: {  	s16 =	simm.s32 $0x5000;
	[sflag:s29] =	ssyncadd.s32 $0xFFFFF000  }
0x8f: {  	[spmem:s2] =	stream.indirect.scatter.add.f32 [tilespmem:s23], [sflag:$0x5], $0x20, s16, s24, $0xb8;
	[tilespmem:$0x13000] =	vst v63  }
0x90: {  	s22 =	simm.s32 $0x180  }
0x91: {  	[tilespmem:s31], [sflag:$0x4] =	stream.indirect.gather [hbm4b:s5+s24], $0x20, s22, s24, $0xb8;
	[tilespmem:$0x13000] =	vst v63  }
0x92: {  	_ =	swait.ge [sflag:s0], $0x1000  }
0x93: {  	[sflag:s0] =	ssyncset.done $0x0  }
0x94: {  	s16 =	simm.s32 $0x5080;
	[sflag:s0] =	ssyncadd.s32 $0xFFFFF000  }
0x95: {  	[spmem:s2] =	stream.indirect.scatter.add.f32 [tilespmem:s25], [sflag:$0x6], $0x20, s16, s24, $0xb8;
	[tilespmem:$0x13000] =	vst v63  }
0x96: {  	_ =	swait.ge [sflag:s6], $0x1000  }
0x97: {  	[sflag:s6] =	ssyncset.done $0x0  }
0x98: {  	s22 =	simm.s32 $0x200;
	[sflag:s6] =	ssyncadd.s32 $0xFFFFF000  }
0x99: {  	[tilespmem:s23], [sflag:$0x1] =	stream.indirect.gather [hbm4b:s5+s24], $0x20, s22, s24, $0xb8;
	[tilespmem:$0x13000] =	vst v63  }
0x9a: {  	_ =	swait.ge [sflag:s26], $0x1000  }
0x9b: {  	[sflag:s26] =	ssyncset.done $0x0  }
0x9c: {  	s16 =	simm.s32 $0x5100;
	[sflag:s26] =	ssyncadd.s32 $0xFFFFF000  }
0x9d: {  	[spmem:s2] =	stream.indirect.scatter.add.f32 [tilespmem:s28], [sflag:$0x7], $0x20, s16, s24, $0xb8;
	[tilespmem:$0x13000] =	vst v63  }
0x9e: {  	_ =	swait.ge [sflag:s1], $0x1000  }
0x9f: {  	[sflag:s1] =	ssyncset.done $0x0  }
0xa0: {  	s22 =	simm.s32 $0x280;
	[sflag:s1] =	ssyncadd.s32 $0xFFFFF000  }
0xa1: {  	[tilespmem:s25], [sflag:$0x2] =	stream.indirect.gather [hbm4b:s5+s24], $0x20, s22, s24, $0xb8;
	[tilespmem:$0x13000] =	vst v63  }
0xa2: {  	_ =	swait.ge [sflag:s30], $0x1000  }
0xa3: {  	[sflag:s30] =	ssyncset.done $0x0  }
0xa4: {  	s16 =	simm.s32 $0x5180;
	[sflag:s30] =	ssyncadd.s32 $0xFFFFF000  }
0xa5: {  	[spmem:s2] =	stream.indirect.scatter.add.f32 [tilespmem:s31], [sflag:$0x8], $0x20, s16, s24, $0xb8;
	[tilespmem:$0x13000] =	vst v63  }
0xa6: {  	_ =	swait.ge [sflag:s7], $0x1000  }
0xa7: {  	[sflag:s7] =	ssyncset.done $0x0  }
0xa8: {  	s22 =	simm.s32 $0x300;
	[sflag:s7] =	ssyncadd.s32 $0xFFFFF000  }
0xa9: {  	[tilespmem:s28], [sflag:$0x3] =	stream.indirect.gather [hbm4b:s5+s24], $0x20, s22, s24, $0xb8;
	[tilespmem:$0x13000] =	vst v63  }
0xaa: {  	_ =	swait.ge [sflag:s29], $0x1000  }
0xab: {  	[sflag:s29] =	ssyncset.done $0x0  }
0xac: {  	s16 =	simm.s32 $0x5200;
	[sflag:s29] =	ssyncadd.s32 $0xFFFFF000  }
0xad: {  	[spmem:s2] =	stream.indirect.scatter.add.f32 [tilespmem:s23], [sflag:$0x5], $0x20, s16, s24, $0xb8;
	[tilespmem:$0x13000] =	vst v63  }
0xae: {  	_ =	swait.ge [sflag:s8], $0x1000  }
0xaf: {  	[sflag:s8] =	ssyncset.done $0x0  }
0xb0: {  	s22 =	simm.s32 $0x380;
	[sflag:s8] =	ssyncadd.s32 $0xFFFFF000  }
0xb1: {  	[tilespmem:s31], [sflag:$0x4] =	stream.indirect.gather [hbm4b:s5+s24], $0x20, s22, s24, $0xb8;
	[tilespmem:$0x13000] =	vst v63  }
0xb2: {  	_ =	swait.ge [sflag:s0], $0x1000  }
0xb3: {  	[sflag:s0] =	ssyncset.done $0x0  }
0xb4: {  	s16 =	simm.s32 $0x5280;
	[sflag:s0] =	ssyncadd.s32 $0xFFFFF000  }
0xb5: {  	[spmem:s2] =	stream.indirect.scatter.add.f32 [tilespmem:s25], [sflag:$0x6], $0x20, s16, s24, $0xb8;
	[tilespmem:$0x13000] =	vst v63  }
0xb6: {  	_ =	swait.ge [sflag:s6], $0x1000  }
0xb7: {  	[sflag:s6] =	ssyncset.done $0x0  }
0xb8: {  	s22 =	simm.s32 $0x400;
	[sflag:s6] =	ssyncadd.s32 $0xFFFFF000  }
0xb9: {  	[tilespmem:s23], [sflag:$0x1] =	stream.indirect.gather [hbm4b:s5+s24], $0x20, s22, s24, $0xb8;
	[tilespmem:$0x13000] =	vst v63  }
0xba: {  	_ =	swait.ge [sflag:s26], $0x1000  }
0xbb: {  	[sflag:s26] =	ssyncset.done $0x0  }
0xbc: {  	s16 =	simm.s32 $0x5300;
	[sflag:s26] =	ssyncadd.s32 $0xFFFFF000  }
0xbd: {  	[spmem:s2] =	stream.indirect.scatter.add.f32 [tilespmem:s28], [sflag:$0x7], $0x20, s16, s24, $0xb8;
	[tilespmem:$0x13000] =	vst v63  }
0xbe: {  	_ =	swait.ge [sflag:s1], $0x1000  }
0xbf: {  	[sflag:s1] =	ssyncset.done $0x0  }
0xc0: {  	s22 =	simm.s32 $0x480;
	[sflag:s1] =	ssyncadd.s32 $0xFFFFF000  }
0xc1: {  	[tilespmem:s25], [sflag:$0x2] =	stream.indirect.gather [hbm4b:s5+s24], $0x20, s22, s24, $0xb8;
	[tilespmem:$0x13000] =	vst v63  }
0xc2: {  	_ =	swait.ge [sflag:s30], $0x1000  }
0xc3: {  	[sflag:s30] =	ssyncset.done $0x0  }
0xc4: {  	s15 =	simm.s32 $0x5380;
	s22 =	simm.s32 $0x800;
	[sflag:s30] =	ssyncadd.s32 $0xFFFFF000  }
.LBB2_8:
0xc5: {  	[spmem:s2] =	stream.indirect.scatter.add.f32 [tilespmem:s31], [sflag:$0x8], $0x20, s15, s24, $0xb8;
	[tilespmem:$0x13000] =	vst v63  }
0xc6: {  	s15 =	smov.u32 s22  }
0xc7: {  	p1 =	sne.s32 s22, $0x12800;
	s22 =	sadd.s32 $0x800, s22;
	_ =	swait.ge [sflag:s7], $0x1000  }
0xc8: {  	s15 =	sshra.s32 s15, $0x2;
	[sflag:s7] =	ssyncset.done $0x0  }
0xc9: {  	s16 =	sadd.s32 $0x300, s15;
	[sflag:s7] =	ssyncadd.s32 $0xFFFFF000  }
0xca: {  	[tilespmem:s28], [sflag:$0x3] =	stream.indirect.gather [hbm4b:s5+s24], $0x20, s16, s24, $0xb8;
	[tilespmem:$0x13000] =	vst v63  }
0xcb: {  	_ =	swait.ge [sflag:s29], $0x1000  }
0xcc: {  	[sflag:s29] =	ssyncset.done $0x0  }
0xcd: {  	s16 =	sadd.s32 $0x5200, s15;
	[sflag:s29] =	ssyncadd.s32 $0xFFFFF000  }
0xce: {  	[spmem:s2] =	stream.indirect.scatter.add.f32 [tilespmem:s23], [sflag:$0x5], $0x20, s16, s24, $0xb8;
	[tilespmem:$0x13000] =	vst v63  }
0xcf: {  	_ =	swait.ge [sflag:s8], $0x1000  }
0xd0: {  	[sflag:s8] =	ssyncset.done $0x0  }
0xd1: {  	s16 =	sadd.s32 $0x380, s15;
	[sflag:s8] =	ssyncadd.s32 $0xFFFFF000  }
0xd2: {  	[tilespmem:s31], [sflag:$0x4] =	stream.indirect.gather [hbm4b:s5+s24], $0x20, s16, s24, $0xb8;
	[tilespmem:$0x13000] =	vst v63  }
0xd3: {  	_ =	swait.ge [sflag:s0], $0x1000  }
0xd4: {  	[sflag:s0] =	ssyncset.done $0x0  }
0xd5: {  	s16 =	sadd.s32 $0x5280, s15;
	[sflag:s0] =	ssyncadd.s32 $0xFFFFF000  }
0xd6: {  	[spmem:s2] =	stream.indirect.scatter.add.f32 [tilespmem:s25], [sflag:$0x6], $0x20, s16, s24, $0xb8;
	[tilespmem:$0x13000] =	vst v63  }
0xd7: {  	_ =	swait.ge [sflag:s6], $0x1000  }
0xd8: {  	[sflag:s6] =	ssyncset.done $0x0  }
0xd9: {  	s16 =	sadd.s32 $0x400, s15;
	[sflag:s6] =	ssyncadd.s32 $0xFFFFF000  }
0xda: {  	[tilespmem:s23], [sflag:$0x1] =	stream.indirect.gather [hbm4b:s5+s24], $0x20, s16, s24, $0xb8;
	[tilespmem:$0x13000] =	vst v63  }
0xdb: {  	_ =	swait.ge [sflag:s26], $0x1000  }
0xdc: {  	[sflag:s26] =	ssyncset.done $0x0  }
0xdd: {  	s16 =	sadd.s32 $0x5300, s15;
	[sflag:s26] =	ssyncadd.s32 $0xFFFFF000  }
0xde: {  	[spmem:s2] =	stream.indirect.scatter.add.f32 [tilespmem:s28], [sflag:$0x7], $0x20, s16, s24, $0xb8;
	[tilespmem:$0x13000] =	vst v63  }
0xdf: {  	_ =	swait.ge [sflag:s1], $0x1000  }
0xe0: {  	[sflag:s1] =	ssyncset.done $0x0  }
.Ltmp4:
0xe1: {  	s16 =	sadd.s32 $0x480, s15;
	[sflag:s1] =	ssyncadd.s32 $0xFFFFF000;
	(pc) =	sbr.rel @p1 .LBB2_8-.Ltmp4, $4  }
0xe2: {  	[tilespmem:s25], [sflag:$0x2] =	stream.indirect.gather [hbm4b:s5+s24], $0x20, s16, s24, $0xb8;
	[tilespmem:$0x13000] =	vst v63  }
0xe3: {  	_ =	swait.ge [sflag:s30], $0x1000  }
0xe4: {  	[sflag:s30] =	ssyncset.done $0x0  }
0xe5: {  	s15 =	sadd.s32 $0x5380, s15;
	[sflag:s30] =	ssyncadd.s32 $0xFFFFF000  }
.Ltmp5:
0xe6: {  	_ = 	snop;
	(pc) =	sbr.rel .LBB2_9-.Ltmp5, $1  }
0xe7: {  	_ =	sdelay $0x3  }
.LBB2_2:
0xe8: {  	p1 =	sne.s32 s15, $0x3F80;
	[tilespmem:s22+$0xA000] =	vst v0;
	s16 =	smov.u32 s15;
	s15 =	sadd.s32 $0x80, s15  }
.Ltmp6:
0xe9: {  	[tilespmem:s22+$0xA010] =	vst v0;
	(pc) =	sbr.rel @p1 .LBB2_2-.Ltmp6, $2  }
0xea: {  	_ =	sdelay $0x2  }
0xeb: {  	s22 =	sshra.s32 s16, $0x2  }
0xec: {  	[tilespmem:s22+$0xA000] =	vst v0  }
0xed: {  	[tilespmem:s22+$0xA010] =	vst v0  }
0xee: {  	[spmem:s10] =	stream.linear.scatter [tilespmem:s23], [sflag:$0x9], $0x1000, $0x38;
	[tilespmem:$0x13000] =	vst v63  }
0xef: {  	_ =	swait.ge [sflag:s21], $0x1000  }
0xf0: {  	[sflag:s21] =	ssyncset.done $0x0  }
0xf1: {  	[sflag:s21] =	ssyncadd.s32 $0xFFFFF000  }
0xf2: {  	[spmem:s11] =	stream.linear.scatter [tilespmem:s23], [sflag:$0x9], $0x1000, $0x38;
	[tilespmem:$0x13000] =	vst v63  }
0xf3: {  	_ =	swait.ge [sflag:s21], $0x1000  }
0xf4: {  	[sflag:s21] =	ssyncset.done $0x0  }
0xf5: {  	[sflag:s21] =	ssyncadd.s32 $0xFFFFF000  }
0xf6: {  	[spmem:s12] =	stream.linear.scatter [tilespmem:s23], [sflag:$0x9], $0x1000, $0x38;
	[tilespmem:$0x13000] =	vst v63  }
0xf7: {  	_ =	swait.ge [sflag:s21], $0x1000  }
0xf8: {  	[sflag:s21] =	ssyncset.done $0x0  }
0xf9: {  	[sflag:s21] =	ssyncadd.s32 $0xFFFFF000  }
0xfa: {  	[spmem:s13] =	stream.linear.scatter [tilespmem:s23], [sflag:$0x9], $0x1000, $0x38;
	[tilespmem:$0x13000] =	vst v63  }
0xfb: {  	_ =	swait.ge [sflag:s21], $0x1000  }
0xfc: {  	[sflag:s21] =	ssyncset.done $0x0  }
0xfd: {  	[sflag:s21] =	ssyncadd.s32 $0xFFFFF000  }
0xfe: {  	[spmem:s14] =	stream.linear.scatter [tilespmem:s23], [sflag:$0x9], $0x1000, $0x38;
	[tilespmem:$0x13000] =	vst v63  }
0xff: {  	_ =	swait.ge [sflag:s21], $0x1000  }
0x100: {  	[sflag:s21] =	ssyncset.done $0x0  }
0x101: {  	[sflag:s21] =	ssyncadd.s32 $0xFFFFF000  }
0x102: {  	s15 =	simm.s32 $0x0;
	[bflag:$0x0] =	sbarrier.arrive $0xFFFF  }
0x103: {  	[tilespmem:s23], [sflag:$0x1] =	stream.indirect.gather [hbm4b:s4+s24], $0x20, s15, s24, $0xb8;
	[tilespmem:$0x13000] =	vst v63  }
0x104: {  	_ = 	snop  }
0x105: {  	[tilespmem:s25], [sflag:$0x2] =	stream.indirect.gather [hbm4b:s4+s24], $0x20, s24, s24, $0xb8;
	[tilespmem:$0x13000] =	vst v63  }
0x106: {  	s22 =	simm.s32 $0x100  }
0x107: {  	[tilespmem:s28], [sflag:$0x3] =	stream.indirect.gather [hbm4b:s4+s24], $0x20, s22, s24, $0xb8;
	[tilespmem:$0x13000] =	vst v63  }
0x108: {  	_ =	swait.ge [sflag:s29], $0x1000  }
0x109: {  	[sflag:s29] =	ssyncset.done $0x0  }
0x10a: {  	s16 =	simm.s32 $0x5000;
	[sflag:s29] =	ssyncadd.s32 $0xFFFFF000  }
0x10b: {  	[spmem:s2] =	stream.indirect.scatter.add.f32 [tilespmem:s23], [sflag:$0x5], $0x20, s16, s24, $0xb8;
	[tilespmem:$0x13000] =	vst v63  }
0x10c: {  	s22 =	simm.s32 $0x180  }
0x10d: {  	[tilespmem:s31], [sflag:$0x4] =	stream.indirect.gather [hbm4b:s4+s24], $0x20, s22, s24, $0xb8;
	[tilespmem:$0x13000] =	vst v63  }
0x10e: {  	_ =	swait.ge [sflag:s0], $0x1000  }
0x10f: {  	[sflag:s0] =	ssyncset.done $0x0  }
0x110: {  	s16 =	simm.s32 $0x5080;
	[sflag:s0] =	ssyncadd.s32 $0xFFFFF000  }
0x111: {  	[spmem:s2] =	stream.indirect.scatter.add.f32 [tilespmem:s25], [sflag:$0x6], $0x20, s16, s24, $0xb8;
	[tilespmem:$0x13000] =	vst v63  }
0x112: {  	_ =	swait.ge [sflag:s6], $0x1000  }
0x113: {  	[sflag:s6] =	ssyncset.done $0x0  }
0x114: {  	s22 =	simm.s32 $0x200;
	[sflag:s6] =	ssyncadd.s32 $0xFFFFF000  }
0x115: {  	[tilespmem:s23], [sflag:$0x1] =	stream.indirect.gather [hbm4b:s4+s24], $0x20, s22, s24, $0xb8;
	[tilespmem:$0x13000] =	vst v63  }
0x116: {  	_ =	swait.ge [sflag:s26], $0x1000  }
0x117: {  	[sflag:s26] =	ssyncset.done $0x0  }
0x118: {  	s16 =	simm.s32 $0x5100;
	[sflag:s26] =	ssyncadd.s32 $0xFFFFF000  }
0x119: {  	[spmem:s2] =	stream.indirect.scatter.add.f32 [tilespmem:s28], [sflag:$0x7], $0x20, s16, s24, $0xb8;
	[tilespmem:$0x13000] =	vst v63  }
0x11a: {  	_ =	swait.ge [sflag:s1], $0x1000  }
0x11b: {  	[sflag:s1] =	ssyncset.done $0x0  }
0x11c: {  	s22 =	simm.s32 $0x280;
	[sflag:s1] =	ssyncadd.s32 $0xFFFFF000  }
0x11d: {  	[tilespmem:s25], [sflag:$0x2] =	stream.indirect.gather [hbm4b:s4+s24], $0x20, s22, s24, $0xb8;
	[tilespmem:$0x13000] =	vst v63  }
0x11e: {  	_ =	swait.ge [sflag:s30], $0x1000  }
0x11f: {  	[sflag:s30] =	ssyncset.done $0x0  }
0x120: {  	s16 =	simm.s32 $0x5180;
	[sflag:s30] =	ssyncadd.s32 $0xFFFFF000  }
0x121: {  	[spmem:s2] =	stream.indirect.scatter.add.f32 [tilespmem:s31], [sflag:$0x8], $0x20, s16, s24, $0xb8;
	[tilespmem:$0x13000] =	vst v63  }
0x122: {  	_ =	swait.ge [sflag:s7], $0x1000  }
0x123: {  	[sflag:s7] =	ssyncset.done $0x0  }
0x124: {  	s22 =	simm.s32 $0x300;
	[sflag:s7] =	ssyncadd.s32 $0xFFFFF000  }
0x125: {  	[tilespmem:s28], [sflag:$0x3] =	stream.indirect.gather [hbm4b:s4+s24], $0x20, s22, s24, $0xb8;
	[tilespmem:$0x13000] =	vst v63  }
0x126: {  	_ =	swait.ge [sflag:s29], $0x1000  }
0x127: {  	[sflag:s29] =	ssyncset.done $0x0  }
0x128: {  	s16 =	simm.s32 $0x5200;
	[sflag:s29] =	ssyncadd.s32 $0xFFFFF000  }
0x129: {  	[spmem:s2] =	stream.indirect.scatter.add.f32 [tilespmem:s23], [sflag:$0x5], $0x20, s16, s24, $0xb8;
	[tilespmem:$0x13000] =	vst v63  }
0x12a: {  	_ =	swait.ge [sflag:s8], $0x1000  }
0x12b: {  	[sflag:s8] =	ssyncset.done $0x0  }
0x12c: {  	s22 =	simm.s32 $0x380;
	[sflag:s8] =	ssyncadd.s32 $0xFFFFF000  }
0x12d: {  	[tilespmem:s31], [sflag:$0x4] =	stream.indirect.gather [hbm4b:s4+s24], $0x20, s22, s24, $0xb8;
	[tilespmem:$0x13000] =	vst v63  }
0x12e: {  	_ =	swait.ge [sflag:s0], $0x1000  }
0x12f: {  	[sflag:s0] =	ssyncset.done $0x0  }
0x130: {  	s16 =	simm.s32 $0x5280;
	[sflag:s0] =	ssyncadd.s32 $0xFFFFF000  }
0x131: {  	[spmem:s2] =	stream.indirect.scatter.add.f32 [tilespmem:s25], [sflag:$0x6], $0x20, s16, s24, $0xb8;
	[tilespmem:$0x13000] =	vst v63  }
0x132: {  	_ =	swait.ge [sflag:s6], $0x1000  }
0x133: {  	[sflag:s6] =	ssyncset.done $0x0  }
0x134: {  	s22 =	simm.s32 $0x400;
	[sflag:s6] =	ssyncadd.s32 $0xFFFFF000  }
0x135: {  	[tilespmem:s23], [sflag:$0x1] =	stream.indirect.gather [hbm4b:s4+s24], $0x20, s22, s24, $0xb8;
	[tilespmem:$0x13000] =	vst v63  }
0x136: {  	_ =	swait.ge [sflag:s26], $0x1000  }
0x137: {  	[sflag:s26] =	ssyncset.done $0x0  }
0x138: {  	s16 =	simm.s32 $0x5300;
	[sflag:s26] =	ssyncadd.s32 $0xFFFFF000  }
0x139: {  	[spmem:s2] =	stream.indirect.scatter.add.f32 [tilespmem:s28], [sflag:$0x7], $0x20, s16, s24, $0xb8;
	[tilespmem:$0x13000] =	vst v63  }
0x13a: {  	_ =	swait.ge [sflag:s1], $0x1000  }
0x13b: {  	[sflag:s1] =	ssyncset.done $0x0  }
0x13c: {  	s22 =	simm.s32 $0x480;
	[sflag:s1] =	ssyncadd.s32 $0xFFFFF000  }
0x13d: {  	[tilespmem:s25], [sflag:$0x2] =	stream.indirect.gather [hbm4b:s4+s24], $0x20, s22, s24, $0xb8;
	[tilespmem:$0x13000] =	vst v63  }
0x13e: {  	_ =	swait.ge [sflag:s30], $0x1000  }
0x13f: {  	[sflag:s30] =	ssyncset.done $0x0  }
0x140: {  	s15 =	simm.s32 $0x5380;
	s22 =	simm.s32 $0x800;
	[sflag:s30] =	ssyncadd.s32 $0xFFFFF000  }
.LBB2_4:
0x141: {  	[spmem:s2] =	stream.indirect.scatter.add.f32 [tilespmem:s31], [sflag:$0x8], $0x20, s15, s24, $0xb8;
	[tilespmem:$0x13000] =	vst v63  }
0x142: {  	s15 =	smov.u32 s22  }
0x143: {  	p1 =	seq.s32 s22, $0x12800;
	s22 =	sadd.s32 $0x800, s22;
	_ =	swait.ge [sflag:s7], $0x1000  }
0x144: {  	s15 =	sshra.s32 s15, $0x2;
	[sflag:s7] =	ssyncset.done $0x0  }
0x145: {  	s16 =	sadd.s32 $0x300, s15;
	[sflag:s7] =	ssyncadd.s32 $0xFFFFF000  }
0x146: {  	[tilespmem:s28], [sflag:$0x3] =	stream.indirect.gather [hbm4b:s4+s24], $0x20, s16, s24, $0xb8;
	[tilespmem:$0x13000] =	vst v63  }
0x147: {  	_ =	swait.ge [sflag:s29], $0x1000  }
0x148: {  	[sflag:s29] =	ssyncset.done $0x0  }
0x149: {  	s16 =	sadd.s32 $0x5200, s15;
	[sflag:s29] =	ssyncadd.s32 $0xFFFFF000  }
0x14a: {  	[spmem:s2] =	stream.indirect.scatter.add.f32 [tilespmem:s23], [sflag:$0x5], $0x20, s16, s24, $0xb8;
	[tilespmem:$0x13000] =	vst v63  }
0x14b: {  	_ =	swait.ge [sflag:s8], $0x1000  }
0x14c: {  	[sflag:s8] =	ssyncset.done $0x0  }
0x14d: {  	s16 =	sadd.s32 $0x380, s15;
	[sflag:s8] =	ssyncadd.s32 $0xFFFFF000  }
0x14e: {  	[tilespmem:s31], [sflag:$0x4] =	stream.indirect.gather [hbm4b:s4+s24], $0x20, s16, s24, $0xb8;
	[tilespmem:$0x13000] =	vst v63  }
0x14f: {  	_ =	swait.ge [sflag:s0], $0x1000  }
0x150: {  	[sflag:s0] =	ssyncset.done $0x0  }
0x151: {  	s16 =	sadd.s32 $0x5280, s15;
	[sflag:s0] =	ssyncadd.s32 $0xFFFFF000  }
0x152: {  	[spmem:s2] =	stream.indirect.scatter.add.f32 [tilespmem:s25], [sflag:$0x6], $0x20, s16, s24, $0xb8;
	[tilespmem:$0x13000] =	vst v63  }
0x153: {  	_ =	swait.ge [sflag:s6], $0x1000  }
0x154: {  	[sflag:s6] =	ssyncset.done $0x0  }
0x155: {  	s16 =	sadd.s32 $0x400, s15;
	[sflag:s6] =	ssyncadd.s32 $0xFFFFF000  }
0x156: {  	[tilespmem:s23], [sflag:$0x1] =	stream.indirect.gather [hbm4b:s4+s24], $0x20, s16, s24, $0xb8;
	[tilespmem:$0x13000] =	vst v63  }
0x157: {  	_ =	swait.ge [sflag:s26], $0x1000  }
0x158: {  	[sflag:s26] =	ssyncset.done $0x0  }
0x159: {  	s16 =	sadd.s32 $0x5300, s15;
	[sflag:s26] =	ssyncadd.s32 $0xFFFFF000  }
0x15a: {  	[spmem:s2] =	stream.indirect.scatter.add.f32 [tilespmem:s28], [sflag:$0x7], $0x20, s16, s24, $0xb8;
	[tilespmem:$0x13000] =	vst v63  }
0x15b: {  	_ =	swait.ge [sflag:s1], $0x1000  }
0x15c: {  	[sflag:s1] =	ssyncset.done $0x0  }
.Ltmp7:
0x15d: {  	s16 =	sadd.s32 $0x480, s15;
	[sflag:s1] =	ssyncadd.s32 $0xFFFFF000;
	(pc) =	sbr.rel @!p1 .LBB2_4-.Ltmp7, $4  }
0x15e: {  	[tilespmem:s25], [sflag:$0x2] =	stream.indirect.gather [hbm4b:s4+s24], $0x20, s16, s24, $0xb8;
	[tilespmem:$0x13000] =	vst v63  }
0x15f: {  	_ =	swait.ge [sflag:s30], $0x1000  }
0x160: {  	[sflag:s30] =	ssyncset.done $0x0  }
0x161: {  	s15 =	sadd.s32 $0x5380, s15;
	[sflag:s30] =	ssyncadd.s32 $0xFFFFF000  }
0x162: {  	[spmem:s2] =	stream.indirect.scatter.add.f32 [tilespmem:s31], [sflag:$0x8], $0x20, s15, s24, $0xb8;
	[tilespmem:$0x13000] =	vst v63  }
0x163: {  	_ =	swait.ge [sflag:s7], $0x1000  }
0x164: {  	[sflag:s7] =	ssyncset.done $0x0  }
0x165: {  	s16 =	simm.s32 $0x4F00;
	[sflag:s7] =	ssyncadd.s32 $0xFFFFF000  }
0x166: {  	[tilespmem:s28], [sflag:$0x3] =	stream.indirect.gather [hbm4b:s4+s24], $0x20, s16, s24, $0xb8;
	[tilespmem:$0x13000] =	vst v63  }
0x167: {  	_ =	swait.ge [sflag:s29], $0x1000  }
0x168: {  	[sflag:s29] =	ssyncset.done $0x0  }
0x169: {  	s22 =	simm.s32 $0x9E00;
	[sflag:s29] =	ssyncadd.s32 $0xFFFFF000  }
0x16a: {  	[spmem:s2] =	stream.indirect.scatter.add.f32 [tilespmem:s23], [sflag:$0x5], $0x20, s22, s24, $0xb8;
	[tilespmem:$0x13000] =	vst v63  }
0x16b: {  	_ =	swait.ge [sflag:s8], $0x1000  }
0x16c: {  	[sflag:s8] =	ssyncset.done $0x0  }
0x16d: {  	s16 =	simm.s32 $0x4F80;
	[sflag:s8] =	ssyncadd.s32 $0xFFFFF000  }
0x16e: {  	[tilespmem:s31], [sflag:$0x4] =	stream.indirect.gather [hbm4b:s4+s24], $0x20, s16, s24, $0xb8;
	[tilespmem:$0x13000] =	vst v63  }
0x16f: {  	_ =	swait.ge [sflag:s0], $0x1000  }
0x170: {  	[sflag:s0] =	ssyncset.done $0x0  }
0x171: {  	s22 =	simm.s32 $0x9E80;
	[sflag:s0] =	ssyncadd.s32 $0xFFFFF000  }
0x172: {  	[spmem:s2] =	stream.indirect.scatter.add.f32 [tilespmem:s25], [sflag:$0x6], $0x20, s22, s24, $0xb8;
	[tilespmem:$0x13000] =	vst v63  }
0x173: {  	_ =	swait.ge [sflag:s6], $0x1000  }
0x174: {  	[sflag:s6] =	ssyncset.done $0x0  }
0x175: {  	[sflag:s6] =	ssyncadd.s32 $0xFFFFF000  }
0x176: {  	_ =	swait.ge [sflag:s26], $0x1000  }
0x177: {  	[sflag:s26] =	ssyncset.done $0x0  }
0x178: {  	s16 =	simm.s32 $0x9F00;
	[sflag:s26] =	ssyncadd.s32 $0xFFFFF000  }
0x179: {  	[spmem:s2] =	stream.indirect.scatter.add.f32 [tilespmem:s28], [sflag:$0x7], $0x20, s16, s24, $0xb8;
	[tilespmem:$0x13000] =	vst v63  }
0x17a: {  	_ =	swait.ge [sflag:s1], $0x1000  }
0x17b: {  	[sflag:s1] =	ssyncset.done $0x0  }
.Ltmp8:
0x17c: {  	[sflag:s1] =	ssyncadd.s32 $0xFFFFF000;
	(pc) =	sbr.rel .LBB2_10-.Ltmp8, $4  }
0x17d: {  	_ =	swait.ge [sflag:s30], $0x1000  }
0x17e: {  	[sflag:s30] =	ssyncset.done $0x0  }
0x17f: {  	s22 =	simm.s32 $0x9F80;
	s15 =	rddreg [dreg:$0x3];
	[sflag:s30] =	ssyncadd.s32 $0xFFFFF000  }
0x180: {  	[spmem:s2] =	stream.indirect.scatter.add.f32 [tilespmem:s31], [sflag:$0x8], $0x20, s22, s24, $0xb8;
	[tilespmem:$0x13000] =	vst v63  }
.LBB2_11:
0x181: {  	_ =	sfence.sel $0x180000  }
0x182: {  	[bflag:$0x0] =	sbarrier.arrive $0xFFFF  }
0x183: {  	_ =	strace $0x9000004D  }
0x184: {  	s0 =	stileid.u32;
	[bflag:$0x2] =	sbarrier.arrive $0xFFFF  }
0x185: {  	p0 =	sne.s32 s0, $0x0;
	s0 =	rddreg [dreg:$0x2]  }
0x186: {  	s0 =	sadd.s32 @!p0 $0x100000, s0  }
0x187: {  	[sflag:s0] =	ssyncadd.tile.s32 @!p0 $0x1;
	_ =	shalt  }
.Lfunc_end2:
_tile_overlayer_lowered:
.L_overlay_start_2:
0x188: {  	(tag) =	ssettag $0x2  }
0x189: {  	s0 =	rddreg [dreg:$0x0];
	s2 =	stileid.u32  }
0x18a: {  	s1 =	rddreg [dreg:$0x1];
	p0 =	sne.s32 s2, $0x0  }
0x18b: {  	s3 =	rddreg [dreg:$0x2];
	[bflag:$0x3] =	sbarrier.arrive $0xFFFF;
	s2 =	simm.s32 @!p0 $0x1C09  }
0x18c: {  	[timem:s3], [sflag:s2] =	dma.local @!p0 [hbm:s0], s1  }
0x18d: {  	s0 =	simm.s32 @!p0 $0x9  }
0x18e: {  	_ =	swait.ge @!p0 [sflag:s0], s1  }
0x18f: {  	s1 =	ssub.s32 @!p0 $0x0, s1;
	[sflag:s0] =	ssyncset.done @!p0 $0x0  }
0x190: {  	[sflag:s0] =	ssyncadd.s32 @!p0 s1  }
0x191: {  	[bflag:$0x3] =	sbarrier.arrive $0xFFFF  }
0x192: {  	_ =	shalt  }

</sc_bundles>
